<compile_context>
chip_gen: v7x
topology: tpu7x:2x2x1
jax: 0.10.2.dev20260603
libtpu: 0.0.44.dev20260713+nightly
codegen_flags: <defaults>
</compile_context>

<pallas_src>
import functools

import jax
import jax.numpy as jnp
from jax import lax
from jax.experimental import pallas as pl
from jax.experimental.pallas import tpu as pltpu
from jax.experimental.pallas import tpu_sc as plsc

N = 10000
E = 320000
D = 128
H = 32
C = 40

NC = 2
NS = 16
NW = NC * NS
EB = 80
EPW = E // NW
CHUNKS = EPW // EB
NB = 5
HGROUPS = (CHUNKS // NB - 1) // 2
NP = 10112
RPT = NP // NS

PK = 4
PN = N // PK
PNP = NP // PK
PH = PK * H
PR = 512
GRID = -(-PN // PR)

_PREC = jax.lax.Precision.HIGHEST



def _sc_agg_body(u_hbm, eidx_hbm, zeros_hbm, out0_hbm, out1_hbm,
                 sidx_v, didx_v, rows_v, stage_v, acc_sh, gsems, ssems):
    c = lax.axis_index("c")
    s = lax.axis_index("s")
    wid = c * NS + s

    pltpu.sync_copy(zeros_hbm.at[pl.ds(s * RPT, RPT)], stage_v)
    pltpu.sync_copy(stage_v, acc_sh.at[pl.ds(s * RPT, RPT)])

    pltpu.sync_copy(eidx_hbm.at[0, wid], sidx_v)
    pltpu.sync_copy(eidx_hbm.at[1, wid], didx_v)
    plsc.subcore_barrier()

    def _gather(j, bank, b):
        pltpu.async_copy(u_hbm.at[sidx_v.at[j]], rows_v.at[bank, b],
                         gsems.at[bank, b])

    def _wait_gather(j, bank, b):
        pltpu.make_async_copy(u_hbm.at[sidx_v.at[j]], rows_v.at[bank, b],
                              gsems.at[bank, b]).wait()

    def _scatter(j, bank, b):
        pltpu.async_copy(rows_v.at[bank, b], acc_sh.at[didx_v.at[j]],
                         ssems.at[bank, b], add=True)

    def _wait_scatter(j, bank, b):
        pltpu.make_async_copy(rows_v.at[bank, b], acc_sh.at[didx_v.at[j]],
                              ssems.at[bank, b]).wait()

    for b in range(NB):
        _gather(b, 0, b)
    for b in range(NB):
        _gather(NB + b, 1, b)

    def body(t, carry):
        ja = 2 * NB * t
        jb = ja + NB
        for b in range(NB):
            _wait_gather(ja + b, 0, b)
            _scatter(ja + b, 0, b)
        for b in range(NB):
            _wait_scatter(ja + b, 0, b)
            _gather(ja + 2 * NB + b, 0, b)
        for b in range(NB):
            _wait_gather(jb + b, 1, b)
            _scatter(jb + b, 1, b)
        for b in range(NB):
            _wait_scatter(jb + b, 1, b)

            @pl.when(t + 1 < HGROUPS)
            def _():
                _gather(jb + 2 * NB + b, 1, b)

        return carry

    lax.fori_loop(0, HGROUPS, body, 0)

    jt = 2 * NB * HGROUPS
    for b in range(NB):
        _wait_gather(jt + b, 0, b)
        _scatter(jt + b, 0, b)
    for b in range(NB):
        _wait_scatter(jt + b, 0, b)
    plsc.subcore_barrier()

    pltpu.sync_copy(acc_sh.at[pl.ds(s * RPT, RPT)], stage_v)

    @pl.when(c == 0)
    def _():
        pltpu.sync_copy(stage_v, out0_hbm.at[pl.ds(s * RPT, RPT)])

    @pl.when(c == 1)
    def _():
        pltpu.sync_copy(stage_v, out1_hbm.at[pl.ds(s * RPT, RPT)])


_sc_agg = functools.partial(
    pl.kernel,
    out_type=[jax.ShapeDtypeStruct((NP, H), jnp.float32),
              jax.ShapeDtypeStruct((NP, H), jnp.float32)],
    mesh=plsc.VectorSubcoreMesh(core_axis_name="c", subcore_axis_name="s",
                                num_cores=NC, num_subcores=NS),
    scratch_types=[
        pltpu.VMEM((CHUNKS, EB), jnp.int32),
        pltpu.VMEM((CHUNKS, EB), jnp.int32),
        pltpu.VMEM((2, NB, EB, H), jnp.float32),
        pltpu.VMEM((RPT, H), jnp.float32),
        pltpu.VMEM_SHARED((NP, H), jnp.float32),
        pltpu.SemaphoreType.DMA((2, NB)),
        pltpu.SemaphoreType.DMA((2, NB)),
    ],
    compiler_params=pltpu.CompilerParams(use_tc_tiling_on_sc=False),
)(_sc_agg_body)



def _mm_body(x_ref, w_ref, o_ref):
    o_ref[...] = jnp.dot(x_ref[...], w_ref[...],
                         preferred_element_type=jnp.float32, precision=_PREC)


def _stats(h, i, s_ref, s2_ref):
    @pl.when(i == 0)
    def _():
        s_ref[...] = jnp.zeros_like(s_ref)
        s2_ref[...] = jnp.zeros_like(s2_ref)

    ri = jax.lax.broadcasted_iota(jnp.int32, (PR, 1), 0) + i * PR
    hm = jnp.where(ri < PN, h, 0.0)
    hr = hm.reshape(PR // 8, 8, PH)
    s_ref[...] += jnp.sum(hr, axis=0)
    s2_ref[...] += jnp.sum(hr * hr, axis=0)


def _conv_bn_body(u_ref, a0_ref, a1_ref, ba_ref, wbd_ref, bb_ref,
                  g_ref, be_ref, summ_ref, w2d_ref, o_ref,
                  hscr, sscr, s2scr):
    i = pl.program_id(0)

    @pl.when(i < GRID)
    def _():
        z = jnp.maximum(
            u_ref[...] + a0_ref[...] + a1_ref[...] + ba_ref[...], 0.0)
        h = jnp.dot(z, wbd_ref[...], preferred_element_type=jnp.float32,
                    precision=_PREC) + bb_ref[...]
        hscr[pl.ds(i * PR, PR), :] = h
        _stats(h, i, sscr, s2scr)

    @pl.when(i >= GRID)
    def _():
        scale128, shift128 = _bn_scale_shift(sscr, s2scr, g_ref, be_ref,
                                             summ_ref)
        h = hscr[pl.ds((i - GRID) * PR, PR), :]
        hn = h * scale128 + shift128
        o_ref[...] = jnp.dot(hn, w2d_ref[...],
                             preferred_element_type=jnp.float32,
                             precision=_PREC)


def _bn_scale_shift(s_ref, s2_ref, g_ref, be_ref, summ_ref):
    summ = summ_ref[...]
    s32 = jnp.dot(jnp.sum(s_ref[...], axis=0, keepdims=True), summ,
                  preferred_element_type=jnp.float32, precision=_PREC)
    q32 = jnp.dot(jnp.sum(s2_ref[...], axis=0, keepdims=True), summ,
                  preferred_element_type=jnp.float32, precision=_PREC)
    m = s32 / N
    var = q32 / N - m * m
    scale = g_ref[...] * jax.lax.rsqrt(var + 1e-5)
    shift = be_ref[...] - m * scale
    rep = summ.T
    scale128 = jnp.dot(scale, rep, preferred_element_type=jnp.float32,
                       precision=_PREC)
    shift128 = jnp.dot(shift, rep, preferred_element_type=jnp.float32,
                       precision=_PREC)
    return scale128, shift128


def _conv_head_body(u_ref, a0_ref, a1_ref, ba_ref, wbd_ref, bb_ref,
                    g_ref, be_ref, summ_ref, wf1d_ref, bf1_ref,
                    wf2d_ref, bf2_ref, o_ref, hscr, sscr, s2scr):
    i = pl.program_id(0)

    @pl.when(i < GRID)
    def _():
        z = jnp.maximum(
            u_ref[...] + a0_ref[...] + a1_ref[...] + ba_ref[...], 0.0)
        h = jnp.dot(z, wbd_ref[...], preferred_element_type=jnp.float32,
                    precision=_PREC) + bb_ref[...]
        hscr[pl.ds(i * PR, PR), :] = h
        _stats(h, i, sscr, s2scr)

    @pl.when(i >= GRID)
    def _():
        scale128, shift128 = _bn_scale_shift(sscr, s2scr, g_ref, be_ref,
                                             summ_ref)
        h = hscr[pl.ds((i - GRID) * PR, PR), :]
        hn = h * scale128 + shift128
        f = jnp.maximum(
            jnp.dot(hn, wf1d_ref[...], preferred_element_type=jnp.float32,
                    precision=_PREC) + bf1_ref[...], 0.0)
        o_ref[...] = jnp.dot(f, wf2d_ref[...],
                             preferred_element_type=jnp.float32,
                             precision=_PREC) + bf2_ref[...]


def _row_spec(width):
    return pl.BlockSpec((PR, width), lambda i: (i, 0))


def _full_spec(shape):
    return pl.BlockSpec(shape, lambda i: tuple(0 for _ in shape))


def _blockdiag(w):
    h, wdt = w.shape
    z = jnp.zeros((h, wdt), jnp.float32)
    rows = [jnp.concatenate([w if j == k else z for j in range(PK)], axis=1)
            for k in range(PK)]
    return jnp.concatenate(rows, axis=0)


def _mm(x4, wbd):
    return pl.pallas_call(
        _mm_body,
        grid=(GRID,),
        in_specs=[_row_spec(PK * D), _full_spec(wbd.shape)],
        out_specs=_row_spec(PH),
        out_shape=jax.ShapeDtypeStruct((PN, PH), jnp.float32),
    )(x4, wbd)


def _phase_row_spec(width):
    return pl.BlockSpec((PR, width),
                        lambda i: (jnp.minimum(i, GRID - 1), 0))


def _phase2_row_spec(width):
    return pl.BlockSpec((PR, width),
                        lambda i: (jnp.maximum(i - GRID, 0), 0))


_CONV_SCRATCH = [
    pltpu.VMEM((GRID * PR, PH), jnp.float32),
    pltpu.VMEM((8, PH), jnp.float32),
    pltpu.VMEM((8, PH), jnp.float32),
]


def _conv_bn(u4, a0, a1, ba4, wbd, bb4, g, be, summ, w2d):
    return pl.pallas_call(
        _conv_bn_body,
        grid=(2 * GRID,),
        in_specs=[_phase_row_spec(PH), _phase_row_spec(PH),
                  _phase_row_spec(PH),
                  _full_spec((1, PH)), _full_spec((PH, PH)),
                  _full_spec((1, PH)), _full_spec((1, H)),
                  _full_spec((1, H)), _full_spec((PH, H)),
                  _full_spec((PH, PH))],
        out_specs=_phase2_row_spec(PH),
        out_shape=jax.ShapeDtypeStruct((PN, PH), jnp.float32),
        scratch_shapes=_CONV_SCRATCH,
    )(u4, a0, a1, ba4, wbd, bb4, g.reshape(1, H), be.reshape(1, H),
      summ, w2d)


def _conv_head(u4, a0, a1, ba4, wbd, bb4, g, be, summ,
               wf1d, bf1_4, wf2d, bf2_4):
    return pl.pallas_call(
        _conv_head_body,
        grid=(2 * GRID,),
        in_specs=[_phase_row_spec(PH), _phase_row_spec(PH),
                  _phase_row_spec(PH),
                  _full_spec((1, PH)), _full_spec((PH, PH)),
                  _full_spec((1, PH)), _full_spec((1, H)),
                  _full_spec((1, H)), _full_spec((PH, H)),
                  _full_spec((PH, PH)), _full_spec((1, PH)),
                  _full_spec((PH, PK * C)), _full_spec((1, PK * C))],
        out_specs=_phase2_row_spec(PK * C),
        out_shape=jax.ShapeDtypeStruct((PN, PK * C), jnp.float32),
        scratch_shapes=_CONV_SCRATCH,
    )(u4, a0, a1, ba4, wbd, bb4, g.reshape(1, H), be.reshape(1, H),
      summ, wf1d, bf1_4, wf2d, bf2_4)



def kernel(x, edge_index, W1a, b1a, W1b, b1b, g1, be1,
           W2a, b2a, W2b, b2b, g2, be2, Wf1, bf1, Wf2, bf2):
    eidx = edge_index.reshape(2, NW, CHUNKS, EB)
    zeros = jnp.zeros((NP, H), jnp.float32)
    summ = jnp.tile(jnp.eye(H, dtype=jnp.float32), (PK, 1))

    w1ad = _blockdiag(W1a)
    w1bd = _blockdiag(W1b)
    w2ad = _blockdiag(W2a)
    w2bd = _blockdiag(W2b)
    wf1d = _blockdiag(Wf1)
    wf2d = _blockdiag(Wf2)
    b1a4 = jnp.tile(b1a, PK).reshape(1, PH)
    b1b4 = jnp.tile(b1b, PK).reshape(1, PH)
    b2a4 = jnp.tile(b2a, PK).reshape(1, PH)
    b2b4 = jnp.tile(b2b, PK).reshape(1, PH)
    bf14 = jnp.tile(bf1, PK).reshape(1, PH)
    bf24 = jnp.tile(bf2, PK).reshape(1, PK * C)

    u4 = _mm(x.reshape(PN, PK * D), w1ad)
    agg0, agg1 = _sc_agg(u4.reshape(N, H), eidx, zeros)
    v2 = _conv_bn(u4, agg0.reshape(PNP, PH), agg1.reshape(PNP, PH),
                  b1a4, w1bd, b1b4, g1, be1, summ, w2ad)
    agg0b, agg1b = _sc_agg(v2.reshape(N, H), eidx, zeros)
    out4 = _conv_head(v2, agg0b.reshape(PNP, PH), agg1b.reshape(PNP, PH),
                      b2a4, w2bd, b2b4, g2, be2, summ,
                      wf1d, bf14, wf2d, bf24)
    return out4.reshape(N, C)

# --- scband reference (transcript-rebuilt; emitter-appended) ---
"""Pipeline reference for scband-ginnet-12567074308659 (READ-ONLY COPY).

The authoritative reference and input builder live on the scoring server;
editing this copy changes nothing except your own understanding.
"""

import jax, jax.numpy as jnp
import numpy as np

N = 10000
E = 320000
D = 128
H = 32
C = 40


def setup_inputs(seed: int = 0) -> dict:
    key = jax.random.key(seed)
    ks = jax.random.split(key, 20)
    inp = {}
    inp["x"] = jax.random.normal(ks[0], (N, D), dtype=jnp.float32)
    inp["edge_index"] = jax.random.randint(ks[1], (2, E), 0, N, dtype=jnp.int32)
    # GINConv 1 MLP: Linear(D,H) -> ReLU -> Linear(H,H)
    inp["W1a"] = jax.random.normal(ks[2], (D, H), dtype=jnp.float32) * 0.05
    inp["b1a"] = jnp.zeros((H,), dtype=jnp.float32)
    inp["W1b"] = jax.random.normal(ks[3], (H, H), dtype=jnp.float32) * 0.05
    inp["b1b"] = jnp.zeros((H,), dtype=jnp.float32)
    inp["g1"] = jnp.ones((H,), dtype=jnp.float32)
    inp["be1"] = jnp.zeros((H,), dtype=jnp.float32)
    # GINConv 2 MLP: Linear(H,H) -> ReLU -> Linear(H,H)
    inp["W2a"] = jax.random.normal(ks[4], (H, H), dtype=jnp.float32) * 0.05
    inp["b2a"] = jnp.zeros((H,), dtype=jnp.float32)
    inp["W2b"] = jax.random.normal(ks[5], (H, H), dtype=jnp.float32) * 0.05
    inp["b2b"] = jnp.zeros((H,), dtype=jnp.float32)
    inp["g2"] = jnp.ones((H,), dtype=jnp.float32)
    inp["be2"] = jnp.zeros((H,), dtype=jnp.float32)
    # fc heads
    inp["Wf1"] = jax.random.normal(ks[6], (H, H), dtype=jnp.float32) * 0.05
    inp["bf1"] = jnp.zeros((H,), dtype=jnp.float32)
    inp["Wf2"] = jax.random.normal(ks[7], (H, C), dtype=jnp.float32) * 0.05
    inp["bf2"] = jnp.zeros((C,), dtype=jnp.float32)
    return inp


def reference(x, edge_index, W1a, b1a, W1b, b1b, g1, be1, W2a, b2a, W2b, b2b, g2, be2, Wf1, bf1, Wf2, bf2):
    src = edge_index[0]
    dst = edge_index[1]

    def gin_conv(h, Wa, ba, Wb, bb):
        # GINConv with eps=0: nn((1+eps)*x + sum_{j in N(i)} x_j)
        msg = jnp.take(h, src, axis=0)
        agg = jax.ops.segment_sum(msg, dst, num_segments=N)
        z = h + agg
        z = jnp.maximum(z @ Wa + ba, 0.0)
        return z @ Wb + bb

    def batch_norm(h, gamma, beta):
        # BatchNorm1d in training mode: biased batch statistics
        m = jnp.mean(h, axis=0)
        v = jnp.var(h, axis=0)
        return (h - m) / jnp.sqrt(v + 1e-5) * gamma + beta

    h = batch_norm(gin_conv(x, W1a, b1a, W1b, b1b), g1, be1)
    h = batch_norm(gin_conv(h, W2a, b2a, W2b, b2b), g2, be2)
    h = jnp.maximum(h @ Wf1 + bf1, 0.0)
    return h @ Wf2 + bf2


if False:  # reference __main__ guard neutralized (emitter)
    out = reference(**setup_inputs())
    print(out.shape)

if __name__ == "__main__":
    import jax
    _d = setup_inputs()
    print(jax.jit(kernel)(*tuple(_d.values())))

</pallas_src>

<mosaic_0001>
#map = affine_map<(d0, d1) -> (0, 0)>
#map1 = affine_map<(d0, d1) -> (0, 0, 0, 0)>
module attributes {stable_mosaic.version = 14 : i64} {
  func.func @_sc_agg_body(%arg0: i32, %arg1: i32, %arg2: memref<10000x32xf32, #tpu.memory_space<hbm>>, %arg3: memref<2x32x125x80xi32, #tpu.memory_space<hbm>>, %arg4: memref<10112x32xf32, #tpu.memory_space<hbm>>, %arg5: memref<10112x32xf32, #tpu.memory_space<hbm>>, %arg6: memref<10112x32xf32, #tpu.memory_space<hbm>>, %arg7: memref<125x80xi32, #tpu.memory_space<vmem>>, %arg8: memref<125x80xi32, #tpu.memory_space<vmem>>, %arg9: memref<2x5x80x32xf32, #tpu.memory_space<vmem>>, %arg10: memref<632x32xf32, #tpu.memory_space<vmem>>, %arg11: memref<10112x32xf32, #tpu.memory_space<vmem_shared>>, %arg12: memref<2x5x!tpu.dma_semaphore, #tpu.memory_space<semaphore_mem>>, %arg13: memref<2x5x!tpu.dma_semaphore, #tpu.memory_space<semaphore_mem>>) attributes {dimension_semantics = [#tpu.dimension_semantics<core_parallel>, #tpu.dimension_semantics<subcore_parallel>], iteration_bounds = array<i64: 2, 16>, scalar_prefetch = 0 : i64, scratch_operands = 7 : i64, tpu.core_type = #tpu.core_type<sc_vector_subcore>, window_params = [{transform_indices = #map}, {transform_indices = #map1}, {transform_indices = #map}, {transform_indices = #map}, {transform_indices = #map}]} {
    %mul3A = arith.constant 16 : i32
    %mul3A_0 = arith.muli %arg0, %mul3A : i32
    %add3A = arith.addi %mul3A_0, %arg1 : i32
    %mul3A_1 = arith.constant 632 : i32
    %mul3A_2 = arith.muli %arg1, %mul3A_1 : i32
    "tpu.region"() ({
      %run_scoped3A_444 = tpu.sem_alloc : memref<!tpu.dma_semaphore, #tpu.memory_space<semaphore_mem>>
      %dma_start3A_445 = arith.constant 0 : i32
      %dma_start3A_446 = tpu.memref_slice %arg4[%mul3A_2, %dma_start3A_445] : memref<10112x32xf32, #tpu.memory_space<hbm>> -> memref<632x32xf32, #tpu.memory_space<hbm>>
      %dma_start3A_447 = arith.constant 0 : i32
      %dma_start3A_448 = tpu.memref_slice %arg4[%mul3A_2, %dma_start3A_447] : memref<10112x32xf32, #tpu.memory_space<hbm>> -> memref<632x32xf32, #tpu.memory_space<hbm>>
      tpu.enqueue_dma source(%dma_start3A_448 : memref<632x32xf32, #tpu.memory_space<hbm>>) target(%arg10 : memref<632x32xf32, #tpu.memory_space<vmem>>) target_semaphore(%run_scoped3A_444 : memref<!tpu.dma_semaphore, #tpu.memory_space<semaphore_mem>>)
      %dma_wait3A_449 = arith.constant 0 : i32
      %dma_wait3A_450 = tpu.memref_slice %arg4[%mul3A_2, %dma_wait3A_449] : memref<10112x32xf32, #tpu.memory_space<hbm>> -> memref<632x32xf32, #tpu.memory_space<hbm>>
      %dma_wait3A_451 = arith.constant 0 : i32
      %dma_wait3A_452 = tpu.memref_slice %arg4[%mul3A_2, %dma_wait3A_451] : memref<10112x32xf32, #tpu.memory_space<hbm>> -> memref<632x32xf32, #tpu.memory_space<hbm>>
      tpu.wait_dma2 semaphore(%run_scoped3A_444 : memref<!tpu.dma_semaphore, #tpu.memory_space<semaphore_mem>>) src(%dma_wait3A_452 : memref<632x32xf32, #tpu.memory_space<hbm>>) dst(%arg10 : memref<632x32xf32, #tpu.memory_space<vmem>>)
      tpu.yield
    }) : () -> ()
    %mul3A_3 = arith.constant 632 : i32
    %mul3A_4 = arith.muli %arg1, %mul3A_3 : i32
    "tpu.region"() ({
      %run_scoped3A_444 = tpu.sem_alloc : memref<!tpu.dma_semaphore, #tpu.memory_space<semaphore_mem>>
      %dma_start3A_445 = arith.constant 0 : i32
      %dma_start3A_446 = tpu.memref_slice %arg11[%mul3A_4, %dma_start3A_445] : memref<10112x32xf32, #tpu.memory_space<vmem_shared>> -> memref<632x32xf32, #tpu.memory_space<vmem_shared>>
      %dma_start3A_447 = arith.constant 0 : i32
      %dma_start3A_448 = tpu.memref_slice %arg11[%mul3A_4, %dma_start3A_447] : memref<10112x32xf32, #tpu.memory_space<vmem_shared>> -> memref<632x32xf32, #tpu.memory_space<vmem_shared>>
      tpu.enqueue_dma source(%arg10 : memref<632x32xf32, #tpu.memory_space<vmem>>) target(%dma_start3A_448 : memref<632x32xf32, #tpu.memory_space<vmem_shared>>) target_semaphore(%run_scoped3A_444 : memref<!tpu.dma_semaphore, #tpu.memory_space<semaphore_mem>>)
      %dma_wait3A_449 = arith.constant 0 : i32
      %dma_wait3A_450 = tpu.memref_slice %arg11[%mul3A_4, %dma_wait3A_449] : memref<10112x32xf32, #tpu.memory_space<vmem_shared>> -> memref<632x32xf32, #tpu.memory_space<vmem_shared>>
      %dma_wait3A_451 = arith.constant 0 : i32
      %dma_wait3A_452 = tpu.memref_slice %arg11[%mul3A_4, %dma_wait3A_451] : memref<10112x32xf32, #tpu.memory_space<vmem_shared>> -> memref<632x32xf32, #tpu.memory_space<vmem_shared>>
      tpu.wait_dma2 semaphore(%run_scoped3A_444 : memref<!tpu.dma_semaphore, #tpu.memory_space<semaphore_mem>>) src(%arg10 : memref<632x32xf32, #tpu.memory_space<vmem>>) dst(%dma_wait3A_452 : memref<632x32xf32, #tpu.memory_space<vmem_shared>>)
      tpu.yield
    }) : () -> ()
    %run_scoped3A = arith.constant 0 : i32
    "tpu.region"() ({
      %run_scoped3A_444 = tpu.sem_alloc : memref<!tpu.dma_semaphore, #tpu.memory_space<semaphore_mem>>
      %dma_start3A_445 = arith.constant 0 : i32
      %dma_start3A_446 = arith.constant 0 : i32
      %dma_start3A_447 = tpu.memref_slice %arg3[%run_scoped3A, %add3A, %dma_start3A_445, %dma_start3A_446] : memref<2x32x125x80xi32, #tpu.memory_space<hbm>> -> memref<1x1x125x80xi32, #tpu.memory_space<hbm>>
      %dma_start3A_448 = tpu.memref_squeeze %dma_start3A_447 : memref<1x1x125x80xi32, #tpu.memory_space<hbm>> -> memref<125x80xi32, #tpu.memory_space<hbm>>
      %dma_start3A_449 = arith.constant 0 : i32
      %dma_start3A_450 = arith.constant 0 : i32
      %dma_start3A_451 = tpu.memref_slice %arg3[%run_scoped3A, %add3A, %dma_start3A_449, %dma_start3A_450] : memref<2x32x125x80xi32, #tpu.memory_space<hbm>> -> memref<1x1x125x80xi32, #tpu.memory_space<hbm>>
      %dma_start3A_452 = tpu.memref_squeeze %dma_start3A_451 : memref<1x1x125x80xi32, #tpu.memory_space<hbm>> -> memref<125x80xi32, #tpu.memory_space<hbm>>
      tpu.enqueue_dma source(%dma_start3A_452 : memref<125x80xi32, #tpu.memory_space<hbm>>) target(%arg7 : memref<125x80xi32, #tpu.memory_space<vmem>>) target_semaphore(%run_scoped3A_444 : memref<!tpu.dma_semaphore, #tpu.memory_space<semaphore_mem>>)
      %dma_wait3A_453 = arith.constant 0 : i32
      %dma_wait3A_454 = arith.constant 0 : i32
      %dma_wait3A_455 = tpu.memref_slice %arg3[%run_scoped3A, %add3A, %dma_wait3A_453, %dma_wait3A_454] : memref<2x32x125x80xi32, #tpu.memory_space<hbm>> -> memref<1x1x125x80xi32, #tpu.memory_space<hbm>>
      %dma_wait3A_456 = tpu.memref_squeeze %dma_wait3A_455 : memref<1x1x125x80xi32, #tpu.memory_space<hbm>> -> memref<125x80xi32, #tpu.memory_space<hbm>>
      %dma_wait3A_457 = arith.constant 0 : i32
      %dma_wait3A_458 = arith.constant 0 : i32
      %dma_wait3A_459 = tpu.memref_slice %arg3[%run_scoped3A, %add3A, %dma_wait3A_457, %dma_wait3A_458] : memref<2x32x125x80xi32, #tpu.memory_space<hbm>> -> memref<1x1x125x80xi32, #tpu.memory_space<hbm>>
      %dma_wait3A_460 = tpu.memref_squeeze %dma_wait3A_459 : memref<1x1x125x80xi32, #tpu.memory_space<hbm>> -> memref<125x80xi32, #tpu.memory_space<hbm>>
      tpu.wait_dma2 semaphore(%run_scoped3A_444 : memref<!tpu.dma_semaphore, #tpu.memory_space<semaphore_mem>>) src(%dma_wait3A_460 : memref<125x80xi32, #tpu.memory_space<hbm>>) dst(%arg7 : memref<125x80xi32, #tpu.memory_space<vmem>>)
      tpu.yield
    }) : () -> ()
    %run_scoped3A_5 = arith.constant 1 : i32
    "tpu.region"() ({
      %run_scoped3A_444 = tpu.sem_alloc : memref<!tpu.dma_semaphore, #tpu.memory_space<semaphore_mem>>
      %dma_start3A_445 = arith.constant 0 : i32
      %dma_start3A_446 = arith.constant 0 : i32
      %dma_start3A_447 = tpu.memref_slice %arg3[%run_scoped3A_5, %add3A, %dma_start3A_445, %dma_start3A_446] : memref<2x32x125x80xi32, #tpu.memory_space<hbm>> -> memref<1x1x125x80xi32, #tpu.memory_space<hbm>>
      %dma_start3A_448 = tpu.memref_squeeze %dma_start3A_447 : memref<1x1x125x80xi32, #tpu.memory_space<hbm>> -> memref<125x80xi32, #tpu.memory_space<hbm>>
      %dma_start3A_449 = arith.constant 0 : i32
      %dma_start3A_450 = arith.constant 0 : i32
      %dma_start3A_451 = tpu.memref_slice %arg3[%run_scoped3A_5, %add3A, %dma_start3A_449, %dma_start3A_450] : memref<2x32x125x80xi32, #tpu.memory_space<hbm>> -> memref<1x1x125x80xi32, #tpu.memory_space<hbm>>
      %dma_start3A_452 = tpu.memref_squeeze %dma_start3A_451 : memref<1x1x125x80xi32, #tpu.memory_space<hbm>> -> memref<125x80xi32, #tpu.memory_space<hbm>>
      tpu.enqueue_dma source(%dma_start3A_452 : memref<125x80xi32, #tpu.memory_space<hbm>>) target(%arg8 : memref<125x80xi32, #tpu.memory_space<vmem>>) target_semaphore(%run_scoped3A_444 : memref<!tpu.dma_semaphore, #tpu.memory_space<semaphore_mem>>)
      %dma_wait3A_453 = arith.constant 0 : i32
      %dma_wait3A_454 = arith.constant 0 : i32
      %dma_wait3A_455 = tpu.memref_slice %arg3[%run_scoped3A_5, %add3A, %dma_wait3A_453, %dma_wait3A_454] : memref<2x32x125x80xi32, #tpu.memory_space<hbm>> -> memref<1x1x125x80xi32, #tpu.memory_space<hbm>>
      %dma_wait3A_456 = tpu.memref_squeeze %dma_wait3A_455 : memref<1x1x125x80xi32, #tpu.memory_space<hbm>> -> memref<125x80xi32, #tpu.memory_space<hbm>>
      %dma_wait3A_457 = arith.constant 0 : i32
      %dma_wait3A_458 = arith.constant 0 : i32
      %dma_wait3A_459 = tpu.memref_slice %arg3[%run_scoped3A_5, %add3A, %dma_wait3A_457, %dma_wait3A_458] : memref<2x32x125x80xi32, #tpu.memory_space<hbm>> -> memref<1x1x125x80xi32, #tpu.memory_space<hbm>>
      %dma_wait3A_460 = tpu.memref_squeeze %dma_wait3A_459 : memref<1x1x125x80xi32, #tpu.memory_space<hbm>> -> memref<125x80xi32, #tpu.memory_space<hbm>>
      tpu.wait_dma2 semaphore(%run_scoped3A_444 : memref<!tpu.dma_semaphore, #tpu.memory_space<semaphore_mem>>) src(%dma_wait3A_460 : memref<125x80xi32, #tpu.memory_space<hbm>>) dst(%arg8 : memref<125x80xi32, #tpu.memory_space<vmem>>)
      tpu.yield
    }) : () -> ()
    %barrier3A = arith.constant 0 : index
    tpu.barrier barrier_id(%barrier3A)
    %dma_start3A = arith.constant 0 : i32
    %dma_start3A_6 = arith.constant 0 : i32
    %dma_start3A_7 = arith.constant 0 : i32
    %dma_start3A_8 = arith.constant 0 : i32
    %dma_start3A_9 = arith.constant 0 : i32
    %dma_start3A_10 = arith.constant 0 : i32
    %dma_start3A_11 = arith.constant 0 : i32
    %dma_start3A_12 = tpu.memref_slice %arg9[%dma_start3A_6, %dma_start3A_7, %dma_start3A_10, %dma_start3A_11] : memref<2x5x80x32xf32, #tpu.memory_space<vmem>> -> memref<1x1x80x32xf32, #tpu.memory_space<vmem>>
    %dma_start3A_13 = tpu.memref_squeeze %dma_start3A_12 : memref<1x1x80x32xf32, #tpu.memory_space<vmem>> -> memref<80x32xf32, #tpu.memory_space<vmem>>
    %dma_start3A_14 = arith.constant 0 : i32
    %dma_start3A_15 = tpu.memref_slice %arg7[%dma_start3A, %dma_start3A_14] : memref<125x80xi32, #tpu.memory_space<vmem>> -> memref<1x80xi32, #tpu.memory_space<vmem>>
    %dma_start3A_16 = tpu.memref_squeeze %dma_start3A_15 : memref<1x80xi32, #tpu.memory_space<vmem>> -> memref<80xi32, #tpu.memory_space<vmem>>
    %dma_start3A_17 = arith.constant 0 : i32
    %dma_start3A_18 = arith.constant 0 : i32
    %dma_start3A_19 = tpu.memref_slice %arg2[%dma_start3A_17, %dma_start3A_18] : memref<10000x32xf32, #tpu.memory_space<hbm>> -> memref<10000x32xf32, #tpu.memory_space<hbm>>
    %dma_start3A_20 = tpu.memref_slice %arg12[%dma_start3A_8, %dma_start3A_9] : memref<2x5x!tpu.dma_semaphore, #tpu.memory_space<semaphore_mem>> -> memref<1x1x!tpu.dma_semaphore, #tpu.memory_space<semaphore_mem>>
    %dma_start3A_21 = tpu.memref_squeeze %dma_start3A_20 : memref<1x1x!tpu.dma_semaphore, #tpu.memory_space<semaphore_mem>> -> memref<!tpu.dma_semaphore, #tpu.memory_space<semaphore_mem>>
    tpu.enqueue_indirect_dma source(%dma_start3A_19 : memref<10000x32xf32, #tpu.memory_space<hbm>>) target(%dma_start3A_13 : memref<80x32xf32, #tpu.memory_space<vmem>>) offsets(%dma_start3A_16 : memref<80xi32, #tpu.memory_space<vmem>>) semaphore(%dma_start3A_21 : memref<!tpu.dma_semaphore, #tpu.memory_space<semaphore_mem>>)
    %dma_start3A_22 = arith.constant 1 : i32
    %dma_start3A_23 = arith.constant 0 : i32
    %dma_start3A_24 = arith.constant 1 : i32
    %dma_start3A_25 = arith.constant 0 : i32
    %dma_start3A_26 = arith.constant 1 : i32
    %dma_start3A_27 = arith.constant 0 : i32
    %dma_start3A_28 = arith.constant 0 : i32
    %dma_start3A_29 = tpu.memref_slice %arg9[%dma_start3A_23, %dma_start3A_24, %dma_start3A_27, %dma_start3A_28] : memref<2x5x80x32xf32, #tpu.memory_space<vmem>> -> memref<1x1x80x32xf32, #tpu.memory_space<vmem>>
    %dma_start3A_30 = tpu.memref_squeeze %dma_start3A_29 : memref<1x1x80x32xf32, #tpu.memory_space<vmem>> -> memref<80x32xf32, #tpu.memory_space<vmem>>
    %dma_start3A_31 = arith.constant 0 : i32
    %dma_start3A_32 = tpu.memref_slice %arg7[%dma_start3A_22, %dma_start3A_31] : memref<125x80xi32, #tpu.memory_space<vmem>> -> memref<1x80xi32, #tpu.memory_space<vmem>>
    %dma_start3A_33 = tpu.memref_squeeze %dma_start3A_32 : memref<1x80xi32, #tpu.memory_space<vmem>> -> memref<80xi32, #tpu.memory_space<vmem>>
    %dma_start3A_34 = arith.constant 0 : i32
    %dma_start3A_35 = arith.constant 0 : i32
    %dma_start3A_36 = tpu.memref_slice %arg2[%dma_start3A_34, %dma_start3A_35] : memref<10000x32xf32, #tpu.memory_space<hbm>> -> memref<10000x32xf32, #tpu.memory_space<hbm>>
    %dma_start3A_37 = tpu.memref_slice %arg12[%dma_start3A_25, %dma_start3A_26] : memref<2x5x!tpu.dma_semaphore, #tpu.memory_space<semaphore_mem>> -> memref<1x1x!tpu.dma_semaphore, #tpu.memory_space<semaphore_mem>>
    %dma_start3A_38 = tpu.memref_squeeze %dma_start3A_37 : memref<1x1x!tpu.dma_semaphore, #tpu.memory_space<semaphore_mem>> -> memref<!tpu.dma_semaphore, #tpu.memory_space<semaphore_mem>>
    tpu.enqueue_indirect_dma source(%dma_start3A_36 : memref<10000x32xf32, #tpu.memory_space<hbm>>) target(%dma_start3A_30 : memref<80x32xf32, #tpu.memory_space<vmem>>) offsets(%dma_start3A_33 : memref<80xi32, #tpu.memory_space<vmem>>) semaphore(%dma_start3A_38 : memref<!tpu.dma_semaphore, #tpu.memory_space<semaphore_mem>>)
    %dma_start3A_39 = arith.constant 2 : i32
    %dma_start3A_40 = arith.constant 0 : i32
    %dma_start3A_41 = arith.constant 2 : i32
    %dma_start3A_42 = arith.constant 0 : i32
    %dma_start3A_43 = arith.constant 2 : i32
    %dma_start3A_44 = arith.constant 0 : i32
    %dma_start3A_45 = arith.constant 0 : i32
    %dma_start3A_46 = tpu.memref_slice %arg9[%dma_start3A_40, %dma_start3A_41, %dma_start3A_44, %dma_start3A_45] : memref<2x5x80x32xf32, #tpu.memory_space<vmem>> -> memref<1x1x80x32xf32, #tpu.memory_space<vmem>>
    %dma_start3A_47 = tpu.memref_squeeze %dma_start3A_46 : memref<1x1x80x32xf32, #tpu.memory_space<vmem>> -> memref<80x32xf32, #tpu.memory_space<vmem>>
    %dma_start3A_48 = arith.constant 0 : i32
    %dma_start3A_49 = tpu.memref_slice %arg7[%dma_start3A_39, %dma_start3A_48] : memref<125x80xi32, #tpu.memory_space<vmem>> -> memref<1x80xi32, #tpu.memory_space<vmem>>
    %dma_start3A_50 = tpu.memref_squeeze %dma_start3A_49 : memref<1x80xi32, #tpu.memory_space<vmem>> -> memref<80xi32, #tpu.memory_space<vmem>>
    %dma_start3A_51 = arith.constant 0 : i32
    %dma_start3A_52 = arith.constant 0 : i32
    %dma_start3A_53 = tpu.memref_slice %arg2[%dma_start3A_51, %dma_start3A_52] : memref<10000x32xf32, #tpu.memory_space<hbm>> -> memref<10000x32xf32, #tpu.memory_space<hbm>>
    %dma_start3A_54 = tpu.memref_slice %arg12[%dma_start3A_42, %dma_start3A_43] : memref<2x5x!tpu.dma_semaphore, #tpu.memory_space<semaphore_mem>> -> memref<1x1x!tpu.dma_semaphore, #tpu.memory_space<semaphore_mem>>
    %dma_start3A_55 = tpu.memref_squeeze %dma_start3A_54 : memref<1x1x!tpu.dma_semaphore, #tpu.memory_space<semaphore_mem>> -> memref<!tpu.dma_semaphore, #tpu.memory_space<semaphore_mem>>
    tpu.enqueue_indirect_dma source(%dma_start3A_53 : memref<10000x32xf32, #tpu.memory_space<hbm>>) target(%dma_start3A_47 : memref<80x32xf32, #tpu.memory_space<vmem>>) offsets(%dma_start3A_50 : memref<80xi32, #tpu.memory_space<vmem>>) semaphore(%dma_start3A_55 : memref<!tpu.dma_semaphore, #tpu.memory_space<semaphore_mem>>)
    %dma_start3A_56 = arith.constant 3 : i32
    %dma_start3A_57 = arith.constant 0 : i32
    %dma_start3A_58 = arith.constant 3 : i32
    %dma_start3A_59 = arith.constant 0 : i32
    %dma_start3A_60 = arith.constant 3 : i32
    %dma_start3A_61 = arith.constant 0 : i32
    %dma_start3A_62 = arith.constant 0 : i32
    %dma_start3A_63 = tpu.memref_slice %arg9[%dma_start3A_57, %dma_start3A_58, %dma_start3A_61, %dma_start3A_62] : memref<2x5x80x32xf32, #tpu.memory_space<vmem>> -> memref<1x1x80x32xf32, #tpu.memory_space<vmem>>
    %dma_start3A_64 = tpu.memref_squeeze %dma_start3A_63 : memref<1x1x80x32xf32, #tpu.memory_space<vmem>> -> memref<80x32xf32, #tpu.memory_space<vmem>>
    %dma_start3A_65 = arith.constant 0 : i32
    %dma_start3A_66 = tpu.memref_slice %arg7[%dma_start3A_56, %dma_start3A_65] : memref<125x80xi32, #tpu.memory_space<vmem>> -> memref<1x80xi32, #tpu.memory_space<vmem>>
    %dma_start3A_67 = tpu.memref_squeeze %dma_start3A_66 : memref<1x80xi32, #tpu.memory_space<vmem>> -> memref<80xi32, #tpu.memory_space<vmem>>
    %dma_start3A_68 = arith.constant 0 : i32
    %dma_start3A_69 = arith.constant 0 : i32
    %dma_start3A_70 = tpu.memref_slice %arg2[%dma_start3A_68, %dma_start3A_69] : memref<10000x32xf32, #tpu.memory_space<hbm>> -> memref<10000x32xf32, #tpu.memory_space<hbm>>
    %dma_start3A_71 = tpu.memref_slice %arg12[%dma_start3A_59, %dma_start3A_60] : memref<2x5x!tpu.dma_semaphore, #tpu.memory_space<semaphore_mem>> -> memref<1x1x!tpu.dma_semaphore, #tpu.memory_space<semaphore_mem>>
    %dma_start3A_72 = tpu.memref_squeeze %dma_start3A_71 : memref<1x1x!tpu.dma_semaphore, #tpu.memory_space<semaphore_mem>> -> memref<!tpu.dma_semaphore, #tpu.memory_space<semaphore_mem>>
    tpu.enqueue_indirect_dma source(%dma_start3A_70 : memref<10000x32xf32, #tpu.memory_space<hbm>>) target(%dma_start3A_64 : memref<80x32xf32, #tpu.memory_space<vmem>>) offsets(%dma_start3A_67 : memref<80xi32, #tpu.memory_space<vmem>>) semaphore(%dma_start3A_72 : memref<!tpu.dma_semaphore, #tpu.memory_space<semaphore_mem>>)
    %dma_start3A_73 = arith.constant 4 : i32
    %dma_start3A_74 = arith.constant 0 : i32
    %dma_start3A_75 = arith.constant 4 : i32
    %dma_start3A_76 = arith.constant 0 : i32
    %dma_start3A_77 = arith.constant 4 : i32
    %dma_start3A_78 = arith.constant 0 : i32
    %dma_start3A_79 = arith.constant 0 : i32
    %dma_start3A_80 = tpu.memref_slice %arg9[%dma_start3A_74, %dma_start3A_75, %dma_start3A_78, %dma_start3A_79] : memref<2x5x80x32xf32, #tpu.memory_space<vmem>> -> memref<1x1x80x32xf32, #tpu.memory_space<vmem>>
    %dma_start3A_81 = tpu.memref_squeeze %dma_start3A_80 : memref<1x1x80x32xf32, #tpu.memory_space<vmem>> -> memref<80x32xf32, #tpu.memory_space<vmem>>
    %dma_start3A_82 = arith.constant 0 : i32
    %dma_start3A_83 = tpu.memref_slice %arg7[%dma_start3A_73, %dma_start3A_82] : memref<125x80xi32, #tpu.memory_space<vmem>> -> memref<1x80xi32, #tpu.memory_space<vmem>>
    %dma_start3A_84 = tpu.memref_squeeze %dma_start3A_83 : memref<1x80xi32, #tpu.memory_space<vmem>> -> memref<80xi32, #tpu.memory_space<vmem>>
    %dma_start3A_85 = arith.constant 0 : i32
    %dma_start3A_86 = arith.constant 0 : i32
    %dma_start3A_87 = tpu.memref_slice %arg2[%dma_start3A_85, %dma_start3A_86] : memref<10000x32xf32, #tpu.memory_space<hbm>> -> memref<10000x32xf32, #tpu.memory_space<hbm>>
    %dma_start3A_88 = tpu.memref_slice %arg12[%dma_start3A_76, %dma_start3A_77] : memref<2x5x!tpu.dma_semaphore, #tpu.memory_space<semaphore_mem>> -> memref<1x1x!tpu.dma_semaphore, #tpu.memory_space<semaphore_mem>>
    %dma_start3A_89 = tpu.memref_squeeze %dma_start3A_88 : memref<1x1x!tpu.dma_semaphore, #tpu.memory_space<semaphore_mem>> -> memref<!tpu.dma_semaphore, #tpu.memory_space<semaphore_mem>>
    tpu.enqueue_indirect_dma source(%dma_start3A_87 : memref<10000x32xf32, #tpu.memory_space<hbm>>) target(%dma_start3A_81 : memref<80x32xf32, #tpu.memory_space<vmem>>) offsets(%dma_start3A_84 : memref<80xi32, #tpu.memory_space<vmem>>) semaphore(%dma_start3A_89 : memref<!tpu.dma_semaphore, #tpu.memory_space<semaphore_mem>>)
    %dma_start3A_90 = arith.constant 5 : i32
    %dma_start3A_91 = arith.constant 1 : i32
    %dma_start3A_92 = arith.constant 0 : i32
    %dma_start3A_93 = arith.constant 1 : i32
    %dma_start3A_94 = arith.constant 0 : i32
    %dma_start3A_95 = arith.constant 0 : i32
    %dma_start3A_96 = arith.constant 0 : i32
    %dma_start3A_97 = tpu.memref_slice %arg9[%dma_start3A_91, %dma_start3A_92, %dma_start3A_95, %dma_start3A_96] : memref<2x5x80x32xf32, #tpu.memory_space<vmem>> -> memref<1x1x80x32xf32, #tpu.memory_space<vmem>>
    %dma_start3A_98 = tpu.memref_squeeze %dma_start3A_97 : memref<1x1x80x32xf32, #tpu.memory_space<vmem>> -> memref<80x32xf32, #tpu.memory_space<vmem>>
    %dma_start3A_99 = arith.constant 0 : i32
    %dma_start3A_100 = tpu.memref_slice %arg7[%dma_start3A_90, %dma_start3A_99] : memref<125x80xi32, #tpu.memory_space<vmem>> -> memref<1x80xi32, #tpu.memory_space<vmem>>
    %dma_start3A_101 = tpu.memref_squeeze %dma_start3A_100 : memref<1x80xi32, #tpu.memory_space<vmem>> -> memref<80xi32, #tpu.memory_space<vmem>>
    %dma_start3A_102 = arith.constant 0 : i32
    %dma_start3A_103 = arith.constant 0 : i32
    %dma_start3A_104 = tpu.memref_slice %arg2[%dma_start3A_102, %dma_start3A_103] : memref<10000x32xf32, #tpu.memory_space<hbm>> -> memref<10000x32xf32, #tpu.memory_space<hbm>>
    %dma_start3A_105 = tpu.memref_slice %arg12[%dma_start3A_93, %dma_start3A_94] : memref<2x5x!tpu.dma_semaphore, #tpu.memory_space<semaphore_mem>> -> memref<1x1x!tpu.dma_semaphore, #tpu.memory_space<semaphore_mem>>
    %dma_start3A_106 = tpu.memref_squeeze %dma_start3A_105 : memref<1x1x!tpu.dma_semaphore, #tpu.memory_space<semaphore_mem>> -> memref<!tpu.dma_semaphore, #tpu.memory_space<semaphore_mem>>
    tpu.enqueue_indirect_dma source(%dma_start3A_104 : memref<10000x32xf32, #tpu.memory_space<hbm>>) target(%dma_start3A_98 : memref<80x32xf32, #tpu.memory_space<vmem>>) offsets(%dma_start3A_101 : memref<80xi32, #tpu.memory_space<vmem>>) semaphore(%dma_start3A_106 : memref<!tpu.dma_semaphore, #tpu.memory_space<semaphore_mem>>)
    %dma_start3A_107 = arith.constant 6 : i32
    %dma_start3A_108 = arith.constant 1 : i32
    %dma_start3A_109 = arith.constant 1 : i32
    %dma_start3A_110 = arith.constant 1 : i32
    %dma_start3A_111 = arith.constant 1 : i32
    %dma_start3A_112 = arith.constant 0 : i32
    %dma_start3A_113 = arith.constant 0 : i32
    %dma_start3A_114 = tpu.memref_slice %arg9[%dma_start3A_108, %dma_start3A_109, %dma_start3A_112, %dma_start3A_113] : memref<2x5x80x32xf32, #tpu.memory_space<vmem>> -> memref<1x1x80x32xf32, #tpu.memory_space<vmem>>
    %dma_start3A_115 = tpu.memref_squeeze %dma_start3A_114 : memref<1x1x80x32xf32, #tpu.memory_space<vmem>> -> memref<80x32xf32, #tpu.memory_space<vmem>>
    %dma_start3A_116 = arith.constant 0 : i32
    %dma_start3A_117 = tpu.memref_slice %arg7[%dma_start3A_107, %dma_start3A_116] : memref<125x80xi32, #tpu.memory_space<vmem>> -> memref<1x80xi32, #tpu.memory_space<vmem>>
    %dma_start3A_118 = tpu.memref_squeeze %dma_start3A_117 : memref<1x80xi32, #tpu.memory_space<vmem>> -> memref<80xi32, #tpu.memory_space<vmem>>
    %dma_start3A_119 = arith.constant 0 : i32
    %dma_start3A_120 = arith.constant 0 : i32
    %dma_start3A_121 = tpu.memref_slice %arg2[%dma_start3A_119, %dma_start3A_120] : memref<10000x32xf32, #tpu.memory_space<hbm>> -> memref<10000x32xf32, #tpu.memory_space<hbm>>
    %dma_start3A_122 = tpu.memref_slice %arg12[%dma_start3A_110, %dma_start3A_111] : memref<2x5x!tpu.dma_semaphore, #tpu.memory_space<semaphore_mem>> -> memref<1x1x!tpu.dma_semaphore, #tpu.memory_space<semaphore_mem>>
    %dma_start3A_123 = tpu.memref_squeeze %dma_start3A_122 : memref<1x1x!tpu.dma_semaphore, #tpu.memory_space<semaphore_mem>> -> memref<!tpu.dma_semaphore, #tpu.memory_space<semaphore_mem>>
    tpu.enqueue_indirect_dma source(%dma_start3A_121 : memref<10000x32xf32, #tpu.memory_space<hbm>>) target(%dma_start3A_115 : memref<80x32xf32, #tpu.memory_space<vmem>>) offsets(%dma_start3A_118 : memref<80xi32, #tpu.memory_space<vmem>>) semaphore(%dma_start3A_123 : memref<!tpu.dma_semaphore, #tpu.memory_space<semaphore_mem>>)
    %dma_start3A_124 = arith.constant 7 : i32
    %dma_start3A_125 = arith.constant 1 : i32
    %dma_start3A_126 = arith.constant 2 : i32
    %dma_start3A_127 = arith.constant 1 : i32
    %dma_start3A_128 = arith.constant 2 : i32
    %dma_start3A_129 = arith.constant 0 : i32
    %dma_start3A_130 = arith.constant 0 : i32
    %dma_start3A_131 = tpu.memref_slice %arg9[%dma_start3A_125, %dma_start3A_126, %dma_start3A_129, %dma_start3A_130] : memref<2x5x80x32xf32, #tpu.memory_space<vmem>> -> memref<1x1x80x32xf32, #tpu.memory_space<vmem>>
    %dma_start3A_132 = tpu.memref_squeeze %dma_start3A_131 : memref<1x1x80x32xf32, #tpu.memory_space<vmem>> -> memref<80x32xf32, #tpu.memory_space<vmem>>
    %dma_start3A_133 = arith.constant 0 : i32
    %dma_start3A_134 = tpu.memref_slice %arg7[%dma_start3A_124, %dma_start3A_133] : memref<125x80xi32, #tpu.memory_space<vmem>> -> memref<1x80xi32, #tpu.memory_space<vmem>>
    %dma_start3A_135 = tpu.memref_squeeze %dma_start3A_134 : memref<1x80xi32, #tpu.memory_space<vmem>> -> memref<80xi32, #tpu.memory_space<vmem>>
    %dma_start3A_136 = arith.constant 0 : i32
    %dma_start3A_137 = arith.constant 0 : i32
    %dma_start3A_138 = tpu.memref_slice %arg2[%dma_start3A_136, %dma_start3A_137] : memref<10000x32xf32, #tpu.memory_space<hbm>> -> memref<10000x32xf32, #tpu.memory_space<hbm>>
    %dma_start3A_139 = tpu.memref_slice %arg12[%dma_start3A_127, %dma_start3A_128] : memref<2x5x!tpu.dma_semaphore, #tpu.memory_space<semaphore_mem>> -> memref<1x1x!tpu.dma_semaphore, #tpu.memory_space<semaphore_mem>>
    %dma_start3A_140 = tpu.memref_squeeze %dma_start3A_139 : memref<1x1x!tpu.dma_semaphore, #tpu.memory_space<semaphore_mem>> -> memref<!tpu.dma_semaphore, #tpu.memory_space<semaphore_mem>>
    tpu.enqueue_indirect_dma source(%dma_start3A_138 : memref<10000x32xf32, #tpu.memory_space<hbm>>) target(%dma_start3A_132 : memref<80x32xf32, #tpu.memory_space<vmem>>) offsets(%dma_start3A_135 : memref<80xi32, #tpu.memory_space<vmem>>) semaphore(%dma_start3A_140 : memref<!tpu.dma_semaphore, #tpu.memory_space<semaphore_mem>>)
    %dma_start3A_141 = arith.constant 8 : i32
    %dma_start3A_142 = arith.constant 1 : i32
    %dma_start3A_143 = arith.constant 3 : i32
    %dma_start3A_144 = arith.constant 1 : i32
    %dma_start3A_145 = arith.constant 3 : i32
    %dma_start3A_146 = arith.constant 0 : i32
    %dma_start3A_147 = arith.constant 0 : i32
    %dma_start3A_148 = tpu.memref_slice %arg9[%dma_start3A_142, %dma_start3A_143, %dma_start3A_146, %dma_start3A_147] : memref<2x5x80x32xf32, #tpu.memory_space<vmem>> -> memref<1x1x80x32xf32, #tpu.memory_space<vmem>>
    %dma_start3A_149 = tpu.memref_squeeze %dma_start3A_148 : memref<1x1x80x32xf32, #tpu.memory_space<vmem>> -> memref<80x32xf32, #tpu.memory_space<vmem>>
    %dma_start3A_150 = arith.constant 0 : i32
    %dma_start3A_151 = tpu.memref_slice %arg7[%dma_start3A_141, %dma_start3A_150] : memref<125x80xi32, #tpu.memory_space<vmem>> -> memref<1x80xi32, #tpu.memory_space<vmem>>
    %dma_start3A_152 = tpu.memref_squeeze %dma_start3A_151 : memref<1x80xi32, #tpu.memory_space<vmem>> -> memref<80xi32, #tpu.memory_space<vmem>>
    %dma_start3A_153 = arith.constant 0 : i32
    %dma_start3A_154 = arith.constant 0 : i32
    %dma_start3A_155 = tpu.memref_slice %arg2[%dma_start3A_153, %dma_start3A_154] : memref<10000x32xf32, #tpu.memory_space<hbm>> -> memref<10000x32xf32, #tpu.memory_space<hbm>>
    %dma_start3A_156 = tpu.memref_slice %arg12[%dma_start3A_144, %dma_start3A_145] : memref<2x5x!tpu.dma_semaphore, #tpu.memory_space<semaphore_mem>> -> memref<1x1x!tpu.dma_semaphore, #tpu.memory_space<semaphore_mem>>
    %dma_start3A_157 = tpu.memref_squeeze %dma_start3A_156 : memref<1x1x!tpu.dma_semaphore, #tpu.memory_space<semaphore_mem>> -> memref<!tpu.dma_semaphore, #tpu.memory_space<semaphore_mem>>
    tpu.enqueue_indirect_dma source(%dma_start3A_155 : memref<10000x32xf32, #tpu.memory_space<hbm>>) target(%dma_start3A_149 : memref<80x32xf32, #tpu.memory_space<vmem>>) offsets(%dma_start3A_152 : memref<80xi32, #tpu.memory_space<vmem>>) semaphore(%dma_start3A_157 : memref<!tpu.dma_semaphore, #tpu.memory_space<semaphore_mem>>)
    %dma_start3A_158 = arith.constant 9 : i32
    %dma_start3A_159 = arith.constant 1 : i32
    %dma_start3A_160 = arith.constant 4 : i32
    %dma_start3A_161 = arith.constant 1 : i32
    %dma_start3A_162 = arith.constant 4 : i32
    %dma_start3A_163 = arith.constant 0 : i32
    %dma_start3A_164 = arith.constant 0 : i32
    %dma_start3A_165 = tpu.memref_slice %arg9[%dma_start3A_159, %dma_start3A_160, %dma_start3A_163, %dma_start3A_164] : memref<2x5x80x32xf32, #tpu.memory_space<vmem>> -> memref<1x1x80x32xf32, #tpu.memory_space<vmem>>
    %dma_start3A_166 = tpu.memref_squeeze %dma_start3A_165 : memref<1x1x80x32xf32, #tpu.memory_space<vmem>> -> memref<80x32xf32, #tpu.memory_space<vmem>>
    %dma_start3A_167 = arith.constant 0 : i32
    %dma_start3A_168 = tpu.memref_slice %arg7[%dma_start3A_158, %dma_start3A_167] : memref<125x80xi32, #tpu.memory_space<vmem>> -> memref<1x80xi32, #tpu.memory_space<vmem>>
    %dma_start3A_169 = tpu.memref_squeeze %dma_start3A_168 : memref<1x80xi32, #tpu.memory_space<vmem>> -> memref<80xi32, #tpu.memory_space<vmem>>
    %dma_start3A_170 = arith.constant 0 : i32
    %dma_start3A_171 = arith.constant 0 : i32
    %dma_start3A_172 = tpu.memref_slice %arg2[%dma_start3A_170, %dma_start3A_171] : memref<10000x32xf32, #tpu.memory_space<hbm>> -> memref<10000x32xf32, #tpu.memory_space<hbm>>
    %dma_start3A_173 = tpu.memref_slice %arg12[%dma_start3A_161, %dma_start3A_162] : memref<2x5x!tpu.dma_semaphore, #tpu.memory_space<semaphore_mem>> -> memref<1x1x!tpu.dma_semaphore, #tpu.memory_space<semaphore_mem>>
    %dma_start3A_174 = tpu.memref_squeeze %dma_start3A_173 : memref<1x1x!tpu.dma_semaphore, #tpu.memory_space<semaphore_mem>> -> memref<!tpu.dma_semaphore, #tpu.memory_space<semaphore_mem>>
    tpu.enqueue_indirect_dma source(%dma_start3A_172 : memref<10000x32xf32, #tpu.memory_space<hbm>>) target(%dma_start3A_166 : memref<80x32xf32, #tpu.memory_space<vmem>>) offsets(%dma_start3A_169 : memref<80xi32, #tpu.memory_space<vmem>>) semaphore(%dma_start3A_174 : memref<!tpu.dma_semaphore, #tpu.memory_space<semaphore_mem>>)
    %scan3A = arith.constant 0 : i32
    %scan3A_175 = arith.constant 0 : i32
    %scan3A_176 = arith.constant 12 : i32
    %scan3A_177 = arith.addi %scan3A_175, %scan3A_176 : i32
    %scan3A_178 = arith.constant 1 : i32
    scf.for %scan3A_444 = %scan3A_175 to %scan3A_177 step %scan3A_178  : i32 {
      %mul3A_445 = arith.constant 10 : i32
      %mul3A_446 = arith.muli %mul3A_445, %scan3A_444 : i32
      %add3A_447 = arith.constant 5 : i32
      %add3A_448 = arith.addi %mul3A_446, %add3A_447 : i32
      %add3A_449 = arith.constant 0 : i32
      %add3A_450 = arith.addi %mul3A_446, %add3A_449 : i32
      %dma_wait3A_451 = arith.constant 0 : i32
      %dma_wait3A_452 = arith.constant 0 : i32
      %dma_wait3A_453 = arith.constant 0 : i32
      %dma_wait3A_454 = arith.constant 0 : i32
      %dma_wait3A_455 = arith.constant 0 : i32
      %dma_wait3A_456 = arith.constant 0 : i32
      %dma_wait3A_457 = tpu.memref_slice %arg9[%dma_wait3A_451, %dma_wait3A_452, %dma_wait3A_455, %dma_wait3A_456] : memref<2x5x80x32xf32, #tpu.memory_space<vmem>> -> memref<1x1x80x32xf32, #tpu.memory_space<vmem>>
      %dma_wait3A_458 = tpu.memref_squeeze %dma_wait3A_457 : memref<1x1x80x32xf32, #tpu.memory_space<vmem>> -> memref<80x32xf32, #tpu.memory_space<vmem>>
      %dma_wait3A_459 = arith.constant 0 : i32
      %dma_wait3A_460 = tpu.memref_slice %arg7[%add3A_450, %dma_wait3A_459] : memref<125x80xi32, #tpu.memory_space<vmem>> -> memref<1x80xi32, #tpu.memory_space<vmem>>
      %dma_wait3A_461 = tpu.memref_squeeze %dma_wait3A_460 : memref<1x80xi32, #tpu.memory_space<vmem>> -> memref<80xi32, #tpu.memory_space<vmem>>
      %dma_wait3A_462 = arith.constant 0 : i32
      %dma_wait3A_463 = arith.constant 0 : i32
      %dma_wait3A_464 = tpu.memref_slice %arg2[%dma_wait3A_462, %dma_wait3A_463] : memref<10000x32xf32, #tpu.memory_space<hbm>> -> memref<10000x32xf32, #tpu.memory_space<hbm>>
      %dma_wait3A_465 = tpu.memref_slice %arg12[%dma_wait3A_453, %dma_wait3A_454] : memref<2x5x!tpu.dma_semaphore, #tpu.memory_space<semaphore_mem>> -> memref<1x1x!tpu.dma_semaphore, #tpu.memory_space<semaphore_mem>>
      %dma_wait3A_466 = tpu.memref_squeeze %dma_wait3A_465 : memref<1x1x!tpu.dma_semaphore, #tpu.memory_space<semaphore_mem>> -> memref<!tpu.dma_semaphore, #tpu.memory_space<semaphore_mem>>
      tpu.wait_indirect_dma semaphore(%dma_wait3A_466 : memref<!tpu.dma_semaphore, #tpu.memory_space<semaphore_mem>>) src(%dma_wait3A_464 : memref<10000x32xf32, #tpu.memory_space<hbm>>) dst(%dma_wait3A_458 : memref<80x32xf32, #tpu.memory_space<vmem>>)
      %add3A_467 = arith.constant 0 : i32
      %add3A_468 = arith.addi %mul3A_446, %add3A_467 : i32
      %dma_start3A_469 = arith.constant 0 : i32
      %dma_start3A_470 = arith.constant 0 : i32
      %dma_start3A_471 = arith.constant 0 : i32
      %dma_start3A_472 = arith.constant 0 : i32
      %dma_start3A_473 = arith.constant 0 : i32
      %dma_start3A_474 = arith.constant 0 : i32
      %dma_start3A_475 = tpu.memref_slice %arg9[%dma_start3A_469, %dma_start3A_470, %dma_start3A_473, %dma_start3A_474] : memref<2x5x80x32xf32, #tpu.memory_space<vmem>> -> memref<1x1x80x32xf32, #tpu.memory_space<vmem>>
      %dma_start3A_476 = tpu.memref_squeeze %dma_start3A_475 : memref<1x1x80x32xf32, #tpu.memory_space<vmem>> -> memref<80x32xf32, #tpu.memory_space<vmem>>
      %dma_start3A_477 = arith.constant 0 : i32
      %dma_start3A_478 = tpu.memref_slice %arg8[%add3A_468, %dma_start3A_477] : memref<125x80xi32, #tpu.memory_space<vmem>> -> memref<1x80xi32, #tpu.memory_space<vmem>>
      %dma_start3A_479 = tpu.memref_squeeze %dma_start3A_478 : memref<1x80xi32, #tpu.memory_space<vmem>> -> memref<80xi32, #tpu.memory_space<vmem>>
      %dma_start3A_480 = arith.constant 0 : i32
      %dma_start3A_481 = arith.constant 0 : i32
      %dma_start3A_482 = tpu.memref_slice %arg11[%dma_start3A_480, %dma_start3A_481] : memref<10112x32xf32, #tpu.memory_space<vmem_shared>> -> memref<10112x32xf32, #tpu.memory_space<vmem_shared>>
      %dma_start3A_483 = tpu.memref_slice %arg13[%dma_start3A_471, %dma_start3A_472] : memref<2x5x!tpu.dma_semaphore, #tpu.memory_space<semaphore_mem>> -> memref<1x1x!tpu.dma_semaphore, #tpu.memory_space<semaphore_mem>>
      %dma_start3A_484 = tpu.memref_squeeze %dma_start3A_483 : memref<1x1x!tpu.dma_semaphore, #tpu.memory_space<semaphore_mem>> -> memref<!tpu.dma_semaphore, #tpu.memory_space<semaphore_mem>>
      tpu.enqueue_indirect_dma source(%dma_start3A_476 : memref<80x32xf32, #tpu.memory_space<vmem>>) target(%dma_start3A_482 : memref<10112x32xf32, #tpu.memory_space<vmem_shared>>) offsets(%dma_start3A_479 : memref<80xi32, #tpu.memory_space<vmem>>) semaphore(%dma_start3A_484 : memref<!tpu.dma_semaphore, #tpu.memory_space<semaphore_mem>>) {add = true}
      %add3A_485 = arith.constant 1 : i32
      %add3A_486 = arith.addi %mul3A_446, %add3A_485 : i32
      %dma_wait3A_487 = arith.constant 0 : i32
      %dma_wait3A_488 = arith.constant 1 : i32
      %dma_wait3A_489 = arith.constant 0 : i32
      %dma_wait3A_490 = arith.constant 1 : i32
      %dma_wait3A_491 = arith.constant 0 : i32
      %dma_wait3A_492 = arith.constant 0 : i32
      %dma_wait3A_493 = tpu.memref_slice %arg9[%dma_wait3A_487, %dma_wait3A_488, %dma_wait3A_491, %dma_wait3A_492] : memref<2x5x80x32xf32, #tpu.memory_space<vmem>> -> memref<1x1x80x32xf32, #tpu.memory_space<vmem>>
      %dma_wait3A_494 = tpu.memref_squeeze %dma_wait3A_493 : memref<1x1x80x32xf32, #tpu.memory_space<vmem>> -> memref<80x32xf32, #tpu.memory_space<vmem>>
      %dma_wait3A_495 = arith.constant 0 : i32
      %dma_wait3A_496 = tpu.memref_slice %arg7[%add3A_486, %dma_wait3A_495] : memref<125x80xi32, #tpu.memory_space<vmem>> -> memref<1x80xi32, #tpu.memory_space<vmem>>
      %dma_wait3A_497 = tpu.memref_squeeze %dma_wait3A_496 : memref<1x80xi32, #tpu.memory_space<vmem>> -> memref<80xi32, #tpu.memory_space<vmem>>
      %dma_wait3A_498 = arith.constant 0 : i32
      %dma_wait3A_499 = arith.constant 0 : i32
      %dma_wait3A_500 = tpu.memref_slice %arg2[%dma_wait3A_498, %dma_wait3A_499] : memref<10000x32xf32, #tpu.memory_space<hbm>> -> memref<10000x32xf32, #tpu.memory_space<hbm>>
      %dma_wait3A_501 = tpu.memref_slice %arg12[%dma_wait3A_489, %dma_wait3A_490] : memref<2x5x!tpu.dma_semaphore, #tpu.memory_space<semaphore_mem>> -> memref<1x1x!tpu.dma_semaphore, #tpu.memory_space<semaphore_mem>>
      %dma_wait3A_502 = tpu.memref_squeeze %dma_wait3A_501 : memref<1x1x!tpu.dma_semaphore, #tpu.memory_space<semaphore_mem>> -> memref<!tpu.dma_semaphore, #tpu.memory_space<semaphore_mem>>
      tpu.wait_indirect_dma semaphore(%dma_wait3A_502 : memref<!tpu.dma_semaphore, #tpu.memory_space<semaphore_mem>>) src(%dma_wait3A_500 : memref<10000x32xf32, #tpu.memory_space<hbm>>) dst(%dma_wait3A_494 : memref<80x32xf32, #tpu.memory_space<vmem>>)
      %add3A_503 = arith.constant 1 : i32
      %add3A_504 = arith.addi %mul3A_446, %add3A_503 : i32
      %dma_start3A_505 = arith.constant 0 : i32
      %dma_start3A_506 = arith.constant 1 : i32
      %dma_start3A_507 = arith.constant 0 : i32
      %dma_start3A_508 = arith.constant 1 : i32
      %dma_start3A_509 = arith.constant 0 : i32
      %dma_start3A_510 = arith.constant 0 : i32
      %dma_start3A_511 = tpu.memref_slice %arg9[%dma_start3A_505, %dma_start3A_506, %dma_start3A_509, %dma_start3A_510] : memref<2x5x80x32xf32, #tpu.memory_space<vmem>> -> memref<1x1x80x32xf32, #tpu.memory_space<vmem>>
      %dma_start3A_512 = tpu.memref_squeeze %dma_start3A_511 : memref<1x1x80x32xf32, #tpu.memory_space<vmem>> -> memref<80x32xf32, #tpu.memory_space<vmem>>
      %dma_start3A_513 = arith.constant 0 : i32
      %dma_start3A_514 = tpu.memref_slice %arg8[%add3A_504, %dma_start3A_513] : memref<125x80xi32, #tpu.memory_space<vmem>> -> memref<1x80xi32, #tpu.memory_space<vmem>>
      %dma_start3A_515 = tpu.memref_squeeze %dma_start3A_514 : memref<1x80xi32, #tpu.memory_space<vmem>> -> memref<80xi32, #tpu.memory_space<vmem>>
      %dma_start3A_516 = arith.constant 0 : i32
      %dma_start3A_517 = arith.constant 0 : i32
      %dma_start3A_518 = tpu.memref_slice %arg11[%dma_start3A_516, %dma_start3A_517] : memref<10112x32xf32, #tpu.memory_space<vmem_shared>> -> memref<10112x32xf32, #tpu.memory_space<vmem_shared>>
      %dma_start3A_519 = tpu.memref_slice %arg13[%dma_start3A_507, %dma_start3A_508] : memref<2x5x!tpu.dma_semaphore, #tpu.memory_space<semaphore_mem>> -> memref<1x1x!tpu.dma_semaphore, #tpu.memory_space<semaphore_mem>>
      %dma_start3A_520 = tpu.memref_squeeze %dma_start3A_519 : memref<1x1x!tpu.dma_semaphore, #tpu.memory_space<semaphore_mem>> -> memref<!tpu.dma_semaphore, #tpu.memory_space<semaphore_mem>>
      tpu.enqueue_indirect_dma source(%dma_start3A_512 : memref<80x32xf32, #tpu.memory_space<vmem>>) target(%dma_start3A_518 : memref<10112x32xf32, #tpu.memory_space<vmem_shared>>) offsets(%dma_start3A_515 : memref<80xi32, #tpu.memory_space<vmem>>) semaphore(%dma_start3A_520 : memref<!tpu.dma_semaphore, #tpu.memory_space<semaphore_mem>>) {add = true}
      %add3A_521 = arith.constant 2 : i32
      %add3A_522 = arith.addi %mul3A_446, %add3A_521 : i32
      %dma_wait3A_523 = arith.constant 0 : i32
      %dma_wait3A_524 = arith.constant 2 : i32
      %dma_wait3A_525 = arith.constant 0 : i32
      %dma_wait3A_526 = arith.constant 2 : i32
      %dma_wait3A_527 = arith.constant 0 : i32
      %dma_wait3A_528 = arith.constant 0 : i32
      %dma_wait3A_529 = tpu.memref_slice %arg9[%dma_wait3A_523, %dma_wait3A_524, %dma_wait3A_527, %dma_wait3A_528] : memref<2x5x80x32xf32, #tpu.memory_space<vmem>> -> memref<1x1x80x32xf32, #tpu.memory_space<vmem>>
      %dma_wait3A_530 = tpu.memref_squeeze %dma_wait3A_529 : memref<1x1x80x32xf32, #tpu.memory_space<vmem>> -> memref<80x32xf32, #tpu.memory_space<vmem>>
      %dma_wait3A_531 = arith.constant 0 : i32
      %dma_wait3A_532 = tpu.memref_slice %arg7[%add3A_522, %dma_wait3A_531] : memref<125x80xi32, #tpu.memory_space<vmem>> -> memref<1x80xi32, #tpu.memory_space<vmem>>
      %dma_wait3A_533 = tpu.memref_squeeze %dma_wait3A_532 : memref<1x80xi32, #tpu.memory_space<vmem>> -> memref<80xi32, #tpu.memory_space<vmem>>
      %dma_wait3A_534 = arith.constant 0 : i32
      %dma_wait3A_535 = arith.constant 0 : i32
      %dma_wait3A_536 = tpu.memref_slice %arg2[%dma_wait3A_534, %dma_wait3A_535] : memref<10000x32xf32, #tpu.memory_space<hbm>> -> memref<10000x32xf32, #tpu.memory_space<hbm>>
      %dma_wait3A_537 = tpu.memref_slice %arg12[%dma_wait3A_525, %dma_wait3A_526] : memref<2x5x!tpu.dma_semaphore, #tpu.memory_space<semaphore_mem>> -> memref<1x1x!tpu.dma_semaphore, #tpu.memory_space<semaphore_mem>>
      %dma_wait3A_538 = tpu.memref_squeeze %dma_wait3A_537 : memref<1x1x!tpu.dma_semaphore, #tpu.memory_space<semaphore_mem>> -> memref<!tpu.dma_semaphore, #tpu.memory_space<semaphore_mem>>
      tpu.wait_indirect_dma semaphore(%dma_wait3A_538 : memref<!tpu.dma_semaphore, #tpu.memory_space<semaphore_mem>>) src(%dma_wait3A_536 : memref<10000x32xf32, #tpu.memory_space<hbm>>) dst(%dma_wait3A_530 : memref<80x32xf32, #tpu.memory_space<vmem>>)
      %add3A_539 = arith.constant 2 : i32
      %add3A_540 = arith.addi %mul3A_446, %add3A_539 : i32
      %dma_start3A_541 = arith.constant 0 : i32
      %dma_start3A_542 = arith.constant 2 : i32
      %dma_start3A_543 = arith.constant 0 : i32
      %dma_start3A_544 = arith.constant 2 : i32
      %dma_start3A_545 = arith.constant 0 : i32
      %dma_start3A_546 = arith.constant 0 : i32
      %dma_start3A_547 = tpu.memref_slice %arg9[%dma_start3A_541, %dma_start3A_542, %dma_start3A_545, %dma_start3A_546] : memref<2x5x80x32xf32, #tpu.memory_space<vmem>> -> memref<1x1x80x32xf32, #tpu.memory_space<vmem>>
      %dma_start3A_548 = tpu.memref_squeeze %dma_start3A_547 : memref<1x1x80x32xf32, #tpu.memory_space<vmem>> -> memref<80x32xf32, #tpu.memory_space<vmem>>
      %dma_start3A_549 = arith.constant 0 : i32
      %dma_start3A_550 = tpu.memref_slice %arg8[%add3A_540, %dma_start3A_549] : memref<125x80xi32, #tpu.memory_space<vmem>> -> memref<1x80xi32, #tpu.memory_space<vmem>>
      %dma_start3A_551 = tpu.memref_squeeze %dma_start3A_550 : memref<1x80xi32, #tpu.memory_space<vmem>> -> memref<80xi32, #tpu.memory_space<vmem>>
      %dma_start3A_552 = arith.constant 0 : i32
      %dma_start3A_553 = arith.constant 0 : i32
      %dma_start3A_554 = tpu.memref_slice %arg11[%dma_start3A_552, %dma_start3A_553] : memref<10112x32xf32, #tpu.memory_space<vmem_shared>> -> memref<10112x32xf32, #tpu.memory_space<vmem_shared>>
      %dma_start3A_555 = tpu.memref_slice %arg13[%dma_start3A_543, %dma_start3A_544] : memref<2x5x!tpu.dma_semaphore, #tpu.memory_space<semaphore_mem>> -> memref<1x1x!tpu.dma_semaphore, #tpu.memory_space<semaphore_mem>>
      %dma_start3A_556 = tpu.memref_squeeze %dma_start3A_555 : memref<1x1x!tpu.dma_semaphore, #tpu.memory_space<semaphore_mem>> -> memref<!tpu.dma_semaphore, #tpu.memory_space<semaphore_mem>>
      tpu.enqueue_indirect_dma source(%dma_start3A_548 : memref<80x32xf32, #tpu.memory_space<vmem>>) target(%dma_start3A_554 : memref<10112x32xf32, #tpu.memory_space<vmem_shared>>) offsets(%dma_start3A_551 : memref<80xi32, #tpu.memory_space<vmem>>) semaphore(%dma_start3A_556 : memref<!tpu.dma_semaphore, #tpu.memory_space<semaphore_mem>>) {add = true}
      %add3A_557 = arith.constant 3 : i32
      %add3A_558 = arith.addi %mul3A_446, %add3A_557 : i32
      %dma_wait3A_559 = arith.constant 0 : i32
      %dma_wait3A_560 = arith.constant 3 : i32
      %dma_wait3A_561 = arith.constant 0 : i32
      %dma_wait3A_562 = arith.constant 3 : i32
      %dma_wait3A_563 = arith.constant 0 : i32
      %dma_wait3A_564 = arith.constant 0 : i32
      %dma_wait3A_565 = tpu.memref_slice %arg9[%dma_wait3A_559, %dma_wait3A_560, %dma_wait3A_563, %dma_wait3A_564] : memref<2x5x80x32xf32, #tpu.memory_space<vmem>> -> memref<1x1x80x32xf32, #tpu.memory_space<vmem>>
      %dma_wait3A_566 = tpu.memref_squeeze %dma_wait3A_565 : memref<1x1x80x32xf32, #tpu.memory_space<vmem>> -> memref<80x32xf32, #tpu.memory_space<vmem>>
      %dma_wait3A_567 = arith.constant 0 : i32
      %dma_wait3A_568 = tpu.memref_slice %arg7[%add3A_558, %dma_wait3A_567] : memref<125x80xi32, #tpu.memory_space<vmem>> -> memref<1x80xi32, #tpu.memory_space<vmem>>
      %dma_wait3A_569 = tpu.memref_squeeze %dma_wait3A_568 : memref<1x80xi32, #tpu.memory_space<vmem>> -> memref<80xi32, #tpu.memory_space<vmem>>
      %dma_wait3A_570 = arith.constant 0 : i32
      %dma_wait3A_571 = arith.constant 0 : i32
      %dma_wait3A_572 = tpu.memref_slice %arg2[%dma_wait3A_570, %dma_wait3A_571] : memref<10000x32xf32, #tpu.memory_space<hbm>> -> memref<10000x32xf32, #tpu.memory_space<hbm>>
      %dma_wait3A_573 = tpu.memref_slice %arg12[%dma_wait3A_561, %dma_wait3A_562] : memref<2x5x!tpu.dma_semaphore, #tpu.memory_space<semaphore_mem>> -> memref<1x1x!tpu.dma_semaphore, #tpu.memory_space<semaphore_mem>>
      %dma_wait3A_574 = tpu.memref_squeeze %dma_wait3A_573 : memref<1x1x!tpu.dma_semaphore, #tpu.memory_space<semaphore_mem>> -> memref<!tpu.dma_semaphore, #tpu.memory_space<semaphore_mem>>
      tpu.wait_indirect_dma semaphore(%dma_wait3A_574 : memref<!tpu.dma_semaphore, #tpu.memory_space<semaphore_mem>>) src(%dma_wait3A_572 : memref<10000x32xf32, #tpu.memory_space<hbm>>) dst(%dma_wait3A_566 : memref<80x32xf32, #tpu.memory_space<vmem>>)
      %add3A_575 = arith.constant 3 : i32
      %add3A_576 = arith.addi %mul3A_446, %add3A_575 : i32
      %dma_start3A_577 = arith.constant 0 : i32
      %dma_start3A_578 = arith.constant 3 : i32
      %dma_start3A_579 = arith.constant 0 : i32
      %dma_start3A_580 = arith.constant 3 : i32
      %dma_start3A_581 = arith.constant 0 : i32
      %dma_start3A_582 = arith.constant 0 : i32
      %dma_start3A_583 = tpu.memref_slice %arg9[%dma_start3A_577, %dma_start3A_578, %dma_start3A_581, %dma_start3A_582] : memref<2x5x80x32xf32, #tpu.memory_space<vmem>> -> memref<1x1x80x32xf32, #tpu.memory_space<vmem>>
      %dma_start3A_584 = tpu.memref_squeeze %dma_start3A_583 : memref<1x1x80x32xf32, #tpu.memory_space<vmem>> -> memref<80x32xf32, #tpu.memory_space<vmem>>
      %dma_start3A_585 = arith.constant 0 : i32
      %dma_start3A_586 = tpu.memref_slice %arg8[%add3A_576, %dma_start3A_585] : memref<125x80xi32, #tpu.memory_space<vmem>> -> memref<1x80xi32, #tpu.memory_space<vmem>>
      %dma_start3A_587 = tpu.memref_squeeze %dma_start3A_586 : memref<1x80xi32, #tpu.memory_space<vmem>> -> memref<80xi32, #tpu.memory_space<vmem>>
      %dma_start3A_588 = arith.constant 0 : i32
      %dma_start3A_589 = arith.constant 0 : i32
      %dma_start3A_590 = tpu.memref_slice %arg11[%dma_start3A_588, %dma_start3A_589] : memref<10112x32xf32, #tpu.memory_space<vmem_shared>> -> memref<10112x32xf32, #tpu.memory_space<vmem_shared>>
      %dma_start3A_591 = tpu.memref_slice %arg13[%dma_start3A_579, %dma_start3A_580] : memref<2x5x!tpu.dma_semaphore, #tpu.memory_space<semaphore_mem>> -> memref<1x1x!tpu.dma_semaphore, #tpu.memory_space<semaphore_mem>>
      %dma_start3A_592 = tpu.memref_squeeze %dma_start3A_591 : memref<1x1x!tpu.dma_semaphore, #tpu.memory_space<semaphore_mem>> -> memref<!tpu.dma_semaphore, #tpu.memory_space<semaphore_mem>>
      tpu.enqueue_indirect_dma source(%dma_start3A_584 : memref<80x32xf32, #tpu.memory_space<vmem>>) target(%dma_start3A_590 : memref<10112x32xf32, #tpu.memory_space<vmem_shared>>) offsets(%dma_start3A_587 : memref<80xi32, #tpu.memory_space<vmem>>) semaphore(%dma_start3A_592 : memref<!tpu.dma_semaphore, #tpu.memory_space<semaphore_mem>>) {add = true}
      %add3A_593 = arith.constant 4 : i32
      %add3A_594 = arith.addi %mul3A_446, %add3A_593 : i32
      %dma_wait3A_595 = arith.constant 0 : i32
      %dma_wait3A_596 = arith.constant 4 : i32
      %dma_wait3A_597 = arith.constant 0 : i32
      %dma_wait3A_598 = arith.constant 4 : i32
      %dma_wait3A_599 = arith.constant 0 : i32
      %dma_wait3A_600 = arith.constant 0 : i32
      %dma_wait3A_601 = tpu.memref_slice %arg9[%dma_wait3A_595, %dma_wait3A_596, %dma_wait3A_599, %dma_wait3A_600] : memref<2x5x80x32xf32, #tpu.memory_space<vmem>> -> memref<1x1x80x32xf32, #tpu.memory_space<vmem>>
      %dma_wait3A_602 = tpu.memref_squeeze %dma_wait3A_601 : memref<1x1x80x32xf32, #tpu.memory_space<vmem>> -> memref<80x32xf32, #tpu.memory_space<vmem>>
      %dma_wait3A_603 = arith.constant 0 : i32
      %dma_wait3A_604 = tpu.memref_slice %arg7[%add3A_594, %dma_wait3A_603] : memref<125x80xi32, #tpu.memory_space<vmem>> -> memref<1x80xi32, #tpu.memory_space<vmem>>
      %dma_wait3A_605 = tpu.memref_squeeze %dma_wait3A_604 : memref<1x80xi32, #tpu.memory_space<vmem>> -> memref<80xi32, #tpu.memory_space<vmem>>
      %dma_wait3A_606 = arith.constant 0 : i32
      %dma_wait3A_607 = arith.constant 0 : i32
      %dma_wait3A_608 = tpu.memref_slice %arg2[%dma_wait3A_606, %dma_wait3A_607] : memref<10000x32xf32, #tpu.memory_space<hbm>> -> memref<10000x32xf32, #tpu.memory_space<hbm>>
      %dma_wait3A_609 = tpu.memref_slice %arg12[%dma_wait3A_597, %dma_wait3A_598] : memref<2x5x!tpu.dma_semaphore, #tpu.memory_space<semaphore_mem>> -> memref<1x1x!tpu.dma_semaphore, #tpu.memory_space<semaphore_mem>>
      %dma_wait3A_610 = tpu.memref_squeeze %dma_wait3A_609 : memref<1x1x!tpu.dma_semaphore, #tpu.memory_space<semaphore_mem>> -> memref<!tpu.dma_semaphore, #tpu.memory_space<semaphore_mem>>
      tpu.wait_indirect_dma semaphore(%dma_wait3A_610 : memref<!tpu.dma_semaphore, #tpu.memory_space<semaphore_mem>>) src(%dma_wait3A_608 : memref<10000x32xf32, #tpu.memory_space<hbm>>) dst(%dma_wait3A_602 : memref<80x32xf32, #tpu.memory_space<vmem>>)
      %add3A_611 = arith.constant 4 : i32
      %add3A_612 = arith.addi %mul3A_446, %add3A_611 : i32
      %dma_start3A_613 = arith.constant 0 : i32
      %dma_start3A_614 = arith.constant 4 : i32
      %dma_start3A_615 = arith.constant 0 : i32
      %dma_start3A_616 = arith.constant 4 : i32
      %dma_start3A_617 = arith.constant 0 : i32
      %dma_start3A_618 = arith.constant 0 : i32
      %dma_start3A_619 = tpu.memref_slice %arg9[%dma_start3A_613, %dma_start3A_614, %dma_start3A_617, %dma_start3A_618] : memref<2x5x80x32xf32, #tpu.memory_space<vmem>> -> memref<1x1x80x32xf32, #tpu.memory_space<vmem>>
      %dma_start3A_620 = tpu.memref_squeeze %dma_start3A_619 : memref<1x1x80x32xf32, #tpu.memory_space<vmem>> -> memref<80x32xf32, #tpu.memory_space<vmem>>
      %dma_start3A_621 = arith.constant 0 : i32
      %dma_start3A_622 = tpu.memref_slice %arg8[%add3A_612, %dma_start3A_621] : memref<125x80xi32, #tpu.memory_space<vmem>> -> memref<1x80xi32, #tpu.memory_space<vmem>>
      %dma_start3A_623 = tpu.memref_squeeze %dma_start3A_622 : memref<1x80xi32, #tpu.memory_space<vmem>> -> memref<80xi32, #tpu.memory_space<vmem>>
      %dma_start3A_624 = arith.constant 0 : i32
      %dma_start3A_625 = arith.constant 0 : i32
      %dma_start3A_626 = tpu.memref_slice %arg11[%dma_start3A_624, %dma_start3A_625] : memref<10112x32xf32, #tpu.memory_space<vmem_shared>> -> memref<10112x32xf32, #tpu.memory_space<vmem_shared>>
      %dma_start3A_627 = tpu.memref_slice %arg13[%dma_start3A_615, %dma_start3A_616] : memref<2x5x!tpu.dma_semaphore, #tpu.memory_space<semaphore_mem>> -> memref<1x1x!tpu.dma_semaphore, #tpu.memory_space<semaphore_mem>>
      %dma_start3A_628 = tpu.memref_squeeze %dma_start3A_627 : memref<1x1x!tpu.dma_semaphore, #tpu.memory_space<semaphore_mem>> -> memref<!tpu.dma_semaphore, #tpu.memory_space<semaphore_mem>>
      tpu.enqueue_indirect_dma source(%dma_start3A_620 : memref<80x32xf32, #tpu.memory_space<vmem>>) target(%dma_start3A_626 : memref<10112x32xf32, #tpu.memory_space<vmem_shared>>) offsets(%dma_start3A_623 : memref<80xi32, #tpu.memory_space<vmem>>) semaphore(%dma_start3A_628 : memref<!tpu.dma_semaphore, #tpu.memory_space<semaphore_mem>>) {add = true}
      %add3A_629 = arith.constant 0 : i32
      %add3A_630 = arith.addi %mul3A_446, %add3A_629 : i32
      %dma_wait3A_631 = arith.constant 0 : i32
      %dma_wait3A_632 = arith.constant 0 : i32
      %dma_wait3A_633 = arith.constant 0 : i32
      %dma_wait3A_634 = arith.constant 0 : i32
      %dma_wait3A_635 = arith.constant 0 : i32
      %dma_wait3A_636 = arith.constant 0 : i32
      %dma_wait3A_637 = tpu.memref_slice %arg9[%dma_wait3A_631, %dma_wait3A_632, %dma_wait3A_635, %dma_wait3A_636] : memref<2x5x80x32xf32, #tpu.memory_space<vmem>> -> memref<1x1x80x32xf32, #tpu.memory_space<vmem>>
      %dma_wait3A_638 = tpu.memref_squeeze %dma_wait3A_637 : memref<1x1x80x32xf32, #tpu.memory_space<vmem>> -> memref<80x32xf32, #tpu.memory_space<vmem>>
      %dma_wait3A_639 = arith.constant 0 : i32
      %dma_wait3A_640 = tpu.memref_slice %arg8[%add3A_630, %dma_wait3A_639] : memref<125x80xi32, #tpu.memory_space<vmem>> -> memref<1x80xi32, #tpu.memory_space<vmem>>
      %dma_wait3A_641 = tpu.memref_squeeze %dma_wait3A_640 : memref<1x80xi32, #tpu.memory_space<vmem>> -> memref<80xi32, #tpu.memory_space<vmem>>
      %dma_wait3A_642 = arith.constant 0 : i32
      %dma_wait3A_643 = arith.constant 0 : i32
      %dma_wait3A_644 = tpu.memref_slice %arg11[%dma_wait3A_642, %dma_wait3A_643] : memref<10112x32xf32, #tpu.memory_space<vmem_shared>> -> memref<10112x32xf32, #tpu.memory_space<vmem_shared>>
      %dma_wait3A_645 = tpu.memref_slice %arg13[%dma_wait3A_633, %dma_wait3A_634] : memref<2x5x!tpu.dma_semaphore, #tpu.memory_space<semaphore_mem>> -> memref<1x1x!tpu.dma_semaphore, #tpu.memory_space<semaphore_mem>>
      %dma_wait3A_646 = tpu.memref_squeeze %dma_wait3A_645 : memref<1x1x!tpu.dma_semaphore, #tpu.memory_space<semaphore_mem>> -> memref<!tpu.dma_semaphore, #tpu.memory_space<semaphore_mem>>
      tpu.wait_indirect_dma semaphore(%dma_wait3A_646 : memref<!tpu.dma_semaphore, #tpu.memory_space<semaphore_mem>>) src(%dma_wait3A_638 : memref<80x32xf32, #tpu.memory_space<vmem>>) dst(%dma_wait3A_644 : memref<10112x32xf32, #tpu.memory_space<vmem_shared>>)
      %add3A_647 = arith.constant 10 : i32
      %add3A_648 = arith.addi %mul3A_446, %add3A_647 : i32
      %add3A_649 = arith.constant 0 : i32
      %add3A_650 = arith.addi %add3A_648, %add3A_649 : i32
      %dma_start3A_651 = arith.constant 0 : i32
      %dma_start3A_652 = arith.constant 0 : i32
      %dma_start3A_653 = arith.constant 0 : i32
      %dma_start3A_654 = arith.constant 0 : i32
      %dma_start3A_655 = arith.constant 0 : i32
      %dma_start3A_656 = arith.constant 0 : i32
      %dma_start3A_657 = tpu.memref_slice %arg9[%dma_start3A_651, %dma_start3A_652, %dma_start3A_655, %dma_start3A_656] : memref<2x5x80x32xf32, #tpu.memory_space<vmem>> -> memref<1x1x80x32xf32, #tpu.memory_space<vmem>>
      %dma_start3A_658 = tpu.memref_squeeze %dma_start3A_657 : memref<1x1x80x32xf32, #tpu.memory_space<vmem>> -> memref<80x32xf32, #tpu.memory_space<vmem>>
      %dma_start3A_659 = arith.constant 0 : i32
      %dma_start3A_660 = tpu.memref_slice %arg7[%add3A_650, %dma_start3A_659] : memref<125x80xi32, #tpu.memory_space<vmem>> -> memref<1x80xi32, #tpu.memory_space<vmem>>
      %dma_start3A_661 = tpu.memref_squeeze %dma_start3A_660 : memref<1x80xi32, #tpu.memory_space<vmem>> -> memref<80xi32, #tpu.memory_space<vmem>>
      %dma_start3A_662 = arith.constant 0 : i32
      %dma_start3A_663 = arith.constant 0 : i32
      %dma_start3A_664 = tpu.memref_slice %arg2[%dma_start3A_662, %dma_start3A_663] : memref<10000x32xf32, #tpu.memory_space<hbm>> -> memref<10000x32xf32, #tpu.memory_space<hbm>>
      %dma_start3A_665 = tpu.memref_slice %arg12[%dma_start3A_653, %dma_start3A_654] : memref<2x5x!tpu.dma_semaphore, #tpu.memory_space<semaphore_mem>> -> memref<1x1x!tpu.dma_semaphore, #tpu.memory_space<semaphore_mem>>
      %dma_start3A_666 = tpu.memref_squeeze %dma_start3A_665 : memref<1x1x!tpu.dma_semaphore, #tpu.memory_space<semaphore_mem>> -> memref<!tpu.dma_semaphore, #tpu.memory_space<semaphore_mem>>
      tpu.enqueue_indirect_dma source(%dma_start3A_664 : memref<10000x32xf32, #tpu.memory_space<hbm>>) target(%dma_start3A_658 : memref<80x32xf32, #tpu.memory_space<vmem>>) offsets(%dma_start3A_661 : memref<80xi32, #tpu.memory_space<vmem>>) semaphore(%dma_start3A_666 : memref<!tpu.dma_semaphore, #tpu.memory_space<semaphore_mem>>)
      %add3A_667 = arith.constant 1 : i32
      %add3A_668 = arith.addi %mul3A_446, %add3A_667 : i32
      %dma_wait3A_669 = arith.constant 0 : i32
      %dma_wait3A_670 = arith.constant 1 : i32
      %dma_wait3A_671 = arith.constant 0 : i32
      %dma_wait3A_672 = arith.constant 1 : i32
      %dma_wait3A_673 = arith.constant 0 : i32
      %dma_wait3A_674 = arith.constant 0 : i32
      %dma_wait3A_675 = tpu.memref_slice %arg9[%dma_wait3A_669, %dma_wait3A_670, %dma_wait3A_673, %dma_wait3A_674] : memref<2x5x80x32xf32, #tpu.memory_space<vmem>> -> memref<1x1x80x32xf32, #tpu.memory_space<vmem>>
      %dma_wait3A_676 = tpu.memref_squeeze %dma_wait3A_675 : memref<1x1x80x32xf32, #tpu.memory_space<vmem>> -> memref<80x32xf32, #tpu.memory_space<vmem>>
      %dma_wait3A_677 = arith.constant 0 : i32
      %dma_wait3A_678 = tpu.memref_slice %arg8[%add3A_668, %dma_wait3A_677] : memref<125x80xi32, #tpu.memory_space<vmem>> -> memref<1x80xi32, #tpu.memory_space<vmem>>
      %dma_wait3A_679 = tpu.memref_squeeze %dma_wait3A_678 : memref<1x80xi32, #tpu.memory_space<vmem>> -> memref<80xi32, #tpu.memory_space<vmem>>
      %dma_wait3A_680 = arith.constant 0 : i32
      %dma_wait3A_681 = arith.constant 0 : i32
      %dma_wait3A_682 = tpu.memref_slice %arg11[%dma_wait3A_680, %dma_wait3A_681] : memref<10112x32xf32, #tpu.memory_space<vmem_shared>> -> memref<10112x32xf32, #tpu.memory_space<vmem_shared>>
      %dma_wait3A_683 = tpu.memref_slice %arg13[%dma_wait3A_671, %dma_wait3A_672] : memref<2x5x!tpu.dma_semaphore, #tpu.memory_space<semaphore_mem>> -> memref<1x1x!tpu.dma_semaphore, #tpu.memory_space<semaphore_mem>>
      %dma_wait3A_684 = tpu.memref_squeeze %dma_wait3A_683 : memref<1x1x!tpu.dma_semaphore, #tpu.memory_space<semaphore_mem>> -> memref<!tpu.dma_semaphore, #tpu.memory_space<semaphore_mem>>
      tpu.wait_indirect_dma semaphore(%dma_wait3A_684 : memref<!tpu.dma_semaphore, #tpu.memory_space<semaphore_mem>>) src(%dma_wait3A_676 : memref<80x32xf32, #tpu.memory_space<vmem>>) dst(%dma_wait3A_682 : memref<10112x32xf32, #tpu.memory_space<vmem_shared>>)
      %add3A_685 = arith.constant 10 : i32
      %add3A_686 = arith.addi %mul3A_446, %add3A_685 : i32
      %add3A_687 = arith.constant 1 : i32
      %add3A_688 = arith.addi %add3A_686, %add3A_687 : i32
      %dma_start3A_689 = arith.constant 0 : i32
      %dma_start3A_690 = arith.constant 1 : i32
      %dma_start3A_691 = arith.constant 0 : i32
      %dma_start3A_692 = arith.constant 1 : i32
      %dma_start3A_693 = arith.constant 0 : i32
      %dma_start3A_694 = arith.constant 0 : i32
      %dma_start3A_695 = tpu.memref_slice %arg9[%dma_start3A_689, %dma_start3A_690, %dma_start3A_693, %dma_start3A_694] : memref<2x5x80x32xf32, #tpu.memory_space<vmem>> -> memref<1x1x80x32xf32, #tpu.memory_space<vmem>>
      %dma_start3A_696 = tpu.memref_squeeze %dma_start3A_695 : memref<1x1x80x32xf32, #tpu.memory_space<vmem>> -> memref<80x32xf32, #tpu.memory_space<vmem>>
      %dma_start3A_697 = arith.constant 0 : i32
      %dma_start3A_698 = tpu.memref_slice %arg7[%add3A_688, %dma_start3A_697] : memref<125x80xi32, #tpu.memory_space<vmem>> -> memref<1x80xi32, #tpu.memory_space<vmem>>
      %dma_start3A_699 = tpu.memref_squeeze %dma_start3A_698 : memref<1x80xi32, #tpu.memory_space<vmem>> -> memref<80xi32, #tpu.memory_space<vmem>>
      %dma_start3A_700 = arith.constant 0 : i32
      %dma_start3A_701 = arith.constant 0 : i32
      %dma_start3A_702 = tpu.memref_slice %arg2[%dma_start3A_700, %dma_start3A_701] : memref<10000x32xf32, #tpu.memory_space<hbm>> -> memref<10000x32xf32, #tpu.memory_space<hbm>>
      %dma_start3A_703 = tpu.memref_slice %arg12[%dma_start3A_691, %dma_start3A_692] : memref<2x5x!tpu.dma_semaphore, #tpu.memory_space<semaphore_mem>> -> memref<1x1x!tpu.dma_semaphore, #tpu.memory_space<semaphore_mem>>
      %dma_start3A_704 = tpu.memref_squeeze %dma_start3A_703 : memref<1x1x!tpu.dma_semaphore, #tpu.memory_space<semaphore_mem>> -> memref<!tpu.dma_semaphore, #tpu.memory_space<semaphore_mem>>
      tpu.enqueue_indirect_dma source(%dma_start3A_702 : memref<10000x32xf32, #tpu.memory_space<hbm>>) target(%dma_start3A_696 : memref<80x32xf32, #tpu.memory_space<vmem>>) offsets(%dma_start3A_699 : memref<80xi32, #tpu.memory_space<vmem>>) semaphore(%dma_start3A_704 : memref<!tpu.dma_semaphore, #tpu.memory_space<semaphore_mem>>)
      %add3A_705 = arith.constant 2 : i32
      %add3A_706 = arith.addi %mul3A_446, %add3A_705 : i32
      %dma_wait3A_707 = arith.constant 0 : i32
      %dma_wait3A_708 = arith.constant 2 : i32
      %dma_wait3A_709 = arith.constant 0 : i32
      %dma_wait3A_710 = arith.constant 2 : i32
      %dma_wait3A_711 = arith.constant 0 : i32
      %dma_wait3A_712 = arith.constant 0 : i32
      %dma_wait3A_713 = tpu.memref_slice %arg9[%dma_wait3A_707, %dma_wait3A_708, %dma_wait3A_711, %dma_wait3A_712] : memref<2x5x80x32xf32, #tpu.memory_space<vmem>> -> memref<1x1x80x32xf32, #tpu.memory_space<vmem>>
      %dma_wait3A_714 = tpu.memref_squeeze %dma_wait3A_713 : memref<1x1x80x32xf32, #tpu.memory_space<vmem>> -> memref<80x32xf32, #tpu.memory_space<vmem>>
      %dma_wait3A_715 = arith.constant 0 : i32
      %dma_wait3A_716 = tpu.memref_slice %arg8[%add3A_706, %dma_wait3A_715] : memref<125x80xi32, #tpu.memory_space<vmem>> -> memref<1x80xi32, #tpu.memory_space<vmem>>
      %dma_wait3A_717 = tpu.memref_squeeze %dma_wait3A_716 : memref<1x80xi32, #tpu.memory_space<vmem>> -> memref<80xi32, #tpu.memory_space<vmem>>
      %dma_wait3A_718 = arith.constant 0 : i32
      %dma_wait3A_719 = arith.constant 0 : i32
      %dma_wait3A_720 = tpu.memref_slice %arg11[%dma_wait3A_718, %dma_wait3A_719] : memref<10112x32xf32, #tpu.memory_space<vmem_shared>> -> memref<10112x32xf32, #tpu.memory_space<vmem_shared>>
      %dma_wait3A_721 = tpu.memref_slice %arg13[%dma_wait3A_709, %dma_wait3A_710] : memref<2x5x!tpu.dma_semaphore, #tpu.memory_space<semaphore_mem>> -> memref<1x1x!tpu.dma_semaphore, #tpu.memory_space<semaphore_mem>>
      %dma_wait3A_722 = tpu.memref_squeeze %dma_wait3A_721 : memref<1x1x!tpu.dma_semaphore, #tpu.memory_space<semaphore_mem>> -> memref<!tpu.dma_semaphore, #tpu.memory_space<semaphore_mem>>
      tpu.wait_indirect_dma semaphore(%dma_wait3A_722 : memref<!tpu.dma_semaphore, #tpu.memory_space<semaphore_mem>>) src(%dma_wait3A_714 : memref<80x32xf32, #tpu.memory_space<vmem>>) dst(%dma_wait3A_720 : memref<10112x32xf32, #tpu.memory_space<vmem_shared>>)
      %add3A_723 = arith.constant 10 : i32
      %add3A_724 = arith.addi %mul3A_446, %add3A_723 : i32
      %add3A_725 = arith.constant 2 : i32
      %add3A_726 = arith.addi %add3A_724, %add3A_725 : i32
      %dma_start3A_727 = arith.constant 0 : i32
      %dma_start3A_728 = arith.constant 2 : i32
      %dma_start3A_729 = arith.constant 0 : i32
      %dma_start3A_730 = arith.constant 2 : i32
      %dma_start3A_731 = arith.constant 0 : i32
      %dma_start3A_732 = arith.constant 0 : i32
      %dma_start3A_733 = tpu.memref_slice %arg9[%dma_start3A_727, %dma_start3A_728, %dma_start3A_731, %dma_start3A_732] : memref<2x5x80x32xf32, #tpu.memory_space<vmem>> -> memref<1x1x80x32xf32, #tpu.memory_space<vmem>>
      %dma_start3A_734 = tpu.memref_squeeze %dma_start3A_733 : memref<1x1x80x32xf32, #tpu.memory_space<vmem>> -> memref<80x32xf32, #tpu.memory_space<vmem>>
      %dma_start3A_735 = arith.constant 0 : i32
      %dma_start3A_736 = tpu.memref_slice %arg7[%add3A_726, %dma_start3A_735] : memref<125x80xi32, #tpu.memory_space<vmem>> -> memref<1x80xi32, #tpu.memory_space<vmem>>
      %dma_start3A_737 = tpu.memref_squeeze %dma_start3A_736 : memref<1x80xi32, #tpu.memory_space<vmem>> -> memref<80xi32, #tpu.memory_space<vmem>>
      %dma_start3A_738 = arith.constant 0 : i32
      %dma_start3A_739 = arith.constant 0 : i32
      %dma_start3A_740 = tpu.memref_slice %arg2[%dma_start3A_738, %dma_start3A_739] : memref<10000x32xf32, #tpu.memory_space<hbm>> -> memref<10000x32xf32, #tpu.memory_space<hbm>>
      %dma_start3A_741 = tpu.memref_slice %arg12[%dma_start3A_729, %dma_start3A_730] : memref<2x5x!tpu.dma_semaphore, #tpu.memory_space<semaphore_mem>> -> memref<1x1x!tpu.dma_semaphore, #tpu.memory_space<semaphore_mem>>
      %dma_start3A_742 = tpu.memref_squeeze %dma_start3A_741 : memref<1x1x!tpu.dma_semaphore, #tpu.memory_space<semaphore_mem>> -> memref<!tpu.dma_semaphore, #tpu.memory_space<semaphore_mem>>
      tpu.enqueue_indirect_dma source(%dma_start3A_740 : memref<10000x32xf32, #tpu.memory_space<hbm>>) target(%dma_start3A_734 : memref<80x32xf32, #tpu.memory_space<vmem>>) offsets(%dma_start3A_737 : memref<80xi32, #tpu.memory_space<vmem>>) semaphore(%dma_start3A_742 : memref<!tpu.dma_semaphore, #tpu.memory_space<semaphore_mem>>)
      %add3A_743 = arith.constant 3 : i32
      %add3A_744 = arith.addi %mul3A_446, %add3A_743 : i32
      %dma_wait3A_745 = arith.constant 0 : i32
      %dma_wait3A_746 = arith.constant 3 : i32
      %dma_wait3A_747 = arith.constant 0 : i32
      %dma_wait3A_748 = arith.constant 3 : i32
      %dma_wait3A_749 = arith.constant 0 : i32
      %dma_wait3A_750 = arith.constant 0 : i32
      %dma_wait3A_751 = tpu.memref_slice %arg9[%dma_wait3A_745, %dma_wait3A_746, %dma_wait3A_749, %dma_wait3A_750] : memref<2x5x80x32xf32, #tpu.memory_space<vmem>> -> memref<1x1x80x32xf32, #tpu.memory_space<vmem>>
      %dma_wait3A_752 = tpu.memref_squeeze %dma_wait3A_751 : memref<1x1x80x32xf32, #tpu.memory_space<vmem>> -> memref<80x32xf32, #tpu.memory_space<vmem>>
      %dma_wait3A_753 = arith.constant 0 : i32
      %dma_wait3A_754 = tpu.memref_slice %arg8[%add3A_744, %dma_wait3A_753] : memref<125x80xi32, #tpu.memory_space<vmem>> -> memref<1x80xi32, #tpu.memory_space<vmem>>
      %dma_wait3A_755 = tpu.memref_squeeze %dma_wait3A_754 : memref<1x80xi32, #tpu.memory_space<vmem>> -> memref<80xi32, #tpu.memory_space<vmem>>
      %dma_wait3A_756 = arith.constant 0 : i32
      %dma_wait3A_757 = arith.constant 0 : i32
      %dma_wait3A_758 = tpu.memref_slice %arg11[%dma_wait3A_756, %dma_wait3A_757] : memref<10112x32xf32, #tpu.memory_space<vmem_shared>> -> memref<10112x32xf32, #tpu.memory_space<vmem_shared>>
      %dma_wait3A_759 = tpu.memref_slice %arg13[%dma_wait3A_747, %dma_wait3A_748] : memref<2x5x!tpu.dma_semaphore, #tpu.memory_space<semaphore_mem>> -> memref<1x1x!tpu.dma_semaphore, #tpu.memory_space<semaphore_mem>>
      %dma_wait3A_760 = tpu.memref_squeeze %dma_wait3A_759 : memref<1x1x!tpu.dma_semaphore, #tpu.memory_space<semaphore_mem>> -> memref<!tpu.dma_semaphore, #tpu.memory_space<semaphore_mem>>
      tpu.wait_indirect_dma semaphore(%dma_wait3A_760 : memref<!tpu.dma_semaphore, #tpu.memory_space<semaphore_mem>>) src(%dma_wait3A_752 : memref<80x32xf32, #tpu.memory_space<vmem>>) dst(%dma_wait3A_758 : memref<10112x32xf32, #tpu.memory_space<vmem_shared>>)
      %add3A_761 = arith.constant 10 : i32
      %add3A_762 = arith.addi %mul3A_446, %add3A_761 : i32
      %add3A_763 = arith.constant 3 : i32
      %add3A_764 = arith.addi %add3A_762, %add3A_763 : i32
      %dma_start3A_765 = arith.constant 0 : i32
      %dma_start3A_766 = arith.constant 3 : i32
      %dma_start3A_767 = arith.constant 0 : i32
      %dma_start3A_768 = arith.constant 3 : i32
      %dma_start3A_769 = arith.constant 0 : i32
      %dma_start3A_770 = arith.constant 0 : i32
      %dma_start3A_771 = tpu.memref_slice %arg9[%dma_start3A_765, %dma_start3A_766, %dma_start3A_769, %dma_start3A_770] : memref<2x5x80x32xf32, #tpu.memory_space<vmem>> -> memref<1x1x80x32xf32, #tpu.memory_space<vmem>>
      %dma_start3A_772 = tpu.memref_squeeze %dma_start3A_771 : memref<1x1x80x32xf32, #tpu.memory_space<vmem>> -> memref<80x32xf32, #tpu.memory_space<vmem>>
      %dma_start3A_773 = arith.constant 0 : i32
      %dma_start3A_774 = tpu.memref_slice %arg7[%add3A_764, %dma_start3A_773] : memref<125x80xi32, #tpu.memory_space<vmem>> -> memref<1x80xi32, #tpu.memory_space<vmem>>
      %dma_start3A_775 = tpu.memref_squeeze %dma_start3A_774 : memref<1x80xi32, #tpu.memory_space<vmem>> -> memref<80xi32, #tpu.memory_space<vmem>>
      %dma_start3A_776 = arith.constant 0 : i32
      %dma_start3A_777 = arith.constant 0 : i32
      %dma_start3A_778 = tpu.memref_slice %arg2[%dma_start3A_776, %dma_start3A_777] : memref<10000x32xf32, #tpu.memory_space<hbm>> -> memref<10000x32xf32, #tpu.memory_space<hbm>>
      %dma_start3A_779 = tpu.memref_slice %arg12[%dma_start3A_767, %dma_start3A_768] : memref<2x5x!tpu.dma_semaphore, #tpu.memory_space<semaphore_mem>> -> memref<1x1x!tpu.dma_semaphore, #tpu.memory_space<semaphore_mem>>
      %dma_start3A_780 = tpu.memref_squeeze %dma_start3A_779 : memref<1x1x!tpu.dma_semaphore, #tpu.memory_space<semaphore_mem>> -> memref<!tpu.dma_semaphore, #tpu.memory_space<semaphore_mem>>
      tpu.enqueue_indirect_dma source(%dma_start3A_778 : memref<10000x32xf32, #tpu.memory_space<hbm>>) target(%dma_start3A_772 : memref<80x32xf32, #tpu.memory_space<vmem>>) offsets(%dma_start3A_775 : memref<80xi32, #tpu.memory_space<vmem>>) semaphore(%dma_start3A_780 : memref<!tpu.dma_semaphore, #tpu.memory_space<semaphore_mem>>)
      %add3A_781 = arith.constant 4 : i32
      %add3A_782 = arith.addi %mul3A_446, %add3A_781 : i32
      %dma_wait3A_783 = arith.constant 0 : i32
      %dma_wait3A_784 = arith.constant 4 : i32
      %dma_wait3A_785 = arith.constant 0 : i32
      %dma_wait3A_786 = arith.constant 4 : i32
      %dma_wait3A_787 = arith.constant 0 : i32
      %dma_wait3A_788 = arith.constant 0 : i32
      %dma_wait3A_789 = tpu.memref_slice %arg9[%dma_wait3A_783, %dma_wait3A_784, %dma_wait3A_787, %dma_wait3A_788] : memref<2x5x80x32xf32, #tpu.memory_space<vmem>> -> memref<1x1x80x32xf32, #tpu.memory_space<vmem>>
      %dma_wait3A_790 = tpu.memref_squeeze %dma_wait3A_789 : memref<1x1x80x32xf32, #tpu.memory_space<vmem>> -> memref<80x32xf32, #tpu.memory_space<vmem>>
      %dma_wait3A_791 = arith.constant 0 : i32
      %dma_wait3A_792 = tpu.memref_slice %arg8[%add3A_782, %dma_wait3A_791] : memref<125x80xi32, #tpu.memory_space<vmem>> -> memref<1x80xi32, #tpu.memory_space<vmem>>
      %dma_wait3A_793 = tpu.memref_squeeze %dma_wait3A_792 : memref<1x80xi32, #tpu.memory_space<vmem>> -> memref<80xi32, #tpu.memory_space<vmem>>
      %dma_wait3A_794 = arith.constant 0 : i32
      %dma_wait3A_795 = arith.constant 0 : i32
      %dma_wait3A_796 = tpu.memref_slice %arg11[%dma_wait3A_794, %dma_wait3A_795] : memref<10112x32xf32, #tpu.memory_space<vmem_shared>> -> memref<10112x32xf32, #tpu.memory_space<vmem_shared>>
      %dma_wait3A_797 = tpu.memref_slice %arg13[%dma_wait3A_785, %dma_wait3A_786] : memref<2x5x!tpu.dma_semaphore, #tpu.memory_space<semaphore_mem>> -> memref<1x1x!tpu.dma_semaphore, #tpu.memory_space<semaphore_mem>>
      %dma_wait3A_798 = tpu.memref_squeeze %dma_wait3A_797 : memref<1x1x!tpu.dma_semaphore, #tpu.memory_space<semaphore_mem>> -> memref<!tpu.dma_semaphore, #tpu.memory_space<semaphore_mem>>
      tpu.wait_indirect_dma semaphore(%dma_wait3A_798 : memref<!tpu.dma_semaphore, #tpu.memory_space<semaphore_mem>>) src(%dma_wait3A_790 : memref<80x32xf32, #tpu.memory_space<vmem>>) dst(%dma_wait3A_796 : memref<10112x32xf32, #tpu.memory_space<vmem_shared>>)
      %add3A_799 = arith.constant 10 : i32
      %add3A_800 = arith.addi %mul3A_446, %add3A_799 : i32
      %add3A_801 = arith.constant 4 : i32
      %add3A_802 = arith.addi %add3A_800, %add3A_801 : i32
      %dma_start3A_803 = arith.constant 0 : i32
      %dma_start3A_804 = arith.constant 4 : i32
      %dma_start3A_805 = arith.constant 0 : i32
      %dma_start3A_806 = arith.constant 4 : i32
      %dma_start3A_807 = arith.constant 0 : i32
      %dma_start3A_808 = arith.constant 0 : i32
      %dma_start3A_809 = tpu.memref_slice %arg9[%dma_start3A_803, %dma_start3A_804, %dma_start3A_807, %dma_start3A_808] : memref<2x5x80x32xf32, #tpu.memory_space<vmem>> -> memref<1x1x80x32xf32, #tpu.memory_space<vmem>>
      %dma_start3A_810 = tpu.memref_squeeze %dma_start3A_809 : memref<1x1x80x32xf32, #tpu.memory_space<vmem>> -> memref<80x32xf32, #tpu.memory_space<vmem>>
      %dma_start3A_811 = arith.constant 0 : i32
      %dma_start3A_812 = tpu.memref_slice %arg7[%add3A_802, %dma_start3A_811] : memref<125x80xi32, #tpu.memory_space<vmem>> -> memref<1x80xi32, #tpu.memory_space<vmem>>
      %dma_start3A_813 = tpu.memref_squeeze %dma_start3A_812 : memref<1x80xi32, #tpu.memory_space<vmem>> -> memref<80xi32, #tpu.memory_space<vmem>>
      %dma_start3A_814 = arith.constant 0 : i32
      %dma_start3A_815 = arith.constant 0 : i32
      %dma_start3A_816 = tpu.memref_slice %arg2[%dma_start3A_814, %dma_start3A_815] : memref<10000x32xf32, #tpu.memory_space<hbm>> -> memref<10000x32xf32, #tpu.memory_space<hbm>>
      %dma_start3A_817 = tpu.memref_slice %arg12[%dma_start3A_805, %dma_start3A_806] : memref<2x5x!tpu.dma_semaphore, #tpu.memory_space<semaphore_mem>> -> memref<1x1x!tpu.dma_semaphore, #tpu.memory_space<semaphore_mem>>
      %dma_start3A_818 = tpu.memref_squeeze %dma_start3A_817 : memref<1x1x!tpu.dma_semaphore, #tpu.memory_space<semaphore_mem>> -> memref<!tpu.dma_semaphore, #tpu.memory_space<semaphore_mem>>
      tpu.enqueue_indirect_dma source(%dma_start3A_816 : memref<10000x32xf32, #tpu.memory_space<hbm>>) target(%dma_start3A_810 : memref<80x32xf32, #tpu.memory_space<vmem>>) offsets(%dma_start3A_813 : memref<80xi32, #tpu.memory_space<vmem>>) semaphore(%dma_start3A_818 : memref<!tpu.dma_semaphore, #tpu.memory_space<semaphore_mem>>)
      %add3A_819 = arith.constant 0 : i32
      %add3A_820 = arith.addi %add3A_448, %add3A_819 : i32
      %dma_wait3A_821 = arith.constant 1 : i32
      %dma_wait3A_822 = arith.constant 0 : i32
      %dma_wait3A_823 = arith.constant 1 : i32
      %dma_wait3A_824 = arith.constant 0 : i32
      %dma_wait3A_825 = arith.constant 0 : i32
      %dma_wait3A_826 = arith.constant 0 : i32
      %dma_wait3A_827 = tpu.memref_slice %arg9[%dma_wait3A_821, %dma_wait3A_822, %dma_wait3A_825, %dma_wait3A_826] : memref<2x5x80x32xf32, #tpu.memory_space<vmem>> -> memref<1x1x80x32xf32, #tpu.memory_space<vmem>>
      %dma_wait3A_828 = tpu.memref_squeeze %dma_wait3A_827 : memref<1x1x80x32xf32, #tpu.memory_space<vmem>> -> memref<80x32xf32, #tpu.memory_space<vmem>>
      %dma_wait3A_829 = arith.constant 0 : i32
      %dma_wait3A_830 = tpu.memref_slice %arg7[%add3A_820, %dma_wait3A_829] : memref<125x80xi32, #tpu.memory_space<vmem>> -> memref<1x80xi32, #tpu.memory_space<vmem>>
      %dma_wait3A_831 = tpu.memref_squeeze %dma_wait3A_830 : memref<1x80xi32, #tpu.memory_space<vmem>> -> memref<80xi32, #tpu.memory_space<vmem>>
      %dma_wait3A_832 = arith.constant 0 : i32
      %dma_wait3A_833 = arith.constant 0 : i32
      %dma_wait3A_834 = tpu.memref_slice %arg2[%dma_wait3A_832, %dma_wait3A_833] : memref<10000x32xf32, #tpu.memory_space<hbm>> -> memref<10000x32xf32, #tpu.memory_space<hbm>>
      %dma_wait3A_835 = tpu.memref_slice %arg12[%dma_wait3A_823, %dma_wait3A_824] : memref<2x5x!tpu.dma_semaphore, #tpu.memory_space<semaphore_mem>> -> memref<1x1x!tpu.dma_semaphore, #tpu.memory_space<semaphore_mem>>
      %dma_wait3A_836 = tpu.memref_squeeze %dma_wait3A_835 : memref<1x1x!tpu.dma_semaphore, #tpu.memory_space<semaphore_mem>> -> memref<!tpu.dma_semaphore, #tpu.memory_space<semaphore_mem>>
      tpu.wait_indirect_dma semaphore(%dma_wait3A_836 : memref<!tpu.dma_semaphore, #tpu.memory_space<semaphore_mem>>) src(%dma_wait3A_834 : memref<10000x32xf32, #tpu.memory_space<hbm>>) dst(%dma_wait3A_828 : memref<80x32xf32, #tpu.memory_space<vmem>>)
      %add3A_837 = arith.constant 0 : i32
      %add3A_838 = arith.addi %add3A_448, %add3A_837 : i32
      %dma_start3A_839 = arith.constant 1 : i32
      %dma_start3A_840 = arith.constant 0 : i32
      %dma_start3A_841 = arith.constant 1 : i32
      %dma_start3A_842 = arith.constant 0 : i32
      %dma_start3A_843 = arith.constant 0 : i32
      %dma_start3A_844 = arith.constant 0 : i32
      %dma_start3A_845 = tpu.memref_slice %arg9[%dma_start3A_839, %dma_start3A_840, %dma_start3A_843, %dma_start3A_844] : memref<2x5x80x32xf32, #tpu.memory_space<vmem>> -> memref<1x1x80x32xf32, #tpu.memory_space<vmem>>
      %dma_start3A_846 = tpu.memref_squeeze %dma_start3A_845 : memref<1x1x80x32xf32, #tpu.memory_space<vmem>> -> memref<80x32xf32, #tpu.memory_space<vmem>>
      %dma_start3A_847 = arith.constant 0 : i32
      %dma_start3A_848 = tpu.memref_slice %arg8[%add3A_838, %dma_start3A_847] : memref<125x80xi32, #tpu.memory_space<vmem>> -> memref<1x80xi32, #tpu.memory_space<vmem>>
      %dma_start3A_849 = tpu.memref_squeeze %dma_start3A_848 : memref<1x80xi32, #tpu.memory_space<vmem>> -> memref<80xi32, #tpu.memory_space<vmem>>
      %dma_start3A_850 = arith.constant 0 : i32
      %dma_start3A_851 = arith.constant 0 : i32
      %dma_start3A_852 = tpu.memref_slice %arg11[%dma_start3A_850, %dma_start3A_851] : memref<10112x32xf32, #tpu.memory_space<vmem_shared>> -> memref<10112x32xf32, #tpu.memory_space<vmem_shared>>
      %dma_start3A_853 = tpu.memref_slice %arg13[%dma_start3A_841, %dma_start3A_842] : memref<2x5x!tpu.dma_semaphore, #tpu.memory_space<semaphore_mem>> -> memref<1x1x!tpu.dma_semaphore, #tpu.memory_space<semaphore_mem>>
      %dma_start3A_854 = tpu.memref_squeeze %dma_start3A_853 : memref<1x1x!tpu.dma_semaphore, #tpu.memory_space<semaphore_mem>> -> memref<!tpu.dma_semaphore, #tpu.memory_space<semaphore_mem>>
      tpu.enqueue_indirect_dma source(%dma_start3A_846 : memref<80x32xf32, #tpu.memory_space<vmem>>) target(%dma_start3A_852 : memref<10112x32xf32, #tpu.memory_space<vmem_shared>>) offsets(%dma_start3A_849 : memref<80xi32, #tpu.memory_space<vmem>>) semaphore(%dma_start3A_854 : memref<!tpu.dma_semaphore, #tpu.memory_space<semaphore_mem>>) {add = true}
      %add3A_855 = arith.constant 1 : i32
      %add3A_856 = arith.addi %add3A_448, %add3A_855 : i32
      %dma_wait3A_857 = arith.constant 1 : i32
      %dma_wait3A_858 = arith.constant 1 : i32
      %dma_wait3A_859 = arith.constant 1 : i32
      %dma_wait3A_860 = arith.constant 1 : i32
      %dma_wait3A_861 = arith.constant 0 : i32
      %dma_wait3A_862 = arith.constant 0 : i32
      %dma_wait3A_863 = tpu.memref_slice %arg9[%dma_wait3A_857, %dma_wait3A_858, %dma_wait3A_861, %dma_wait3A_862] : memref<2x5x80x32xf32, #tpu.memory_space<vmem>> -> memref<1x1x80x32xf32, #tpu.memory_space<vmem>>
      %dma_wait3A_864 = tpu.memref_squeeze %dma_wait3A_863 : memref<1x1x80x32xf32, #tpu.memory_space<vmem>> -> memref<80x32xf32, #tpu.memory_space<vmem>>
      %dma_wait3A_865 = arith.constant 0 : i32
      %dma_wait3A_866 = tpu.memref_slice %arg7[%add3A_856, %dma_wait3A_865] : memref<125x80xi32, #tpu.memory_space<vmem>> -> memref<1x80xi32, #tpu.memory_space<vmem>>
      %dma_wait3A_867 = tpu.memref_squeeze %dma_wait3A_866 : memref<1x80xi32, #tpu.memory_space<vmem>> -> memref<80xi32, #tpu.memory_space<vmem>>
      %dma_wait3A_868 = arith.constant 0 : i32
      %dma_wait3A_869 = arith.constant 0 : i32
      %dma_wait3A_870 = tpu.memref_slice %arg2[%dma_wait3A_868, %dma_wait3A_869] : memref<10000x32xf32, #tpu.memory_space<hbm>> -> memref<10000x32xf32, #tpu.memory_space<hbm>>
      %dma_wait3A_871 = tpu.memref_slice %arg12[%dma_wait3A_859, %dma_wait3A_860] : memref<2x5x!tpu.dma_semaphore, #tpu.memory_space<semaphore_mem>> -> memref<1x1x!tpu.dma_semaphore, #tpu.memory_space<semaphore_mem>>
      %dma_wait3A_872 = tpu.memref_squeeze %dma_wait3A_871 : memref<1x1x!tpu.dma_semaphore, #tpu.memory_space<semaphore_mem>> -> memref<!tpu.dma_semaphore, #tpu.memory_space<semaphore_mem>>
      tpu.wait_indirect_dma semaphore(%dma_wait3A_872 : memref<!tpu.dma_semaphore, #tpu.memory_space<semaphore_mem>>) src(%dma_wait3A_870 : memref<10000x32xf32, #tpu.memory_space<hbm>>) dst(%dma_wait3A_864 : memref<80x32xf32, #tpu.memory_space<vmem>>)
      %add3A_873 = arith.constant 1 : i32
      %add3A_874 = arith.addi %add3A_448, %add3A_873 : i32
      %dma_start3A_875 = arith.constant 1 : i32
      %dma_start3A_876 = arith.constant 1 : i32
      %dma_start3A_877 = arith.constant 1 : i32
      %dma_start3A_878 = arith.constant 1 : i32
      %dma_start3A_879 = arith.constant 0 : i32
      %dma_start3A_880 = arith.constant 0 : i32
      %dma_start3A_881 = tpu.memref_slice %arg9[%dma_start3A_875, %dma_start3A_876, %dma_start3A_879, %dma_start3A_880] : memref<2x5x80x32xf32, #tpu.memory_space<vmem>> -> memref<1x1x80x32xf32, #tpu.memory_space<vmem>>
      %dma_start3A_882 = tpu.memref_squeeze %dma_start3A_881 : memref<1x1x80x32xf32, #tpu.memory_space<vmem>> -> memref<80x32xf32, #tpu.memory_space<vmem>>
      %dma_start3A_883 = arith.constant 0 : i32
      %dma_start3A_884 = tpu.memref_slice %arg8[%add3A_874, %dma_start3A_883] : memref<125x80xi32, #tpu.memory_space<vmem>> -> memref<1x80xi32, #tpu.memory_space<vmem>>
      %dma_start3A_885 = tpu.memref_squeeze %dma_start3A_884 : memref<1x80xi32, #tpu.memory_space<vmem>> -> memref<80xi32, #tpu.memory_space<vmem>>
      %dma_start3A_886 = arith.constant 0 : i32
      %dma_start3A_887 = arith.constant 0 : i32
      %dma_start3A_888 = tpu.memref_slice %arg11[%dma_start3A_886, %dma_start3A_887] : memref<10112x32xf32, #tpu.memory_space<vmem_shared>> -> memref<10112x32xf32, #tpu.memory_space<vmem_shared>>
      %dma_start3A_889 = tpu.memref_slice %arg13[%dma_start3A_877, %dma_start3A_878] : memref<2x5x!tpu.dma_semaphore, #tpu.memory_space<semaphore_mem>> -> memref<1x1x!tpu.dma_semaphore, #tpu.memory_space<semaphore_mem>>
      %dma_start3A_890 = tpu.memref_squeeze %dma_start3A_889 : memref<1x1x!tpu.dma_semaphore, #tpu.memory_space<semaphore_mem>> -> memref<!tpu.dma_semaphore, #tpu.memory_space<semaphore_mem>>
      tpu.enqueue_indirect_dma source(%dma_start3A_882 : memref<80x32xf32, #tpu.memory_space<vmem>>) target(%dma_start3A_888 : memref<10112x32xf32, #tpu.memory_space<vmem_shared>>) offsets(%dma_start3A_885 : memref<80xi32, #tpu.memory_space<vmem>>) semaphore(%dma_start3A_890 : memref<!tpu.dma_semaphore, #tpu.memory_space<semaphore_mem>>) {add = true}
      %add3A_891 = arith.constant 2 : i32
      %add3A_892 = arith.addi %add3A_448, %add3A_891 : i32
      %dma_wait3A_893 = arith.constant 1 : i32
      %dma_wait3A_894 = arith.constant 2 : i32
      %dma_wait3A_895 = arith.constant 1 : i32
      %dma_wait3A_896 = arith.constant 2 : i32
      %dma_wait3A_897 = arith.constant 0 : i32
      %dma_wait3A_898 = arith.constant 0 : i32
      %dma_wait3A_899 = tpu.memref_slice %arg9[%dma_wait3A_893, %dma_wait3A_894, %dma_wait3A_897, %dma_wait3A_898] : memref<2x5x80x32xf32, #tpu.memory_space<vmem>> -> memref<1x1x80x32xf32, #tpu.memory_space<vmem>>
      %dma_wait3A_900 = tpu.memref_squeeze %dma_wait3A_899 : memref<1x1x80x32xf32, #tpu.memory_space<vmem>> -> memref<80x32xf32, #tpu.memory_space<vmem>>
      %dma_wait3A_901 = arith.constant 0 : i32
      %dma_wait3A_902 = tpu.memref_slice %arg7[%add3A_892, %dma_wait3A_901] : memref<125x80xi32, #tpu.memory_space<vmem>> -> memref<1x80xi32, #tpu.memory_space<vmem>>
      %dma_wait3A_903 = tpu.memref_squeeze %dma_wait3A_902 : memref<1x80xi32, #tpu.memory_space<vmem>> -> memref<80xi32, #tpu.memory_space<vmem>>
      %dma_wait3A_904 = arith.constant 0 : i32
      %dma_wait3A_905 = arith.constant 0 : i32
      %dma_wait3A_906 = tpu.memref_slice %arg2[%dma_wait3A_904, %dma_wait3A_905] : memref<10000x32xf32, #tpu.memory_space<hbm>> -> memref<10000x32xf32, #tpu.memory_space<hbm>>
      %dma_wait3A_907 = tpu.memref_slice %arg12[%dma_wait3A_895, %dma_wait3A_896] : memref<2x5x!tpu.dma_semaphore, #tpu.memory_space<semaphore_mem>> -> memref<1x1x!tpu.dma_semaphore, #tpu.memory_space<semaphore_mem>>
      %dma_wait3A_908 = tpu.memref_squeeze %dma_wait3A_907 : memref<1x1x!tpu.dma_semaphore, #tpu.memory_space<semaphore_mem>> -> memref<!tpu.dma_semaphore, #tpu.memory_space<semaphore_mem>>
      tpu.wait_indirect_dma semaphore(%dma_wait3A_908 : memref<!tpu.dma_semaphore, #tpu.memory_space<semaphore_mem>>) src(%dma_wait3A_906 : memref<10000x32xf32, #tpu.memory_space<hbm>>) dst(%dma_wait3A_900 : memref<80x32xf32, #tpu.memory_space<vmem>>)
      %add3A_909 = arith.constant 2 : i32
      %add3A_910 = arith.addi %add3A_448, %add3A_909 : i32
      %dma_start3A_911 = arith.constant 1 : i32
      %dma_start3A_912 = arith.constant 2 : i32
      %dma_start3A_913 = arith.constant 1 : i32
      %dma_start3A_914 = arith.constant 2 : i32
      %dma_start3A_915 = arith.constant 0 : i32
      %dma_start3A_916 = arith.constant 0 : i32
      %dma_start3A_917 = tpu.memref_slice %arg9[%dma_start3A_911, %dma_start3A_912, %dma_start3A_915, %dma_start3A_916] : memref<2x5x80x32xf32, #tpu.memory_space<vmem>> -> memref<1x1x80x32xf32, #tpu.memory_space<vmem>>
      %dma_start3A_918 = tpu.memref_squeeze %dma_start3A_917 : memref<1x1x80x32xf32, #tpu.memory_space<vmem>> -> memref<80x32xf32, #tpu.memory_space<vmem>>
      %dma_start3A_919 = arith.constant 0 : i32
      %dma_start3A_920 = tpu.memref_slice %arg8[%add3A_910, %dma_start3A_919] : memref<125x80xi32, #tpu.memory_space<vmem>> -> memref<1x80xi32, #tpu.memory_space<vmem>>
      %dma_start3A_921 = tpu.memref_squeeze %dma_start3A_920 : memref<1x80xi32, #tpu.memory_space<vmem>> -> memref<80xi32, #tpu.memory_space<vmem>>
      %dma_start3A_922 = arith.constant 0 : i32
      %dma_start3A_923 = arith.constant 0 : i32
      %dma_start3A_924 = tpu.memref_slice %arg11[%dma_start3A_922, %dma_start3A_923] : memref<10112x32xf32, #tpu.memory_space<vmem_shared>> -> memref<10112x32xf32, #tpu.memory_space<vmem_shared>>
      %dma_start3A_925 = tpu.memref_slice %arg13[%dma_start3A_913, %dma_start3A_914] : memref<2x5x!tpu.dma_semaphore, #tpu.memory_space<semaphore_mem>> -> memref<1x1x!tpu.dma_semaphore, #tpu.memory_space<semaphore_mem>>
      %dma_start3A_926 = tpu.memref_squeeze %dma_start3A_925 : memref<1x1x!tpu.dma_semaphore, #tpu.memory_space<semaphore_mem>> -> memref<!tpu.dma_semaphore, #tpu.memory_space<semaphore_mem>>
      tpu.enqueue_indirect_dma source(%dma_start3A_918 : memref<80x32xf32, #tpu.memory_space<vmem>>) target(%dma_start3A_924 : memref<10112x32xf32, #tpu.memory_space<vmem_shared>>) offsets(%dma_start3A_921 : memref<80xi32, #tpu.memory_space<vmem>>) semaphore(%dma_start3A_926 : memref<!tpu.dma_semaphore, #tpu.memory_space<semaphore_mem>>) {add = true}
      %add3A_927 = arith.constant 3 : i32
      %add3A_928 = arith.addi %add3A_448, %add3A_927 : i32
      %dma_wait3A_929 = arith.constant 1 : i32
      %dma_wait3A_930 = arith.constant 3 : i32
      %dma_wait3A_931 = arith.constant 1 : i32
      %dma_wait3A_932 = arith.constant 3 : i32
      %dma_wait3A_933 = arith.constant 0 : i32
      %dma_wait3A_934 = arith.constant 0 : i32
      %dma_wait3A_935 = tpu.memref_slice %arg9[%dma_wait3A_929, %dma_wait3A_930, %dma_wait3A_933, %dma_wait3A_934] : memref<2x5x80x32xf32, #tpu.memory_space<vmem>> -> memref<1x1x80x32xf32, #tpu.memory_space<vmem>>
      %dma_wait3A_936 = tpu.memref_squeeze %dma_wait3A_935 : memref<1x1x80x32xf32, #tpu.memory_space<vmem>> -> memref<80x32xf32, #tpu.memory_space<vmem>>
      %dma_wait3A_937 = arith.constant 0 : i32
      %dma_wait3A_938 = tpu.memref_slice %arg7[%add3A_928, %dma_wait3A_937] : memref<125x80xi32, #tpu.memory_space<vmem>> -> memref<1x80xi32, #tpu.memory_space<vmem>>
      %dma_wait3A_939 = tpu.memref_squeeze %dma_wait3A_938 : memref<1x80xi32, #tpu.memory_space<vmem>> -> memref<80xi32, #tpu.memory_space<vmem>>
      %dma_wait3A_940 = arith.constant 0 : i32
      %dma_wait3A_941 = arith.constant 0 : i32
      %dma_wait3A_942 = tpu.memref_slice %arg2[%dma_wait3A_940, %dma_wait3A_941] : memref<10000x32xf32, #tpu.memory_space<hbm>> -> memref<10000x32xf32, #tpu.memory_space<hbm>>
      %dma_wait3A_943 = tpu.memref_slice %arg12[%dma_wait3A_931, %dma_wait3A_932] : memref<2x5x!tpu.dma_semaphore, #tpu.memory_space<semaphore_mem>> -> memref<1x1x!tpu.dma_semaphore, #tpu.memory_space<semaphore_mem>>
      %dma_wait3A_944 = tpu.memref_squeeze %dma_wait3A_943 : memref<1x1x!tpu.dma_semaphore, #tpu.memory_space<semaphore_mem>> -> memref<!tpu.dma_semaphore, #tpu.memory_space<semaphore_mem>>
      tpu.wait_indirect_dma semaphore(%dma_wait3A_944 : memref<!tpu.dma_semaphore, #tpu.memory_space<semaphore_mem>>) src(%dma_wait3A_942 : memref<10000x32xf32, #tpu.memory_space<hbm>>) dst(%dma_wait3A_936 : memref<80x32xf32, #tpu.memory_space<vmem>>)
      %add3A_945 = arith.constant 3 : i32
      %add3A_946 = arith.addi %add3A_448, %add3A_945 : i32
      %dma_start3A_947 = arith.constant 1 : i32
      %dma_start3A_948 = arith.constant 3 : i32
      %dma_start3A_949 = arith.constant 1 : i32
      %dma_start3A_950 = arith.constant 3 : i32
      %dma_start3A_951 = arith.constant 0 : i32
      %dma_start3A_952 = arith.constant 0 : i32
      %dma_start3A_953 = tpu.memref_slice %arg9[%dma_start3A_947, %dma_start3A_948, %dma_start3A_951, %dma_start3A_952] : memref<2x5x80x32xf32, #tpu.memory_space<vmem>> -> memref<1x1x80x32xf32, #tpu.memory_space<vmem>>
      %dma_start3A_954 = tpu.memref_squeeze %dma_start3A_953 : memref<1x1x80x32xf32, #tpu.memory_space<vmem>> -> memref<80x32xf32, #tpu.memory_space<vmem>>
      %dma_start3A_955 = arith.constant 0 : i32
      %dma_start3A_956 = tpu.memref_slice %arg8[%add3A_946, %dma_start3A_955] : memref<125x80xi32, #tpu.memory_space<vmem>> -> memref<1x80xi32, #tpu.memory_space<vmem>>
      %dma_start3A_957 = tpu.memref_squeeze %dma_start3A_956 : memref<1x80xi32, #tpu.memory_space<vmem>> -> memref<80xi32, #tpu.memory_space<vmem>>
      %dma_start3A_958 = arith.constant 0 : i32
      %dma_start3A_959 = arith.constant 0 : i32
      %dma_start3A_960 = tpu.memref_slice %arg11[%dma_start3A_958, %dma_start3A_959] : memref<10112x32xf32, #tpu.memory_space<vmem_shared>> -> memref<10112x32xf32, #tpu.memory_space<vmem_shared>>
      %dma_start3A_961 = tpu.memref_slice %arg13[%dma_start3A_949, %dma_start3A_950] : memref<2x5x!tpu.dma_semaphore, #tpu.memory_space<semaphore_mem>> -> memref<1x1x!tpu.dma_semaphore, #tpu.memory_space<semaphore_mem>>
      %dma_start3A_962 = tpu.memref_squeeze %dma_start3A_961 : memref<1x1x!tpu.dma_semaphore, #tpu.memory_space<semaphore_mem>> -> memref<!tpu.dma_semaphore, #tpu.memory_space<semaphore_mem>>
      tpu.enqueue_indirect_dma source(%dma_start3A_954 : memref<80x32xf32, #tpu.memory_space<vmem>>) target(%dma_start3A_960 : memref<10112x32xf32, #tpu.memory_space<vmem_shared>>) offsets(%dma_start3A_957 : memref<80xi32, #tpu.memory_space<vmem>>) semaphore(%dma_start3A_962 : memref<!tpu.dma_semaphore, #tpu.memory_space<semaphore_mem>>) {add = true}
      %add3A_963 = arith.constant 4 : i32
      %add3A_964 = arith.addi %add3A_448, %add3A_963 : i32
      %dma_wait3A_965 = arith.constant 1 : i32
      %dma_wait3A_966 = arith.constant 4 : i32
      %dma_wait3A_967 = arith.constant 1 : i32
      %dma_wait3A_968 = arith.constant 4 : i32
      %dma_wait3A_969 = arith.constant 0 : i32
      %dma_wait3A_970 = arith.constant 0 : i32
      %dma_wait3A_971 = tpu.memref_slice %arg9[%dma_wait3A_965, %dma_wait3A_966, %dma_wait3A_969, %dma_wait3A_970] : memref<2x5x80x32xf32, #tpu.memory_space<vmem>> -> memref<1x1x80x32xf32, #tpu.memory_space<vmem>>
      %dma_wait3A_972 = tpu.memref_squeeze %dma_wait3A_971 : memref<1x1x80x32xf32, #tpu.memory_space<vmem>> -> memref<80x32xf32, #tpu.memory_space<vmem>>
      %dma_wait3A_973 = arith.constant 0 : i32
      %dma_wait3A_974 = tpu.memref_slice %arg7[%add3A_964, %dma_wait3A_973] : memref<125x80xi32, #tpu.memory_space<vmem>> -> memref<1x80xi32, #tpu.memory_space<vmem>>
      %dma_wait3A_975 = tpu.memref_squeeze %dma_wait3A_974 : memref<1x80xi32, #tpu.memory_space<vmem>> -> memref<80xi32, #tpu.memory_space<vmem>>
      %dma_wait3A_976 = arith.constant 0 : i32
      %dma_wait3A_977 = arith.constant 0 : i32
      %dma_wait3A_978 = tpu.memref_slice %arg2[%dma_wait3A_976, %dma_wait3A_977] : memref<10000x32xf32, #tpu.memory_space<hbm>> -> memref<10000x32xf32, #tpu.memory_space<hbm>>
      %dma_wait3A_979 = tpu.memref_slice %arg12[%dma_wait3A_967, %dma_wait3A_968] : memref<2x5x!tpu.dma_semaphore, #tpu.memory_space<semaphore_mem>> -> memref<1x1x!tpu.dma_semaphore, #tpu.memory_space<semaphore_mem>>
      %dma_wait3A_980 = tpu.memref_squeeze %dma_wait3A_979 : memref<1x1x!tpu.dma_semaphore, #tpu.memory_space<semaphore_mem>> -> memref<!tpu.dma_semaphore, #tpu.memory_space<semaphore_mem>>
      tpu.wait_indirect_dma semaphore(%dma_wait3A_980 : memref<!tpu.dma_semaphore, #tpu.memory_space<semaphore_mem>>) src(%dma_wait3A_978 : memref<10000x32xf32, #tpu.memory_space<hbm>>) dst(%dma_wait3A_972 : memref<80x32xf32, #tpu.memory_space<vmem>>)
      %add3A_981 = arith.constant 4 : i32
      %add3A_982 = arith.addi %add3A_448, %add3A_981 : i32
      %dma_start3A_983 = arith.constant 1 : i32
      %dma_start3A_984 = arith.constant 4 : i32
      %dma_start3A_985 = arith.constant 1 : i32
      %dma_start3A_986 = arith.constant 4 : i32
      %dma_start3A_987 = arith.constant 0 : i32
      %dma_start3A_988 = arith.constant 0 : i32
      %dma_start3A_989 = tpu.memref_slice %arg9[%dma_start3A_983, %dma_start3A_984, %dma_start3A_987, %dma_start3A_988] : memref<2x5x80x32xf32, #tpu.memory_space<vmem>> -> memref<1x1x80x32xf32, #tpu.memory_space<vmem>>
      %dma_start3A_990 = tpu.memref_squeeze %dma_start3A_989 : memref<1x1x80x32xf32, #tpu.memory_space<vmem>> -> memref<80x32xf32, #tpu.memory_space<vmem>>
      %dma_start3A_991 = arith.constant 0 : i32
      %dma_start3A_992 = tpu.memref_slice %arg8[%add3A_982, %dma_start3A_991] : memref<125x80xi32, #tpu.memory_space<vmem>> -> memref<1x80xi32, #tpu.memory_space<vmem>>
      %dma_start3A_993 = tpu.memref_squeeze %dma_start3A_992 : memref<1x80xi32, #tpu.memory_space<vmem>> -> memref<80xi32, #tpu.memory_space<vmem>>
      %dma_start3A_994 = arith.constant 0 : i32
      %dma_start3A_995 = arith.constant 0 : i32
      %dma_start3A_996 = tpu.memref_slice %arg11[%dma_start3A_994, %dma_start3A_995] : memref<10112x32xf32, #tpu.memory_space<vmem_shared>> -> memref<10112x32xf32, #tpu.memory_space<vmem_shared>>
      %dma_start3A_997 = tpu.memref_slice %arg13[%dma_start3A_985, %dma_start3A_986] : memref<2x5x!tpu.dma_semaphore, #tpu.memory_space<semaphore_mem>> -> memref<1x1x!tpu.dma_semaphore, #tpu.memory_space<semaphore_mem>>
      %dma_start3A_998 = tpu.memref_squeeze %dma_start3A_997 : memref<1x1x!tpu.dma_semaphore, #tpu.memory_space<semaphore_mem>> -> memref<!tpu.dma_semaphore, #tpu.memory_space<semaphore_mem>>
      tpu.enqueue_indirect_dma source(%dma_start3A_990 : memref<80x32xf32, #tpu.memory_space<vmem>>) target(%dma_start3A_996 : memref<10112x32xf32, #tpu.memory_space<vmem_shared>>) offsets(%dma_start3A_993 : memref<80xi32, #tpu.memory_space<vmem>>) semaphore(%dma_start3A_998 : memref<!tpu.dma_semaphore, #tpu.memory_space<semaphore_mem>>) {add = true}
      %add3A_999 = arith.constant 0 : i32
      %add3A_1000 = arith.addi %add3A_448, %add3A_999 : i32
      %dma_wait3A_1001 = arith.constant 1 : i32
      %dma_wait3A_1002 = arith.constant 0 : i32
      %dma_wait3A_1003 = arith.constant 1 : i32
      %dma_wait3A_1004 = arith.constant 0 : i32
      %dma_wait3A_1005 = arith.constant 0 : i32
      %dma_wait3A_1006 = arith.constant 0 : i32
      %dma_wait3A_1007 = tpu.memref_slice %arg9[%dma_wait3A_1001, %dma_wait3A_1002, %dma_wait3A_1005, %dma_wait3A_1006] : memref<2x5x80x32xf32, #tpu.memory_space<vmem>> -> memref<1x1x80x32xf32, #tpu.memory_space<vmem>>
      %dma_wait3A_1008 = tpu.memref_squeeze %dma_wait3A_1007 : memref<1x1x80x32xf32, #tpu.memory_space<vmem>> -> memref<80x32xf32, #tpu.memory_space<vmem>>
      %dma_wait3A_1009 = arith.constant 0 : i32
      %dma_wait3A_1010 = tpu.memref_slice %arg8[%add3A_1000, %dma_wait3A_1009] : memref<125x80xi32, #tpu.memory_space<vmem>> -> memref<1x80xi32, #tpu.memory_space<vmem>>
      %dma_wait3A_1011 = tpu.memref_squeeze %dma_wait3A_1010 : memref<1x80xi32, #tpu.memory_space<vmem>> -> memref<80xi32, #tpu.memory_space<vmem>>
      %dma_wait3A_1012 = arith.constant 0 : i32
      %dma_wait3A_1013 = arith.constant 0 : i32
      %dma_wait3A_1014 = tpu.memref_slice %arg11[%dma_wait3A_1012, %dma_wait3A_1013] : memref<10112x32xf32, #tpu.memory_space<vmem_shared>> -> memref<10112x32xf32, #tpu.memory_space<vmem_shared>>
      %dma_wait3A_1015 = tpu.memref_slice %arg13[%dma_wait3A_1003, %dma_wait3A_1004] : memref<2x5x!tpu.dma_semaphore, #tpu.memory_space<semaphore_mem>> -> memref<1x1x!tpu.dma_semaphore, #tpu.memory_space<semaphore_mem>>
      %dma_wait3A_1016 = tpu.memref_squeeze %dma_wait3A_1015 : memref<1x1x!tpu.dma_semaphore, #tpu.memory_space<semaphore_mem>> -> memref<!tpu.dma_semaphore, #tpu.memory_space<semaphore_mem>>
      tpu.wait_indirect_dma semaphore(%dma_wait3A_1016 : memref<!tpu.dma_semaphore, #tpu.memory_space<semaphore_mem>>) src(%dma_wait3A_1008 : memref<80x32xf32, #tpu.memory_space<vmem>>) dst(%dma_wait3A_1014 : memref<10112x32xf32, #tpu.memory_space<vmem_shared>>)
      %add3A_1017 = arith.constant 1 : i32
      %add3A_1018 = arith.addi %scan3A_444, %add3A_1017 : i32
      %lt3A = arith.constant 12 : i32
      %lt3A_1019 = arith.cmpi slt, %add3A_1018, %lt3A : i32
      %convert_element_type3A_1020 = arith.extui %lt3A_1019 : i1 to i32
      %cond3A_1021 = arith.constant 0 : i32
      %cond3A_1022 = arith.cmpi ne, %convert_element_type3A_1020, %cond3A_1021 : i32
      scf.if %cond3A_1022 {
        %add3A_1123 = arith.constant 10 : i32
        %add3A_1124 = arith.addi %add3A_448, %add3A_1123 : i32
        %add3A_1125 = arith.constant 0 : i32
        %add3A_1126 = arith.addi %add3A_1124, %add3A_1125 : i32
        %dma_start3A_1127 = arith.constant 1 : i32
        %dma_start3A_1128 = arith.constant 0 : i32
        %dma_start3A_1129 = arith.constant 1 : i32
        %dma_start3A_1130 = arith.constant 0 : i32
        %dma_start3A_1131 = arith.constant 0 : i32
        %dma_start3A_1132 = arith.constant 0 : i32
        %dma_start3A_1133 = tpu.memref_slice %arg9[%dma_start3A_1127, %dma_start3A_1128, %dma_start3A_1131, %dma_start3A_1132] : memref<2x5x80x32xf32, #tpu.memory_space<vmem>> -> memref<1x1x80x32xf32, #tpu.memory_space<vmem>>
        %dma_start3A_1134 = tpu.memref_squeeze %dma_start3A_1133 : memref<1x1x80x32xf32, #tpu.memory_space<vmem>> -> memref<80x32xf32, #tpu.memory_space<vmem>>
        %dma_start3A_1135 = arith.constant 0 : i32
        %dma_start3A_1136 = tpu.memref_slice %arg7[%add3A_1126, %dma_start3A_1135] : memref<125x80xi32, #tpu.memory_space<vmem>> -> memref<1x80xi32, #tpu.memory_space<vmem>>
        %dma_start3A_1137 = tpu.memref_squeeze %dma_start3A_1136 : memref<1x80xi32, #tpu.memory_space<vmem>> -> memref<80xi32, #tpu.memory_space<vmem>>
        %dma_start3A_1138 = arith.constant 0 : i32
        %dma_start3A_1139 = arith.constant 0 : i32
        %dma_start3A_1140 = tpu.memref_slice %arg2[%dma_start3A_1138, %dma_start3A_1139] : memref<10000x32xf32, #tpu.memory_space<hbm>> -> memref<10000x32xf32, #tpu.memory_space<hbm>>
        %dma_start3A_1141 = tpu.memref_slice %arg12[%dma_start3A_1129, %dma_start3A_1130] : memref<2x5x!tpu.dma_semaphore, #tpu.memory_space<semaphore_mem>> -> memref<1x1x!tpu.dma_semaphore, #tpu.memory_space<semaphore_mem>>
        %dma_start3A_1142 = tpu.memref_squeeze %dma_start3A_1141 : memref<1x1x!tpu.dma_semaphore, #tpu.memory_space<semaphore_mem>> -> memref<!tpu.dma_semaphore, #tpu.memory_space<semaphore_mem>>
        tpu.enqueue_indirect_dma source(%dma_start3A_1140 : memref<10000x32xf32, #tpu.memory_space<hbm>>) target(%dma_start3A_1134 : memref<80x32xf32, #tpu.memory_space<vmem>>) offsets(%dma_start3A_1137 : memref<80xi32, #tpu.memory_space<vmem>>) semaphore(%dma_start3A_1142 : memref<!tpu.dma_semaphore, #tpu.memory_space<semaphore_mem>>)
      } else {
      }
      %add3A_1023 = arith.constant 1 : i32
      %add3A_1024 = arith.addi %add3A_448, %add3A_1023 : i32
      %dma_wait3A_1025 = arith.constant 1 : i32
      %dma_wait3A_1026 = arith.constant 1 : i32
      %dma_wait3A_1027 = arith.constant 1 : i32
      %dma_wait3A_1028 = arith.constant 1 : i32
      %dma_wait3A_1029 = arith.constant 0 : i32
      %dma_wait3A_1030 = arith.constant 0 : i32
      %dma_wait3A_1031 = tpu.memref_slice %arg9[%dma_wait3A_1025, %dma_wait3A_1026, %dma_wait3A_1029, %dma_wait3A_1030] : memref<2x5x80x32xf32, #tpu.memory_space<vmem>> -> memref<1x1x80x32xf32, #tpu.memory_space<vmem>>
      %dma_wait3A_1032 = tpu.memref_squeeze %dma_wait3A_1031 : memref<1x1x80x32xf32, #tpu.memory_space<vmem>> -> memref<80x32xf32, #tpu.memory_space<vmem>>
      %dma_wait3A_1033 = arith.constant 0 : i32
      %dma_wait3A_1034 = tpu.memref_slice %arg8[%add3A_1024, %dma_wait3A_1033] : memref<125x80xi32, #tpu.memory_space<vmem>> -> memref<1x80xi32, #tpu.memory_space<vmem>>
      %dma_wait3A_1035 = tpu.memref_squeeze %dma_wait3A_1034 : memref<1x80xi32, #tpu.memory_space<vmem>> -> memref<80xi32, #tpu.memory_space<vmem>>
      %dma_wait3A_1036 = arith.constant 0 : i32
      %dma_wait3A_1037 = arith.constant 0 : i32
      %dma_wait3A_1038 = tpu.memref_slice %arg11[%dma_wait3A_1036, %dma_wait3A_1037] : memref<10112x32xf32, #tpu.memory_space<vmem_shared>> -> memref<10112x32xf32, #tpu.memory_space<vmem_shared>>
      %dma_wait3A_1039 = tpu.memref_slice %arg13[%dma_wait3A_1027, %dma_wait3A_1028] : memref<2x5x!tpu.dma_semaphore, #tpu.memory_space<semaphore_mem>> -> memref<1x1x!tpu.dma_semaphore, #tpu.memory_space<semaphore_mem>>
      %dma_wait3A_1040 = tpu.memref_squeeze %dma_wait3A_1039 : memref<1x1x!tpu.dma_semaphore, #tpu.memory_space<semaphore_mem>> -> memref<!tpu.dma_semaphore, #tpu.memory_space<semaphore_mem>>
      tpu.wait_indirect_dma semaphore(%dma_wait3A_1040 : memref<!tpu.dma_semaphore, #tpu.memory_space<semaphore_mem>>) src(%dma_wait3A_1032 : memref<80x32xf32, #tpu.memory_space<vmem>>) dst(%dma_wait3A_1038 : memref<10112x32xf32, #tpu.memory_space<vmem_shared>>)
      %add3A_1041 = arith.constant 1 : i32
      %add3A_1042 = arith.addi %scan3A_444, %add3A_1041 : i32
      %lt3A_1043 = arith.constant 12 : i32
      %lt3A_1044 = arith.cmpi slt, %add3A_1042, %lt3A_1043 : i32
      %convert_element_type3A_1045 = arith.extui %lt3A_1044 : i1 to i32
      %cond3A_1046 = arith.constant 0 : i32
      %cond3A_1047 = arith.cmpi ne, %convert_element_type3A_1045, %cond3A_1046 : i32
      scf.if %cond3A_1047 {
        %add3A_1123 = arith.constant 10 : i32
        %add3A_1124 = arith.addi %add3A_448, %add3A_1123 : i32
        %add3A_1125 = arith.constant 1 : i32
        %add3A_1126 = arith.addi %add3A_1124, %add3A_1125 : i32
        %dma_start3A_1127 = arith.constant 1 : i32
        %dma_start3A_1128 = arith.constant 1 : i32
        %dma_start3A_1129 = arith.constant 1 : i32
        %dma_start3A_1130 = arith.constant 1 : i32
        %dma_start3A_1131 = arith.constant 0 : i32
        %dma_start3A_1132 = arith.constant 0 : i32
        %dma_start3A_1133 = tpu.memref_slice %arg9[%dma_start3A_1127, %dma_start3A_1128, %dma_start3A_1131, %dma_start3A_1132] : memref<2x5x80x32xf32, #tpu.memory_space<vmem>> -> memref<1x1x80x32xf32, #tpu.memory_space<vmem>>
        %dma_start3A_1134 = tpu.memref_squeeze %dma_start3A_1133 : memref<1x1x80x32xf32, #tpu.memory_space<vmem>> -> memref<80x32xf32, #tpu.memory_space<vmem>>
        %dma_start3A_1135 = arith.constant 0 : i32
        %dma_start3A_1136 = tpu.memref_slice %arg7[%add3A_1126, %dma_start3A_1135] : memref<125x80xi32, #tpu.memory_space<vmem>> -> memref<1x80xi32, #tpu.memory_space<vmem>>
        %dma_start3A_1137 = tpu.memref_squeeze %dma_start3A_1136 : memref<1x80xi32, #tpu.memory_space<vmem>> -> memref<80xi32, #tpu.memory_space<vmem>>
        %dma_start3A_1138 = arith.constant 0 : i32
        %dma_start3A_1139 = arith.constant 0 : i32
        %dma_start3A_1140 = tpu.memref_slice %arg2[%dma_start3A_1138, %dma_start3A_1139] : memref<10000x32xf32, #tpu.memory_space<hbm>> -> memref<10000x32xf32, #tpu.memory_space<hbm>>
        %dma_start3A_1141 = tpu.memref_slice %arg12[%dma_start3A_1129, %dma_start3A_1130] : memref<2x5x!tpu.dma_semaphore, #tpu.memory_space<semaphore_mem>> -> memref<1x1x!tpu.dma_semaphore, #tpu.memory_space<semaphore_mem>>
        %dma_start3A_1142 = tpu.memref_squeeze %dma_start3A_1141 : memref<1x1x!tpu.dma_semaphore, #tpu.memory_space<semaphore_mem>> -> memref<!tpu.dma_semaphore, #tpu.memory_space<semaphore_mem>>
        tpu.enqueue_indirect_dma source(%dma_start3A_1140 : memref<10000x32xf32, #tpu.memory_space<hbm>>) target(%dma_start3A_1134 : memref<80x32xf32, #tpu.memory_space<vmem>>) offsets(%dma_start3A_1137 : memref<80xi32, #tpu.memory_space<vmem>>) semaphore(%dma_start3A_1142 : memref<!tpu.dma_semaphore, #tpu.memory_space<semaphore_mem>>)
      } else {
      }
      %add3A_1048 = arith.constant 2 : i32
      %add3A_1049 = arith.addi %add3A_448, %add3A_1048 : i32
      %dma_wait3A_1050 = arith.constant 1 : i32
      %dma_wait3A_1051 = arith.constant 2 : i32
      %dma_wait3A_1052 = arith.constant 1 : i32
      %dma_wait3A_1053 = arith.constant 2 : i32
      %dma_wait3A_1054 = arith.constant 0 : i32
      %dma_wait3A_1055 = arith.constant 0 : i32
      %dma_wait3A_1056 = tpu.memref_slice %arg9[%dma_wait3A_1050, %dma_wait3A_1051, %dma_wait3A_1054, %dma_wait3A_1055] : memref<2x5x80x32xf32, #tpu.memory_space<vmem>> -> memref<1x1x80x32xf32, #tpu.memory_space<vmem>>
      %dma_wait3A_1057 = tpu.memref_squeeze %dma_wait3A_1056 : memref<1x1x80x32xf32, #tpu.memory_space<vmem>> -> memref<80x32xf32, #tpu.memory_space<vmem>>
      %dma_wait3A_1058 = arith.constant 0 : i32
      %dma_wait3A_1059 = tpu.memref_slice %arg8[%add3A_1049, %dma_wait3A_1058] : memref<125x80xi32, #tpu.memory_space<vmem>> -> memref<1x80xi32, #tpu.memory_space<vmem>>
      %dma_wait3A_1060 = tpu.memref_squeeze %dma_wait3A_1059 : memref<1x80xi32, #tpu.memory_space<vmem>> -> memref<80xi32, #tpu.memory_space<vmem>>
      %dma_wait3A_1061 = arith.constant 0 : i32
      %dma_wait3A_1062 = arith.constant 0 : i32
      %dma_wait3A_1063 = tpu.memref_slice %arg11[%dma_wait3A_1061, %dma_wait3A_1062] : memref<10112x32xf32, #tpu.memory_space<vmem_shared>> -> memref<10112x32xf32, #tpu.memory_space<vmem_shared>>
      %dma_wait3A_1064 = tpu.memref_slice %arg13[%dma_wait3A_1052, %dma_wait3A_1053] : memref<2x5x!tpu.dma_semaphore, #tpu.memory_space<semaphore_mem>> -> memref<1x1x!tpu.dma_semaphore, #tpu.memory_space<semaphore_mem>>
      %dma_wait3A_1065 = tpu.memref_squeeze %dma_wait3A_1064 : memref<1x1x!tpu.dma_semaphore, #tpu.memory_space<semaphore_mem>> -> memref<!tpu.dma_semaphore, #tpu.memory_space<semaphore_mem>>
      tpu.wait_indirect_dma semaphore(%dma_wait3A_1065 : memref<!tpu.dma_semaphore, #tpu.memory_space<semaphore_mem>>) src(%dma_wait3A_1057 : memref<80x32xf32, #tpu.memory_space<vmem>>) dst(%dma_wait3A_1063 : memref<10112x32xf32, #tpu.memory_space<vmem_shared>>)
      %add3A_1066 = arith.constant 1 : i32
      %add3A_1067 = arith.addi %scan3A_444, %add3A_1066 : i32
      %lt3A_1068 = arith.constant 12 : i32
      %lt3A_1069 = arith.cmpi slt, %add3A_1067, %lt3A_1068 : i32
      %convert_element_type3A_1070 = arith.extui %lt3A_1069 : i1 to i32
      %cond3A_1071 = arith.constant 0 : i32
      %cond3A_1072 = arith.cmpi ne, %convert_element_type3A_1070, %cond3A_1071 : i32
      scf.if %cond3A_1072 {
        %add3A_1123 = arith.constant 10 : i32
        %add3A_1124 = arith.addi %add3A_448, %add3A_1123 : i32
        %add3A_1125 = arith.constant 2 : i32
        %add3A_1126 = arith.addi %add3A_1124, %add3A_1125 : i32
        %dma_start3A_1127 = arith.constant 1 : i32
        %dma_start3A_1128 = arith.constant 2 : i32
        %dma_start3A_1129 = arith.constant 1 : i32
        %dma_start3A_1130 = arith.constant 2 : i32
        %dma_start3A_1131 = arith.constant 0 : i32
        %dma_start3A_1132 = arith.constant 0 : i32
        %dma_start3A_1133 = tpu.memref_slice %arg9[%dma_start3A_1127, %dma_start3A_1128, %dma_start3A_1131, %dma_start3A_1132] : memref<2x5x80x32xf32, #tpu.memory_space<vmem>> -> memref<1x1x80x32xf32, #tpu.memory_space<vmem>>
        %dma_start3A_1134 = tpu.memref_squeeze %dma_start3A_1133 : memref<1x1x80x32xf32, #tpu.memory_space<vmem>> -> memref<80x32xf32, #tpu.memory_space<vmem>>
        %dma_start3A_1135 = arith.constant 0 : i32
        %dma_start3A_1136 = tpu.memref_slice %arg7[%add3A_1126, %dma_start3A_1135] : memref<125x80xi32, #tpu.memory_space<vmem>> -> memref<1x80xi32, #tpu.memory_space<vmem>>
        %dma_start3A_1137 = tpu.memref_squeeze %dma_start3A_1136 : memref<1x80xi32, #tpu.memory_space<vmem>> -> memref<80xi32, #tpu.memory_space<vmem>>
        %dma_start3A_1138 = arith.constant 0 : i32
        %dma_start3A_1139 = arith.constant 0 : i32
        %dma_start3A_1140 = tpu.memref_slice %arg2[%dma_start3A_1138, %dma_start3A_1139] : memref<10000x32xf32, #tpu.memory_space<hbm>> -> memref<10000x32xf32, #tpu.memory_space<hbm>>
        %dma_start3A_1141 = tpu.memref_slice %arg12[%dma_start3A_1129, %dma_start3A_1130] : memref<2x5x!tpu.dma_semaphore, #tpu.memory_space<semaphore_mem>> -> memref<1x1x!tpu.dma_semaphore, #tpu.memory_space<semaphore_mem>>
        %dma_start3A_1142 = tpu.memref_squeeze %dma_start3A_1141 : memref<1x1x!tpu.dma_semaphore, #tpu.memory_space<semaphore_mem>> -> memref<!tpu.dma_semaphore, #tpu.memory_space<semaphore_mem>>
        tpu.enqueue_indirect_dma source(%dma_start3A_1140 : memref<10000x32xf32, #tpu.memory_space<hbm>>) target(%dma_start3A_1134 : memref<80x32xf32, #tpu.memory_space<vmem>>) offsets(%dma_start3A_1137 : memref<80xi32, #tpu.memory_space<vmem>>) semaphore(%dma_start3A_1142 : memref<!tpu.dma_semaphore, #tpu.memory_space<semaphore_mem>>)
      } else {
      }
      %add3A_1073 = arith.constant 3 : i32
      %add3A_1074 = arith.addi %add3A_448, %add3A_1073 : i32
      %dma_wait3A_1075 = arith.constant 1 : i32
      %dma_wait3A_1076 = arith.constant 3 : i32
      %dma_wait3A_1077 = arith.constant 1 : i32
      %dma_wait3A_1078 = arith.constant 3 : i32
      %dma_wait3A_1079 = arith.constant 0 : i32
      %dma_wait3A_1080 = arith.constant 0 : i32
      %dma_wait3A_1081 = tpu.memref_slice %arg9[%dma_wait3A_1075, %dma_wait3A_1076, %dma_wait3A_1079, %dma_wait3A_1080] : memref<2x5x80x32xf32, #tpu.memory_space<vmem>> -> memref<1x1x80x32xf32, #tpu.memory_space<vmem>>
      %dma_wait3A_1082 = tpu.memref_squeeze %dma_wait3A_1081 : memref<1x1x80x32xf32, #tpu.memory_space<vmem>> -> memref<80x32xf32, #tpu.memory_space<vmem>>
      %dma_wait3A_1083 = arith.constant 0 : i32
      %dma_wait3A_1084 = tpu.memref_slice %arg8[%add3A_1074, %dma_wait3A_1083] : memref<125x80xi32, #tpu.memory_space<vmem>> -> memref<1x80xi32, #tpu.memory_space<vmem>>
      %dma_wait3A_1085 = tpu.memref_squeeze %dma_wait3A_1084 : memref<1x80xi32, #tpu.memory_space<vmem>> -> memref<80xi32, #tpu.memory_space<vmem>>
      %dma_wait3A_1086 = arith.constant 0 : i32
      %dma_wait3A_1087 = arith.constant 0 : i32
      %dma_wait3A_1088 = tpu.memref_slice %arg11[%dma_wait3A_1086, %dma_wait3A_1087] : memref<10112x32xf32, #tpu.memory_space<vmem_shared>> -> memref<10112x32xf32, #tpu.memory_space<vmem_shared>>
      %dma_wait3A_1089 = tpu.memref_slice %arg13[%dma_wait3A_1077, %dma_wait3A_1078] : memref<2x5x!tpu.dma_semaphore, #tpu.memory_space<semaphore_mem>> -> memref<1x1x!tpu.dma_semaphore, #tpu.memory_space<semaphore_mem>>
      %dma_wait3A_1090 = tpu.memref_squeeze %dma_wait3A_1089 : memref<1x1x!tpu.dma_semaphore, #tpu.memory_space<semaphore_mem>> -> memref<!tpu.dma_semaphore, #tpu.memory_space<semaphore_mem>>
      tpu.wait_indirect_dma semaphore(%dma_wait3A_1090 : memref<!tpu.dma_semaphore, #tpu.memory_space<semaphore_mem>>) src(%dma_wait3A_1082 : memref<80x32xf32, #tpu.memory_space<vmem>>) dst(%dma_wait3A_1088 : memref<10112x32xf32, #tpu.memory_space<vmem_shared>>)
      %add3A_1091 = arith.constant 1 : i32
      %add3A_1092 = arith.addi %scan3A_444, %add3A_1091 : i32
      %lt3A_1093 = arith.constant 12 : i32
      %lt3A_1094 = arith.cmpi slt, %add3A_1092, %lt3A_1093 : i32
      %convert_element_type3A_1095 = arith.extui %lt3A_1094 : i1 to i32
      %cond3A_1096 = arith.constant 0 : i32
      %cond3A_1097 = arith.cmpi ne, %convert_element_type3A_1095, %cond3A_1096 : i32
      scf.if %cond3A_1097 {
        %add3A_1123 = arith.constant 10 : i32
        %add3A_1124 = arith.addi %add3A_448, %add3A_1123 : i32
        %add3A_1125 = arith.constant 3 : i32
        %add3A_1126 = arith.addi %add3A_1124, %add3A_1125 : i32
        %dma_start3A_1127 = arith.constant 1 : i32
        %dma_start3A_1128 = arith.constant 3 : i32
        %dma_start3A_1129 = arith.constant 1 : i32
        %dma_start3A_1130 = arith.constant 3 : i32
        %dma_start3A_1131 = arith.constant 0 : i32
        %dma_start3A_1132 = arith.constant 0 : i32
        %dma_start3A_1133 = tpu.memref_slice %arg9[%dma_start3A_1127, %dma_start3A_1128, %dma_start3A_1131, %dma_start3A_1132] : memref<2x5x80x32xf32, #tpu.memory_space<vmem>> -> memref<1x1x80x32xf32, #tpu.memory_space<vmem>>
        %dma_start3A_1134 = tpu.memref_squeeze %dma_start3A_1133 : memref<1x1x80x32xf32, #tpu.memory_space<vmem>> -> memref<80x32xf32, #tpu.memory_space<vmem>>
        %dma_start3A_1135 = arith.constant 0 : i32
        %dma_start3A_1136 = tpu.memref_slice %arg7[%add3A_1126, %dma_start3A_1135] : memref<125x80xi32, #tpu.memory_space<vmem>> -> memref<1x80xi32, #tpu.memory_space<vmem>>
        %dma_start3A_1137 = tpu.memref_squeeze %dma_start3A_1136 : memref<1x80xi32, #tpu.memory_space<vmem>> -> memref<80xi32, #tpu.memory_space<vmem>>
        %dma_start3A_1138 = arith.constant 0 : i32
        %dma_start3A_1139 = arith.constant 0 : i32
        %dma_start3A_1140 = tpu.memref_slice %arg2[%dma_start3A_1138, %dma_start3A_1139] : memref<10000x32xf32, #tpu.memory_space<hbm>> -> memref<10000x32xf32, #tpu.memory_space<hbm>>
        %dma_start3A_1141 = tpu.memref_slice %arg12[%dma_start3A_1129, %dma_start3A_1130] : memref<2x5x!tpu.dma_semaphore, #tpu.memory_space<semaphore_mem>> -> memref<1x1x!tpu.dma_semaphore, #tpu.memory_space<semaphore_mem>>
        %dma_start3A_1142 = tpu.memref_squeeze %dma_start3A_1141 : memref<1x1x!tpu.dma_semaphore, #tpu.memory_space<semaphore_mem>> -> memref<!tpu.dma_semaphore, #tpu.memory_space<semaphore_mem>>
        tpu.enqueue_indirect_dma source(%dma_start3A_1140 : memref<10000x32xf32, #tpu.memory_space<hbm>>) target(%dma_start3A_1134 : memref<80x32xf32, #tpu.memory_space<vmem>>) offsets(%dma_start3A_1137 : memref<80xi32, #tpu.memory_space<vmem>>) semaphore(%dma_start3A_1142 : memref<!tpu.dma_semaphore, #tpu.memory_space<semaphore_mem>>)
      } else {
      }
      %add3A_1098 = arith.constant 4 : i32
      %add3A_1099 = arith.addi %add3A_448, %add3A_1098 : i32
      %dma_wait3A_1100 = arith.constant 1 : i32
      %dma_wait3A_1101 = arith.constant 4 : i32
      %dma_wait3A_1102 = arith.constant 1 : i32
      %dma_wait3A_1103 = arith.constant 4 : i32
      %dma_wait3A_1104 = arith.constant 0 : i32
      %dma_wait3A_1105 = arith.constant 0 : i32
      %dma_wait3A_1106 = tpu.memref_slice %arg9[%dma_wait3A_1100, %dma_wait3A_1101, %dma_wait3A_1104, %dma_wait3A_1105] : memref<2x5x80x32xf32, #tpu.memory_space<vmem>> -> memref<1x1x80x32xf32, #tpu.memory_space<vmem>>
      %dma_wait3A_1107 = tpu.memref_squeeze %dma_wait3A_1106 : memref<1x1x80x32xf32, #tpu.memory_space<vmem>> -> memref<80x32xf32, #tpu.memory_space<vmem>>
      %dma_wait3A_1108 = arith.constant 0 : i32
      %dma_wait3A_1109 = tpu.memref_slice %arg8[%add3A_1099, %dma_wait3A_1108] : memref<125x80xi32, #tpu.memory_space<vmem>> -> memref<1x80xi32, #tpu.memory_space<vmem>>
      %dma_wait3A_1110 = tpu.memref_squeeze %dma_wait3A_1109 : memref<1x80xi32, #tpu.memory_space<vmem>> -> memref<80xi32, #tpu.memory_space<vmem>>
      %dma_wait3A_1111 = arith.constant 0 : i32
      %dma_wait3A_1112 = arith.constant 0 : i32
      %dma_wait3A_1113 = tpu.memref_slice %arg11[%dma_wait3A_1111, %dma_wait3A_1112] : memref<10112x32xf32, #tpu.memory_space<vmem_shared>> -> memref<10112x32xf32, #tpu.memory_space<vmem_shared>>
      %dma_wait3A_1114 = tpu.memref_slice %arg13[%dma_wait3A_1102, %dma_wait3A_1103] : memref<2x5x!tpu.dma_semaphore, #tpu.memory_space<semaphore_mem>> -> memref<1x1x!tpu.dma_semaphore, #tpu.memory_space<semaphore_mem>>
      %dma_wait3A_1115 = tpu.memref_squeeze %dma_wait3A_1114 : memref<1x1x!tpu.dma_semaphore, #tpu.memory_space<semaphore_mem>> -> memref<!tpu.dma_semaphore, #tpu.memory_space<semaphore_mem>>
      tpu.wait_indirect_dma semaphore(%dma_wait3A_1115 : memref<!tpu.dma_semaphore, #tpu.memory_space<semaphore_mem>>) src(%dma_wait3A_1107 : memref<80x32xf32, #tpu.memory_space<vmem>>) dst(%dma_wait3A_1113 : memref<10112x32xf32, #tpu.memory_space<vmem_shared>>)
      %add3A_1116 = arith.constant 1 : i32
      %add3A_1117 = arith.addi %scan3A_444, %add3A_1116 : i32
      %lt3A_1118 = arith.constant 12 : i32
      %lt3A_1119 = arith.cmpi slt, %add3A_1117, %lt3A_1118 : i32
      %convert_element_type3A_1120 = arith.extui %lt3A_1119 : i1 to i32
      %cond3A_1121 = arith.constant 0 : i32
      %cond3A_1122 = arith.cmpi ne, %convert_element_type3A_1120, %cond3A_1121 : i32
      scf.if %cond3A_1122 {
        %add3A_1123 = arith.constant 10 : i32
        %add3A_1124 = arith.addi %add3A_448, %add3A_1123 : i32
        %add3A_1125 = arith.constant 4 : i32
        %add3A_1126 = arith.addi %add3A_1124, %add3A_1125 : i32
        %dma_start3A_1127 = arith.constant 1 : i32
        %dma_start3A_1128 = arith.constant 4 : i32
        %dma_start3A_1129 = arith.constant 1 : i32
        %dma_start3A_1130 = arith.constant 4 : i32
        %dma_start3A_1131 = arith.constant 0 : i32
        %dma_start3A_1132 = arith.constant 0 : i32
        %dma_start3A_1133 = tpu.memref_slice %arg9[%dma_start3A_1127, %dma_start3A_1128, %dma_start3A_1131, %dma_start3A_1132] : memref<2x5x80x32xf32, #tpu.memory_space<vmem>> -> memref<1x1x80x32xf32, #tpu.memory_space<vmem>>
        %dma_start3A_1134 = tpu.memref_squeeze %dma_start3A_1133 : memref<1x1x80x32xf32, #tpu.memory_space<vmem>> -> memref<80x32xf32, #tpu.memory_space<vmem>>
        %dma_start3A_1135 = arith.constant 0 : i32
        %dma_start3A_1136 = tpu.memref_slice %arg7[%add3A_1126, %dma_start3A_1135] : memref<125x80xi32, #tpu.memory_space<vmem>> -> memref<1x80xi32, #tpu.memory_space<vmem>>
        %dma_start3A_1137 = tpu.memref_squeeze %dma_start3A_1136 : memref<1x80xi32, #tpu.memory_space<vmem>> -> memref<80xi32, #tpu.memory_space<vmem>>
        %dma_start3A_1138 = arith.constant 0 : i32
        %dma_start3A_1139 = arith.constant 0 : i32
        %dma_start3A_1140 = tpu.memref_slice %arg2[%dma_start3A_1138, %dma_start3A_1139] : memref<10000x32xf32, #tpu.memory_space<hbm>> -> memref<10000x32xf32, #tpu.memory_space<hbm>>
        %dma_start3A_1141 = tpu.memref_slice %arg12[%dma_start3A_1129, %dma_start3A_1130] : memref<2x5x!tpu.dma_semaphore, #tpu.memory_space<semaphore_mem>> -> memref<1x1x!tpu.dma_semaphore, #tpu.memory_space<semaphore_mem>>
        %dma_start3A_1142 = tpu.memref_squeeze %dma_start3A_1141 : memref<1x1x!tpu.dma_semaphore, #tpu.memory_space<semaphore_mem>> -> memref<!tpu.dma_semaphore, #tpu.memory_space<semaphore_mem>>
        tpu.enqueue_indirect_dma source(%dma_start3A_1140 : memref<10000x32xf32, #tpu.memory_space<hbm>>) target(%dma_start3A_1134 : memref<80x32xf32, #tpu.memory_space<vmem>>) offsets(%dma_start3A_1137 : memref<80xi32, #tpu.memory_space<vmem>>) semaphore(%dma_start3A_1142 : memref<!tpu.dma_semaphore, #tpu.memory_space<semaphore_mem>>)
      } else {
      }
    }
    %scan3A_179 = arith.constant 12 : i32
    %dma_wait3A = arith.constant 120 : i32
    %dma_wait3A_180 = arith.constant 0 : i32
    %dma_wait3A_181 = arith.constant 0 : i32
    %dma_wait3A_182 = arith.constant 0 : i32
    %dma_wait3A_183 = arith.constant 0 : i32
    %dma_wait3A_184 = arith.constant 0 : i32
    %dma_wait3A_185 = arith.constant 0 : i32
    %dma_wait3A_186 = tpu.memref_slice %arg9[%dma_wait3A_180, %dma_wait3A_181, %dma_wait3A_184, %dma_wait3A_185] : memref<2x5x80x32xf32, #tpu.memory_space<vmem>> -> memref<1x1x80x32xf32, #tpu.memory_space<vmem>>
    %dma_wait3A_187 = tpu.memref_squeeze %dma_wait3A_186 : memref<1x1x80x32xf32, #tpu.memory_space<vmem>> -> memref<80x32xf32, #tpu.memory_space<vmem>>
    %dma_wait3A_188 = arith.constant 0 : i32
    %dma_wait3A_189 = tpu.memref_slice %arg7[%dma_wait3A, %dma_wait3A_188] : memref<125x80xi32, #tpu.memory_space<vmem>> -> memref<1x80xi32, #tpu.memory_space<vmem>>
    %dma_wait3A_190 = tpu.memref_squeeze %dma_wait3A_189 : memref<1x80xi32, #tpu.memory_space<vmem>> -> memref<80xi32, #tpu.memory_space<vmem>>
    %dma_wait3A_191 = arith.constant 0 : i32
    %dma_wait3A_192 = arith.constant 0 : i32
    %dma_wait3A_193 = tpu.memref_slice %arg2[%dma_wait3A_191, %dma_wait3A_192] : memref<10000x32xf32, #tpu.memory_space<hbm>> -> memref<10000x32xf32, #tpu.memory_space<hbm>>
    %dma_wait3A_194 = tpu.memref_slice %arg12[%dma_wait3A_182, %dma_wait3A_183] : memref<2x5x!tpu.dma_semaphore, #tpu.memory_space<semaphore_mem>> -> memref<1x1x!tpu.dma_semaphore, #tpu.memory_space<semaphore_mem>>
    %dma_wait3A_195 = tpu.memref_squeeze %dma_wait3A_194 : memref<1x1x!tpu.dma_semaphore, #tpu.memory_space<semaphore_mem>> -> memref<!tpu.dma_semaphore, #tpu.memory_space<semaphore_mem>>
    tpu.wait_indirect_dma semaphore(%dma_wait3A_195 : memref<!tpu.dma_semaphore, #tpu.memory_space<semaphore_mem>>) src(%dma_wait3A_193 : memref<10000x32xf32, #tpu.memory_space<hbm>>) dst(%dma_wait3A_187 : memref<80x32xf32, #tpu.memory_space<vmem>>)
    %dma_start3A_196 = arith.constant 0 : i32
    %dma_start3A_197 = arith.constant 0 : i32
    %dma_start3A_198 = arith.constant 120 : i32
    %dma_start3A_199 = arith.constant 0 : i32
    %dma_start3A_200 = arith.constant 0 : i32
    %dma_start3A_201 = arith.constant 0 : i32
    %dma_start3A_202 = arith.constant 0 : i32
    %dma_start3A_203 = tpu.memref_slice %arg9[%dma_start3A_196, %dma_start3A_197, %dma_start3A_201, %dma_start3A_202] : memref<2x5x80x32xf32, #tpu.memory_space<vmem>> -> memref<1x1x80x32xf32, #tpu.memory_space<vmem>>
    %dma_start3A_204 = tpu.memref_squeeze %dma_start3A_203 : memref<1x1x80x32xf32, #tpu.memory_space<vmem>> -> memref<80x32xf32, #tpu.memory_space<vmem>>
    %dma_start3A_205 = arith.constant 0 : i32
    %dma_start3A_206 = tpu.memref_slice %arg8[%dma_start3A_198, %dma_start3A_205] : memref<125x80xi32, #tpu.memory_space<vmem>> -> memref<1x80xi32, #tpu.memory_space<vmem>>
    %dma_start3A_207 = tpu.memref_squeeze %dma_start3A_206 : memref<1x80xi32, #tpu.memory_space<vmem>> -> memref<80xi32, #tpu.memory_space<vmem>>
    %dma_start3A_208 = arith.constant 0 : i32
    %dma_start3A_209 = arith.constant 0 : i32
    %dma_start3A_210 = tpu.memref_slice %arg11[%dma_start3A_208, %dma_start3A_209] : memref<10112x32xf32, #tpu.memory_space<vmem_shared>> -> memref<10112x32xf32, #tpu.memory_space<vmem_shared>>
    %dma_start3A_211 = tpu.memref_slice %arg13[%dma_start3A_199, %dma_start3A_200] : memref<2x5x!tpu.dma_semaphore, #tpu.memory_space<semaphore_mem>> -> memref<1x1x!tpu.dma_semaphore, #tpu.memory_space<semaphore_mem>>
    %dma_start3A_212 = tpu.memref_squeeze %dma_start3A_211 : memref<1x1x!tpu.dma_semaphore, #tpu.memory_space<semaphore_mem>> -> memref<!tpu.dma_semaphore, #tpu.memory_space<semaphore_mem>>
    tpu.enqueue_indirect_dma source(%dma_start3A_204 : memref<80x32xf32, #tpu.memory_space<vmem>>) target(%dma_start3A_210 : memref<10112x32xf32, #tpu.memory_space<vmem_shared>>) offsets(%dma_start3A_207 : memref<80xi32, #tpu.memory_space<vmem>>) semaphore(%dma_start3A_212 : memref<!tpu.dma_semaphore, #tpu.memory_space<semaphore_mem>>) {add = true}
    %dma_wait3A_213 = arith.constant 121 : i32
    %dma_wait3A_214 = arith.constant 0 : i32
    %dma_wait3A_215 = arith.constant 1 : i32
    %dma_wait3A_216 = arith.constant 0 : i32
    %dma_wait3A_217 = arith.constant 1 : i32
    %dma_wait3A_218 = arith.constant 0 : i32
    %dma_wait3A_219 = arith.constant 0 : i32
    %dma_wait3A_220 = tpu.memref_slice %arg9[%dma_wait3A_214, %dma_wait3A_215, %dma_wait3A_218, %dma_wait3A_219] : memref<2x5x80x32xf32, #tpu.memory_space<vmem>> -> memref<1x1x80x32xf32, #tpu.memory_space<vmem>>
    %dma_wait3A_221 = tpu.memref_squeeze %dma_wait3A_220 : memref<1x1x80x32xf32, #tpu.memory_space<vmem>> -> memref<80x32xf32, #tpu.memory_space<vmem>>
    %dma_wait3A_222 = arith.constant 0 : i32
    %dma_wait3A_223 = tpu.memref_slice %arg7[%dma_wait3A_213, %dma_wait3A_222] : memref<125x80xi32, #tpu.memory_space<vmem>> -> memref<1x80xi32, #tpu.memory_space<vmem>>
    %dma_wait3A_224 = tpu.memref_squeeze %dma_wait3A_223 : memref<1x80xi32, #tpu.memory_space<vmem>> -> memref<80xi32, #tpu.memory_space<vmem>>
    %dma_wait3A_225 = arith.constant 0 : i32
    %dma_wait3A_226 = arith.constant 0 : i32
    %dma_wait3A_227 = tpu.memref_slice %arg2[%dma_wait3A_225, %dma_wait3A_226] : memref<10000x32xf32, #tpu.memory_space<hbm>> -> memref<10000x32xf32, #tpu.memory_space<hbm>>
    %dma_wait3A_228 = tpu.memref_slice %arg12[%dma_wait3A_216, %dma_wait3A_217] : memref<2x5x!tpu.dma_semaphore, #tpu.memory_space<semaphore_mem>> -> memref<1x1x!tpu.dma_semaphore, #tpu.memory_space<semaphore_mem>>
    %dma_wait3A_229 = tpu.memref_squeeze %dma_wait3A_228 : memref<1x1x!tpu.dma_semaphore, #tpu.memory_space<semaphore_mem>> -> memref<!tpu.dma_semaphore, #tpu.memory_space<semaphore_mem>>
    tpu.wait_indirect_dma semaphore(%dma_wait3A_229 : memref<!tpu.dma_semaphore, #tpu.memory_space<semaphore_mem>>) src(%dma_wait3A_227 : memref<10000x32xf32, #tpu.memory_space<hbm>>) dst(%dma_wait3A_221 : memref<80x32xf32, #tpu.memory_space<vmem>>)
    %dma_start3A_230 = arith.constant 0 : i32
    %dma_start3A_231 = arith.constant 1 : i32
    %dma_start3A_232 = arith.constant 121 : i32
    %dma_start3A_233 = arith.constant 0 : i32
    %dma_start3A_234 = arith.constant 1 : i32
    %dma_start3A_235 = arith.constant 0 : i32
    %dma_start3A_236 = arith.constant 0 : i32
    %dma_start3A_237 = tpu.memref_slice %arg9[%dma_start3A_230, %dma_start3A_231, %dma_start3A_235, %dma_start3A_236] : memref<2x5x80x32xf32, #tpu.memory_space<vmem>> -> memref<1x1x80x32xf32, #tpu.memory_space<vmem>>
    %dma_start3A_238 = tpu.memref_squeeze %dma_start3A_237 : memref<1x1x80x32xf32, #tpu.memory_space<vmem>> -> memref<80x32xf32, #tpu.memory_space<vmem>>
    %dma_start3A_239 = arith.constant 0 : i32
    %dma_start3A_240 = tpu.memref_slice %arg8[%dma_start3A_232, %dma_start3A_239] : memref<125x80xi32, #tpu.memory_space<vmem>> -> memref<1x80xi32, #tpu.memory_space<vmem>>
    %dma_start3A_241 = tpu.memref_squeeze %dma_start3A_240 : memref<1x80xi32, #tpu.memory_space<vmem>> -> memref<80xi32, #tpu.memory_space<vmem>>
    %dma_start3A_242 = arith.constant 0 : i32
    %dma_start3A_243 = arith.constant 0 : i32
    %dma_start3A_244 = tpu.memref_slice %arg11[%dma_start3A_242, %dma_start3A_243] : memref<10112x32xf32, #tpu.memory_space<vmem_shared>> -> memref<10112x32xf32, #tpu.memory_space<vmem_shared>>
    %dma_start3A_245 = tpu.memref_slice %arg13[%dma_start3A_233, %dma_start3A_234] : memref<2x5x!tpu.dma_semaphore, #tpu.memory_space<semaphore_mem>> -> memref<1x1x!tpu.dma_semaphore, #tpu.memory_space<semaphore_mem>>
    %dma_start3A_246 = tpu.memref_squeeze %dma_start3A_245 : memref<1x1x!tpu.dma_semaphore, #tpu.memory_space<semaphore_mem>> -> memref<!tpu.dma_semaphore, #tpu.memory_space<semaphore_mem>>
    tpu.enqueue_indirect_dma source(%dma_start3A_238 : memref<80x32xf32, #tpu.memory_space<vmem>>) target(%dma_start3A_244 : memref<10112x32xf32, #tpu.memory_space<vmem_shared>>) offsets(%dma_start3A_241 : memref<80xi32, #tpu.memory_space<vmem>>) semaphore(%dma_start3A_246 : memref<!tpu.dma_semaphore, #tpu.memory_space<semaphore_mem>>) {add = true}
    %dma_wait3A_247 = arith.constant 122 : i32
    %dma_wait3A_248 = arith.constant 0 : i32
    %dma_wait3A_249 = arith.constant 2 : i32
    %dma_wait3A_250 = arith.constant 0 : i32
    %dma_wait3A_251 = arith.constant 2 : i32
    %dma_wait3A_252 = arith.constant 0 : i32
    %dma_wait3A_253 = arith.constant 0 : i32
    %dma_wait3A_254 = tpu.memref_slice %arg9[%dma_wait3A_248, %dma_wait3A_249, %dma_wait3A_252, %dma_wait3A_253] : memref<2x5x80x32xf32, #tpu.memory_space<vmem>> -> memref<1x1x80x32xf32, #tpu.memory_space<vmem>>
    %dma_wait3A_255 = tpu.memref_squeeze %dma_wait3A_254 : memref<1x1x80x32xf32, #tpu.memory_space<vmem>> -> memref<80x32xf32, #tpu.memory_space<vmem>>
    %dma_wait3A_256 = arith.constant 0 : i32
    %dma_wait3A_257 = tpu.memref_slice %arg7[%dma_wait3A_247, %dma_wait3A_256] : memref<125x80xi32, #tpu.memory_space<vmem>> -> memref<1x80xi32, #tpu.memory_space<vmem>>
    %dma_wait3A_258 = tpu.memref_squeeze %dma_wait3A_257 : memref<1x80xi32, #tpu.memory_space<vmem>> -> memref<80xi32, #tpu.memory_space<vmem>>
    %dma_wait3A_259 = arith.constant 0 : i32
    %dma_wait3A_260 = arith.constant 0 : i32
    %dma_wait3A_261 = tpu.memref_slice %arg2[%dma_wait3A_259, %dma_wait3A_260] : memref<10000x32xf32, #tpu.memory_space<hbm>> -> memref<10000x32xf32, #tpu.memory_space<hbm>>
    %dma_wait3A_262 = tpu.memref_slice %arg12[%dma_wait3A_250, %dma_wait3A_251] : memref<2x5x!tpu.dma_semaphore, #tpu.memory_space<semaphore_mem>> -> memref<1x1x!tpu.dma_semaphore, #tpu.memory_space<semaphore_mem>>
    %dma_wait3A_263 = tpu.memref_squeeze %dma_wait3A_262 : memref<1x1x!tpu.dma_semaphore, #tpu.memory_space<semaphore_mem>> -> memref<!tpu.dma_semaphore, #tpu.memory_space<semaphore_mem>>
    tpu.wait_indirect_dma semaphore(%dma_wait3A_263 : memref<!tpu.dma_semaphore, #tpu.memory_space<semaphore_mem>>) src(%dma_wait3A_261 : memref<10000x32xf32, #tpu.memory_space<hbm>>) dst(%dma_wait3A_255 : memref<80x32xf32, #tpu.memory_space<vmem>>)
    %dma_start3A_264 = arith.constant 0 : i32
    %dma_start3A_265 = arith.constant 2 : i32
    %dma_start3A_266 = arith.constant 122 : i32
    %dma_start3A_267 = arith.constant 0 : i32
    %dma_start3A_268 = arith.constant 2 : i32
    %dma_start3A_269 = arith.constant 0 : i32
    %dma_start3A_270 = arith.constant 0 : i32
    %dma_start3A_271 = tpu.memref_slice %arg9[%dma_start3A_264, %dma_start3A_265, %dma_start3A_269, %dma_start3A_270] : memref<2x5x80x32xf32, #tpu.memory_space<vmem>> -> memref<1x1x80x32xf32, #tpu.memory_space<vmem>>
    %dma_start3A_272 = tpu.memref_squeeze %dma_start3A_271 : memref<1x1x80x32xf32, #tpu.memory_space<vmem>> -> memref<80x32xf32, #tpu.memory_space<vmem>>
    %dma_start3A_273 = arith.constant 0 : i32
    %dma_start3A_274 = tpu.memref_slice %arg8[%dma_start3A_266, %dma_start3A_273] : memref<125x80xi32, #tpu.memory_space<vmem>> -> memref<1x80xi32, #tpu.memory_space<vmem>>
    %dma_start3A_275 = tpu.memref_squeeze %dma_start3A_274 : memref<1x80xi32, #tpu.memory_space<vmem>> -> memref<80xi32, #tpu.memory_space<vmem>>
    %dma_start3A_276 = arith.constant 0 : i32
    %dma_start3A_277 = arith.constant 0 : i32
    %dma_start3A_278 = tpu.memref_slice %arg11[%dma_start3A_276, %dma_start3A_277] : memref<10112x32xf32, #tpu.memory_space<vmem_shared>> -> memref<10112x32xf32, #tpu.memory_space<vmem_shared>>
    %dma_start3A_279 = tpu.memref_slice %arg13[%dma_start3A_267, %dma_start3A_268] : memref<2x5x!tpu.dma_semaphore, #tpu.memory_space<semaphore_mem>> -> memref<1x1x!tpu.dma_semaphore, #tpu.memory_space<semaphore_mem>>
    %dma_start3A_280 = tpu.memref_squeeze %dma_start3A_279 : memref<1x1x!tpu.dma_semaphore, #tpu.memory_space<semaphore_mem>> -> memref<!tpu.dma_semaphore, #tpu.memory_space<semaphore_mem>>
    tpu.enqueue_indirect_dma source(%dma_start3A_272 : memref<80x32xf32, #tpu.memory_space<vmem>>) target(%dma_start3A_278 : memref<10112x32xf32, #tpu.memory_space<vmem_shared>>) offsets(%dma_start3A_275 : memref<80xi32, #tpu.memory_space<vmem>>) semaphore(%dma_start3A_280 : memref<!tpu.dma_semaphore, #tpu.memory_space<semaphore_mem>>) {add = true}
    %dma_wait3A_281 = arith.constant 123 : i32
    %dma_wait3A_282 = arith.constant 0 : i32
    %dma_wait3A_283 = arith.constant 3 : i32
    %dma_wait3A_284 = arith.constant 0 : i32
    %dma_wait3A_285 = arith.constant 3 : i32
    %dma_wait3A_286 = arith.constant 0 : i32
    %dma_wait3A_287 = arith.constant 0 : i32
    %dma_wait3A_288 = tpu.memref_slice %arg9[%dma_wait3A_282, %dma_wait3A_283, %dma_wait3A_286, %dma_wait3A_287] : memref<2x5x80x32xf32, #tpu.memory_space<vmem>> -> memref<1x1x80x32xf32, #tpu.memory_space<vmem>>
    %dma_wait3A_289 = tpu.memref_squeeze %dma_wait3A_288 : memref<1x1x80x32xf32, #tpu.memory_space<vmem>> -> memref<80x32xf32, #tpu.memory_space<vmem>>
    %dma_wait3A_290 = arith.constant 0 : i32
    %dma_wait3A_291 = tpu.memref_slice %arg7[%dma_wait3A_281, %dma_wait3A_290] : memref<125x80xi32, #tpu.memory_space<vmem>> -> memref<1x80xi32, #tpu.memory_space<vmem>>
    %dma_wait3A_292 = tpu.memref_squeeze %dma_wait3A_291 : memref<1x80xi32, #tpu.memory_space<vmem>> -> memref<80xi32, #tpu.memory_space<vmem>>
    %dma_wait3A_293 = arith.constant 0 : i32
    %dma_wait3A_294 = arith.constant 0 : i32
    %dma_wait3A_295 = tpu.memref_slice %arg2[%dma_wait3A_293, %dma_wait3A_294] : memref<10000x32xf32, #tpu.memory_space<hbm>> -> memref<10000x32xf32, #tpu.memory_space<hbm>>
    %dma_wait3A_296 = tpu.memref_slice %arg12[%dma_wait3A_284, %dma_wait3A_285] : memref<2x5x!tpu.dma_semaphore, #tpu.memory_space<semaphore_mem>> -> memref<1x1x!tpu.dma_semaphore, #tpu.memory_space<semaphore_mem>>
    %dma_wait3A_297 = tpu.memref_squeeze %dma_wait3A_296 : memref<1x1x!tpu.dma_semaphore, #tpu.memory_space<semaphore_mem>> -> memref<!tpu.dma_semaphore, #tpu.memory_space<semaphore_mem>>
    tpu.wait_indirect_dma semaphore(%dma_wait3A_297 : memref<!tpu.dma_semaphore, #tpu.memory_space<semaphore_mem>>) src(%dma_wait3A_295 : memref<10000x32xf32, #tpu.memory_space<hbm>>) dst(%dma_wait3A_289 : memref<80x32xf32, #tpu.memory_space<vmem>>)
    %dma_start3A_298 = arith.constant 0 : i32
    %dma_start3A_299 = arith.constant 3 : i32
    %dma_start3A_300 = arith.constant 123 : i32
    %dma_start3A_301 = arith.constant 0 : i32
    %dma_start3A_302 = arith.constant 3 : i32
    %dma_start3A_303 = arith.constant 0 : i32
    %dma_start3A_304 = arith.constant 0 : i32
    %dma_start3A_305 = tpu.memref_slice %arg9[%dma_start3A_298, %dma_start3A_299, %dma_start3A_303, %dma_start3A_304] : memref<2x5x80x32xf32, #tpu.memory_space<vmem>> -> memref<1x1x80x32xf32, #tpu.memory_space<vmem>>
    %dma_start3A_306 = tpu.memref_squeeze %dma_start3A_305 : memref<1x1x80x32xf32, #tpu.memory_space<vmem>> -> memref<80x32xf32, #tpu.memory_space<vmem>>
    %dma_start3A_307 = arith.constant 0 : i32
    %dma_start3A_308 = tpu.memref_slice %arg8[%dma_start3A_300, %dma_start3A_307] : memref<125x80xi32, #tpu.memory_space<vmem>> -> memref<1x80xi32, #tpu.memory_space<vmem>>
    %dma_start3A_309 = tpu.memref_squeeze %dma_start3A_308 : memref<1x80xi32, #tpu.memory_space<vmem>> -> memref<80xi32, #tpu.memory_space<vmem>>
    %dma_start3A_310 = arith.constant 0 : i32
    %dma_start3A_311 = arith.constant 0 : i32
    %dma_start3A_312 = tpu.memref_slice %arg11[%dma_start3A_310, %dma_start3A_311] : memref<10112x32xf32, #tpu.memory_space<vmem_shared>> -> memref<10112x32xf32, #tpu.memory_space<vmem_shared>>
    %dma_start3A_313 = tpu.memref_slice %arg13[%dma_start3A_301, %dma_start3A_302] : memref<2x5x!tpu.dma_semaphore, #tpu.memory_space<semaphore_mem>> -> memref<1x1x!tpu.dma_semaphore, #tpu.memory_space<semaphore_mem>>
    %dma_start3A_314 = tpu.memref_squeeze %dma_start3A_313 : memref<1x1x!tpu.dma_semaphore, #tpu.memory_space<semaphore_mem>> -> memref<!tpu.dma_semaphore, #tpu.memory_space<semaphore_mem>>
    tpu.enqueue_indirect_dma source(%dma_start3A_306 : memref<80x32xf32, #tpu.memory_space<vmem>>) target(%dma_start3A_312 : memref<10112x32xf32, #tpu.memory_space<vmem_shared>>) offsets(%dma_start3A_309 : memref<80xi32, #tpu.memory_space<vmem>>) semaphore(%dma_start3A_314 : memref<!tpu.dma_semaphore, #tpu.memory_space<semaphore_mem>>) {add = true}
    %dma_wait3A_315 = arith.constant 124 : i32
    %dma_wait3A_316 = arith.constant 0 : i32
    %dma_wait3A_317 = arith.constant 4 : i32
    %dma_wait3A_318 = arith.constant 0 : i32
    %dma_wait3A_319 = arith.constant 4 : i32
    %dma_wait3A_320 = arith.constant 0 : i32
    %dma_wait3A_321 = arith.constant 0 : i32
    %dma_wait3A_322 = tpu.memref_slice %arg9[%dma_wait3A_316, %dma_wait3A_317, %dma_wait3A_320, %dma_wait3A_321] : memref<2x5x80x32xf32, #tpu.memory_space<vmem>> -> memref<1x1x80x32xf32, #tpu.memory_space<vmem>>
    %dma_wait3A_323 = tpu.memref_squeeze %dma_wait3A_322 : memref<1x1x80x32xf32, #tpu.memory_space<vmem>> -> memref<80x32xf32, #tpu.memory_space<vmem>>
    %dma_wait3A_324 = arith.constant 0 : i32
    %dma_wait3A_325 = tpu.memref_slice %arg7[%dma_wait3A_315, %dma_wait3A_324] : memref<125x80xi32, #tpu.memory_space<vmem>> -> memref<1x80xi32, #tpu.memory_space<vmem>>
    %dma_wait3A_326 = tpu.memref_squeeze %dma_wait3A_325 : memref<1x80xi32, #tpu.memory_space<vmem>> -> memref<80xi32, #tpu.memory_space<vmem>>
    %dma_wait3A_327 = arith.constant 0 : i32
    %dma_wait3A_328 = arith.constant 0 : i32
    %dma_wait3A_329 = tpu.memref_slice %arg2[%dma_wait3A_327, %dma_wait3A_328] : memref<10000x32xf32, #tpu.memory_space<hbm>> -> memref<10000x32xf32, #tpu.memory_space<hbm>>
    %dma_wait3A_330 = tpu.memref_slice %arg12[%dma_wait3A_318, %dma_wait3A_319] : memref<2x5x!tpu.dma_semaphore, #tpu.memory_space<semaphore_mem>> -> memref<1x1x!tpu.dma_semaphore, #tpu.memory_space<semaphore_mem>>
    %dma_wait3A_331 = tpu.memref_squeeze %dma_wait3A_330 : memref<1x1x!tpu.dma_semaphore, #tpu.memory_space<semaphore_mem>> -> memref<!tpu.dma_semaphore, #tpu.memory_space<semaphore_mem>>
    tpu.wait_indirect_dma semaphore(%dma_wait3A_331 : memref<!tpu.dma_semaphore, #tpu.memory_space<semaphore_mem>>) src(%dma_wait3A_329 : memref<10000x32xf32, #tpu.memory_space<hbm>>) dst(%dma_wait3A_323 : memref<80x32xf32, #tpu.memory_space<vmem>>)
    %dma_start3A_332 = arith.constant 0 : i32
    %dma_start3A_333 = arith.constant 4 : i32
    %dma_start3A_334 = arith.constant 124 : i32
    %dma_start3A_335 = arith.constant 0 : i32
    %dma_start3A_336 = arith.constant 4 : i32
    %dma_start3A_337 = arith.constant 0 : i32
    %dma_start3A_338 = arith.constant 0 : i32
    %dma_start3A_339 = tpu.memref_slice %arg9[%dma_start3A_332, %dma_start3A_333, %dma_start3A_337, %dma_start3A_338] : memref<2x5x80x32xf32, #tpu.memory_space<vmem>> -> memref<1x1x80x32xf32, #tpu.memory_space<vmem>>
    %dma_start3A_340 = tpu.memref_squeeze %dma_start3A_339 : memref<1x1x80x32xf32, #tpu.memory_space<vmem>> -> memref<80x32xf32, #tpu.memory_space<vmem>>
    %dma_start3A_341 = arith.constant 0 : i32
    %dma_start3A_342 = tpu.memref_slice %arg8[%dma_start3A_334, %dma_start3A_341] : memref<125x80xi32, #tpu.memory_space<vmem>> -> memref<1x80xi32, #tpu.memory_space<vmem>>
    %dma_start3A_343 = tpu.memref_squeeze %dma_start3A_342 : memref<1x80xi32, #tpu.memory_space<vmem>> -> memref<80xi32, #tpu.memory_space<vmem>>
    %dma_start3A_344 = arith.constant 0 : i32
    %dma_start3A_345 = arith.constant 0 : i32
    %dma_start3A_346 = tpu.memref_slice %arg11[%dma_start3A_344, %dma_start3A_345] : memref<10112x32xf32, #tpu.memory_space<vmem_shared>> -> memref<10112x32xf32, #tpu.memory_space<vmem_shared>>
    %dma_start3A_347 = tpu.memref_slice %arg13[%dma_start3A_335, %dma_start3A_336] : memref<2x5x!tpu.dma_semaphore, #tpu.memory_space<semaphore_mem>> -> memref<1x1x!tpu.dma_semaphore, #tpu.memory_space<semaphore_mem>>
    %dma_start3A_348 = tpu.memref_squeeze %dma_start3A_347 : memref<1x1x!tpu.dma_semaphore, #tpu.memory_space<semaphore_mem>> -> memref<!tpu.dma_semaphore, #tpu.memory_space<semaphore_mem>>
    tpu.enqueue_indirect_dma source(%dma_start3A_340 : memref<80x32xf32, #tpu.memory_space<vmem>>) target(%dma_start3A_346 : memref<10112x32xf32, #tpu.memory_space<vmem_shared>>) offsets(%dma_start3A_343 : memref<80xi32, #tpu.memory_space<vmem>>) semaphore(%dma_start3A_348 : memref<!tpu.dma_semaphore, #tpu.memory_space<semaphore_mem>>) {add = true}
    %dma_wait3A_349 = arith.constant 0 : i32
    %dma_wait3A_350 = arith.constant 0 : i32
    %dma_wait3A_351 = arith.constant 120 : i32
    %dma_wait3A_352 = arith.constant 0 : i32
    %dma_wait3A_353 = arith.constant 0 : i32
    %dma_wait3A_354 = arith.constant 0 : i32
    %dma_wait3A_355 = arith.constant 0 : i32
    %dma_wait3A_356 = tpu.memref_slice %arg9[%dma_wait3A_349, %dma_wait3A_350, %dma_wait3A_354, %dma_wait3A_355] : memref<2x5x80x32xf32, #tpu.memory_space<vmem>> -> memref<1x1x80x32xf32, #tpu.memory_space<vmem>>
    %dma_wait3A_357 = tpu.memref_squeeze %dma_wait3A_356 : memref<1x1x80x32xf32, #tpu.memory_space<vmem>> -> memref<80x32xf32, #tpu.memory_space<vmem>>
    %dma_wait3A_358 = arith.constant 0 : i32
    %dma_wait3A_359 = tpu.memref_slice %arg8[%dma_wait3A_351, %dma_wait3A_358] : memref<125x80xi32, #tpu.memory_space<vmem>> -> memref<1x80xi32, #tpu.memory_space<vmem>>
    %dma_wait3A_360 = tpu.memref_squeeze %dma_wait3A_359 : memref<1x80xi32, #tpu.memory_space<vmem>> -> memref<80xi32, #tpu.memory_space<vmem>>
    %dma_wait3A_361 = arith.constant 0 : i32
    %dma_wait3A_362 = arith.constant 0 : i32
    %dma_wait3A_363 = tpu.memref_slice %arg11[%dma_wait3A_361, %dma_wait3A_362] : memref<10112x32xf32, #tpu.memory_space<vmem_shared>> -> memref<10112x32xf32, #tpu.memory_space<vmem_shared>>
    %dma_wait3A_364 = tpu.memref_slice %arg13[%dma_wait3A_352, %dma_wait3A_353] : memref<2x5x!tpu.dma_semaphore, #tpu.memory_space<semaphore_mem>> -> memref<1x1x!tpu.dma_semaphore, #tpu.memory_space<semaphore_mem>>
    %dma_wait3A_365 = tpu.memref_squeeze %dma_wait3A_364 : memref<1x1x!tpu.dma_semaphore, #tpu.memory_space<semaphore_mem>> -> memref<!tpu.dma_semaphore, #tpu.memory_space<semaphore_mem>>
    tpu.wait_indirect_dma semaphore(%dma_wait3A_365 : memref<!tpu.dma_semaphore, #tpu.memory_space<semaphore_mem>>) src(%dma_wait3A_357 : memref<80x32xf32, #tpu.memory_space<vmem>>) dst(%dma_wait3A_363 : memref<10112x32xf32, #tpu.memory_space<vmem_shared>>)
    %dma_wait3A_366 = arith.constant 0 : i32
    %dma_wait3A_367 = arith.constant 1 : i32
    %dma_wait3A_368 = arith.constant 121 : i32
    %dma_wait3A_369 = arith.constant 0 : i32
    %dma_wait3A_370 = arith.constant 1 : i32
    %dma_wait3A_371 = arith.constant 0 : i32
    %dma_wait3A_372 = arith.constant 0 : i32
    %dma_wait3A_373 = tpu.memref_slice %arg9[%dma_wait3A_366, %dma_wait3A_367, %dma_wait3A_371, %dma_wait3A_372] : memref<2x5x80x32xf32, #tpu.memory_space<vmem>> -> memref<1x1x80x32xf32, #tpu.memory_space<vmem>>
    %dma_wait3A_374 = tpu.memref_squeeze %dma_wait3A_373 : memref<1x1x80x32xf32, #tpu.memory_space<vmem>> -> memref<80x32xf32, #tpu.memory_space<vmem>>
    %dma_wait3A_375 = arith.constant 0 : i32
    %dma_wait3A_376 = tpu.memref_slice %arg8[%dma_wait3A_368, %dma_wait3A_375] : memref<125x80xi32, #tpu.memory_space<vmem>> -> memref<1x80xi32, #tpu.memory_space<vmem>>
    %dma_wait3A_377 = tpu.memref_squeeze %dma_wait3A_376 : memref<1x80xi32, #tpu.memory_space<vmem>> -> memref<80xi32, #tpu.memory_space<vmem>>
    %dma_wait3A_378 = arith.constant 0 : i32
    %dma_wait3A_379 = arith.constant 0 : i32
    %dma_wait3A_380 = tpu.memref_slice %arg11[%dma_wait3A_378, %dma_wait3A_379] : memref<10112x32xf32, #tpu.memory_space<vmem_shared>> -> memref<10112x32xf32, #tpu.memory_space<vmem_shared>>
    %dma_wait3A_381 = tpu.memref_slice %arg13[%dma_wait3A_369, %dma_wait3A_370] : memref<2x5x!tpu.dma_semaphore, #tpu.memory_space<semaphore_mem>> -> memref<1x1x!tpu.dma_semaphore, #tpu.memory_space<semaphore_mem>>
    %dma_wait3A_382 = tpu.memref_squeeze %dma_wait3A_381 : memref<1x1x!tpu.dma_semaphore, #tpu.memory_space<semaphore_mem>> -> memref<!tpu.dma_semaphore, #tpu.memory_space<semaphore_mem>>
    tpu.wait_indirect_dma semaphore(%dma_wait3A_382 : memref<!tpu.dma_semaphore, #tpu.memory_space<semaphore_mem>>) src(%dma_wait3A_374 : memref<80x32xf32, #tpu.memory_space<vmem>>) dst(%dma_wait3A_380 : memref<10112x32xf32, #tpu.memory_space<vmem_shared>>)
    %dma_wait3A_383 = arith.constant 0 : i32
    %dma_wait3A_384 = arith.constant 2 : i32
    %dma_wait3A_385 = arith.constant 122 : i32
    %dma_wait3A_386 = arith.constant 0 : i32
    %dma_wait3A_387 = arith.constant 2 : i32
    %dma_wait3A_388 = arith.constant 0 : i32
    %dma_wait3A_389 = arith.constant 0 : i32
    %dma_wait3A_390 = tpu.memref_slice %arg9[%dma_wait3A_383, %dma_wait3A_384, %dma_wait3A_388, %dma_wait3A_389] : memref<2x5x80x32xf32, #tpu.memory_space<vmem>> -> memref<1x1x80x32xf32, #tpu.memory_space<vmem>>
    %dma_wait3A_391 = tpu.memref_squeeze %dma_wait3A_390 : memref<1x1x80x32xf32, #tpu.memory_space<vmem>> -> memref<80x32xf32, #tpu.memory_space<vmem>>
    %dma_wait3A_392 = arith.constant 0 : i32
    %dma_wait3A_393 = tpu.memref_slice %arg8[%dma_wait3A_385, %dma_wait3A_392] : memref<125x80xi32, #tpu.memory_space<vmem>> -> memref<1x80xi32, #tpu.memory_space<vmem>>
    %dma_wait3A_394 = tpu.memref_squeeze %dma_wait3A_393 : memref<1x80xi32, #tpu.memory_space<vmem>> -> memref<80xi32, #tpu.memory_space<vmem>>
    %dma_wait3A_395 = arith.constant 0 : i32
    %dma_wait3A_396 = arith.constant 0 : i32
    %dma_wait3A_397 = tpu.memref_slice %arg11[%dma_wait3A_395, %dma_wait3A_396] : memref<10112x32xf32, #tpu.memory_space<vmem_shared>> -> memref<10112x32xf32, #tpu.memory_space<vmem_shared>>
    %dma_wait3A_398 = tpu.memref_slice %arg13[%dma_wait3A_386, %dma_wait3A_387] : memref<2x5x!tpu.dma_semaphore, #tpu.memory_space<semaphore_mem>> -> memref<1x1x!tpu.dma_semaphore, #tpu.memory_space<semaphore_mem>>
    %dma_wait3A_399 = tpu.memref_squeeze %dma_wait3A_398 : memref<1x1x!tpu.dma_semaphore, #tpu.memory_space<semaphore_mem>> -> memref<!tpu.dma_semaphore, #tpu.memory_space<semaphore_mem>>
    tpu.wait_indirect_dma semaphore(%dma_wait3A_399 : memref<!tpu.dma_semaphore, #tpu.memory_space<semaphore_mem>>) src(%dma_wait3A_391 : memref<80x32xf32, #tpu.memory_space<vmem>>) dst(%dma_wait3A_397 : memref<10112x32xf32, #tpu.memory_space<vmem_shared>>)
    %dma_wait3A_400 = arith.constant 0 : i32
    %dma_wait3A_401 = arith.constant 3 : i32
    %dma_wait3A_402 = arith.constant 123 : i32
    %dma_wait3A_403 = arith.constant 0 : i32
    %dma_wait3A_404 = arith.constant 3 : i32
    %dma_wait3A_405 = arith.constant 0 : i32
    %dma_wait3A_406 = arith.constant 0 : i32
    %dma_wait3A_407 = tpu.memref_slice %arg9[%dma_wait3A_400, %dma_wait3A_401, %dma_wait3A_405, %dma_wait3A_406] : memref<2x5x80x32xf32, #tpu.memory_space<vmem>> -> memref<1x1x80x32xf32, #tpu.memory_space<vmem>>
    %dma_wait3A_408 = tpu.memref_squeeze %dma_wait3A_407 : memref<1x1x80x32xf32, #tpu.memory_space<vmem>> -> memref<80x32xf32, #tpu.memory_space<vmem>>
    %dma_wait3A_409 = arith.constant 0 : i32
    %dma_wait3A_410 = tpu.memref_slice %arg8[%dma_wait3A_402, %dma_wait3A_409] : memref<125x80xi32, #tpu.memory_space<vmem>> -> memref<1x80xi32, #tpu.memory_space<vmem>>
    %dma_wait3A_411 = tpu.memref_squeeze %dma_wait3A_410 : memref<1x80xi32, #tpu.memory_space<vmem>> -> memref<80xi32, #tpu.memory_space<vmem>>
    %dma_wait3A_412 = arith.constant 0 : i32
    %dma_wait3A_413 = arith.constant 0 : i32
    %dma_wait3A_414 = tpu.memref_slice %arg11[%dma_wait3A_412, %dma_wait3A_413] : memref<10112x32xf32, #tpu.memory_space<vmem_shared>> -> memref<10112x32xf32, #tpu.memory_space<vmem_shared>>
    %dma_wait3A_415 = tpu.memref_slice %arg13[%dma_wait3A_403, %dma_wait3A_404] : memref<2x5x!tpu.dma_semaphore, #tpu.memory_space<semaphore_mem>> -> memref<1x1x!tpu.dma_semaphore, #tpu.memory_space<semaphore_mem>>
    %dma_wait3A_416 = tpu.memref_squeeze %dma_wait3A_415 : memref<1x1x!tpu.dma_semaphore, #tpu.memory_space<semaphore_mem>> -> memref<!tpu.dma_semaphore, #tpu.memory_space<semaphore_mem>>
    tpu.wait_indirect_dma semaphore(%dma_wait3A_416 : memref<!tpu.dma_semaphore, #tpu.memory_space<semaphore_mem>>) src(%dma_wait3A_408 : memref<80x32xf32, #tpu.memory_space<vmem>>) dst(%dma_wait3A_414 : memref<10112x32xf32, #tpu.memory_space<vmem_shared>>)
    %dma_wait3A_417 = arith.constant 0 : i32
    %dma_wait3A_418 = arith.constant 4 : i32
    %dma_wait3A_419 = arith.constant 124 : i32
    %dma_wait3A_420 = arith.constant 0 : i32
    %dma_wait3A_421 = arith.constant 4 : i32
    %dma_wait3A_422 = arith.constant 0 : i32
    %dma_wait3A_423 = arith.constant 0 : i32
    %dma_wait3A_424 = tpu.memref_slice %arg9[%dma_wait3A_417, %dma_wait3A_418, %dma_wait3A_422, %dma_wait3A_423] : memref<2x5x80x32xf32, #tpu.memory_space<vmem>> -> memref<1x1x80x32xf32, #tpu.memory_space<vmem>>
    %dma_wait3A_425 = tpu.memref_squeeze %dma_wait3A_424 : memref<1x1x80x32xf32, #tpu.memory_space<vmem>> -> memref<80x32xf32, #tpu.memory_space<vmem>>
    %dma_wait3A_426 = arith.constant 0 : i32
    %dma_wait3A_427 = tpu.memref_slice %arg8[%dma_wait3A_419, %dma_wait3A_426] : memref<125x80xi32, #tpu.memory_space<vmem>> -> memref<1x80xi32, #tpu.memory_space<vmem>>
    %dma_wait3A_428 = tpu.memref_squeeze %dma_wait3A_427 : memref<1x80xi32, #tpu.memory_space<vmem>> -> memref<80xi32, #tpu.memory_space<vmem>>
    %dma_wait3A_429 = arith.constant 0 : i32
    %dma_wait3A_430 = arith.constant 0 : i32
    %dma_wait3A_431 = tpu.memref_slice %arg11[%dma_wait3A_429, %dma_wait3A_430] : memref<10112x32xf32, #tpu.memory_space<vmem_shared>> -> memref<10112x32xf32, #tpu.memory_space<vmem_shared>>
    %dma_wait3A_432 = tpu.memref_slice %arg13[%dma_wait3A_420, %dma_wait3A_421] : memref<2x5x!tpu.dma_semaphore, #tpu.memory_space<semaphore_mem>> -> memref<1x1x!tpu.dma_semaphore, #tpu.memory_space<semaphore_mem>>
    %dma_wait3A_433 = tpu.memref_squeeze %dma_wait3A_432 : memref<1x1x!tpu.dma_semaphore, #tpu.memory_space<semaphore_mem>> -> memref<!tpu.dma_semaphore, #tpu.memory_space<semaphore_mem>>
    tpu.wait_indirect_dma semaphore(%dma_wait3A_433 : memref<!tpu.dma_semaphore, #tpu.memory_space<semaphore_mem>>) src(%dma_wait3A_425 : memref<80x32xf32, #tpu.memory_space<vmem>>) dst(%dma_wait3A_431 : memref<10112x32xf32, #tpu.memory_space<vmem_shared>>)
    %barrier3A_434 = arith.constant 0 : index
    tpu.barrier barrier_id(%barrier3A_434)
    %mul3A_435 = arith.constant 632 : i32
    %mul3A_436 = arith.muli %arg1, %mul3A_435 : i32
    "tpu.region"() ({
      %run_scoped3A_444 = tpu.sem_alloc : memref<!tpu.dma_semaphore, #tpu.memory_space<semaphore_mem>>
      %dma_start3A_445 = arith.constant 0 : i32
      %dma_start3A_446 = tpu.memref_slice %arg11[%mul3A_436, %dma_start3A_445] : memref<10112x32xf32, #tpu.memory_space<vmem_shared>> -> memref<632x32xf32, #tpu.memory_space<vmem_shared>>
      %dma_start3A_447 = arith.constant 0 : i32
      %dma_start3A_448 = tpu.memref_slice %arg11[%mul3A_436, %dma_start3A_447] : memref<10112x32xf32, #tpu.memory_space<vmem_shared>> -> memref<632x32xf32, #tpu.memory_space<vmem_shared>>
      tpu.enqueue_dma source(%dma_start3A_448 : memref<632x32xf32, #tpu.memory_space<vmem_shared>>) target(%arg10 : memref<632x32xf32, #tpu.memory_space<vmem>>) target_semaphore(%run_scoped3A_444 : memref<!tpu.dma_semaphore, #tpu.memory_space<semaphore_mem>>)
      %dma_wait3A_449 = arith.constant 0 : i32
      %dma_wait3A_450 = tpu.memref_slice %arg11[%mul3A_436, %dma_wait3A_449] : memref<10112x32xf32, #tpu.memory_space<vmem_shared>> -> memref<632x32xf32, #tpu.memory_space<vmem_shared>>
      %dma_wait3A_451 = arith.constant 0 : i32
      %dma_wait3A_452 = tpu.memref_slice %arg11[%mul3A_436, %dma_wait3A_451] : memref<10112x32xf32, #tpu.memory_space<vmem_shared>> -> memref<632x32xf32, #tpu.memory_space<vmem_shared>>
      tpu.wait_dma2 semaphore(%run_scoped3A_444 : memref<!tpu.dma_semaphore, #tpu.memory_space<semaphore_mem>>) src(%dma_wait3A_452 : memref<632x32xf32, #tpu.memory_space<vmem_shared>>) dst(%arg10 : memref<632x32xf32, #tpu.memory_space<vmem>>)
      tpu.yield
    }) : () -> ()
    %eq3A = arith.constant 0 : i32
    %eq3A_437 = arith.cmpi eq, %arg0, %eq3A : i32
    %convert_element_type3A = arith.extui %eq3A_437 : i1 to i32
    %cond3A = arith.constant 0 : i32
    %cond3A_438 = arith.cmpi ne, %convert_element_type3A, %cond3A : i32
    scf.if %cond3A_438 {
      %mul3A_444 = arith.constant 632 : i32
      %mul3A_445 = arith.muli %arg1, %mul3A_444 : i32
      "tpu.region"() ({
        %run_scoped3A_446 = tpu.sem_alloc : memref<!tpu.dma_semaphore, #tpu.memory_space<semaphore_mem>>
        %dma_start3A_447 = arith.constant 0 : i32
        %dma_start3A_448 = tpu.memref_slice %arg5[%mul3A_445, %dma_start3A_447] : memref<10112x32xf32, #tpu.memory_space<hbm>> -> memref<632x32xf32, #tpu.memory_space<hbm>>
        %dma_start3A_449 = arith.constant 0 : i32
        %dma_start3A_450 = tpu.memref_slice %arg5[%mul3A_445, %dma_start3A_449] : memref<10112x32xf32, #tpu.memory_space<hbm>> -> memref<632x32xf32, #tpu.memory_space<hbm>>
        tpu.enqueue_dma source(%arg10 : memref<632x32xf32, #tpu.memory_space<vmem>>) target(%dma_start3A_450 : memref<632x32xf32, #tpu.memory_space<hbm>>) target_semaphore(%run_scoped3A_446 : memref<!tpu.dma_semaphore, #tpu.memory_space<semaphore_mem>>)
        %dma_wait3A_451 = arith.constant 0 : i32
        %dma_wait3A_452 = tpu.memref_slice %arg5[%mul3A_445, %dma_wait3A_451] : memref<10112x32xf32, #tpu.memory_space<hbm>> -> memref<632x32xf32, #tpu.memory_space<hbm>>
        %dma_wait3A_453 = arith.constant 0 : i32
        %dma_wait3A_454 = tpu.memref_slice %arg5[%mul3A_445, %dma_wait3A_453] : memref<10112x32xf32, #tpu.memory_space<hbm>> -> memref<632x32xf32, #tpu.memory_space<hbm>>
        tpu.wait_dma2 semaphore(%run_scoped3A_446 : memref<!tpu.dma_semaphore, #tpu.memory_space<semaphore_mem>>) src(%arg10 : memref<632x32xf32, #tpu.memory_space<vmem>>) dst(%dma_wait3A_454 : memref<632x32xf32, #tpu.memory_space<hbm>>)
        tpu.yield
      }) : () -> ()
    } else {
    }
    %eq3A_439 = arith.constant 1 : i32
    %eq3A_440 = arith.cmpi eq, %arg0, %eq3A_439 : i32
    %convert_element_type3A_441 = arith.extui %eq3A_440 : i1 to i32
    %cond3A_442 = arith.constant 0 : i32
    %cond3A_443 = arith.cmpi ne, %convert_element_type3A_441, %cond3A_442 : i32
    scf.if %cond3A_443 {
      %mul3A_444 = arith.constant 632 : i32
      %mul3A_445 = arith.muli %arg1, %mul3A_444 : i32
      "tpu.region"() ({
        %run_scoped3A_446 = tpu.sem_alloc : memref<!tpu.dma_semaphore, #tpu.memory_space<semaphore_mem>>
        %dma_start3A_447 = arith.constant 0 : i32
        %dma_start3A_448 = tpu.memref_slice %arg6[%mul3A_445, %dma_start3A_447] : memref<10112x32xf32, #tpu.memory_space<hbm>> -> memref<632x32xf32, #tpu.memory_space<hbm>>
        %dma_start3A_449 = arith.constant 0 : i32
        %dma_start3A_450 = tpu.memref_slice %arg6[%mul3A_445, %dma_start3A_449] : memref<10112x32xf32, #tpu.memory_space<hbm>> -> memref<632x32xf32, #tpu.memory_space<hbm>>
        tpu.enqueue_dma source(%arg10 : memref<632x32xf32, #tpu.memory_space<vmem>>) target(%dma_start3A_450 : memref<632x32xf32, #tpu.memory_space<hbm>>) target_semaphore(%run_scoped3A_446 : memref<!tpu.dma_semaphore, #tpu.memory_space<semaphore_mem>>)
        %dma_wait3A_451 = arith.constant 0 : i32
        %dma_wait3A_452 = tpu.memref_slice %arg6[%mul3A_445, %dma_wait3A_451] : memref<10112x32xf32, #tpu.memory_space<hbm>> -> memref<632x32xf32, #tpu.memory_space<hbm>>
        %dma_wait3A_453 = arith.constant 0 : i32
        %dma_wait3A_454 = tpu.memref_slice %arg6[%mul3A_445, %dma_wait3A_453] : memref<10112x32xf32, #tpu.memory_space<hbm>> -> memref<632x32xf32, #tpu.memory_space<hbm>>
        tpu.wait_dma2 semaphore(%run_scoped3A_446 : memref<!tpu.dma_semaphore, #tpu.memory_space<semaphore_mem>>) src(%arg10 : memref<632x32xf32, #tpu.memory_space<vmem>>) dst(%dma_wait3A_454 : memref<632x32xf32, #tpu.memory_space<hbm>>)
        tpu.yield
      }) : () -> ()
    } else {
    }
    return
  }
}

#map = affine_map<(d0, d1) -> (0, 0)>
#map1 = affine_map<(d0, d1) -> (0, 0, 0, 0)>
module attributes {stable_mosaic.version = 14 : i64} {
  func.func @_sc_agg_body(%arg0: i32, %arg1: i32, %arg2: memref<10000x32xf32, #tpu.memory_space<hbm>>, %arg3: memref<2x32x125x80xi32, #tpu.memory_space<hbm>>, %arg4: memref<10112x32xf32, #tpu.memory_space<hbm>>, %arg5: memref<10112x32xf32, #tpu.memory_space<hbm>>, %arg6: memref<10112x32xf32, #tpu.memory_space<hbm>>, %arg7: memref<125x80xi32, #tpu.memory_space<vmem>>, %arg8: memref<125x80xi32, #tpu.memory_space<vmem>>, %arg9: memref<2x5x80x32xf32, #tpu.memory_space<vmem>>, %arg10: memref<632x32xf32, #tpu.memory_space<vmem>>, %arg11: memref<10112x32xf32, #tpu.memory_space<vmem_shared>>, %arg12: memref<2x5x!tpu.dma_semaphore, #tpu.memory_space<semaphore_mem>>, %arg13: memref<2x5x!tpu.dma_semaphore, #tpu.memory_space<semaphore_mem>>) attributes {dimension_semantics = [#tpu.dimension_semantics<core_parallel>, #tpu.dimension_semantics<subcore_parallel>], iteration_bounds = array<i64: 2, 16>, scalar_prefetch = 0 : i64, scratch_operands = 7 : i64, tpu.core_type = #tpu.core_type<sc_vector_subcore>, window_params = [{transform_indices = #map}, {transform_indices = #map1}, {transform_indices = #map}, {transform_indices = #map}, {transform_indices = #map}]} {
    %mul3A = arith.constant 16 : i32
    %mul3A_0 = arith.muli %arg0, %mul3A : i32
    %add3A = arith.addi %mul3A_0, %arg1 : i32
    %mul3A_1 = arith.constant 632 : i32
    %mul3A_2 = arith.muli %arg1, %mul3A_1 : i32
    "tpu.region"() ({
      %run_scoped3A_444 = tpu.sem_alloc : memref<!tpu.dma_semaphore, #tpu.memory_space<semaphore_mem>>
      %dma_start3A_445 = arith.constant 0 : i32
      %dma_start3A_446 = tpu.memref_slice %arg4[%mul3A_2, %dma_start3A_445] : memref<10112x32xf32, #tpu.memory_space<hbm>> -> memref<632x32xf32, #tpu.memory_space<hbm>>
      %dma_start3A_447 = arith.constant 0 : i32
      %dma_start3A_448 = tpu.memref_slice %arg4[%mul3A_2, %dma_start3A_447] : memref<10112x32xf32, #tpu.memory_space<hbm>> -> memref<632x32xf32, #tpu.memory_space<hbm>>
      tpu.enqueue_dma source(%dma_start3A_448 : memref<632x32xf32, #tpu.memory_space<hbm>>) target(%arg10 : memref<632x32xf32, #tpu.memory_space<vmem>>) target_semaphore(%run_scoped3A_444 : memref<!tpu.dma_semaphore, #tpu.memory_space<semaphore_mem>>)
      %dma_wait3A_449 = arith.constant 0 : i32
      %dma_wait3A_450 = tpu.memref_slice %arg4[%mul3A_2, %dma_wait3A_449] : memref<10112x32xf32, #tpu.memory_space<hbm>> -> memref<632x32xf32, #tpu.memory_space<hbm>>
      %dma_wait3A_451 = arith.constant 0 : i32
      %dma_wait3A_452 = tpu.memref_slice %arg4[%mul3A_2, %dma_wait3A_451] : memref<10112x32xf32, #tpu.memory_space<hbm>> -> memref<632x32xf32, #tpu.memory_space<hbm>>
      tpu.wait_dma2 semaphore(%run_scoped3A_444 : memref<!tpu.dma_semaphore, #tpu.memory_space<semaphore_mem>>) src(%dma_wait3A_452 : memref<632x32xf32, #tpu.memory_space<hbm>>) dst(%arg10 : memref<632x32xf32, #tpu.memory_space<vmem>>)
      tpu.yield
    }) : () -> ()
    %mul3A_3 = arith.constant 632 : i32
    %mul3A_4 = arith.muli %arg1, %mul3A_3 : i32
    "tpu.region"() ({
      %run_scoped3A_444 = tpu.sem_alloc : memref<!tpu.dma_semaphore, #tpu.memory_space<semaphore_mem>>
      %dma_start3A_445 = arith.constant 0 : i32
      %dma_start3A_446 = tpu.memref_slice %arg11[%mul3A_4, %dma_start3A_445] : memref<10112x32xf32, #tpu.memory_space<vmem_shared>> -> memref<632x32xf32, #tpu.memory_space<vmem_shared>>
      %dma_start3A_447 = arith.constant 0 : i32
      %dma_start3A_448 = tpu.memref_slice %arg11[%mul3A_4, %dma_start3A_447] : memref<10112x32xf32, #tpu.memory_space<vmem_shared>> -> memref<632x32xf32, #tpu.memory_space<vmem_shared>>
      tpu.enqueue_dma source(%arg10 : memref<632x32xf32, #tpu.memory_space<vmem>>) target(%dma_start3A_448 : memref<632x32xf32, #tpu.memory_space<vmem_shared>>) target_semaphore(%run_scoped3A_444 : memref<!tpu.dma_semaphore, #tpu.memory_space<semaphore_mem>>)
      %dma_wait3A_449 = arith.constant 0 : i32
      %dma_wait3A_450 = tpu.memref_slice %arg11[%mul3A_4, %dma_wait3A_449] : memref<10112x32xf32, #tpu.memory_space<vmem_shared>> -> memref<632x32xf32, #tpu.memory_space<vmem_shared>>
      %dma_wait3A_451 = arith.constant 0 : i32
      %dma_wait3A_452 = tpu.memref_slice %arg11[%mul3A_4, %dma_wait3A_451] : memref<10112x32xf32, #tpu.memory_space<vmem_shared>> -> memref<632x32xf32, #tpu.memory_space<vmem_shared>>
      tpu.wait_dma2 semaphore(%run_scoped3A_444 : memref<!tpu.dma_semaphore, #tpu.memory_space<semaphore_mem>>) src(%arg10 : memref<632x32xf32, #tpu.memory_space<vmem>>) dst(%dma_wait3A_452 : memref<632x32xf32, #tpu.memory_space<vmem_shared>>)
      tpu.yield
    }) : () -> ()
    %run_scoped3A = arith.constant 0 : i32
    "tpu.region"() ({
      %run_scoped3A_444 = tpu.sem_alloc : memref<!tpu.dma_semaphore, #tpu.memory_space<semaphore_mem>>
      %dma_start3A_445 = arith.constant 0 : i32
      %dma_start3A_446 = arith.constant 0 : i32
      %dma_start3A_447 = tpu.memref_slice %arg3[%run_scoped3A, %add3A, %dma_start3A_445, %dma_start3A_446] : memref<2x32x125x80xi32, #tpu.memory_space<hbm>> -> memref<1x1x125x80xi32, #tpu.memory_space<hbm>>
      %dma_start3A_448 = tpu.memref_squeeze %dma_start3A_447 : memref<1x1x125x80xi32, #tpu.memory_space<hbm>> -> memref<125x80xi32, #tpu.memory_space<hbm>>
      %dma_start3A_449 = arith.constant 0 : i32
      %dma_start3A_450 = arith.constant 0 : i32
      %dma_start3A_451 = tpu.memref_slice %arg3[%run_scoped3A, %add3A, %dma_start3A_449, %dma_start3A_450] : memref<2x32x125x80xi32, #tpu.memory_space<hbm>> -> memref<1x1x125x80xi32, #tpu.memory_space<hbm>>
      %dma_start3A_452 = tpu.memref_squeeze %dma_start3A_451 : memref<1x1x125x80xi32, #tpu.memory_space<hbm>> -> memref<125x80xi32, #tpu.memory_space<hbm>>
      tpu.enqueue_dma source(%dma_start3A_452 : memref<125x80xi32, #tpu.memory_space<hbm>>) target(%arg7 : memref<125x80xi32, #tpu.memory_space<vmem>>) target_semaphore(%run_scoped3A_444 : memref<!tpu.dma_semaphore, #tpu.memory_space<semaphore_mem>>)
      %dma_wait3A_453 = arith.constant 0 : i32
      %dma_wait3A_454 = arith.constant 0 : i32
      %dma_wait3A_455 = tpu.memref_slice %arg3[%run_scoped3A, %add3A, %dma_wait3A_453, %dma_wait3A_454] : memref<2x32x125x80xi32, #tpu.memory_space<hbm>> -> memref<1x1x125x80xi32, #tpu.memory_space<hbm>>
      %dma_wait3A_456 = tpu.memref_squeeze %dma_wait3A_455 : memref<1x1x125x80xi32, #tpu.memory_space<hbm>> -> memref<125x80xi32, #tpu.memory_space<hbm>>
      %dma_wait3A_457 = arith.constant 0 : i32
      %dma_wait3A_458 = arith.constant 0 : i32
      %dma_wait3A_459 = tpu.memref_slice %arg3[%run_scoped3A, %add3A, %dma_wait3A_457, %dma_wait3A_458] : memref<2x32x125x80xi32, #tpu.memory_space<hbm>> -> memref<1x1x125x80xi32, #tpu.memory_space<hbm>>
      %dma_wait3A_460 = tpu.memref_squeeze %dma_wait3A_459 : memref<1x1x125x80xi32, #tpu.memory_space<hbm>> -> memref<125x80xi32, #tpu.memory_space<hbm>>
      tpu.wait_dma2 semaphore(%run_scoped3A_444 : memref<!tpu.dma_semaphore, #tpu.memory_space<semaphore_mem>>) src(%dma_wait3A_460 : memref<125x80xi32, #tpu.memory_space<hbm>>) dst(%arg7 : memref<125x80xi32, #tpu.memory_space<vmem>>)
      tpu.yield
    }) : () -> ()
    %run_scoped3A_5 = arith.constant 1 : i32
    "tpu.region"() ({
      %run_scoped3A_444 = tpu.sem_alloc : memref<!tpu.dma_semaphore, #tpu.memory_space<semaphore_mem>>
      %dma_start3A_445 = arith.constant 0 : i32
      %dma_start3A_446 = arith.constant 0 : i32
      %dma_start3A_447 = tpu.memref_slice %arg3[%run_scoped3A_5, %add3A, %dma_start3A_445, %dma_start3A_446] : memref<2x32x125x80xi32, #tpu.memory_space<hbm>> -> memref<1x1x125x80xi32, #tpu.memory_space<hbm>>
      %dma_start3A_448 = tpu.memref_squeeze %dma_start3A_447 : memref<1x1x125x80xi32, #tpu.memory_space<hbm>> -> memref<125x80xi32, #tpu.memory_space<hbm>>
      %dma_start3A_449 = arith.constant 0 : i32
      %dma_start3A_450 = arith.constant 0 : i32
      %dma_start3A_451 = tpu.memref_slice %arg3[%run_scoped3A_5, %add3A, %dma_start3A_449, %dma_start3A_450] : memref<2x32x125x80xi32, #tpu.memory_space<hbm>> -> memref<1x1x125x80xi32, #tpu.memory_space<hbm>>
      %dma_start3A_452 = tpu.memref_squeeze %dma_start3A_451 : memref<1x1x125x80xi32, #tpu.memory_space<hbm>> -> memref<125x80xi32, #tpu.memory_space<hbm>>
      tpu.enqueue_dma source(%dma_start3A_452 : memref<125x80xi32, #tpu.memory_space<hbm>>) target(%arg8 : memref<125x80xi32, #tpu.memory_space<vmem>>) target_semaphore(%run_scoped3A_444 : memref<!tpu.dma_semaphore, #tpu.memory_space<semaphore_mem>>)
      %dma_wait3A_453 = arith.constant 0 : i32
      %dma_wait3A_454 = arith.constant 0 : i32
      %dma_wait3A_455 = tpu.memref_slice %arg3[%run_scoped3A_5, %add3A, %dma_wait3A_453, %dma_wait3A_454] : memref<2x32x125x80xi32, #tpu.memory_space<hbm>> -> memref<1x1x125x80xi32, #tpu.memory_space<hbm>>
      %dma_wait3A_456 = tpu.memref_squeeze %dma_wait3A_455 : memref<1x1x125x80xi32, #tpu.memory_space<hbm>> -> memref<125x80xi32, #tpu.memory_space<hbm>>
      %dma_wait3A_457 = arith.constant 0 : i32
      %dma_wait3A_458 = arith.constant 0 : i32
      %dma_wait3A_459 = tpu.memref_slice %arg3[%run_scoped3A_5, %add3A, %dma_wait3A_457, %dma_wait3A_458] : memref<2x32x125x80xi32, #tpu.memory_space<hbm>> -> memref<1x1x125x80xi32, #tpu.memory_space<hbm>>
      %dma_wait3A_460 = tpu.memref_squeeze %dma_wait3A_459 : memref<1x1x125x80xi32, #tpu.memory_space<hbm>> -> memref<125x80xi32, #tpu.memory_space<hbm>>
      tpu.wait_dma2 semaphore(%run_scoped3A_444 : memref<!tpu.dma_semaphore, #tpu.memory_space<semaphore_mem>>) src(%dma_wait3A_460 : memref<125x80xi32, #tpu.memory_space<hbm>>) dst(%arg8 : memref<125x80xi32, #tpu.memory_space<vmem>>)
      tpu.yield
    }) : () -> ()
    %barrier3A = arith.constant 0 : index
    tpu.barrier barrier_id(%barrier3A)
    %dma_start3A = arith.constant 0 : i32
    %dma_start3A_6 = arith.constant 0 : i32
    %dma_start3A_7 = arith.constant 0 : i32
    %dma_start3A_8 = arith.constant 0 : i32
    %dma_start3A_9 = arith.constant 0 : i32
    %dma_start3A_10 = arith.constant 0 : i32
    %dma_start3A_11 = arith.constant 0 : i32
    %dma_start3A_12 = tpu.memref_slice %arg9[%dma_start3A_6, %dma_start3A_7, %dma_start3A_10, %dma_start3A_11] : memref<2x5x80x32xf32, #tpu.memory_space<vmem>> -> memref<1x1x80x32xf32, #tpu.memory_space<vmem>>
    %dma_start3A_13 = tpu.memref_squeeze %dma_start3A_12 : memref<1x1x80x32xf32, #tpu.memory_space<vmem>> -> memref<80x32xf32, #tpu.memory_space<vmem>>
    %dma_start3A_14 = arith.constant 0 : i32
    %dma_start3A_15 = tpu.memref_slice %arg7[%dma_start3A, %dma_start3A_14] : memref<125x80xi32, #tpu.memory_space<vmem>> -> memref<1x80xi32, #tpu.memory_space<vmem>>
    %dma_start3A_16 = tpu.memref_squeeze %dma_start3A_15 : memref<1x80xi32, #tpu.memory_space<vmem>> -> memref<80xi32, #tpu.memory_space<vmem>>
    %dma_start3A_17 = arith.constant 0 : i32
    %dma_start3A_18 = arith.constant 0 : i32
    %dma_start3A_19 = tpu.memref_slice %arg2[%dma_start3A_17, %dma_start3A_18] : memref<10000x32xf32, #tpu.memory_space<hbm>> -> memref<10000x32xf32, #tpu.memory_space<hbm>>
    %dma_start3A_20 = tpu.memref_slice %arg12[%dma_start3A_8, %dma_start3A_9] : memref<2x5x!tpu.dma_semaphore, #tpu.memory_space<semaphore_mem>> -> memref<1x1x!tpu.dma_semaphore, #tpu.memory_space<semaphore_mem>>
    %dma_start3A_21 = tpu.memref_squeeze %dma_start3A_20 : memref<1x1x!tpu.dma_semaphore, #tpu.memory_space<semaphore_mem>> -> memref<!tpu.dma_semaphore, #tpu.memory_space<semaphore_mem>>
    tpu.enqueue_indirect_dma source(%dma_start3A_19 : memref<10000x32xf32, #tpu.memory_space<hbm>>) target(%dma_start3A_13 : memref<80x32xf32, #tpu.memory_space<vmem>>) offsets(%dma_start3A_16 : memref<80xi32, #tpu.memory_space<vmem>>) semaphore(%dma_start3A_21 : memref<!tpu.dma_semaphore, #tpu.memory_space<semaphore_mem>>)
    %dma_start3A_22 = arith.constant 1 : i32
    %dma_start3A_23 = arith.constant 0 : i32
    %dma_start3A_24 = arith.constant 1 : i32
    %dma_start3A_25 = arith.constant 0 : i32
    %dma_start3A_26 = arith.constant 1 : i32
    %dma_start3A_27 = arith.constant 0 : i32
    %dma_start3A_28 = arith.constant 0 : i32
    %dma_start3A_29 = tpu.memref_slice %arg9[%dma_start3A_23, %dma_start3A_24, %dma_start3A_27, %dma_start3A_28] : memref<2x5x80x32xf32, #tpu.memory_space<vmem>> -> memref<1x1x80x32xf32, #tpu.memory_space<vmem>>
    %dma_start3A_30 = tpu.memref_squeeze %dma_start3A_29 : memref<1x1x80x32xf32, #tpu.memory_space<vmem>> -> memref<80x32xf32, #tpu.memory_space<vmem>>
    %dma_start3A_31 = arith.constant 0 : i32
    %dma_start3A_32 = tpu.memref_slice %arg7[%dma_start3A_22, %dma_start3A_31] : memref<125x80xi32, #tpu.memory_space<vmem>> -> memref<1x80xi32, #tpu.memory_space<vmem>>
    %dma_start3A_33 = tpu.memref_squeeze %dma_start3A_32 : memref<1x80xi32, #tpu.memory_space<vmem>> -> memref<80xi32, #tpu.memory_space<vmem>>
    %dma_start3A_34 = arith.constant 0 : i32
    %dma_start3A_35 = arith.constant 0 : i32
    %dma_start3A_36 = tpu.memref_slice %arg2[%dma_start3A_34, %dma_start3A_35] : memref<10000x32xf32, #tpu.memory_space<hbm>> -> memref<10000x32xf32, #tpu.memory_space<hbm>>
    %dma_start3A_37 = tpu.memref_slice %arg12[%dma_start3A_25, %dma_start3A_26] : memref<2x5x!tpu.dma_semaphore, #tpu.memory_space<semaphore_mem>> -> memref<1x1x!tpu.dma_semaphore, #tpu.memory_space<semaphore_mem>>
    %dma_start3A_38 = tpu.memref_squeeze %dma_start3A_37 : memref<1x1x!tpu.dma_semaphore, #tpu.memory_space<semaphore_mem>> -> memref<!tpu.dma_semaphore, #tpu.memory_space<semaphore_mem>>
    tpu.enqueue_indirect_dma source(%dma_start3A_36 : memref<10000x32xf32, #tpu.memory_space<hbm>>) target(%dma_start3A_30 : memref<80x32xf32, #tpu.memory_space<vmem>>) offsets(%dma_start3A_33 : memref<80xi32, #tpu.memory_space<vmem>>) semaphore(%dma_start3A_38 : memref<!tpu.dma_semaphore, #tpu.memory_space<semaphore_mem>>)
    %dma_start3A_39 = arith.constant 2 : i32
    %dma_start3A_40 = arith.constant 0 : i32
    %dma_start3A_41 = arith.constant 2 : i32
    %dma_start3A_42 = arith.constant 0 : i32
    %dma_start3A_43 = arith.constant 2 : i32
    %dma_start3A_44 = arith.constant 0 : i32
    %dma_start3A_45 = arith.constant 0 : i32
    %dma_start3A_46 = tpu.memref_slice %arg9[%dma_start3A_40, %dma_start3A_41, %dma_start3A_44, %dma_start3A_45] : memref<2x5x80x32xf32, #tpu.memory_space<vmem>> -> memref<1x1x80x32xf32, #tpu.memory_space<vmem>>
    %dma_start3A_47 = tpu.memref_squeeze %dma_start3A_46 : memref<1x1x80x32xf32, #tpu.memory_space<vmem>> -> memref<80x32xf32, #tpu.memory_space<vmem>>
    %dma_start3A_48 = arith.constant 0 : i32
    %dma_start3A_49 = tpu.memref_slice %arg7[%dma_start3A_39, %dma_start3A_48] : memref<125x80xi32, #tpu.memory_space<vmem>> -> memref<1x80xi32, #tpu.memory_space<vmem>>
    %dma_start3A_50 = tpu.memref_squeeze %dma_start3A_49 : memref<1x80xi32, #tpu.memory_space<vmem>> -> memref<80xi32, #tpu.memory_space<vmem>>
    %dma_start3A_51 = arith.constant 0 : i32
    %dma_start3A_52 = arith.constant 0 : i32
    %dma_start3A_53 = tpu.memref_slice %arg2[%dma_start3A_51, %dma_start3A_52] : memref<10000x32xf32, #tpu.memory_space<hbm>> -> memref<10000x32xf32, #tpu.memory_space<hbm>>
    %dma_start3A_54 = tpu.memref_slice %arg12[%dma_start3A_42, %dma_start3A_43] : memref<2x5x!tpu.dma_semaphore, #tpu.memory_space<semaphore_mem>> -> memref<1x1x!tpu.dma_semaphore, #tpu.memory_space<semaphore_mem>>
    %dma_start3A_55 = tpu.memref_squeeze %dma_start3A_54 : memref<1x1x!tpu.dma_semaphore, #tpu.memory_space<semaphore_mem>> -> memref<!tpu.dma_semaphore, #tpu.memory_space<semaphore_mem>>
    tpu.enqueue_indirect_dma source(%dma_start3A_53 : memref<10000x32xf32, #tpu.memory_space<hbm>>) target(%dma_start3A_47 : memref<80x32xf32, #tpu.memory_space<vmem>>) offsets(%dma_start3A_50 : memref<80xi32, #tpu.memory_space<vmem>>) semaphore(%dma_start3A_55 : memref<!tpu.dma_semaphore, #tpu.memory_space<semaphore_mem>>)
    %dma_start3A_56 = arith.constant 3 : i32
    %dma_start3A_57 = arith.constant 0 : i32
    %dma_start3A_58 = arith.constant 3 : i32
    %dma_start3A_59 = arith.constant 0 : i32
    %dma_start3A_60 = arith.constant 3 : i32
    %dma_start3A_61 = arith.constant 0 : i32
    %dma_start3A_62 = arith.constant 0 : i32
    %dma_start3A_63 = tpu.memref_slice %arg9[%dma_start3A_57, %dma_start3A_58, %dma_start3A_61, %dma_start3A_62] : memref<2x5x80x32xf32, #tpu.memory_space<vmem>> -> memref<1x1x80x32xf32, #tpu.memory_space<vmem>>
    %dma_start3A_64 = tpu.memref_squeeze %dma_start3A_63 : memref<1x1x80x32xf32, #tpu.memory_space<vmem>> -> memref<80x32xf32, #tpu.memory_space<vmem>>
    %dma_start3A_65 = arith.constant 0 : i32
    %dma_start3A_66 = tpu.memref_slice %arg7[%dma_start3A_56, %dma_start3A_65] : memref<125x80xi32, #tpu.memory_space<vmem>> -> memref<1x80xi32, #tpu.memory_space<vmem>>
    %dma_start3A_67 = tpu.memref_squeeze %dma_start3A_66 : memref<1x80xi32, #tpu.memory_space<vmem>> -> memref<80xi32, #tpu.memory_space<vmem>>
    %dma_start3A_68 = arith.constant 0 : i32
    %dma_start3A_69 = arith.constant 0 : i32
    %dma_start3A_70 = tpu.memref_slice %arg2[%dma_start3A_68, %dma_start3A_69] : memref<10000x32xf32, #tpu.memory_space<hbm>> -> memref<10000x32xf32, #tpu.memory_space<hbm>>
    %dma_start3A_71 = tpu.memref_slice %arg12[%dma_start3A_59, %dma_start3A_60] : memref<2x5x!tpu.dma_semaphore, #tpu.memory_space<semaphore_mem>> -> memref<1x1x!tpu.dma_semaphore, #tpu.memory_space<semaphore_mem>>
    %dma_start3A_72 = tpu.memref_squeeze %dma_start3A_71 : memref<1x1x!tpu.dma_semaphore, #tpu.memory_space<semaphore_mem>> -> memref<!tpu.dma_semaphore, #tpu.memory_space<semaphore_mem>>
    tpu.enqueue_indirect_dma source(%dma_start3A_70 : memref<10000x32xf32, #tpu.memory_space<hbm>>) target(%dma_start3A_64 : memref<80x32xf32, #tpu.memory_space<vmem>>) offsets(%dma_start3A_67 : memref<80xi32, #tpu.memory_space<vmem>>) semaphore(%dma_start3A_72 : memref<!tpu.dma_semaphore, #tpu.memory_space<semaphore_mem>>)
    %dma_start3A_73 = arith.constant 4 : i32
    %dma_start3A_74 = arith.constant 0 : i32
    %dma_start3A_75 = arith.constant 4 : i32
    %dma_start3A_76 = arith.constant 0 : i32
    %dma_start3A_77 = arith.constant 4 : i32
    %dma_start3A_78 = arith.constant 0 : i32
    %dma_start3A_79 = arith.constant 0 : i32
    %dma_start3A_80 = tpu.memref_slice %arg9[%dma_start3A_74, %dma_start3A_75, %dma_start3A_78, %dma_start3A_79] : memref<2x5x80x32xf32, #tpu.memory_space<vmem>> -> memref<1x1x80x32xf32, #tpu.memory_space<vmem>>
    %dma_start3A_81 = tpu.memref_squeeze %dma_start3A_80 : memref<1x1x80x32xf32, #tpu.memory_space<vmem>> -> memref<80x32xf32, #tpu.memory_space<vmem>>
    %dma_start3A_82 = arith.constant 0 : i32
    %dma_start3A_83 = tpu.memref_slice %arg7[%dma_start3A_73, %dma_start3A_82] : memref<125x80xi32, #tpu.memory_space<vmem>> -> memref<1x80xi32, #tpu.memory_space<vmem>>
    %dma_start3A_84 = tpu.memref_squeeze %dma_start3A_83 : memref<1x80xi32, #tpu.memory_space<vmem>> -> memref<80xi32, #tpu.memory_space<vmem>>
    %dma_start3A_85 = arith.constant 0 : i32
    %dma_start3A_86 = arith.constant 0 : i32
    %dma_start3A_87 = tpu.memref_slice %arg2[%dma_start3A_85, %dma_start3A_86] : memref<10000x32xf32, #tpu.memory_space<hbm>> -> memref<10000x32xf32, #tpu.memory_space<hbm>>
    %dma_start3A_88 = tpu.memref_slice %arg12[%dma_start3A_76, %dma_start3A_77] : memref<2x5x!tpu.dma_semaphore, #tpu.memory_space<semaphore_mem>> -> memref<1x1x!tpu.dma_semaphore, #tpu.memory_space<semaphore_mem>>
    %dma_start3A_89 = tpu.memref_squeeze %dma_start3A_88 : memref<1x1x!tpu.dma_semaphore, #tpu.memory_space<semaphore_mem>> -> memref<!tpu.dma_semaphore, #tpu.memory_space<semaphore_mem>>
    tpu.enqueue_indirect_dma source(%dma_start3A_87 : memref<10000x32xf32, #tpu.memory_space<hbm>>) target(%dma_start3A_81 : memref<80x32xf32, #tpu.memory_space<vmem>>) offsets(%dma_start3A_84 : memref<80xi32, #tpu.memory_space<vmem>>) semaphore(%dma_start3A_89 : memref<!tpu.dma_semaphore, #tpu.memory_space<semaphore_mem>>)
    %dma_start3A_90 = arith.constant 5 : i32
    %dma_start3A_91 = arith.constant 1 : i32
    %dma_start3A_92 = arith.constant 0 : i32
    %dma_start3A_93 = arith.constant 1 : i32
    %dma_start3A_94 = arith.constant 0 : i32
    %dma_start3A_95 = arith.constant 0 : i32
    %dma_start3A_96 = arith.constant 0 : i32
    %dma_start3A_97 = tpu.memref_slice %arg9[%dma_start3A_91, %dma_start3A_92, %dma_start3A_95, %dma_start3A_96] : memref<2x5x80x32xf32, #tpu.memory_space<vmem>> -> memref<1x1x80x32xf32, #tpu.memory_space<vmem>>
    %dma_start3A_98 = tpu.memref_squeeze %dma_start3A_97 : memref<1x1x80x32xf32, #tpu.memory_space<vmem>> -> memref<80x32xf32, #tpu.memory_space<vmem>>
    %dma_start3A_99 = arith.constant 0 : i32
    %dma_start3A_100 = tpu.memref_slice %arg7[%dma_start3A_90, %dma_start3A_99] : memref<125x80xi32, #tpu.memory_space<vmem>> -> memref<1x80xi32, #tpu.memory_space<vmem>>
    %dma_start3A_101 = tpu.memref_squeeze %dma_start3A_100 : memref<1x80xi32, #tpu.memory_space<vmem>> -> memref<80xi32, #tpu.memory_space<vmem>>
    %dma_start3A_102 = arith.constant 0 : i32
    %dma_start3A_103 = arith.constant 0 : i32
    %dma_start3A_104 = tpu.memref_slice %arg2[%dma_start3A_102, %dma_start3A_103] : memref<10000x32xf32, #tpu.memory_space<hbm>> -> memref<10000x32xf32, #tpu.memory_space<hbm>>
    %dma_start3A_105 = tpu.memref_slice %arg12[%dma_start3A_93, %dma_start3A_94] : memref<2x5x!tpu.dma_semaphore, #tpu.memory_space<semaphore_mem>> -> memref<1x1x!tpu.dma_semaphore, #tpu.memory_space<semaphore_mem>>
    %dma_start3A_106 = tpu.memref_squeeze %dma_start3A_105 : memref<1x1x!tpu.dma_semaphore, #tpu.memory_space<semaphore_mem>> -> memref<!tpu.dma_semaphore, #tpu.memory_space<semaphore_mem>>
    tpu.enqueue_indirect_dma source(%dma_start3A_104 : memref<10000x32xf32, #tpu.memory_space<hbm>>) target(%dma_start3A_98 : memref<80x32xf32, #tpu.memory_space<vmem>>) offsets(%dma_start3A_101 : memref<80xi32, #tpu.memory_space<vmem>>) semaphore(%dma_start3A_106 : memref<!tpu.dma_semaphore, #tpu.memory_space<semaphore_mem>>)
    %dma_start3A_107 = arith.constant 6 : i32
    %dma_start3A_108 = arith.constant 1 : i32
    %dma_start3A_109 = arith.constant 1 : i32
    %dma_start3A_110 = arith.constant 1 : i32
    %dma_start3A_111 = arith.constant 1 : i32
    %dma_start3A_112 = arith.constant 0 : i32
    %dma_start3A_113 = arith.constant 0 : i32
    %dma_start3A_114 = tpu.memref_slice %arg9[%dma_start3A_108, %dma_start3A_109, %dma_start3A_112, %dma_start3A_113] : memref<2x5x80x32xf32, #tpu.memory_space<vmem>> -> memref<1x1x80x32xf32, #tpu.memory_space<vmem>>
    %dma_start3A_115 = tpu.memref_squeeze %dma_start3A_114 : memref<1x1x80x32xf32, #tpu.memory_space<vmem>> -> memref<80x32xf32, #tpu.memory_space<vmem>>
    %dma_start3A_116 = arith.constant 0 : i32
    %dma_start3A_117 = tpu.memref_slice %arg7[%dma_start3A_107, %dma_start3A_116] : memref<125x80xi32, #tpu.memory_space<vmem>> -> memref<1x80xi32, #tpu.memory_space<vmem>>
    %dma_start3A_118 = tpu.memref_squeeze %dma_start3A_117 : memref<1x80xi32, #tpu.memory_space<vmem>> -> memref<80xi32, #tpu.memory_space<vmem>>
    %dma_start3A_119 = arith.constant 0 : i32
    %dma_start3A_120 = arith.constant 0 : i32
    %dma_start3A_121 = tpu.memref_slice %arg2[%dma_start3A_119, %dma_start3A_120] : memref<10000x32xf32, #tpu.memory_space<hbm>> -> memref<10000x32xf32, #tpu.memory_space<hbm>>
    %dma_start3A_122 = tpu.memref_slice %arg12[%dma_start3A_110, %dma_start3A_111] : memref<2x5x!tpu.dma_semaphore, #tpu.memory_space<semaphore_mem>> -> memref<1x1x!tpu.dma_semaphore, #tpu.memory_space<semaphore_mem>>
    %dma_start3A_123 = tpu.memref_squeeze %dma_start3A_122 : memref<1x1x!tpu.dma_semaphore, #tpu.memory_space<semaphore_mem>> -> memref<!tpu.dma_semaphore, #tpu.memory_space<semaphore_mem>>
    tpu.enqueue_indirect_dma source(%dma_start3A_121 : memref<10000x32xf32, #tpu.memory_space<hbm>>) target(%dma_start3A_115 : memref<80x32xf32, #tpu.memory_space<vmem>>) offsets(%dma_start3A_118 : memref<80xi32, #tpu.memory_space<vmem>>) semaphore(%dma_start3A_123 : memref<!tpu.dma_semaphore, #tpu.memory_space<semaphore_mem>>)
    %dma_start3A_124 = arith.constant 7 : i32
    %dma_start3A_125 = arith.constant 1 : i32
    %dma_start3A_126 = arith.constant 2 : i32
    %dma_start3A_127 = arith.constant 1 : i32
    %dma_start3A_128 = arith.constant 2 : i32
    %dma_start3A_129 = arith.constant 0 : i32
    %dma_start3A_130 = arith.constant 0 : i32
    %dma_start3A_131 = tpu.memref_slice %arg9[%dma_start3A_125, %dma_start3A_126, %dma_start3A_129, %dma_start3A_130] : memref<2x5x80x32xf32, #tpu.memory_space<vmem>> -> memref<1x1x80x32xf32, #tpu.memory_space<vmem>>
    %dma_start3A_132 = tpu.memref_squeeze %dma_start3A_131 : memref<1x1x80x32xf32, #tpu.memory_space<vmem>> -> memref<80x32xf32, #tpu.memory_space<vmem>>
    %dma_start3A_133 = arith.constant 0 : i32
    %dma_start3A_134 = tpu.memref_slice %arg7[%dma_start3A_124, %dma_start3A_133] : memref<125x80xi32, #tpu.memory_space<vmem>> -> memref<1x80xi32, #tpu.memory_space<vmem>>
    %dma_start3A_135 = tpu.memref_squeeze %dma_start3A_134 : memref<1x80xi32, #tpu.memory_space<vmem>> -> memref<80xi32, #tpu.memory_space<vmem>>
    %dma_start3A_136 = arith.constant 0 : i32
    %dma_start3A_137 = arith.constant 0 : i32
    %dma_start3A_138 = tpu.memref_slice %arg2[%dma_start3A_136, %dma_start3A_137] : memref<10000x32xf32, #tpu.memory_space<hbm>> -> memref<10000x32xf32, #tpu.memory_space<hbm>>
    %dma_start3A_139 = tpu.memref_slice %arg12[%dma_start3A_127, %dma_start3A_128] : memref<2x5x!tpu.dma_semaphore, #tpu.memory_space<semaphore_mem>> -> memref<1x1x!tpu.dma_semaphore, #tpu.memory_space<semaphore_mem>>
    %dma_start3A_140 = tpu.memref_squeeze %dma_start3A_139 : memref<1x1x!tpu.dma_semaphore, #tpu.memory_space<semaphore_mem>> -> memref<!tpu.dma_semaphore, #tpu.memory_space<semaphore_mem>>
    tpu.enqueue_indirect_dma source(%dma_start3A_138 : memref<10000x32xf32, #tpu.memory_space<hbm>>) target(%dma_start3A_132 : memref<80x32xf32, #tpu.memory_space<vmem>>) offsets(%dma_start3A_135 : memref<80xi32, #tpu.memory_space<vmem>>) semaphore(%dma_start3A_140 : memref<!tpu.dma_semaphore, #tpu.memory_space<semaphore_mem>>)
    %dma_start3A_141 = arith.constant 8 : i32
    %dma_start3A_142 = arith.constant 1 : i32
    %dma_start3A_143 = arith.constant 3 : i32
    %dma_start3A_144 = arith.constant 1 : i32
    %dma_start3A_145 = arith.constant 3 : i32
    %dma_start3A_146 = arith.constant 0 : i32
    %dma_start3A_147 = arith.constant 0 : i32
    %dma_start3A_148 = tpu.memref_slice %arg9[%dma_start3A_142, %dma_start3A_143, %dma_start3A_146, %dma_start3A_147] : memref<2x5x80x32xf32, #tpu.memory_space<vmem>> -> memref<1x1x80x32xf32, #tpu.memory_space<vmem>>
    %dma_start3A_149 = tpu.memref_squeeze %dma_start3A_148 : memref<1x1x80x32xf32, #tpu.memory_space<vmem>> -> memref<80x32xf32, #tpu.memory_space<vmem>>
    %dma_start3A_150 = arith.constant 0 : i32
    %dma_start3A_151 = tpu.memref_slice %arg7[%dma_start3A_141, %dma_start3A_150] : memref<125x80xi32, #tpu.memory_space<vmem>> -> memref<1x80xi32, #tpu.memory_space<vmem>>
    %dma_start3A_152 = tpu.memref_squeeze %dma_start3A_151 : memref<1x80xi32, #tpu.memory_space<vmem>> -> memref<80xi32, #tpu.memory_space<vmem>>
    %dma_start3A_153 = arith.constant 0 : i32
    %dma_start3A_154 = arith.constant 0 : i32
    %dma_start3A_155 = tpu.memref_slice %arg2[%dma_start3A_153, %dma_start3A_154] : memref<10000x32xf32, #tpu.memory_space<hbm>> -> memref<10000x32xf32, #tpu.memory_space<hbm>>
    %dma_start3A_156 = tpu.memref_slice %arg12[%dma_start3A_144, %dma_start3A_145] : memref<2x5x!tpu.dma_semaphore, #tpu.memory_space<semaphore_mem>> -> memref<1x1x!tpu.dma_semaphore, #tpu.memory_space<semaphore_mem>>
    %dma_start3A_157 = tpu.memref_squeeze %dma_start3A_156 : memref<1x1x!tpu.dma_semaphore, #tpu.memory_space<semaphore_mem>> -> memref<!tpu.dma_semaphore, #tpu.memory_space<semaphore_mem>>
    tpu.enqueue_indirect_dma source(%dma_start3A_155 : memref<10000x32xf32, #tpu.memory_space<hbm>>) target(%dma_start3A_149 : memref<80x32xf32, #tpu.memory_space<vmem>>) offsets(%dma_start3A_152 : memref<80xi32, #tpu.memory_space<vmem>>) semaphore(%dma_start3A_157 : memref<!tpu.dma_semaphore, #tpu.memory_space<semaphore_mem>>)
    %dma_start3A_158 = arith.constant 9 : i32
    %dma_start3A_159 = arith.constant 1 : i32
    %dma_start3A_160 = arith.constant 4 : i32
    %dma_start3A_161 = arith.constant 1 : i32
    %dma_start3A_162 = arith.constant 4 : i32
    %dma_start3A_163 = arith.constant 0 : i32
    %dma_start3A_164 = arith.constant 0 : i32
    %dma_start3A_165 = tpu.memref_slice %arg9[%dma_start3A_159, %dma_start3A_160, %dma_start3A_163, %dma_start3A_164] : memref<2x5x80x32xf32, #tpu.memory_space<vmem>> -> memref<1x1x80x32xf32, #tpu.memory_space<vmem>>
    %dma_start3A_166 = tpu.memref_squeeze %dma_start3A_165 : memref<1x1x80x32xf32, #tpu.memory_space<vmem>> -> memref<80x32xf32, #tpu.memory_space<vmem>>
    %dma_start3A_167 = arith.constant 0 : i32
    %dma_start3A_168 = tpu.memref_slice %arg7[%dma_start3A_158, %dma_start3A_167] : memref<125x80xi32, #tpu.memory_space<vmem>> -> memref<1x80xi32, #tpu.memory_space<vmem>>
    %dma_start3A_169 = tpu.memref_squeeze %dma_start3A_168 : memref<1x80xi32, #tpu.memory_space<vmem>> -> memref<80xi32, #tpu.memory_space<vmem>>
    %dma_start3A_170 = arith.constant 0 : i32
    %dma_start3A_171 = arith.constant 0 : i32
    %dma_start3A_172 = tpu.memref_slice %arg2[%dma_start3A_170, %dma_start3A_171] : memref<10000x32xf32, #tpu.memory_space<hbm>> -> memref<10000x32xf32, #tpu.memory_space<hbm>>
    %dma_start3A_173 = tpu.memref_slice %arg12[%dma_start3A_161, %dma_start3A_162] : memref<2x5x!tpu.dma_semaphore, #tpu.memory_space<semaphore_mem>> -> memref<1x1x!tpu.dma_semaphore, #tpu.memory_space<semaphore_mem>>
    %dma_start3A_174 = tpu.memref_squeeze %dma_start3A_173 : memref<1x1x!tpu.dma_semaphore, #tpu.memory_space<semaphore_mem>> -> memref<!tpu.dma_semaphore, #tpu.memory_space<semaphore_mem>>
    tpu.enqueue_indirect_dma source(%dma_start3A_172 : memref<10000x32xf32, #tpu.memory_space<hbm>>) target(%dma_start3A_166 : memref<80x32xf32, #tpu.memory_space<vmem>>) offsets(%dma_start3A_169 : memref<80xi32, #tpu.memory_space<vmem>>) semaphore(%dma_start3A_174 : memref<!tpu.dma_semaphore, #tpu.memory_space<semaphore_mem>>)
    %scan3A = arith.constant 0 : i32
    %scan3A_175 = arith.constant 0 : i32
    %scan3A_176 = arith.constant 12 : i32
    %scan3A_177 = arith.addi %scan3A_175, %scan3A_176 : i32
    %scan3A_178 = arith.constant 1 : i32
    scf.for %scan3A_444 = %scan3A_175 to %scan3A_177 step %scan3A_178  : i32 {
      %mul3A_445 = arith.constant 10 : i32
      %mul3A_446 = arith.muli %mul3A_445, %scan3A_444 : i32
      %add3A_447 = arith.constant 5 : i32
      %add3A_448 = arith.addi %mul3A_446, %add3A_447 : i32
      %add3A_449 = arith.constant 0 : i32
      %add3A_450 = arith.addi %mul3A_446, %add3A_449 : i32
      %dma_wait3A_451 = arith.constant 0 : i32
      %dma_wait3A_452 = arith.constant 0 : i32
      %dma_wait3A_453 = arith.constant 0 : i32
      %dma_wait3A_454 = arith.constant 0 : i32
      %dma_wait3A_455 = arith.constant 0 : i32
      %dma_wait3A_456 = arith.constant 0 : i32
      %dma_wait3A_457 = tpu.memref_slice %arg9[%dma_wait3A_451, %dma_wait3A_452, %dma_wait3A_455, %dma_wait3A_456] : memref<2x5x80x32xf32, #tpu.memory_space<vmem>> -> memref<1x1x80x32xf32, #tpu.memory_space<vmem>>
      %dma_wait3A_458 = tpu.memref_squeeze %dma_wait3A_457 : memref<1x1x80x32xf32, #tpu.memory_space<vmem>> -> memref<80x32xf32, #tpu.memory_space<vmem>>
      %dma_wait3A_459 = arith.constant 0 : i32
      %dma_wait3A_460 = tpu.memref_slice %arg7[%add3A_450, %dma_wait3A_459] : memref<125x80xi32, #tpu.memory_space<vmem>> -> memref<1x80xi32, #tpu.memory_space<vmem>>
      %dma_wait3A_461 = tpu.memref_squeeze %dma_wait3A_460 : memref<1x80xi32, #tpu.memory_space<vmem>> -> memref<80xi32, #tpu.memory_space<vmem>>
      %dma_wait3A_462 = arith.constant 0 : i32
      %dma_wait3A_463 = arith.constant 0 : i32
      %dma_wait3A_464 = tpu.memref_slice %arg2[%dma_wait3A_462, %dma_wait3A_463] : memref<10000x32xf32, #tpu.memory_space<hbm>> -> memref<10000x32xf32, #tpu.memory_space<hbm>>
      %dma_wait3A_465 = tpu.memref_slice %arg12[%dma_wait3A_453, %dma_wait3A_454] : memref<2x5x!tpu.dma_semaphore, #tpu.memory_space<semaphore_mem>> -> memref<1x1x!tpu.dma_semaphore, #tpu.memory_space<semaphore_mem>>
      %dma_wait3A_466 = tpu.memref_squeeze %dma_wait3A_465 : memref<1x1x!tpu.dma_semaphore, #tpu.memory_space<semaphore_mem>> -> memref<!tpu.dma_semaphore, #tpu.memory_space<semaphore_mem>>
      tpu.wait_indirect_dma semaphore(%dma_wait3A_466 : memref<!tpu.dma_semaphore, #tpu.memory_space<semaphore_mem>>) src(%dma_wait3A_464 : memref<10000x32xf32, #tpu.memory_space<hbm>>) dst(%dma_wait3A_458 : memref<80x32xf32, #tpu.memory_space<vmem>>)
      %add3A_467 = arith.constant 0 : i32
      %add3A_468 = arith.addi %mul3A_446, %add3A_467 : i32
      %dma_start3A_469 = arith.constant 0 : i32
      %dma_start3A_470 = arith.constant 0 : i32
      %dma_start3A_471 = arith.constant 0 : i32
      %dma_start3A_472 = arith.constant 0 : i32
      %dma_start3A_473 = arith.constant 0 : i32
      %dma_start3A_474 = arith.constant 0 : i32
      %dma_start3A_475 = tpu.memref_slice %arg9[%dma_start3A_469, %dma_start3A_470, %dma_start3A_473, %dma_start3A_474] : memref<2x5x80x32xf32, #tpu.memory_space<vmem>> -> memref<1x1x80x32xf32, #tpu.memory_space<vmem>>
      %dma_start3A_476 = tpu.memref_squeeze %dma_start3A_475 : memref<1x1x80x32xf32, #tpu.memory_space<vmem>> -> memref<80x32xf32, #tpu.memory_space<vmem>>
      %dma_start3A_477 = arith.constant 0 : i32
      %dma_start3A_478 = tpu.memref_slice %arg8[%add3A_468, %dma_start3A_477] : memref<125x80xi32, #tpu.memory_space<vmem>> -> memref<1x80xi32, #tpu.memory_space<vmem>>
      %dma_start3A_479 = tpu.memref_squeeze %dma_start3A_478 : memref<1x80xi32, #tpu.memory_space<vmem>> -> memref<80xi32, #tpu.memory_space<vmem>>
      %dma_start3A_480 = arith.constant 0 : i32
      %dma_start3A_481 = arith.constant 0 : i32
      %dma_start3A_482 = tpu.memref_slice %arg11[%dma_start3A_480, %dma_start3A_481] : memref<10112x32xf32, #tpu.memory_space<vmem_shared>> -> memref<10112x32xf32, #tpu.memory_space<vmem_shared>>
      %dma_start3A_483 = tpu.memref_slice %arg13[%dma_start3A_471, %dma_start3A_472] : memref<2x5x!tpu.dma_semaphore, #tpu.memory_space<semaphore_mem>> -> memref<1x1x!tpu.dma_semaphore, #tpu.memory_space<semaphore_mem>>
      %dma_start3A_484 = tpu.memref_squeeze %dma_start3A_483 : memref<1x1x!tpu.dma_semaphore, #tpu.memory_space<semaphore_mem>> -> memref<!tpu.dma_semaphore, #tpu.memory_space<semaphore_mem>>
      tpu.enqueue_indirect_dma source(%dma_start3A_476 : memref<80x32xf32, #tpu.memory_space<vmem>>) target(%dma_start3A_482 : memref<10112x32xf32, #tpu.memory_space<vmem_shared>>) offsets(%dma_start3A_479 : memref<80xi32, #tpu.memory_space<vmem>>) semaphore(%dma_start3A_484 : memref<!tpu.dma_semaphore, #tpu.memory_space<semaphore_mem>>) {add = true}
      %add3A_485 = arith.constant 1 : i32
      %add3A_486 = arith.addi %mul3A_446, %add3A_485 : i32
      %dma_wait3A_487 = arith.constant 0 : i32
      %dma_wait3A_488 = arith.constant 1 : i32
      %dma_wait3A_489 = arith.constant 0 : i32
      %dma_wait3A_490 = arith.constant 1 : i32
      %dma_wait3A_491 = arith.constant 0 : i32
      %dma_wait3A_492 = arith.constant 0 : i32
      %dma_wait3A_493 = tpu.memref_slice %arg9[%dma_wait3A_487, %dma_wait3A_488, %dma_wait3A_491, %dma_wait3A_492] : memref<2x5x80x32xf32, #tpu.memory_space<vmem>> -> memref<1x1x80x32xf32, #tpu.memory_space<vmem>>
      %dma_wait3A_494 = tpu.memref_squeeze %dma_wait3A_493 : memref<1x1x80x32xf32, #tpu.memory_space<vmem>> -> memref<80x32xf32, #tpu.memory_space<vmem>>
      %dma_wait3A_495 = arith.constant 0 : i32
      %dma_wait3A_496 = tpu.memref_slice %arg7[%add3A_486, %dma_wait3A_495] : memref<125x80xi32, #tpu.memory_space<vmem>> -> memref<1x80xi32, #tpu.memory_space<vmem>>
      %dma_wait3A_497 = tpu.memref_squeeze %dma_wait3A_496 : memref<1x80xi32, #tpu.memory_space<vmem>> -> memref<80xi32, #tpu.memory_space<vmem>>
      %dma_wait3A_498 = arith.constant 0 : i32
      %dma_wait3A_499 = arith.constant 0 : i32
      %dma_wait3A_500 = tpu.memref_slice %arg2[%dma_wait3A_498, %dma_wait3A_499] : memref<10000x32xf32, #tpu.memory_space<hbm>> -> memref<10000x32xf32, #tpu.memory_space<hbm>>
      %dma_wait3A_501 = tpu.memref_slice %arg12[%dma_wait3A_489, %dma_wait3A_490] : memref<2x5x!tpu.dma_semaphore, #tpu.memory_space<semaphore_mem>> -> memref<1x1x!tpu.dma_semaphore, #tpu.memory_space<semaphore_mem>>
      %dma_wait3A_502 = tpu.memref_squeeze %dma_wait3A_501 : memref<1x1x!tpu.dma_semaphore, #tpu.memory_space<semaphore_mem>> -> memref<!tpu.dma_semaphore, #tpu.memory_space<semaphore_mem>>
      tpu.wait_indirect_dma semaphore(%dma_wait3A_502 : memref<!tpu.dma_semaphore, #tpu.memory_space<semaphore_mem>>) src(%dma_wait3A_500 : memref<10000x32xf32, #tpu.memory_space<hbm>>) dst(%dma_wait3A_494 : memref<80x32xf32, #tpu.memory_space<vmem>>)
      %add3A_503 = arith.constant 1 : i32
      %add3A_504 = arith.addi %mul3A_446, %add3A_503 : i32
      %dma_start3A_505 = arith.constant 0 : i32
      %dma_start3A_506 = arith.constant 1 : i32
      %dma_start3A_507 = arith.constant 0 : i32
      %dma_start3A_508 = arith.constant 1 : i32
      %dma_start3A_509 = arith.constant 0 : i32
      %dma_start3A_510 = arith.constant 0 : i32
      %dma_start3A_511 = tpu.memref_slice %arg9[%dma_start3A_505, %dma_start3A_506, %dma_start3A_509, %dma_start3A_510] : memref<2x5x80x32xf32, #tpu.memory_space<vmem>> -> memref<1x1x80x32xf32, #tpu.memory_space<vmem>>
      %dma_start3A_512 = tpu.memref_squeeze %dma_start3A_511 : memref<1x1x80x32xf32, #tpu.memory_space<vmem>> -> memref<80x32xf32, #tpu.memory_space<vmem>>
      %dma_start3A_513 = arith.constant 0 : i32
      %dma_start3A_514 = tpu.memref_slice %arg8[%add3A_504, %dma_start3A_513] : memref<125x80xi32, #tpu.memory_space<vmem>> -> memref<1x80xi32, #tpu.memory_space<vmem>>
      %dma_start3A_515 = tpu.memref_squeeze %dma_start3A_514 : memref<1x80xi32, #tpu.memory_space<vmem>> -> memref<80xi32, #tpu.memory_space<vmem>>
      %dma_start3A_516 = arith.constant 0 : i32
      %dma_start3A_517 = arith.constant 0 : i32
      %dma_start3A_518 = tpu.memref_slice %arg11[%dma_start3A_516, %dma_start3A_517] : memref<10112x32xf32, #tpu.memory_space<vmem_shared>> -> memref<10112x32xf32, #tpu.memory_space<vmem_shared>>
      %dma_start3A_519 = tpu.memref_slice %arg13[%dma_start3A_507, %dma_start3A_508] : memref<2x5x!tpu.dma_semaphore, #tpu.memory_space<semaphore_mem>> -> memref<1x1x!tpu.dma_semaphore, #tpu.memory_space<semaphore_mem>>
      %dma_start3A_520 = tpu.memref_squeeze %dma_start3A_519 : memref<1x1x!tpu.dma_semaphore, #tpu.memory_space<semaphore_mem>> -> memref<!tpu.dma_semaphore, #tpu.memory_space<semaphore_mem>>
      tpu.enqueue_indirect_dma source(%dma_start3A_512 : memref<80x32xf32, #tpu.memory_space<vmem>>) target(%dma_start3A_518 : memref<10112x32xf32, #tpu.memory_space<vmem_shared>>) offsets(%dma_start3A_515 : memref<80xi32, #tpu.memory_space<vmem>>) semaphore(%dma_start3A_520 : memref<!tpu.dma_semaphore, #tpu.memory_space<semaphore_mem>>) {add = true}
      %add3A_521 = arith.constant 2 : i32
      %add3A_522 = arith.addi %mul3A_446, %add3A_521 : i32
      %dma_wait3A_523 = arith.constant 0 : i32
      %dma_wait3A_524 = arith.constant 2 : i32
      %dma_wait3A_525 = arith.constant 0 : i32
      %dma_wait3A_526 = arith.constant 2 : i32
      %dma_wait3A_527 = arith.constant 0 : i32
      %dma_wait3A_528 = arith.constant 0 : i32
      %dma_wait3A_529 = tpu.memref_slice %arg9[%dma_wait3A_523, %dma_wait3A_524, %dma_wait3A_527, %dma_wait3A_528] : memref<2x5x80x32xf32, #tpu.memory_space<vmem>> -> memref<1x1x80x32xf32, #tpu.memory_space<vmem>>
      %dma_wait3A_530 = tpu.memref_squeeze %dma_wait3A_529 : memref<1x1x80x32xf32, #tpu.memory_space<vmem>> -> memref<80x32xf32, #tpu.memory_space<vmem>>
      %dma_wait3A_531 = arith.constant 0 : i32
      %dma_wait3A_532 = tpu.memref_slice %arg7[%add3A_522, %dma_wait3A_531] : memref<125x80xi32, #tpu.memory_space<vmem>> -> memref<1x80xi32, #tpu.memory_space<vmem>>
      %dma_wait3A_533 = tpu.memref_squeeze %dma_wait3A_532 : memref<1x80xi32, #tpu.memory_space<vmem>> -> memref<80xi32, #tpu.memory_space<vmem>>
      %dma_wait3A_534 = arith.constant 0 : i32
      %dma_wait3A_535 = arith.constant 0 : i32
      %dma_wait3A_536 = tpu.memref_slice %arg2[%dma_wait3A_534, %dma_wait3A_535] : memref<10000x32xf32, #tpu.memory_space<hbm>> -> memref<10000x32xf32, #tpu.memory_space<hbm>>
      %dma_wait3A_537 = tpu.memref_slice %arg12[%dma_wait3A_525, %dma_wait3A_526] : memref<2x5x!tpu.dma_semaphore, #tpu.memory_space<semaphore_mem>> -> memref<1x1x!tpu.dma_semaphore, #tpu.memory_space<semaphore_mem>>
      %dma_wait3A_538 = tpu.memref_squeeze %dma_wait3A_537 : memref<1x1x!tpu.dma_semaphore, #tpu.memory_space<semaphore_mem>> -> memref<!tpu.dma_semaphore, #tpu.memory_space<semaphore_mem>>
      tpu.wait_indirect_dma semaphore(%dma_wait3A_538 : memref<!tpu.dma_semaphore, #tpu.memory_space<semaphore_mem>>) src(%dma_wait3A_536 : memref<10000x32xf32, #tpu.memory_space<hbm>>) dst(%dma_wait3A_530 : memref<80x32xf32, #tpu.memory_space<vmem>>)
      %add3A_539 = arith.constant 2 : i32
      %add3A_540 = arith.addi %mul3A_446, %add3A_539 : i32
      %dma_start3A_541 = arith.constant 0 : i32
      %dma_start3A_542 = arith.constant 2 : i32
      %dma_start3A_543 = arith.constant 0 : i32
      %dma_start3A_544 = arith.constant 2 : i32
      %dma_start3A_545 = arith.constant 0 : i32
      %dma_start3A_546 = arith.constant 0 : i32
      %dma_start3A_547 = tpu.memref_slice %arg9[%dma_start3A_541, %dma_start3A_542, %dma_start3A_545, %dma_start3A_546] : memref<2x5x80x32xf32, #tpu.memory_space<vmem>> -> memref<1x1x80x32xf32, #tpu.memory_space<vmem>>
      %dma_start3A_548 = tpu.memref_squeeze %dma_start3A_547 : memref<1x1x80x32xf32, #tpu.memory_space<vmem>> -> memref<80x32xf32, #tpu.memory_space<vmem>>
      %dma_start3A_549 = arith.constant 0 : i32
      %dma_start3A_550 = tpu.memref_slice %arg8[%add3A_540, %dma_start3A_549] : memref<125x80xi32, #tpu.memory_space<vmem>> -> memref<1x80xi32, #tpu.memory_space<vmem>>
      %dma_start3A_551 = tpu.memref_squeeze %dma_start3A_550 : memref<1x80xi32, #tpu.memory_space<vmem>> -> memref<80xi32, #tpu.memory_space<vmem>>
      %dma_start3A_552 = arith.constant 0 : i32
      %dma_start3A_553 = arith.constant 0 : i32
      %dma_start3A_554 = tpu.memref_slice %arg11[%dma_start3A_552, %dma_start3A_553] : memref<10112x32xf32, #tpu.memory_space<vmem_shared>> -> memref<10112x32xf32, #tpu.memory_space<vmem_shared>>
      %dma_start3A_555 = tpu.memref_slice %arg13[%dma_start3A_543, %dma_start3A_544] : memref<2x5x!tpu.dma_semaphore, #tpu.memory_space<semaphore_mem>> -> memref<1x1x!tpu.dma_semaphore, #tpu.memory_space<semaphore_mem>>
      %dma_start3A_556 = tpu.memref_squeeze %dma_start3A_555 : memref<1x1x!tpu.dma_semaphore, #tpu.memory_space<semaphore_mem>> -> memref<!tpu.dma_semaphore, #tpu.memory_space<semaphore_mem>>
      tpu.enqueue_indirect_dma source(%dma_start3A_548 : memref<80x32xf32, #tpu.memory_space<vmem>>) target(%dma_start3A_554 : memref<10112x32xf32, #tpu.memory_space<vmem_shared>>) offsets(%dma_start3A_551 : memref<80xi32, #tpu.memory_space<vmem>>) semaphore(%dma_start3A_556 : memref<!tpu.dma_semaphore, #tpu.memory_space<semaphore_mem>>) {add = true}
      %add3A_557 = arith.constant 3 : i32
      %add3A_558 = arith.addi %mul3A_446, %add3A_557 : i32
      %dma_wait3A_559 = arith.constant 0 : i32
      %dma_wait3A_560 = arith.constant 3 : i32
      %dma_wait3A_561 = arith.constant 0 : i32
      %dma_wait3A_562 = arith.constant 3 : i32
      %dma_wait3A_563 = arith.constant 0 : i32
      %dma_wait3A_564 = arith.constant 0 : i32
      %dma_wait3A_565 = tpu.memref_slice %arg9[%dma_wait3A_559, %dma_wait3A_560, %dma_wait3A_563, %dma_wait3A_564] : memref<2x5x80x32xf32, #tpu.memory_space<vmem>> -> memref<1x1x80x32xf32, #tpu.memory_space<vmem>>
      %dma_wait3A_566 = tpu.memref_squeeze %dma_wait3A_565 : memref<1x1x80x32xf32, #tpu.memory_space<vmem>> -> memref<80x32xf32, #tpu.memory_space<vmem>>
      %dma_wait3A_567 = arith.constant 0 : i32
      %dma_wait3A_568 = tpu.memref_slice %arg7[%add3A_558, %dma_wait3A_567] : memref<125x80xi32, #tpu.memory_space<vmem>> -> memref<1x80xi32, #tpu.memory_space<vmem>>
      %dma_wait3A_569 = tpu.memref_squeeze %dma_wait3A_568 : memref<1x80xi32, #tpu.memory_space<vmem>> -> memref<80xi32, #tpu.memory_space<vmem>>
      %dma_wait3A_570 = arith.constant 0 : i32
      %dma_wait3A_571 = arith.constant 0 : i32
      %dma_wait3A_572 = tpu.memref_slice %arg2[%dma_wait3A_570, %dma_wait3A_571] : memref<10000x32xf32, #tpu.memory_space<hbm>> -> memref<10000x32xf32, #tpu.memory_space<hbm>>
      %dma_wait3A_573 = tpu.memref_slice %arg12[%dma_wait3A_561, %dma_wait3A_562] : memref<2x5x!tpu.dma_semaphore, #tpu.memory_space<semaphore_mem>> -> memref<1x1x!tpu.dma_semaphore, #tpu.memory_space<semaphore_mem>>
      %dma_wait3A_574 = tpu.memref_squeeze %dma_wait3A_573 : memref<1x1x!tpu.dma_semaphore, #tpu.memory_space<semaphore_mem>> -> memref<!tpu.dma_semaphore, #tpu.memory_space<semaphore_mem>>
      tpu.wait_indirect_dma semaphore(%dma_wait3A_574 : memref<!tpu.dma_semaphore, #tpu.memory_space<semaphore_mem>>) src(%dma_wait3A_572 : memref<10000x32xf32, #tpu.memory_space<hbm>>) dst(%dma_wait3A_566 : memref<80x32xf32, #tpu.memory_space<vmem>>)
      %add3A_575 = arith.constant 3 : i32
      %add3A_576 = arith.addi %mul3A_446, %add3A_575 : i32
      %dma_start3A_577 = arith.constant 0 : i32
      %dma_start3A_578 = arith.constant 3 : i32
      %dma_start3A_579 = arith.constant 0 : i32
      %dma_start3A_580 = arith.constant 3 : i32
      %dma_start3A_581 = arith.constant 0 : i32
      %dma_start3A_582 = arith.constant 0 : i32
      %dma_start3A_583 = tpu.memref_slice %arg9[%dma_start3A_577, %dma_start3A_578, %dma_start3A_581, %dma_start3A_582] : memref<2x5x80x32xf32, #tpu.memory_space<vmem>> -> memref<1x1x80x32xf32, #tpu.memory_space<vmem>>
      %dma_start3A_584 = tpu.memref_squeeze %dma_start3A_583 : memref<1x1x80x32xf32, #tpu.memory_space<vmem>> -> memref<80x32xf32, #tpu.memory_space<vmem>>
      %dma_start3A_585 = arith.constant 0 : i32
      %dma_start3A_586 = tpu.memref_slice %arg8[%add3A_576, %dma_start3A_585] : memref<125x80xi32, #tpu.memory_space<vmem>> -> memref<1x80xi32, #tpu.memory_space<vmem>>
      %dma_start3A_587 = tpu.memref_squeeze %dma_start3A_586 : memref<1x80xi32, #tpu.memory_space<vmem>> -> memref<80xi32, #tpu.memory_space<vmem>>
      %dma_start3A_588 = arith.constant 0 : i32
      %dma_start3A_589 = arith.constant 0 : i32
      %dma_start3A_590 = tpu.memref_slice %arg11[%dma_start3A_588, %dma_start3A_589] : memref<10112x32xf32, #tpu.memory_space<vmem_shared>> -> memref<10112x32xf32, #tpu.memory_space<vmem_shared>>
      %dma_start3A_591 = tpu.memref_slice %arg13[%dma_start3A_579, %dma_start3A_580] : memref<2x5x!tpu.dma_semaphore, #tpu.memory_space<semaphore_mem>> -> memref<1x1x!tpu.dma_semaphore, #tpu.memory_space<semaphore_mem>>
      %dma_start3A_592 = tpu.memref_squeeze %dma_start3A_591 : memref<1x1x!tpu.dma_semaphore, #tpu.memory_space<semaphore_mem>> -> memref<!tpu.dma_semaphore, #tpu.memory_space<semaphore_mem>>
      tpu.enqueue_indirect_dma source(%dma_start3A_584 : memref<80x32xf32, #tpu.memory_space<vmem>>) target(%dma_start3A_590 : memref<10112x32xf32, #tpu.memory_space<vmem_shared>>) offsets(%dma_start3A_587 : memref<80xi32, #tpu.memory_space<vmem>>) semaphore(%dma_start3A_592 : memref<!tpu.dma_semaphore, #tpu.memory_space<semaphore_mem>>) {add = true}
      %add3A_593 = arith.constant 4 : i32
      %add3A_594 = arith.addi %mul3A_446, %add3A_593 : i32
      %dma_wait3A_595 = arith.constant 0 : i32
      %dma_wait3A_596 = arith.constant 4 : i32
      %dma_wait3A_597 = arith.constant 0 : i32
      %dma_wait3A_598 = arith.constant 4 : i32
      %dma_wait3A_599 = arith.constant 0 : i32
      %dma_wait3A_600 = arith.constant 0 : i32
      %dma_wait3A_601 = tpu.memref_slice %arg9[%dma_wait3A_595, %dma_wait3A_596, %dma_wait3A_599, %dma_wait3A_600] : memref<2x5x80x32xf32, #tpu.memory_space<vmem>> -> memref<1x1x80x32xf32, #tpu.memory_space<vmem>>
      %dma_wait3A_602 = tpu.memref_squeeze %dma_wait3A_601 : memref<1x1x80x32xf32, #tpu.memory_space<vmem>> -> memref<80x32xf32, #tpu.memory_space<vmem>>
      %dma_wait3A_603 = arith.constant 0 : i32
      %dma_wait3A_604 = tpu.memref_slice %arg7[%add3A_594, %dma_wait3A_603] : memref<125x80xi32, #tpu.memory_space<vmem>> -> memref<1x80xi32, #tpu.memory_space<vmem>>
      %dma_wait3A_605 = tpu.memref_squeeze %dma_wait3A_604 : memref<1x80xi32, #tpu.memory_space<vmem>> -> memref<80xi32, #tpu.memory_space<vmem>>
      %dma_wait3A_606 = arith.constant 0 : i32
      %dma_wait3A_607 = arith.constant 0 : i32
      %dma_wait3A_608 = tpu.memref_slice %arg2[%dma_wait3A_606, %dma_wait3A_607] : memref<10000x32xf32, #tpu.memory_space<hbm>> -> memref<10000x32xf32, #tpu.memory_space<hbm>>
      %dma_wait3A_609 = tpu.memref_slice %arg12[%dma_wait3A_597, %dma_wait3A_598] : memref<2x5x!tpu.dma_semaphore, #tpu.memory_space<semaphore_mem>> -> memref<1x1x!tpu.dma_semaphore, #tpu.memory_space<semaphore_mem>>
      %dma_wait3A_610 = tpu.memref_squeeze %dma_wait3A_609 : memref<1x1x!tpu.dma_semaphore, #tpu.memory_space<semaphore_mem>> -> memref<!tpu.dma_semaphore, #tpu.memory_space<semaphore_mem>>
      tpu.wait_indirect_dma semaphore(%dma_wait3A_610 : memref<!tpu.dma_semaphore, #tpu.memory_space<semaphore_mem>>) src(%dma_wait3A_608 : memref<10000x32xf32, #tpu.memory_space<hbm>>) dst(%dma_wait3A_602 : memref<80x32xf32, #tpu.memory_space<vmem>>)
      %add3A_611 = arith.constant 4 : i32
      %add3A_612 = arith.addi %mul3A_446, %add3A_611 : i32
      %dma_start3A_613 = arith.constant 0 : i32
      %dma_start3A_614 = arith.constant 4 : i32
      %dma_start3A_615 = arith.constant 0 : i32
      %dma_start3A_616 = arith.constant 4 : i32
      %dma_start3A_617 = arith.constant 0 : i32
      %dma_start3A_618 = arith.constant 0 : i32
      %dma_start3A_619 = tpu.memref_slice %arg9[%dma_start3A_613, %dma_start3A_614, %dma_start3A_617, %dma_start3A_618] : memref<2x5x80x32xf32, #tpu.memory_space<vmem>> -> memref<1x1x80x32xf32, #tpu.memory_space<vmem>>
      %dma_start3A_620 = tpu.memref_squeeze %dma_start3A_619 : memref<1x1x80x32xf32, #tpu.memory_space<vmem>> -> memref<80x32xf32, #tpu.memory_space<vmem>>
      %dma_start3A_621 = arith.constant 0 : i32
      %dma_start3A_622 = tpu.memref_slice %arg8[%add3A_612, %dma_start3A_621] : memref<125x80xi32, #tpu.memory_space<vmem>> -> memref<1x80xi32, #tpu.memory_space<vmem>>
      %dma_start3A_623 = tpu.memref_squeeze %dma_start3A_622 : memref<1x80xi32, #tpu.memory_space<vmem>> -> memref<80xi32, #tpu.memory_space<vmem>>
      %dma_start3A_624 = arith.constant 0 : i32
      %dma_start3A_625 = arith.constant 0 : i32
      %dma_start3A_626 = tpu.memref_slice %arg11[%dma_start3A_624, %dma_start3A_625] : memref<10112x32xf32, #tpu.memory_space<vmem_shared>> -> memref<10112x32xf32, #tpu.memory_space<vmem_shared>>
      %dma_start3A_627 = tpu.memref_slice %arg13[%dma_start3A_615, %dma_start3A_616] : memref<2x5x!tpu.dma_semaphore, #tpu.memory_space<semaphore_mem>> -> memref<1x1x!tpu.dma_semaphore, #tpu.memory_space<semaphore_mem>>
      %dma_start3A_628 = tpu.memref_squeeze %dma_start3A_627 : memref<1x1x!tpu.dma_semaphore, #tpu.memory_space<semaphore_mem>> -> memref<!tpu.dma_semaphore, #tpu.memory_space<semaphore_mem>>
      tpu.enqueue_indirect_dma source(%dma_start3A_620 : memref<80x32xf32, #tpu.memory_space<vmem>>) target(%dma_start3A_626 : memref<10112x32xf32, #tpu.memory_space<vmem_shared>>) offsets(%dma_start3A_623 : memref<80xi32, #tpu.memory_space<vmem>>) semaphore(%dma_start3A_628 : memref<!tpu.dma_semaphore, #tpu.memory_space<semaphore_mem>>) {add = true}
      %add3A_629 = arith.constant 0 : i32
      %add3A_630 = arith.addi %mul3A_446, %add3A_629 : i32
      %dma_wait3A_631 = arith.constant 0 : i32
      %dma_wait3A_632 = arith.constant 0 : i32
      %dma_wait3A_633 = arith.constant 0 : i32
      %dma_wait3A_634 = arith.constant 0 : i32
      %dma_wait3A_635 = arith.constant 0 : i32
      %dma_wait3A_636 = arith.constant 0 : i32
      %dma_wait3A_637 = tpu.memref_slice %arg9[%dma_wait3A_631, %dma_wait3A_632, %dma_wait3A_635, %dma_wait3A_636] : memref<2x5x80x32xf32, #tpu.memory_space<vmem>> -> memref<1x1x80x32xf32, #tpu.memory_space<vmem>>
      %dma_wait3A_638 = tpu.memref_squeeze %dma_wait3A_637 : memref<1x1x80x32xf32, #tpu.memory_space<vmem>> -> memref<80x32xf32, #tpu.memory_space<vmem>>
      %dma_wait3A_639 = arith.constant 0 : i32
      %dma_wait3A_640 = tpu.memref_slice %arg8[%add3A_630, %dma_wait3A_639] : memref<125x80xi32, #tpu.memory_space<vmem>> -> memref<1x80xi32, #tpu.memory_space<vmem>>
      %dma_wait3A_641 = tpu.memref_squeeze %dma_wait3A_640 : memref<1x80xi32, #tpu.memory_space<vmem>> -> memref<80xi32, #tpu.memory_space<vmem>>
      %dma_wait3A_642 = arith.constant 0 : i32
      %dma_wait3A_643 = arith.constant 0 : i32
      %dma_wait3A_644 = tpu.memref_slice %arg11[%dma_wait3A_642, %dma_wait3A_643] : memref<10112x32xf32, #tpu.memory_space<vmem_shared>> -> memref<10112x32xf32, #tpu.memory_space<vmem_shared>>
      %dma_wait3A_645 = tpu.memref_slice %arg13[%dma_wait3A_633, %dma_wait3A_634] : memref<2x5x!tpu.dma_semaphore, #tpu.memory_space<semaphore_mem>> -> memref<1x1x!tpu.dma_semaphore, #tpu.memory_space<semaphore_mem>>
      %dma_wait3A_646 = tpu.memref_squeeze %dma_wait3A_645 : memref<1x1x!tpu.dma_semaphore, #tpu.memory_space<semaphore_mem>> -> memref<!tpu.dma_semaphore, #tpu.memory_space<semaphore_mem>>
      tpu.wait_indirect_dma semaphore(%dma_wait3A_646 : memref<!tpu.dma_semaphore, #tpu.memory_space<semaphore_mem>>) src(%dma_wait3A_638 : memref<80x32xf32, #tpu.memory_space<vmem>>) dst(%dma_wait3A_644 : memref<10112x32xf32, #tpu.memory_space<vmem_shared>>)
      %add3A_647 = arith.constant 10 : i32
      %add3A_648 = arith.addi %mul3A_446, %add3A_647 : i32
      %add3A_649 = arith.constant 0 : i32
      %add3A_650 = arith.addi %add3A_648, %add3A_649 : i32
      %dma_start3A_651 = arith.constant 0 : i32
      %dma_start3A_652 = arith.constant 0 : i32
      %dma_start3A_653 = arith.constant 0 : i32
      %dma_start3A_654 = arith.constant 0 : i32
      %dma_start3A_655 = arith.constant 0 : i32
      %dma_start3A_656 = arith.constant 0 : i32
      %dma_start3A_657 = tpu.memref_slice %arg9[%dma_start3A_651, %dma_start3A_652, %dma_start3A_655, %dma_start3A_656] : memref<2x5x80x32xf32, #tpu.memory_space<vmem>> -> memref<1x1x80x32xf32, #tpu.memory_space<vmem>>
      %dma_start3A_658 = tpu.memref_squeeze %dma_start3A_657 : memref<1x1x80x32xf32, #tpu.memory_space<vmem>> -> memref<80x32xf32, #tpu.memory_space<vmem>>
      %dma_start3A_659 = arith.constant 0 : i32
      %dma_start3A_660 = tpu.memref_slice %arg7[%add3A_650, %dma_start3A_659] : memref<125x80xi32, #tpu.memory_space<vmem>> -> memref<1x80xi32, #tpu.memory_space<vmem>>
      %dma_start3A_661 = tpu.memref_squeeze %dma_start3A_660 : memref<1x80xi32, #tpu.memory_space<vmem>> -> memref<80xi32, #tpu.memory_space<vmem>>
      %dma_start3A_662 = arith.constant 0 : i32
      %dma_start3A_663 = arith.constant 0 : i32
      %dma_start3A_664 = tpu.memref_slice %arg2[%dma_start3A_662, %dma_start3A_663] : memref<10000x32xf32, #tpu.memory_space<hbm>> -> memref<10000x32xf32, #tpu.memory_space<hbm>>
      %dma_start3A_665 = tpu.memref_slice %arg12[%dma_start3A_653, %dma_start3A_654] : memref<2x5x!tpu.dma_semaphore, #tpu.memory_space<semaphore_mem>> -> memref<1x1x!tpu.dma_semaphore, #tpu.memory_space<semaphore_mem>>
      %dma_start3A_666 = tpu.memref_squeeze %dma_start3A_665 : memref<1x1x!tpu.dma_semaphore, #tpu.memory_space<semaphore_mem>> -> memref<!tpu.dma_semaphore, #tpu.memory_space<semaphore_mem>>
      tpu.enqueue_indirect_dma source(%dma_start3A_664 : memref<10000x32xf32, #tpu.memory_space<hbm>>) target(%dma_start3A_658 : memref<80x32xf32, #tpu.memory_space<vmem>>) offsets(%dma_start3A_661 : memref<80xi32, #tpu.memory_space<vmem>>) semaphore(%dma_start3A_666 : memref<!tpu.dma_semaphore, #tpu.memory_space<semaphore_mem>>)
      %add3A_667 = arith.constant 1 : i32
      %add3A_668 = arith.addi %mul3A_446, %add3A_667 : i32
      %dma_wait3A_669 = arith.constant 0 : i32
      %dma_wait3A_670 = arith.constant 1 : i32
      %dma_wait3A_671 = arith.constant 0 : i32
      %dma_wait3A_672 = arith.constant 1 : i32
      %dma_wait3A_673 = arith.constant 0 : i32
      %dma_wait3A_674 = arith.constant 0 : i32
      %dma_wait3A_675 = tpu.memref_slice %arg9[%dma_wait3A_669, %dma_wait3A_670, %dma_wait3A_673, %dma_wait3A_674] : memref<2x5x80x32xf32, #tpu.memory_space<vmem>> -> memref<1x1x80x32xf32, #tpu.memory_space<vmem>>
      %dma_wait3A_676 = tpu.memref_squeeze %dma_wait3A_675 : memref<1x1x80x32xf32, #tpu.memory_space<vmem>> -> memref<80x32xf32, #tpu.memory_space<vmem>>
      %dma_wait3A_677 = arith.constant 0 : i32
      %dma_wait3A_678 = tpu.memref_slice %arg8[%add3A_668, %dma_wait3A_677] : memref<125x80xi32, #tpu.memory_space<vmem>> -> memref<1x80xi32, #tpu.memory_space<vmem>>
      %dma_wait3A_679 = tpu.memref_squeeze %dma_wait3A_678 : memref<1x80xi32, #tpu.memory_space<vmem>> -> memref<80xi32, #tpu.memory_space<vmem>>
      %dma_wait3A_680 = arith.constant 0 : i32
      %dma_wait3A_681 = arith.constant 0 : i32
      %dma_wait3A_682 = tpu.memref_slice %arg11[%dma_wait3A_680, %dma_wait3A_681] : memref<10112x32xf32, #tpu.memory_space<vmem_shared>> -> memref<10112x32xf32, #tpu.memory_space<vmem_shared>>
      %dma_wait3A_683 = tpu.memref_slice %arg13[%dma_wait3A_671, %dma_wait3A_672] : memref<2x5x!tpu.dma_semaphore, #tpu.memory_space<semaphore_mem>> -> memref<1x1x!tpu.dma_semaphore, #tpu.memory_space<semaphore_mem>>
      %dma_wait3A_684 = tpu.memref_squeeze %dma_wait3A_683 : memref<1x1x!tpu.dma_semaphore, #tpu.memory_space<semaphore_mem>> -> memref<!tpu.dma_semaphore, #tpu.memory_space<semaphore_mem>>
      tpu.wait_indirect_dma semaphore(%dma_wait3A_684 : memref<!tpu.dma_semaphore, #tpu.memory_space<semaphore_mem>>) src(%dma_wait3A_676 : memref<80x32xf32, #tpu.memory_space<vmem>>) dst(%dma_wait3A_682 : memref<10112x32xf32, #tpu.memory_space<vmem_shared>>)
      %add3A_685 = arith.constant 10 : i32
      %add3A_686 = arith.addi %mul3A_446, %add3A_685 : i32
      %add3A_687 = arith.constant 1 : i32
      %add3A_688 = arith.addi %add3A_686, %add3A_687 : i32
      %dma_start3A_689 = arith.constant 0 : i32
      %dma_start3A_690 = arith.constant 1 : i32
      %dma_start3A_691 = arith.constant 0 : i32
      %dma_start3A_692 = arith.constant 1 : i32
      %dma_start3A_693 = arith.constant 0 : i32
      %dma_start3A_694 = arith.constant 0 : i32
      %dma_start3A_695 = tpu.memref_slice %arg9[%dma_start3A_689, %dma_start3A_690, %dma_start3A_693, %dma_start3A_694] : memref<2x5x80x32xf32, #tpu.memory_space<vmem>> -> memref<1x1x80x32xf32, #tpu.memory_space<vmem>>
      %dma_start3A_696 = tpu.memref_squeeze %dma_start3A_695 : memref<1x1x80x32xf32, #tpu.memory_space<vmem>> -> memref<80x32xf32, #tpu.memory_space<vmem>>
      %dma_start3A_697 = arith.constant 0 : i32
      %dma_start3A_698 = tpu.memref_slice %arg7[%add3A_688, %dma_start3A_697] : memref<125x80xi32, #tpu.memory_space<vmem>> -> memref<1x80xi32, #tpu.memory_space<vmem>>
      %dma_start3A_699 = tpu.memref_squeeze %dma_start3A_698 : memref<1x80xi32, #tpu.memory_space<vmem>> -> memref<80xi32, #tpu.memory_space<vmem>>
      %dma_start3A_700 = arith.constant 0 : i32
      %dma_start3A_701 = arith.constant 0 : i32
      %dma_start3A_702 = tpu.memref_slice %arg2[%dma_start3A_700, %dma_start3A_701] : memref<10000x32xf32, #tpu.memory_space<hbm>> -> memref<10000x32xf32, #tpu.memory_space<hbm>>
      %dma_start3A_703 = tpu.memref_slice %arg12[%dma_start3A_691, %dma_start3A_692] : memref<2x5x!tpu.dma_semaphore, #tpu.memory_space<semaphore_mem>> -> memref<1x1x!tpu.dma_semaphore, #tpu.memory_space<semaphore_mem>>
      %dma_start3A_704 = tpu.memref_squeeze %dma_start3A_703 : memref<1x1x!tpu.dma_semaphore, #tpu.memory_space<semaphore_mem>> -> memref<!tpu.dma_semaphore, #tpu.memory_space<semaphore_mem>>
      tpu.enqueue_indirect_dma source(%dma_start3A_702 : memref<10000x32xf32, #tpu.memory_space<hbm>>) target(%dma_start3A_696 : memref<80x32xf32, #tpu.memory_space<vmem>>) offsets(%dma_start3A_699 : memref<80xi32, #tpu.memory_space<vmem>>) semaphore(%dma_start3A_704 : memref<!tpu.dma_semaphore, #tpu.memory_space<semaphore_mem>>)
      %add3A_705 = arith.constant 2 : i32
      %add3A_706 = arith.addi %mul3A_446, %add3A_705 : i32
      %dma_wait3A_707 = arith.constant 0 : i32
      %dma_wait3A_708 = arith.constant 2 : i32
      %dma_wait3A_709 = arith.constant 0 : i32
      %dma_wait3A_710 = arith.constant 2 : i32
      %dma_wait3A_711 = arith.constant 0 : i32
      %dma_wait3A_712 = arith.constant 0 : i32
      %dma_wait3A_713 = tpu.memref_slice %arg9[%dma_wait3A_707, %dma_wait3A_708, %dma_wait3A_711, %dma_wait3A_712] : memref<2x5x80x32xf32, #tpu.memory_space<vmem>> -> memref<1x1x80x32xf32, #tpu.memory_space<vmem>>
      %dma_wait3A_714 = tpu.memref_squeeze %dma_wait3A_713 : memref<1x1x80x32xf32, #tpu.memory_space<vmem>> -> memref<80x32xf32, #tpu.memory_space<vmem>>
      %dma_wait3A_715 = arith.constant 0 : i32
      %dma_wait3A_716 = tpu.memref_slice %arg8[%add3A_706, %dma_wait3A_715] : memref<125x80xi32, #tpu.memory_space<vmem>> -> memref<1x80xi32, #tpu.memory_space<vmem>>
      %dma_wait3A_717 = tpu.memref_squeeze %dma_wait3A_716 : memref<1x80xi32, #tpu.memory_space<vmem>> -> memref<80xi32, #tpu.memory_space<vmem>>
      %dma_wait3A_718 = arith.constant 0 : i32
      %dma_wait3A_719 = arith.constant 0 : i32
      %dma_wait3A_720 = tpu.memref_slice %arg11[%dma_wait3A_718, %dma_wait3A_719] : memref<10112x32xf32, #tpu.memory_space<vmem_shared>> -> memref<10112x32xf32, #tpu.memory_space<vmem_shared>>
      %dma_wait3A_721 = tpu.memref_slice %arg13[%dma_wait3A_709, %dma_wait3A_710] : memref<2x5x!tpu.dma_semaphore, #tpu.memory_space<semaphore_mem>> -> memref<1x1x!tpu.dma_semaphore, #tpu.memory_space<semaphore_mem>>
      %dma_wait3A_722 = tpu.memref_squeeze %dma_wait3A_721 : memref<1x1x!tpu.dma_semaphore, #tpu.memory_space<semaphore_mem>> -> memref<!tpu.dma_semaphore, #tpu.memory_space<semaphore_mem>>
      tpu.wait_indirect_dma semaphore(%dma_wait3A_722 : memref<!tpu.dma_semaphore, #tpu.memory_space<semaphore_mem>>) src(%dma_wait3A_714 : memref<80x32xf32, #tpu.memory_space<vmem>>) dst(%dma_wait3A_720 : memref<10112x32xf32, #tpu.memory_space<vmem_shared>>)
      %add3A_723 = arith.constant 10 : i32
      %add3A_724 = arith.addi %mul3A_446, %add3A_723 : i32
      %add3A_725 = arith.constant 2 : i32
      %add3A_726 = arith.addi %add3A_724, %add3A_725 : i32
      %dma_start3A_727 = arith.constant 0 : i32
      %dma_start3A_728 = arith.constant 2 : i32
      %dma_start3A_729 = arith.constant 0 : i32
      %dma_start3A_730 = arith.constant 2 : i32
      %dma_start3A_731 = arith.constant 0 : i32
      %dma_start3A_732 = arith.constant 0 : i32
      %dma_start3A_733 = tpu.memref_slice %arg9[%dma_start3A_727, %dma_start3A_728, %dma_start3A_731, %dma_start3A_732] : memref<2x5x80x32xf32, #tpu.memory_space<vmem>> -> memref<1x1x80x32xf32, #tpu.memory_space<vmem>>
      %dma_start3A_734 = tpu.memref_squeeze %dma_start3A_733 : memref<1x1x80x32xf32, #tpu.memory_space<vmem>> -> memref<80x32xf32, #tpu.memory_space<vmem>>
      %dma_start3A_735 = arith.constant 0 : i32
      %dma_start3A_736 = tpu.memref_slice %arg7[%add3A_726, %dma_start3A_735] : memref<125x80xi32, #tpu.memory_space<vmem>> -> memref<1x80xi32, #tpu.memory_space<vmem>>
      %dma_start3A_737 = tpu.memref_squeeze %dma_start3A_736 : memref<1x80xi32, #tpu.memory_space<vmem>> -> memref<80xi32, #tpu.memory_space<vmem>>
      %dma_start3A_738 = arith.constant 0 : i32
      %dma_start3A_739 = arith.constant 0 : i32
      %dma_start3A_740 = tpu.memref_slice %arg2[%dma_start3A_738, %dma_start3A_739] : memref<10000x32xf32, #tpu.memory_space<hbm>> -> memref<10000x32xf32, #tpu.memory_space<hbm>>
      %dma_start3A_741 = tpu.memref_slice %arg12[%dma_start3A_729, %dma_start3A_730] : memref<2x5x!tpu.dma_semaphore, #tpu.memory_space<semaphore_mem>> -> memref<1x1x!tpu.dma_semaphore, #tpu.memory_space<semaphore_mem>>
      %dma_start3A_742 = tpu.memref_squeeze %dma_start3A_741 : memref<1x1x!tpu.dma_semaphore, #tpu.memory_space<semaphore_mem>> -> memref<!tpu.dma_semaphore, #tpu.memory_space<semaphore_mem>>
      tpu.enqueue_indirect_dma source(%dma_start3A_740 : memref<10000x32xf32, #tpu.memory_space<hbm>>) target(%dma_start3A_734 : memref<80x32xf32, #tpu.memory_space<vmem>>) offsets(%dma_start3A_737 : memref<80xi32, #tpu.memory_space<vmem>>) semaphore(%dma_start3A_742 : memref<!tpu.dma_semaphore, #tpu.memory_space<semaphore_mem>>)
      %add3A_743 = arith.constant 3 : i32
      %add3A_744 = arith.addi %mul3A_446, %add3A_743 : i32
      %dma_wait3A_745 = arith.constant 0 : i32
      %dma_wait3A_746 = arith.constant 3 : i32
      %dma_wait3A_747 = arith.constant 0 : i32
      %dma_wait3A_748 = arith.constant 3 : i32
      %dma_wait3A_749 = arith.constant 0 : i32
      %dma_wait3A_750 = arith.constant 0 : i32
      %dma_wait3A_751 = tpu.memref_slice %arg9[%dma_wait3A_745, %dma_wait3A_746, %dma_wait3A_749, %dma_wait3A_750] : memref<2x5x80x32xf32, #tpu.memory_space<vmem>> -> memref<1x1x80x32xf32, #tpu.memory_space<vmem>>
      %dma_wait3A_752 = tpu.memref_squeeze %dma_wait3A_751 : memref<1x1x80x32xf32, #tpu.memory_space<vmem>> -> memref<80x32xf32, #tpu.memory_space<vmem>>
      %dma_wait3A_753 = arith.constant 0 : i32
      %dma_wait3A_754 = tpu.memref_slice %arg8[%add3A_744, %dma_wait3A_753] : memref<125x80xi32, #tpu.memory_space<vmem>> -> memref<1x80xi32, #tpu.memory_space<vmem>>
      %dma_wait3A_755 = tpu.memref_squeeze %dma_wait3A_754 : memref<1x80xi32, #tpu.memory_space<vmem>> -> memref<80xi32, #tpu.memory_space<vmem>>
      %dma_wait3A_756 = arith.constant 0 : i32
      %dma_wait3A_757 = arith.constant 0 : i32
      %dma_wait3A_758 = tpu.memref_slice %arg11[%dma_wait3A_756, %dma_wait3A_757] : memref<10112x32xf32, #tpu.memory_space<vmem_shared>> -> memref<10112x32xf32, #tpu.memory_space<vmem_shared>>
      %dma_wait3A_759 = tpu.memref_slice %arg13[%dma_wait3A_747, %dma_wait3A_748] : memref<2x5x!tpu.dma_semaphore, #tpu.memory_space<semaphore_mem>> -> memref<1x1x!tpu.dma_semaphore, #tpu.memory_space<semaphore_mem>>
      %dma_wait3A_760 = tpu.memref_squeeze %dma_wait3A_759 : memref<1x1x!tpu.dma_semaphore, #tpu.memory_space<semaphore_mem>> -> memref<!tpu.dma_semaphore, #tpu.memory_space<semaphore_mem>>
      tpu.wait_indirect_dma semaphore(%dma_wait3A_760 : memref<!tpu.dma_semaphore, #tpu.memory_space<semaphore_mem>>) src(%dma_wait3A_752 : memref<80x32xf32, #tpu.memory_space<vmem>>) dst(%dma_wait3A_758 : memref<10112x32xf32, #tpu.memory_space<vmem_shared>>)
      %add3A_761 = arith.constant 10 : i32
      %add3A_762 = arith.addi %mul3A_446, %add3A_761 : i32
      %add3A_763 = arith.constant 3 : i32
      %add3A_764 = arith.addi %add3A_762, %add3A_763 : i32
      %dma_start3A_765 = arith.constant 0 : i32
      %dma_start3A_766 = arith.constant 3 : i32
      %dma_start3A_767 = arith.constant 0 : i32
      %dma_start3A_768 = arith.constant 3 : i32
      %dma_start3A_769 = arith.constant 0 : i32
      %dma_start3A_770 = arith.constant 0 : i32
      %dma_start3A_771 = tpu.memref_slice %arg9[%dma_start3A_765, %dma_start3A_766, %dma_start3A_769, %dma_start3A_770] : memref<2x5x80x32xf32, #tpu.memory_space<vmem>> -> memref<1x1x80x32xf32, #tpu.memory_space<vmem>>
      %dma_start3A_772 = tpu.memref_squeeze %dma_start3A_771 : memref<1x1x80x32xf32, #tpu.memory_space<vmem>> -> memref<80x32xf32, #tpu.memory_space<vmem>>
      %dma_start3A_773 = arith.constant 0 : i32
      %dma_start3A_774 = tpu.memref_slice %arg7[%add3A_764, %dma_start3A_773] : memref<125x80xi32, #tpu.memory_space<vmem>> -> memref<1x80xi32, #tpu.memory_space<vmem>>
      %dma_start3A_775 = tpu.memref_squeeze %dma_start3A_774 : memref<1x80xi32, #tpu.memory_space<vmem>> -> memref<80xi32, #tpu.memory_space<vmem>>
      %dma_start3A_776 = arith.constant 0 : i32
      %dma_start3A_777 = arith.constant 0 : i32
      %dma_start3A_778 = tpu.memref_slice %arg2[%dma_start3A_776, %dma_start3A_777] : memref<10000x32xf32, #tpu.memory_space<hbm>> -> memref<10000x32xf32, #tpu.memory_space<hbm>>
      %dma_start3A_779 = tpu.memref_slice %arg12[%dma_start3A_767, %dma_start3A_768] : memref<2x5x!tpu.dma_semaphore, #tpu.memory_space<semaphore_mem>> -> memref<1x1x!tpu.dma_semaphore, #tpu.memory_space<semaphore_mem>>
      %dma_start3A_780 = tpu.memref_squeeze %dma_start3A_779 : memref<1x1x!tpu.dma_semaphore, #tpu.memory_space<semaphore_mem>> -> memref<!tpu.dma_semaphore, #tpu.memory_space<semaphore_mem>>
      tpu.enqueue_indirect_dma source(%dma_start3A_778 : memref<10000x32xf32, #tpu.memory_space<hbm>>) target(%dma_start3A_772 : memref<80x32xf32, #tpu.memory_space<vmem>>) offsets(%dma_start3A_775 : memref<80xi32, #tpu.memory_space<vmem>>) semaphore(%dma_start3A_780 : memref<!tpu.dma_semaphore, #tpu.memory_space<semaphore_mem>>)
      %add3A_781 = arith.constant 4 : i32
      %add3A_782 = arith.addi %mul3A_446, %add3A_781 : i32
      %dma_wait3A_783 = arith.constant 0 : i32
      %dma_wait3A_784 = arith.constant 4 : i32
      %dma_wait3A_785 = arith.constant 0 : i32
      %dma_wait3A_786 = arith.constant 4 : i32
      %dma_wait3A_787 = arith.constant 0 : i32
      %dma_wait3A_788 = arith.constant 0 : i32
      %dma_wait3A_789 = tpu.memref_slice %arg9[%dma_wait3A_783, %dma_wait3A_784, %dma_wait3A_787, %dma_wait3A_788] : memref<2x5x80x32xf32, #tpu.memory_space<vmem>> -> memref<1x1x80x32xf32, #tpu.memory_space<vmem>>
      %dma_wait3A_790 = tpu.memref_squeeze %dma_wait3A_789 : memref<1x1x80x32xf32, #tpu.memory_space<vmem>> -> memref<80x32xf32, #tpu.memory_space<vmem>>
      %dma_wait3A_791 = arith.constant 0 : i32
      %dma_wait3A_792 = tpu.memref_slice %arg8[%add3A_782, %dma_wait3A_791] : memref<125x80xi32, #tpu.memory_space<vmem>> -> memref<1x80xi32, #tpu.memory_space<vmem>>
      %dma_wait3A_793 = tpu.memref_squeeze %dma_wait3A_792 : memref<1x80xi32, #tpu.memory_space<vmem>> -> memref<80xi32, #tpu.memory_space<vmem>>
      %dma_wait3A_794 = arith.constant 0 : i32
      %dma_wait3A_795 = arith.constant 0 : i32
      %dma_wait3A_796 = tpu.memref_slice %arg11[%dma_wait3A_794, %dma_wait3A_795] : memref<10112x32xf32, #tpu.memory_space<vmem_shared>> -> memref<10112x32xf32, #tpu.memory_space<vmem_shared>>
      %dma_wait3A_797 = tpu.memref_slice %arg13[%dma_wait3A_785, %dma_wait3A_786] : memref<2x5x!tpu.dma_semaphore, #tpu.memory_space<semaphore_mem>> -> memref<1x1x!tpu.dma_semaphore, #tpu.memory_space<semaphore_mem>>
      %dma_wait3A_798 = tpu.memref_squeeze %dma_wait3A_797 : memref<1x1x!tpu.dma_semaphore, #tpu.memory_space<semaphore_mem>> -> memref<!tpu.dma_semaphore, #tpu.memory_space<semaphore_mem>>
      tpu.wait_indirect_dma semaphore(%dma_wait3A_798 : memref<!tpu.dma_semaphore, #tpu.memory_space<semaphore_mem>>) src(%dma_wait3A_790 : memref<80x32xf32, #tpu.memory_space<vmem>>) dst(%dma_wait3A_796 : memref<10112x32xf32, #tpu.memory_space<vmem_shared>>)
      %add3A_799 = arith.constant 10 : i32
      %add3A_800 = arith.addi %mul3A_446, %add3A_799 : i32
      %add3A_801 = arith.constant 4 : i32
      %add3A_802 = arith.addi %add3A_800, %add3A_801 : i32
      %dma_start3A_803 = arith.constant 0 : i32
      %dma_start3A_804 = arith.constant 4 : i32
      %dma_start3A_805 = arith.constant 0 : i32
      %dma_start3A_806 = arith.constant 4 : i32
      %dma_start3A_807 = arith.constant 0 : i32
      %dma_start3A_808 = arith.constant 0 : i32
      %dma_start3A_809 = tpu.memref_slice %arg9[%dma_start3A_803, %dma_start3A_804, %dma_start3A_807, %dma_start3A_808] : memref<2x5x80x32xf32, #tpu.memory_space<vmem>> -> memref<1x1x80x32xf32, #tpu.memory_space<vmem>>
      %dma_start3A_810 = tpu.memref_squeeze %dma_start3A_809 : memref<1x1x80x32xf32, #tpu.memory_space<vmem>> -> memref<80x32xf32, #tpu.memory_space<vmem>>
      %dma_start3A_811 = arith.constant 0 : i32
      %dma_start3A_812 = tpu.memref_slice %arg7[%add3A_802, %dma_start3A_811] : memref<125x80xi32, #tpu.memory_space<vmem>> -> memref<1x80xi32, #tpu.memory_space<vmem>>
      %dma_start3A_813 = tpu.memref_squeeze %dma_start3A_812 : memref<1x80xi32, #tpu.memory_space<vmem>> -> memref<80xi32, #tpu.memory_space<vmem>>
      %dma_start3A_814 = arith.constant 0 : i32
      %dma_start3A_815 = arith.constant 0 : i32
      %dma_start3A_816 = tpu.memref_slice %arg2[%dma_start3A_814, %dma_start3A_815] : memref<10000x32xf32, #tpu.memory_space<hbm>> -> memref<10000x32xf32, #tpu.memory_space<hbm>>
      %dma_start3A_817 = tpu.memref_slice %arg12[%dma_start3A_805, %dma_start3A_806] : memref<2x5x!tpu.dma_semaphore, #tpu.memory_space<semaphore_mem>> -> memref<1x1x!tpu.dma_semaphore, #tpu.memory_space<semaphore_mem>>
      %dma_start3A_818 = tpu.memref_squeeze %dma_start3A_817 : memref<1x1x!tpu.dma_semaphore, #tpu.memory_space<semaphore_mem>> -> memref<!tpu.dma_semaphore, #tpu.memory_space<semaphore_mem>>
      tpu.enqueue_indirect_dma source(%dma_start3A_816 : memref<10000x32xf32, #tpu.memory_space<hbm>>) target(%dma_start3A_810 : memref<80x32xf32, #tpu.memory_space<vmem>>) offsets(%dma_start3A_813 : memref<80xi32, #tpu.memory_space<vmem>>) semaphore(%dma_start3A_818 : memref<!tpu.dma_semaphore, #tpu.memory_space<semaphore_mem>>)
      %add3A_819 = arith.constant 0 : i32
      %add3A_820 = arith.addi %add3A_448, %add3A_819 : i32
      %dma_wait3A_821 = arith.constant 1 : i32
      %dma_wait3A_822 = arith.constant 0 : i32
      %dma_wait3A_823 = arith.constant 1 : i32
      %dma_wait3A_824 = arith.constant 0 : i32
      %dma_wait3A_825 = arith.constant 0 : i32
      %dma_wait3A_826 = arith.constant 0 : i32
      %dma_wait3A_827 = tpu.memref_slice %arg9[%dma_wait3A_821, %dma_wait3A_822, %dma_wait3A_825, %dma_wait3A_826] : memref<2x5x80x32xf32, #tpu.memory_space<vmem>> -> memref<1x1x80x32xf32, #tpu.memory_space<vmem>>
      %dma_wait3A_828 = tpu.memref_squeeze %dma_wait3A_827 : memref<1x1x80x32xf32, #tpu.memory_space<vmem>> -> memref<80x32xf32, #tpu.memory_space<vmem>>
      %dma_wait3A_829 = arith.constant 0 : i32
      %dma_wait3A_830 = tpu.memref_slice %arg7[%add3A_820, %dma_wait3A_829] : memref<125x80xi32, #tpu.memory_space<vmem>> -> memref<1x80xi32, #tpu.memory_space<vmem>>
      %dma_wait3A_831 = tpu.memref_squeeze %dma_wait3A_830 : memref<1x80xi32, #tpu.memory_space<vmem>> -> memref<80xi32, #tpu.memory_space<vmem>>
      %dma_wait3A_832 = arith.constant 0 : i32
      %dma_wait3A_833 = arith.constant 0 : i32
      %dma_wait3A_834 = tpu.memref_slice %arg2[%dma_wait3A_832, %dma_wait3A_833] : memref<10000x32xf32, #tpu.memory_space<hbm>> -> memref<10000x32xf32, #tpu.memory_space<hbm>>
      %dma_wait3A_835 = tpu.memref_slice %arg12[%dma_wait3A_823, %dma_wait3A_824] : memref<2x5x!tpu.dma_semaphore, #tpu.memory_space<semaphore_mem>> -> memref<1x1x!tpu.dma_semaphore, #tpu.memory_space<semaphore_mem>>
      %dma_wait3A_836 = tpu.memref_squeeze %dma_wait3A_835 : memref<1x1x!tpu.dma_semaphore, #tpu.memory_space<semaphore_mem>> -> memref<!tpu.dma_semaphore, #tpu.memory_space<semaphore_mem>>
      tpu.wait_indirect_dma semaphore(%dma_wait3A_836 : memref<!tpu.dma_semaphore, #tpu.memory_space<semaphore_mem>>) src(%dma_wait3A_834 : memref<10000x32xf32, #tpu.memory_space<hbm>>) dst(%dma_wait3A_828 : memref<80x32xf32, #tpu.memory_space<vmem>>)
      %add3A_837 = arith.constant 0 : i32
      %add3A_838 = arith.addi %add3A_448, %add3A_837 : i32
      %dma_start3A_839 = arith.constant 1 : i32
      %dma_start3A_840 = arith.constant 0 : i32
      %dma_start3A_841 = arith.constant 1 : i32
      %dma_start3A_842 = arith.constant 0 : i32
      %dma_start3A_843 = arith.constant 0 : i32
      %dma_start3A_844 = arith.constant 0 : i32
      %dma_start3A_845 = tpu.memref_slice %arg9[%dma_start3A_839, %dma_start3A_840, %dma_start3A_843, %dma_start3A_844] : memref<2x5x80x32xf32, #tpu.memory_space<vmem>> -> memref<1x1x80x32xf32, #tpu.memory_space<vmem>>
      %dma_start3A_846 = tpu.memref_squeeze %dma_start3A_845 : memref<1x1x80x32xf32, #tpu.memory_space<vmem>> -> memref<80x32xf32, #tpu.memory_space<vmem>>
      %dma_start3A_847 = arith.constant 0 : i32
      %dma_start3A_848 = tpu.memref_slice %arg8[%add3A_838, %dma_start3A_847] : memref<125x80xi32, #tpu.memory_space<vmem>> -> memref<1x80xi32, #tpu.memory_space<vmem>>
      %dma_start3A_849 = tpu.memref_squeeze %dma_start3A_848 : memref<1x80xi32, #tpu.memory_space<vmem>> -> memref<80xi32, #tpu.memory_space<vmem>>
      %dma_start3A_850 = arith.constant 0 : i32
      %dma_start3A_851 = arith.constant 0 : i32
      %dma_start3A_852 = tpu.memref_slice %arg11[%dma_start3A_850, %dma_start3A_851] : memref<10112x32xf32, #tpu.memory_space<vmem_shared>> -> memref<10112x32xf32, #tpu.memory_space<vmem_shared>>
      %dma_start3A_853 = tpu.memref_slice %arg13[%dma_start3A_841, %dma_start3A_842] : memref<2x5x!tpu.dma_semaphore, #tpu.memory_space<semaphore_mem>> -> memref<1x1x!tpu.dma_semaphore, #tpu.memory_space<semaphore_mem>>
      %dma_start3A_854 = tpu.memref_squeeze %dma_start3A_853 : memref<1x1x!tpu.dma_semaphore, #tpu.memory_space<semaphore_mem>> -> memref<!tpu.dma_semaphore, #tpu.memory_space<semaphore_mem>>
      tpu.enqueue_indirect_dma source(%dma_start3A_846 : memref<80x32xf32, #tpu.memory_space<vmem>>) target(%dma_start3A_852 : memref<10112x32xf32, #tpu.memory_space<vmem_shared>>) offsets(%dma_start3A_849 : memref<80xi32, #tpu.memory_space<vmem>>) semaphore(%dma_start3A_854 : memref<!tpu.dma_semaphore, #tpu.memory_space<semaphore_mem>>) {add = true}
      %add3A_855 = arith.constant 1 : i32
      %add3A_856 = arith.addi %add3A_448, %add3A_855 : i32
      %dma_wait3A_857 = arith.constant 1 : i32
      %dma_wait3A_858 = arith.constant 1 : i32
      %dma_wait3A_859 = arith.constant 1 : i32
      %dma_wait3A_860 = arith.constant 1 : i32
      %dma_wait3A_861 = arith.constant 0 : i32
      %dma_wait3A_862 = arith.constant 0 : i32
      %dma_wait3A_863 = tpu.memref_slice %arg9[%dma_wait3A_857, %dma_wait3A_858, %dma_wait3A_861, %dma_wait3A_862] : memref<2x5x80x32xf32, #tpu.memory_space<vmem>> -> memref<1x1x80x32xf32, #tpu.memory_space<vmem>>
      %dma_wait3A_864 = tpu.memref_squeeze %dma_wait3A_863 : memref<1x1x80x32xf32, #tpu.memory_space<vmem>> -> memref<80x32xf32, #tpu.memory_space<vmem>>
      %dma_wait3A_865 = arith.constant 0 : i32
      %dma_wait3A_866 = tpu.memref_slice %arg7[%add3A_856, %dma_wait3A_865] : memref<125x80xi32, #tpu.memory_space<vmem>> -> memref<1x80xi32, #tpu.memory_space<vmem>>
      %dma_wait3A_867 = tpu.memref_squeeze %dma_wait3A_866 : memref<1x80xi32, #tpu.memory_space<vmem>> -> memref<80xi32, #tpu.memory_space<vmem>>
      %dma_wait3A_868 = arith.constant 0 : i32
      %dma_wait3A_869 = arith.constant 0 : i32
      %dma_wait3A_870 = tpu.memref_slice %arg2[%dma_wait3A_868, %dma_wait3A_869] : memref<10000x32xf32, #tpu.memory_space<hbm>> -> memref<10000x32xf32, #tpu.memory_space<hbm>>
      %dma_wait3A_871 = tpu.memref_slice %arg12[%dma_wait3A_859, %dma_wait3A_860] : memref<2x5x!tpu.dma_semaphore, #tpu.memory_space<semaphore_mem>> -> memref<1x1x!tpu.dma_semaphore, #tpu.memory_space<semaphore_mem>>
      %dma_wait3A_872 = tpu.memref_squeeze %dma_wait3A_871 : memref<1x1x!tpu.dma_semaphore, #tpu.memory_space<semaphore_mem>> -> memref<!tpu.dma_semaphore, #tpu.memory_space<semaphore_mem>>
      tpu.wait_indirect_dma semaphore(%dma_wait3A_872 : memref<!tpu.dma_semaphore, #tpu.memory_space<semaphore_mem>>) src(%dma_wait3A_870 : memref<10000x32xf32, #tpu.memory_space<hbm>>) dst(%dma_wait3A_864 : memref<80x32xf32, #tpu.memory_space<vmem>>)
      %add3A_873 = arith.constant 1 : i32
      %add3A_874 = arith.addi %add3A_448, %add3A_873 : i32
      %dma_start3A_875 = arith.constant 1 : i32
      %dma_start3A_876 = arith.constant 1 : i32
      %dma_start3A_877 = arith.constant 1 : i32
      %dma_start3A_878 = arith.constant 1 : i32
      %dma_start3A_879 = arith.constant 0 : i32
      %dma_start3A_880 = arith.constant 0 : i32
      %dma_start3A_881 = tpu.memref_slice %arg9[%dma_start3A_875, %dma_start3A_876, %dma_start3A_879, %dma_start3A_880] : memref<2x5x80x32xf32, #tpu.memory_space<vmem>> -> memref<1x1x80x32xf32, #tpu.memory_space<vmem>>
      %dma_start3A_882 = tpu.memref_squeeze %dma_start3A_881 : memref<1x1x80x32xf32, #tpu.memory_space<vmem>> -> memref<80x32xf32, #tpu.memory_space<vmem>>
      %dma_start3A_883 = arith.constant 0 : i32
      %dma_start3A_884 = tpu.memref_slice %arg8[%add3A_874, %dma_start3A_883] : memref<125x80xi32, #tpu.memory_space<vmem>> -> memref<1x80xi32, #tpu.memory_space<vmem>>
      %dma_start3A_885 = tpu.memref_squeeze %dma_start3A_884 : memref<1x80xi32, #tpu.memory_space<vmem>> -> memref<80xi32, #tpu.memory_space<vmem>>
      %dma_start3A_886 = arith.constant 0 : i32
      %dma_start3A_887 = arith.constant 0 : i32
      %dma_start3A_888 = tpu.memref_slice %arg11[%dma_start3A_886, %dma_start3A_887] : memref<10112x32xf32, #tpu.memory_space<vmem_shared>> -> memref<10112x32xf32, #tpu.memory_space<vmem_shared>>
      %dma_start3A_889 = tpu.memref_slice %arg13[%dma_start3A_877, %dma_start3A_878] : memref<2x5x!tpu.dma_semaphore, #tpu.memory_space<semaphore_mem>> -> memref<1x1x!tpu.dma_semaphore, #tpu.memory_space<semaphore_mem>>
      %dma_start3A_890 = tpu.memref_squeeze %dma_start3A_889 : memref<1x1x!tpu.dma_semaphore, #tpu.memory_space<semaphore_mem>> -> memref<!tpu.dma_semaphore, #tpu.memory_space<semaphore_mem>>
      tpu.enqueue_indirect_dma source(%dma_start3A_882 : memref<80x32xf32, #tpu.memory_space<vmem>>) target(%dma_start3A_888 : memref<10112x32xf32, #tpu.memory_space<vmem_shared>>) offsets(%dma_start3A_885 : memref<80xi32, #tpu.memory_space<vmem>>) semaphore(%dma_start3A_890 : memref<!tpu.dma_semaphore, #tpu.memory_space<semaphore_mem>>) {add = true}
      %add3A_891 = arith.constant 2 : i32
      %add3A_892 = arith.addi %add3A_448, %add3A_891 : i32
      %dma_wait3A_893 = arith.constant 1 : i32
      %dma_wait3A_894 = arith.constant 2 : i32
      %dma_wait3A_895 = arith.constant 1 : i32
      %dma_wait3A_896 = arith.constant 2 : i32
      %dma_wait3A_897 = arith.constant 0 : i32
      %dma_wait3A_898 = arith.constant 0 : i32
      %dma_wait3A_899 = tpu.memref_slice %arg9[%dma_wait3A_893, %dma_wait3A_894, %dma_wait3A_897, %dma_wait3A_898] : memref<2x5x80x32xf32, #tpu.memory_space<vmem>> -> memref<1x1x80x32xf32, #tpu.memory_space<vmem>>
      %dma_wait3A_900 = tpu.memref_squeeze %dma_wait3A_899 : memref<1x1x80x32xf32, #tpu.memory_space<vmem>> -> memref<80x32xf32, #tpu.memory_space<vmem>>
      %dma_wait3A_901 = arith.constant 0 : i32
      %dma_wait3A_902 = tpu.memref_slice %arg7[%add3A_892, %dma_wait3A_901] : memref<125x80xi32, #tpu.memory_space<vmem>> -> memref<1x80xi32, #tpu.memory_space<vmem>>
      %dma_wait3A_903 = tpu.memref_squeeze %dma_wait3A_902 : memref<1x80xi32, #tpu.memory_space<vmem>> -> memref<80xi32, #tpu.memory_space<vmem>>
      %dma_wait3A_904 = arith.constant 0 : i32
      %dma_wait3A_905 = arith.constant 0 : i32
      %dma_wait3A_906 = tpu.memref_slice %arg2[%dma_wait3A_904, %dma_wait3A_905] : memref<10000x32xf32, #tpu.memory_space<hbm>> -> memref<10000x32xf32, #tpu.memory_space<hbm>>
      %dma_wait3A_907 = tpu.memref_slice %arg12[%dma_wait3A_895, %dma_wait3A_896] : memref<2x5x!tpu.dma_semaphore, #tpu.memory_space<semaphore_mem>> -> memref<1x1x!tpu.dma_semaphore, #tpu.memory_space<semaphore_mem>>
      %dma_wait3A_908 = tpu.memref_squeeze %dma_wait3A_907 : memref<1x1x!tpu.dma_semaphore, #tpu.memory_space<semaphore_mem>> -> memref<!tpu.dma_semaphore, #tpu.memory_space<semaphore_mem>>
      tpu.wait_indirect_dma semaphore(%dma_wait3A_908 : memref<!tpu.dma_semaphore, #tpu.memory_space<semaphore_mem>>) src(%dma_wait3A_906 : memref<10000x32xf32, #tpu.memory_space<hbm>>) dst(%dma_wait3A_900 : memref<80x32xf32, #tpu.memory_space<vmem>>)
      %add3A_909 = arith.constant 2 : i32
      %add3A_910 = arith.addi %add3A_448, %add3A_909 : i32
      %dma_start3A_911 = arith.constant 1 : i32
      %dma_start3A_912 = arith.constant 2 : i32
      %dma_start3A_913 = arith.constant 1 : i32
      %dma_start3A_914 = arith.constant 2 : i32
      %dma_start3A_915 = arith.constant 0 : i32
      %dma_start3A_916 = arith.constant 0 : i32
      %dma_start3A_917 = tpu.memref_slice %arg9[%dma_start3A_911, %dma_start3A_912, %dma_start3A_915, %dma_start3A_916] : memref<2x5x80x32xf32, #tpu.memory_space<vmem>> -> memref<1x1x80x32xf32, #tpu.memory_space<vmem>>
      %dma_start3A_918 = tpu.memref_squeeze %dma_start3A_917 : memref<1x1x80x32xf32, #tpu.memory_space<vmem>> -> memref<80x32xf32, #tpu.memory_space<vmem>>
      %dma_start3A_919 = arith.constant 0 : i32
      %dma_start3A_920 = tpu.memref_slice %arg8[%add3A_910, %dma_start3A_919] : memref<125x80xi32, #tpu.memory_space<vmem>> -> memref<1x80xi32, #tpu.memory_space<vmem>>
      %dma_start3A_921 = tpu.memref_squeeze %dma_start3A_920 : memref<1x80xi32, #tpu.memory_space<vmem>> -> memref<80xi32, #tpu.memory_space<vmem>>
      %dma_start3A_922 = arith.constant 0 : i32
      %dma_start3A_923 = arith.constant 0 : i32
      %dma_start3A_924 = tpu.memref_slice %arg11[%dma_start3A_922, %dma_start3A_923] : memref<10112x32xf32, #tpu.memory_space<vmem_shared>> -> memref<10112x32xf32, #tpu.memory_space<vmem_shared>>
      %dma_start3A_925 = tpu.memref_slice %arg13[%dma_start3A_913, %dma_start3A_914] : memref<2x5x!tpu.dma_semaphore, #tpu.memory_space<semaphore_mem>> -> memref<1x1x!tpu.dma_semaphore, #tpu.memory_space<semaphore_mem>>
      %dma_start3A_926 = tpu.memref_squeeze %dma_start3A_925 : memref<1x1x!tpu.dma_semaphore, #tpu.memory_space<semaphore_mem>> -> memref<!tpu.dma_semaphore, #tpu.memory_space<semaphore_mem>>
      tpu.enqueue_indirect_dma source(%dma_start3A_918 : memref<80x32xf32, #tpu.memory_space<vmem>>) target(%dma_start3A_924 : memref<10112x32xf32, #tpu.memory_space<vmem_shared>>) offsets(%dma_start3A_921 : memref<80xi32, #tpu.memory_space<vmem>>) semaphore(%dma_start3A_926 : memref<!tpu.dma_semaphore, #tpu.memory_space<semaphore_mem>>) {add = true}
      %add3A_927 = arith.constant 3 : i32
      %add3A_928 = arith.addi %add3A_448, %add3A_927 : i32
      %dma_wait3A_929 = arith.constant 1 : i32
      %dma_wait3A_930 = arith.constant 3 : i32
      %dma_wait3A_931 = arith.constant 1 : i32
      %dma_wait3A_932 = arith.constant 3 : i32
      %dma_wait3A_933 = arith.constant 0 : i32
      %dma_wait3A_934 = arith.constant 0 : i32
      %dma_wait3A_935 = tpu.memref_slice %arg9[%dma_wait3A_929, %dma_wait3A_930, %dma_wait3A_933, %dma_wait3A_934] : memref<2x5x80x32xf32, #tpu.memory_space<vmem>> -> memref<1x1x80x32xf32, #tpu.memory_space<vmem>>
      %dma_wait3A_936 = tpu.memref_squeeze %dma_wait3A_935 : memref<1x1x80x32xf32, #tpu.memory_space<vmem>> -> memref<80x32xf32, #tpu.memory_space<vmem>>
      %dma_wait3A_937 = arith.constant 0 : i32
      %dma_wait3A_938 = tpu.memref_slice %arg7[%add3A_928, %dma_wait3A_937] : memref<125x80xi32, #tpu.memory_space<vmem>> -> memref<1x80xi32, #tpu.memory_space<vmem>>
      %dma_wait3A_939 = tpu.memref_squeeze %dma_wait3A_938 : memref<1x80xi32, #tpu.memory_space<vmem>> -> memref<80xi32, #tpu.memory_space<vmem>>
      %dma_wait3A_940 = arith.constant 0 : i32
      %dma_wait3A_941 = arith.constant 0 : i32
      %dma_wait3A_942 = tpu.memref_slice %arg2[%dma_wait3A_940, %dma_wait3A_941] : memref<10000x32xf32, #tpu.memory_space<hbm>> -> memref<10000x32xf32, #tpu.memory_space<hbm>>
      %dma_wait3A_943 = tpu.memref_slice %arg12[%dma_wait3A_931, %dma_wait3A_932] : memref<2x5x!tpu.dma_semaphore, #tpu.memory_space<semaphore_mem>> -> memref<1x1x!tpu.dma_semaphore, #tpu.memory_space<semaphore_mem>>
      %dma_wait3A_944 = tpu.memref_squeeze %dma_wait3A_943 : memref<1x1x!tpu.dma_semaphore, #tpu.memory_space<semaphore_mem>> -> memref<!tpu.dma_semaphore, #tpu.memory_space<semaphore_mem>>
      tpu.wait_indirect_dma semaphore(%dma_wait3A_944 : memref<!tpu.dma_semaphore, #tpu.memory_space<semaphore_mem>>) src(%dma_wait3A_942 : memref<10000x32xf32, #tpu.memory_space<hbm>>) dst(%dma_wait3A_936 : memref<80x32xf32, #tpu.memory_space<vmem>>)
      %add3A_945 = arith.constant 3 : i32
      %add3A_946 = arith.addi %add3A_448, %add3A_945 : i32
      %dma_start3A_947 = arith.constant 1 : i32
      %dma_start3A_948 = arith.constant 3 : i32
      %dma_start3A_949 = arith.constant 1 : i32
      %dma_start3A_950 = arith.constant 3 : i32
      %dma_start3A_951 = arith.constant 0 : i32
      %dma_start3A_952 = arith.constant 0 : i32
      %dma_start3A_953 = tpu.memref_slice %arg9[%dma_start3A_947, %dma_start3A_948, %dma_start3A_951, %dma_start3A_952] : memref<2x5x80x32xf32, #tpu.memory_space<vmem>> -> memref<1x1x80x32xf32, #tpu.memory_space<vmem>>
      %dma_start3A_954 = tpu.memref_squeeze %dma_start3A_953 : memref<1x1x80x32xf32, #tpu.memory_space<vmem>> -> memref<80x32xf32, #tpu.memory_space<vmem>>
      %dma_start3A_955 = arith.constant 0 : i32
      %dma_start3A_956 = tpu.memref_slice %arg8[%add3A_946, %dma_start3A_955] : memref<125x80xi32, #tpu.memory_space<vmem>> -> memref<1x80xi32, #tpu.memory_space<vmem>>
      %dma_start3A_957 = tpu.memref_squeeze %dma_start3A_956 : memref<1x80xi32, #tpu.memory_space<vmem>> -> memref<80xi32, #tpu.memory_space<vmem>>
      %dma_start3A_958 = arith.constant 0 : i32
      %dma_start3A_959 = arith.constant 0 : i32
      %dma_start3A_960 = tpu.memref_slice %arg11[%dma_start3A_958, %dma_start3A_959] : memref<10112x32xf32, #tpu.memory_space<vmem_shared>> -> memref<10112x32xf32, #tpu.memory_space<vmem_shared>>
      %dma_start3A_961 = tpu.memref_slice %arg13[%dma_start3A_949, %dma_start3A_950] : memref<2x5x!tpu.dma_semaphore, #tpu.memory_space<semaphore_mem>> -> memref<1x1x!tpu.dma_semaphore, #tpu.memory_space<semaphore_mem>>
      %dma_start3A_962 = tpu.memref_squeeze %dma_start3A_961 : memref<1x1x!tpu.dma_semaphore, #tpu.memory_space<semaphore_mem>> -> memref<!tpu.dma_semaphore, #tpu.memory_space<semaphore_mem>>
      tpu.enqueue_indirect_dma source(%dma_start3A_954 : memref<80x32xf32, #tpu.memory_space<vmem>>) target(%dma_start3A_960 : memref<10112x32xf32, #tpu.memory_space<vmem_shared>>) offsets(%dma_start3A_957 : memref<80xi32, #tpu.memory_space<vmem>>) semaphore(%dma_start3A_962 : memref<!tpu.dma_semaphore, #tpu.memory_space<semaphore_mem>>) {add = true}
      %add3A_963 = arith.constant 4 : i32
      %add3A_964 = arith.addi %add3A_448, %add3A_963 : i32
      %dma_wait3A_965 = arith.constant 1 : i32
      %dma_wait3A_966 = arith.constant 4 : i32
      %dma_wait3A_967 = arith.constant 1 : i32
      %dma_wait3A_968 = arith.constant 4 : i32
      %dma_wait3A_969 = arith.constant 0 : i32
      %dma_wait3A_970 = arith.constant 0 : i32
      %dma_wait3A_971 = tpu.memref_slice %arg9[%dma_wait3A_965, %dma_wait3A_966, %dma_wait3A_969, %dma_wait3A_970] : memref<2x5x80x32xf32, #tpu.memory_space<vmem>> -> memref<1x1x80x32xf32, #tpu.memory_space<vmem>>
      %dma_wait3A_972 = tpu.memref_squeeze %dma_wait3A_971 : memref<1x1x80x32xf32, #tpu.memory_space<vmem>> -> memref<80x32xf32, #tpu.memory_space<vmem>>
      %dma_wait3A_973 = arith.constant 0 : i32
      %dma_wait3A_974 = tpu.memref_slice %arg7[%add3A_964, %dma_wait3A_973] : memref<125x80xi32, #tpu.memory_space<vmem>> -> memref<1x80xi32, #tpu.memory_space<vmem>>
      %dma_wait3A_975 = tpu.memref_squeeze %dma_wait3A_974 : memref<1x80xi32, #tpu.memory_space<vmem>> -> memref<80xi32, #tpu.memory_space<vmem>>
      %dma_wait3A_976 = arith.constant 0 : i32
      %dma_wait3A_977 = arith.constant 0 : i32
      %dma_wait3A_978 = tpu.memref_slice %arg2[%dma_wait3A_976, %dma_wait3A_977] : memref<10000x32xf32, #tpu.memory_space<hbm>> -> memref<10000x32xf32, #tpu.memory_space<hbm>>
      %dma_wait3A_979 = tpu.memref_slice %arg12[%dma_wait3A_967, %dma_wait3A_968] : memref<2x5x!tpu.dma_semaphore, #tpu.memory_space<semaphore_mem>> -> memref<1x1x!tpu.dma_semaphore, #tpu.memory_space<semaphore_mem>>
      %dma_wait3A_980 = tpu.memref_squeeze %dma_wait3A_979 : memref<1x1x!tpu.dma_semaphore, #tpu.memory_space<semaphore_mem>> -> memref<!tpu.dma_semaphore, #tpu.memory_space<semaphore_mem>>
      tpu.wait_indirect_dma semaphore(%dma_wait3A_980 : memref<!tpu.dma_semaphore, #tpu.memory_space<semaphore_mem>>) src(%dma_wait3A_978 : memref<10000x32xf32, #tpu.memory_space<hbm>>) dst(%dma_wait3A_972 : memref<80x32xf32, #tpu.memory_space<vmem>>)
      %add3A_981 = arith.constant 4 : i32
      %add3A_982 = arith.addi %add3A_448, %add3A_981 : i32
      %dma_start3A_983 = arith.constant 1 : i32
      %dma_start3A_984 = arith.constant 4 : i32
      %dma_start3A_985 = arith.constant 1 : i32
      %dma_start3A_986 = arith.constant 4 : i32
      %dma_start3A_987 = arith.constant 0 : i32
      %dma_start3A_988 = arith.constant 0 : i32
      %dma_start3A_989 = tpu.memref_slice %arg9[%dma_start3A_983, %dma_start3A_984, %dma_start3A_987, %dma_start3A_988] : memref<2x5x80x32xf32, #tpu.memory_space<vmem>> -> memref<1x1x80x32xf32, #tpu.memory_space<vmem>>
      %dma_start3A_990 = tpu.memref_squeeze %dma_start3A_989 : memref<1x1x80x32xf32, #tpu.memory_space<vmem>> -> memref<80x32xf32, #tpu.memory_space<vmem>>
      %dma_start3A_991 = arith.constant 0 : i32
      %dma_start3A_992 = tpu.memref_slice %arg8[%add3A_982, %dma_start3A_991] : memref<125x80xi32, #tpu.memory_space<vmem>> -> memref<1x80xi32, #tpu.memory_space<vmem>>
      %dma_start3A_993 = tpu.memref_squeeze %dma_start3A_992 : memref<1x80xi32, #tpu.memory_space<vmem>> -> memref<80xi32, #tpu.memory_space<vmem>>
      %dma_start3A_994 = arith.constant 0 : i32
      %dma_start3A_995 = arith.constant 0 : i32
      %dma_start3A_996 = tpu.memref_slice %arg11[%dma_start3A_994, %dma_start3A_995] : memref<10112x32xf32, #tpu.memory_space<vmem_shared>> -> memref<10112x32xf32, #tpu.memory_space<vmem_shared>>
      %dma_start3A_997 = tpu.memref_slice %arg13[%dma_start3A_985, %dma_start3A_986] : memref<2x5x!tpu.dma_semaphore, #tpu.memory_space<semaphore_mem>> -> memref<1x1x!tpu.dma_semaphore, #tpu.memory_space<semaphore_mem>>
      %dma_start3A_998 = tpu.memref_squeeze %dma_start3A_997 : memref<1x1x!tpu.dma_semaphore, #tpu.memory_space<semaphore_mem>> -> memref<!tpu.dma_semaphore, #tpu.memory_space<semaphore_mem>>
      tpu.enqueue_indirect_dma source(%dma_start3A_990 : memref<80x32xf32, #tpu.memory_space<vmem>>) target(%dma_start3A_996 : memref<10112x32xf32, #tpu.memory_space<vmem_shared>>) offsets(%dma_start3A_993 : memref<80xi32, #tpu.memory_space<vmem>>) semaphore(%dma_start3A_998 : memref<!tpu.dma_semaphore, #tpu.memory_space<semaphore_mem>>) {add = true}
      %add3A_999 = arith.constant 0 : i32
      %add3A_1000 = arith.addi %add3A_448, %add3A_999 : i32
      %dma_wait3A_1001 = arith.constant 1 : i32
      %dma_wait3A_1002 = arith.constant 0 : i32
      %dma_wait3A_1003 = arith.constant 1 : i32
      %dma_wait3A_1004 = arith.constant 0 : i32
      %dma_wait3A_1005 = arith.constant 0 : i32
      %dma_wait3A_1006 = arith.constant 0 : i32
      %dma_wait3A_1007 = tpu.memref_slice %arg9[%dma_wait3A_1001, %dma_wait3A_1002, %dma_wait3A_1005, %dma_wait3A_1006] : memref<2x5x80x32xf32, #tpu.memory_space<vmem>> -> memref<1x1x80x32xf32, #tpu.memory_space<vmem>>
      %dma_wait3A_1008 = tpu.memref_squeeze %dma_wait3A_1007 : memref<1x1x80x32xf32, #tpu.memory_space<vmem>> -> memref<80x32xf32, #tpu.memory_space<vmem>>
      %dma_wait3A_1009 = arith.constant 0 : i32
      %dma_wait3A_1010 = tpu.memref_slice %arg8[%add3A_1000, %dma_wait3A_1009] : memref<125x80xi32, #tpu.memory_space<vmem>> -> memref<1x80xi32, #tpu.memory_space<vmem>>
      %dma_wait3A_1011 = tpu.memref_squeeze %dma_wait3A_1010 : memref<1x80xi32, #tpu.memory_space<vmem>> -> memref<80xi32, #tpu.memory_space<vmem>>
      %dma_wait3A_1012 = arith.constant 0 : i32
      %dma_wait3A_1013 = arith.constant 0 : i32
      %dma_wait3A_1014 = tpu.memref_slice %arg11[%dma_wait3A_1012, %dma_wait3A_1013] : memref<10112x32xf32, #tpu.memory_space<vmem_shared>> -> memref<10112x32xf32, #tpu.memory_space<vmem_shared>>
      %dma_wait3A_1015 = tpu.memref_slice %arg13[%dma_wait3A_1003, %dma_wait3A_1004] : memref<2x5x!tpu.dma_semaphore, #tpu.memory_space<semaphore_mem>> -> memref<1x1x!tpu.dma_semaphore, #tpu.memory_space<semaphore_mem>>
      %dma_wait3A_1016 = tpu.memref_squeeze %dma_wait3A_1015 : memref<1x1x!tpu.dma_semaphore, #tpu.memory_space<semaphore_mem>> -> memref<!tpu.dma_semaphore, #tpu.memory_space<semaphore_mem>>
      tpu.wait_indirect_dma semaphore(%dma_wait3A_1016 : memref<!tpu.dma_semaphore, #tpu.memory_space<semaphore_mem>>) src(%dma_wait3A_1008 : memref<80x32xf32, #tpu.memory_space<vmem>>) dst(%dma_wait3A_1014 : memref<10112x32xf32, #tpu.memory_space<vmem_shared>>)
      %add3A_1017 = arith.constant 1 : i32
      %add3A_1018 = arith.addi %scan3A_444, %add3A_1017 : i32
      %lt3A = arith.constant 12 : i32
      %lt3A_1019 = arith.cmpi slt, %add3A_1018, %lt3A : i32
      %convert_element_type3A_1020 = arith.extui %lt3A_1019 : i1 to i32
      %cond3A_1021 = arith.constant 0 : i32
      %cond3A_1022 = arith.cmpi ne, %convert_element_type3A_1020, %cond3A_1021 : i32
      scf.if %cond3A_1022 {
        %add3A_1123 = arith.constant 10 : i32
        %add3A_1124 = arith.addi %add3A_448, %add3A_1123 : i32
        %add3A_1125 = arith.constant 0 : i32
        %add3A_1126 = arith.addi %add3A_1124, %add3A_1125 : i32
        %dma_start3A_1127 = arith.constant 1 : i32
        %dma_start3A_1128 = arith.constant 0 : i32
        %dma_start3A_1129 = arith.constant 1 : i32
        %dma_start3A_1130 = arith.constant 0 : i32
        %dma_start3A_1131 = arith.constant 0 : i32
        %dma_start3A_1132 = arith.constant 0 : i32
        %dma_start3A_1133 = tpu.memref_slice %arg9[%dma_start3A_1127, %dma_start3A_1128, %dma_start3A_1131, %dma_start3A_1132] : memref<2x5x80x32xf32, #tpu.memory_space<vmem>> -> memref<1x1x80x32xf32, #tpu.memory_space<vmem>>
        %dma_start3A_1134 = tpu.memref_squeeze %dma_start3A_1133 : memref<1x1x80x32xf32, #tpu.memory_space<vmem>> -> memref<80x32xf32, #tpu.memory_space<vmem>>
        %dma_start3A_1135 = arith.constant 0 : i32
        %dma_start3A_1136 = tpu.memref_slice %arg7[%add3A_1126, %dma_start3A_1135] : memref<125x80xi32, #tpu.memory_space<vmem>> -> memref<1x80xi32, #tpu.memory_space<vmem>>
        %dma_start3A_1137 = tpu.memref_squeeze %dma_start3A_1136 : memref<1x80xi32, #tpu.memory_space<vmem>> -> memref<80xi32, #tpu.memory_space<vmem>>
        %dma_start3A_1138 = arith.constant 0 : i32
        %dma_start3A_1139 = arith.constant 0 : i32
        %dma_start3A_1140 = tpu.memref_slice %arg2[%dma_start3A_1138, %dma_start3A_1139] : memref<10000x32xf32, #tpu.memory_space<hbm>> -> memref<10000x32xf32, #tpu.memory_space<hbm>>
        %dma_start3A_1141 = tpu.memref_slice %arg12[%dma_start3A_1129, %dma_start3A_1130] : memref<2x5x!tpu.dma_semaphore, #tpu.memory_space<semaphore_mem>> -> memref<1x1x!tpu.dma_semaphore, #tpu.memory_space<semaphore_mem>>
        %dma_start3A_1142 = tpu.memref_squeeze %dma_start3A_1141 : memref<1x1x!tpu.dma_semaphore, #tpu.memory_space<semaphore_mem>> -> memref<!tpu.dma_semaphore, #tpu.memory_space<semaphore_mem>>
        tpu.enqueue_indirect_dma source(%dma_start3A_1140 : memref<10000x32xf32, #tpu.memory_space<hbm>>) target(%dma_start3A_1134 : memref<80x32xf32, #tpu.memory_space<vmem>>) offsets(%dma_start3A_1137 : memref<80xi32, #tpu.memory_space<vmem>>) semaphore(%dma_start3A_1142 : memref<!tpu.dma_semaphore, #tpu.memory_space<semaphore_mem>>)
      } else {
      }
      %add3A_1023 = arith.constant 1 : i32
      %add3A_1024 = arith.addi %add3A_448, %add3A_1023 : i32
      %dma_wait3A_1025 = arith.constant 1 : i32
      %dma_wait3A_1026 = arith.constant 1 : i32
      %dma_wait3A_1027 = arith.constant 1 : i32
      %dma_wait3A_1028 = arith.constant 1 : i32
      %dma_wait3A_1029 = arith.constant 0 : i32
      %dma_wait3A_1030 = arith.constant 0 : i32
      %dma_wait3A_1031 = tpu.memref_slice %arg9[%dma_wait3A_1025, %dma_wait3A_1026, %dma_wait3A_1029, %dma_wait3A_1030] : memref<2x5x80x32xf32, #tpu.memory_space<vmem>> -> memref<1x1x80x32xf32, #tpu.memory_space<vmem>>
      %dma_wait3A_1032 = tpu.memref_squeeze %dma_wait3A_1031 : memref<1x1x80x32xf32, #tpu.memory_space<vmem>> -> memref<80x32xf32, #tpu.memory_space<vmem>>
      %dma_wait3A_1033 = arith.constant 0 : i32
      %dma_wait3A_1034 = tpu.memref_slice %arg8[%add3A_1024, %dma_wait3A_1033] : memref<125x80xi32, #tpu.memory_space<vmem>> -> memref<1x80xi32, #tpu.memory_space<vmem>>
      %dma_wait3A_1035 = tpu.memref_squeeze %dma_wait3A_1034 : memref<1x80xi32, #tpu.memory_space<vmem>> -> memref<80xi32, #tpu.memory_space<vmem>>
      %dma_wait3A_1036 = arith.constant 0 : i32
      %dma_wait3A_1037 = arith.constant 0 : i32
      %dma_wait3A_1038 = tpu.memref_slice %arg11[%dma_wait3A_1036, %dma_wait3A_1037] : memref<10112x32xf32, #tpu.memory_space<vmem_shared>> -> memref<10112x32xf32, #tpu.memory_space<vmem_shared>>
      %dma_wait3A_1039 = tpu.memref_slice %arg13[%dma_wait3A_1027, %dma_wait3A_1028] : memref<2x5x!tpu.dma_semaphore, #tpu.memory_space<semaphore_mem>> -> memref<1x1x!tpu.dma_semaphore, #tpu.memory_space<semaphore_mem>>
      %dma_wait3A_1040 = tpu.memref_squeeze %dma_wait3A_1039 : memref<1x1x!tpu.dma_semaphore, #tpu.memory_space<semaphore_mem>> -> memref<!tpu.dma_semaphore, #tpu.memory_space<semaphore_mem>>
      tpu.wait_indirect_dma semaphore(%dma_wait3A_1040 : memref<!tpu.dma_semaphore, #tpu.memory_space<semaphore_mem>>) src(%dma_wait3A_1032 : memref<80x32xf32, #tpu.memory_space<vmem>>) dst(%dma_wait3A_1038 : memref<10112x32xf32, #tpu.memory_space<vmem_shared>>)
      %add3A_1041 = arith.constant 1 : i32
      %add3A_1042 = arith.addi %scan3A_444, %add3A_1041 : i32
      %lt3A_1043 = arith.constant 12 : i32
      %lt3A_1044 = arith.cmpi slt, %add3A_1042, %lt3A_1043 : i32
      %convert_element_type3A_1045 = arith.extui %lt3A_1044 : i1 to i32
      %cond3A_1046 = arith.constant 0 : i32
      %cond3A_1047 = arith.cmpi ne, %convert_element_type3A_1045, %cond3A_1046 : i32
      scf.if %cond3A_1047 {
        %add3A_1123 = arith.constant 10 : i32
        %add3A_1124 = arith.addi %add3A_448, %add3A_1123 : i32
        %add3A_1125 = arith.constant 1 : i32
        %add3A_1126 = arith.addi %add3A_1124, %add3A_1125 : i32
        %dma_start3A_1127 = arith.constant 1 : i32
        %dma_start3A_1128 = arith.constant 1 : i32
        %dma_start3A_1129 = arith.constant 1 : i32
        %dma_start3A_1130 = arith.constant 1 : i32
        %dma_start3A_1131 = arith.constant 0 : i32
        %dma_start3A_1132 = arith.constant 0 : i32
        %dma_start3A_1133 = tpu.memref_slice %arg9[%dma_start3A_1127, %dma_start3A_1128, %dma_start3A_1131, %dma_start3A_1132] : memref<2x5x80x32xf32, #tpu.memory_space<vmem>> -> memref<1x1x80x32xf32, #tpu.memory_space<vmem>>
        %dma_start3A_1134 = tpu.memref_squeeze %dma_start3A_1133 : memref<1x1x80x32xf32, #tpu.memory_space<vmem>> -> memref<80x32xf32, #tpu.memory_space<vmem>>
        %dma_start3A_1135 = arith.constant 0 : i32
        %dma_start3A_1136 = tpu.memref_slice %arg7[%add3A_1126, %dma_start3A_1135] : memref<125x80xi32, #tpu.memory_space<vmem>> -> memref<1x80xi32, #tpu.memory_space<vmem>>
        %dma_start3A_1137 = tpu.memref_squeeze %dma_start3A_1136 : memref<1x80xi32, #tpu.memory_space<vmem>> -> memref<80xi32, #tpu.memory_space<vmem>>
        %dma_start3A_1138 = arith.constant 0 : i32
        %dma_start3A_1139 = arith.constant 0 : i32
        %dma_start3A_1140 = tpu.memref_slice %arg2[%dma_start3A_1138, %dma_start3A_1139] : memref<10000x32xf32, #tpu.memory_space<hbm>> -> memref<10000x32xf32, #tpu.memory_space<hbm>>
        %dma_start3A_1141 = tpu.memref_slice %arg12[%dma_start3A_1129, %dma_start3A_1130] : memref<2x5x!tpu.dma_semaphore, #tpu.memory_space<semaphore_mem>> -> memref<1x1x!tpu.dma_semaphore, #tpu.memory_space<semaphore_mem>>
        %dma_start3A_1142 = tpu.memref_squeeze %dma_start3A_1141 : memref<1x1x!tpu.dma_semaphore, #tpu.memory_space<semaphore_mem>> -> memref<!tpu.dma_semaphore, #tpu.memory_space<semaphore_mem>>
        tpu.enqueue_indirect_dma source(%dma_start3A_1140 : memref<10000x32xf32, #tpu.memory_space<hbm>>) target(%dma_start3A_1134 : memref<80x32xf32, #tpu.memory_space<vmem>>) offsets(%dma_start3A_1137 : memref<80xi32, #tpu.memory_space<vmem>>) semaphore(%dma_start3A_1142 : memref<!tpu.dma_semaphore, #tpu.memory_space<semaphore_mem>>)
      } else {
      }
      %add3A_1048 = arith.constant 2 : i32
      %add3A_1049 = arith.addi %add3A_448, %add3A_1048 : i32
      %dma_wait3A_1050 = arith.constant 1 : i32
      %dma_wait3A_1051 = arith.constant 2 : i32
      %dma_wait3A_1052 = arith.constant 1 : i32
      %dma_wait3A_1053 = arith.constant 2 : i32
      %dma_wait3A_1054 = arith.constant 0 : i32
      %dma_wait3A_1055 = arith.constant 0 : i32
      %dma_wait3A_1056 = tpu.memref_slice %arg9[%dma_wait3A_1050, %dma_wait3A_1051, %dma_wait3A_1054, %dma_wait3A_1055] : memref<2x5x80x32xf32, #tpu.memory_space<vmem>> -> memref<1x1x80x32xf32, #tpu.memory_space<vmem>>
      %dma_wait3A_1057 = tpu.memref_squeeze %dma_wait3A_1056 : memref<1x1x80x32xf32, #tpu.memory_space<vmem>> -> memref<80x32xf32, #tpu.memory_space<vmem>>
      %dma_wait3A_1058 = arith.constant 0 : i32
      %dma_wait3A_1059 = tpu.memref_slice %arg8[%add3A_1049, %dma_wait3A_1058] : memref<125x80xi32, #tpu.memory_space<vmem>> -> memref<1x80xi32, #tpu.memory_space<vmem>>
      %dma_wait3A_1060 = tpu.memref_squeeze %dma_wait3A_1059 : memref<1x80xi32, #tpu.memory_space<vmem>> -> memref<80xi32, #tpu.memory_space<vmem>>
      %dma_wait3A_1061 = arith.constant 0 : i32
      %dma_wait3A_1062 = arith.constant 0 : i32
      %dma_wait3A_1063 = tpu.memref_slice %arg11[%dma_wait3A_1061, %dma_wait3A_1062] : memref<10112x32xf32, #tpu.memory_space<vmem_shared>> -> memref<10112x32xf32, #tpu.memory_space<vmem_shared>>
      %dma_wait3A_1064 = tpu.memref_slice %arg13[%dma_wait3A_1052, %dma_wait3A_1053] : memref<2x5x!tpu.dma_semaphore, #tpu.memory_space<semaphore_mem>> -> memref<1x1x!tpu.dma_semaphore, #tpu.memory_space<semaphore_mem>>
      %dma_wait3A_1065 = tpu.memref_squeeze %dma_wait3A_1064 : memref<1x1x!tpu.dma_semaphore, #tpu.memory_space<semaphore_mem>> -> memref<!tpu.dma_semaphore, #tpu.memory_space<semaphore_mem>>
      tpu.wait_indirect_dma semaphore(%dma_wait3A_1065 : memref<!tpu.dma_semaphore, #tpu.memory_space<semaphore_mem>>) src(%dma_wait3A_1057 : memref<80x32xf32, #tpu.memory_space<vmem>>) dst(%dma_wait3A_1063 : memref<10112x32xf32, #tpu.memory_space<vmem_shared>>)
      %add3A_1066 = arith.constant 1 : i32
      %add3A_1067 = arith.addi %scan3A_444, %add3A_1066 : i32
      %lt3A_1068 = arith.constant 12 : i32
      %lt3A_1069 = arith.cmpi slt, %add3A_1067, %lt3A_1068 : i32
      %convert_element_type3A_1070 = arith.extui %lt3A_1069 : i1 to i32
      %cond3A_1071 = arith.constant 0 : i32
      %cond3A_1072 = arith.cmpi ne, %convert_element_type3A_1070, %cond3A_1071 : i32
      scf.if %cond3A_1072 {
        %add3A_1123 = arith.constant 10 : i32
        %add3A_1124 = arith.addi %add3A_448, %add3A_1123 : i32
        %add3A_1125 = arith.constant 2 : i32
        %add3A_1126 = arith.addi %add3A_1124, %add3A_1125 : i32
        %dma_start3A_1127 = arith.constant 1 : i32
        %dma_start3A_1128 = arith.constant 2 : i32
        %dma_start3A_1129 = arith.constant 1 : i32
        %dma_start3A_1130 = arith.constant 2 : i32
        %dma_start3A_1131 = arith.constant 0 : i32
        %dma_start3A_1132 = arith.constant 0 : i32
        %dma_start3A_1133 = tpu.memref_slice %arg9[%dma_start3A_1127, %dma_start3A_1128, %dma_start3A_1131, %dma_start3A_1132] : memref<2x5x80x32xf32, #tpu.memory_space<vmem>> -> memref<1x1x80x32xf32, #tpu.memory_space<vmem>>
        %dma_start3A_1134 = tpu.memref_squeeze %dma_start3A_1133 : memref<1x1x80x32xf32, #tpu.memory_space<vmem>> -> memref<80x32xf32, #tpu.memory_space<vmem>>
        %dma_start3A_1135 = arith.constant 0 : i32
        %dma_start3A_1136 = tpu.memref_slice %arg7[%add3A_1126, %dma_start3A_1135] : memref<125x80xi32, #tpu.memory_space<vmem>> -> memref<1x80xi32, #tpu.memory_space<vmem>>
        %dma_start3A_1137 = tpu.memref_squeeze %dma_start3A_1136 : memref<1x80xi32, #tpu.memory_space<vmem>> -> memref<80xi32, #tpu.memory_space<vmem>>
        %dma_start3A_1138 = arith.constant 0 : i32
        %dma_start3A_1139 = arith.constant 0 : i32
        %dma_start3A_1140 = tpu.memref_slice %arg2[%dma_start3A_1138, %dma_start3A_1139] : memref<10000x32xf32, #tpu.memory_space<hbm>> -> memref<10000x32xf32, #tpu.memory_space<hbm>>
        %dma_start3A_1141 = tpu.memref_slice %arg12[%dma_start3A_1129, %dma_start3A_1130] : memref<2x5x!tpu.dma_semaphore, #tpu.memory_space<semaphore_mem>> -> memref<1x1x!tpu.dma_semaphore, #tpu.memory_space<semaphore_mem>>
        %dma_start3A_1142 = tpu.memref_squeeze %dma_start3A_1141 : memref<1x1x!tpu.dma_semaphore, #tpu.memory_space<semaphore_mem>> -> memref<!tpu.dma_semaphore, #tpu.memory_space<semaphore_mem>>
        tpu.enqueue_indirect_dma source(%dma_start3A_1140 : memref<10000x32xf32, #tpu.memory_space<hbm>>) target(%dma_start3A_1134 : memref<80x32xf32, #tpu.memory_space<vmem>>) offsets(%dma_start3A_1137 : memref<80xi32, #tpu.memory_space<vmem>>) semaphore(%dma_start3A_1142 : memref<!tpu.dma_semaphore, #tpu.memory_space<semaphore_mem>>)
      } else {
      }
      %add3A_1073 = arith.constant 3 : i32
      %add3A_1074 = arith.addi %add3A_448, %add3A_1073 : i32
      %dma_wait3A_1075 = arith.constant 1 : i32
      %dma_wait3A_1076 = arith.constant 3 : i32
      %dma_wait3A_1077 = arith.constant 1 : i32
      %dma_wait3A_1078 = arith.constant 3 : i32
      %dma_wait3A_1079 = arith.constant 0 : i32
      %dma_wait3A_1080 = arith.constant 0 : i32
      %dma_wait3A_1081 = tpu.memref_slice %arg9[%dma_wait3A_1075, %dma_wait3A_1076, %dma_wait3A_1079, %dma_wait3A_1080] : memref<2x5x80x32xf32, #tpu.memory_space<vmem>> -> memref<1x1x80x32xf32, #tpu.memory_space<vmem>>
      %dma_wait3A_1082 = tpu.memref_squeeze %dma_wait3A_1081 : memref<1x1x80x32xf32, #tpu.memory_space<vmem>> -> memref<80x32xf32, #tpu.memory_space<vmem>>
      %dma_wait3A_1083 = arith.constant 0 : i32
      %dma_wait3A_1084 = tpu.memref_slice %arg8[%add3A_1074, %dma_wait3A_1083] : memref<125x80xi32, #tpu.memory_space<vmem>> -> memref<1x80xi32, #tpu.memory_space<vmem>>
      %dma_wait3A_1085 = tpu.memref_squeeze %dma_wait3A_1084 : memref<1x80xi32, #tpu.memory_space<vmem>> -> memref<80xi32, #tpu.memory_space<vmem>>
      %dma_wait3A_1086 = arith.constant 0 : i32
      %dma_wait3A_1087 = arith.constant 0 : i32
      %dma_wait3A_1088 = tpu.memref_slice %arg11[%dma_wait3A_1086, %dma_wait3A_1087] : memref<10112x32xf32, #tpu.memory_space<vmem_shared>> -> memref<10112x32xf32, #tpu.memory_space<vmem_shared>>
      %dma_wait3A_1089 = tpu.memref_slice %arg13[%dma_wait3A_1077, %dma_wait3A_1078] : memref<2x5x!tpu.dma_semaphore, #tpu.memory_space<semaphore_mem>> -> memref<1x1x!tpu.dma_semaphore, #tpu.memory_space<semaphore_mem>>
      %dma_wait3A_1090 = tpu.memref_squeeze %dma_wait3A_1089 : memref<1x1x!tpu.dma_semaphore, #tpu.memory_space<semaphore_mem>> -> memref<!tpu.dma_semaphore, #tpu.memory_space<semaphore_mem>>
      tpu.wait_indirect_dma semaphore(%dma_wait3A_1090 : memref<!tpu.dma_semaphore, #tpu.memory_space<semaphore_mem>>) src(%dma_wait3A_1082 : memref<80x32xf32, #tpu.memory_space<vmem>>) dst(%dma_wait3A_1088 : memref<10112x32xf32, #tpu.memory_space<vmem_shared>>)
      %add3A_1091 = arith.constant 1 : i32
      %add3A_1092 = arith.addi %scan3A_444, %add3A_1091 : i32
      %lt3A_1093 = arith.constant 12 : i32
      %lt3A_1094 = arith.cmpi slt, %add3A_1092, %lt3A_1093 : i32
      %convert_element_type3A_1095 = arith.extui %lt3A_1094 : i1 to i32
      %cond3A_1096 = arith.constant 0 : i32
      %cond3A_1097 = arith.cmpi ne, %convert_element_type3A_1095, %cond3A_1096 : i32
      scf.if %cond3A_1097 {
        %add3A_1123 = arith.constant 10 : i32
        %add3A_1124 = arith.addi %add3A_448, %add3A_1123 : i32
        %add3A_1125 = arith.constant 3 : i32
        %add3A_1126 = arith.addi %add3A_1124, %add3A_1125 : i32
        %dma_start3A_1127 = arith.constant 1 : i32
        %dma_start3A_1128 = arith.constant 3 : i32
        %dma_start3A_1129 = arith.constant 1 : i32
        %dma_start3A_1130 = arith.constant 3 : i32
        %dma_start3A_1131 = arith.constant 0 : i32
        %dma_start3A_1132 = arith.constant 0 : i32
        %dma_start3A_1133 = tpu.memref_slice %arg9[%dma_start3A_1127, %dma_start3A_1128, %dma_start3A_1131, %dma_start3A_1132] : memref<2x5x80x32xf32, #tpu.memory_space<vmem>> -> memref<1x1x80x32xf32, #tpu.memory_space<vmem>>
        %dma_start3A_1134 = tpu.memref_squeeze %dma_start3A_1133 : memref<1x1x80x32xf32, #tpu.memory_space<vmem>> -> memref<80x32xf32, #tpu.memory_space<vmem>>
        %dma_start3A_1135 = arith.constant 0 : i32
        %dma_start3A_1136 = tpu.memref_slice %arg7[%add3A_1126, %dma_start3A_1135] : memref<125x80xi32, #tpu.memory_space<vmem>> -> memref<1x80xi32, #tpu.memory_space<vmem>>
        %dma_start3A_1137 = tpu.memref_squeeze %dma_start3A_1136 : memref<1x80xi32, #tpu.memory_space<vmem>> -> memref<80xi32, #tpu.memory_space<vmem>>
        %dma_start3A_1138 = arith.constant 0 : i32
        %dma_start3A_1139 = arith.constant 0 : i32
        %dma_start3A_1140 = tpu.memref_slice %arg2[%dma_start3A_1138, %dma_start3A_1139] : memref<10000x32xf32, #tpu.memory_space<hbm>> -> memref<10000x32xf32, #tpu.memory_space<hbm>>
        %dma_start3A_1141 = tpu.memref_slice %arg12[%dma_start3A_1129, %dma_start3A_1130] : memref<2x5x!tpu.dma_semaphore, #tpu.memory_space<semaphore_mem>> -> memref<1x1x!tpu.dma_semaphore, #tpu.memory_space<semaphore_mem>>
        %dma_start3A_1142 = tpu.memref_squeeze %dma_start3A_1141 : memref<1x1x!tpu.dma_semaphore, #tpu.memory_space<semaphore_mem>> -> memref<!tpu.dma_semaphore, #tpu.memory_space<semaphore_mem>>
        tpu.enqueue_indirect_dma source(%dma_start3A_1140 : memref<10000x32xf32, #tpu.memory_space<hbm>>) target(%dma_start3A_1134 : memref<80x32xf32, #tpu.memory_space<vmem>>) offsets(%dma_start3A_1137 : memref<80xi32, #tpu.memory_space<vmem>>) semaphore(%dma_start3A_1142 : memref<!tpu.dma_semaphore, #tpu.memory_space<semaphore_mem>>)
      } else {
      }
      %add3A_1098 = arith.constant 4 : i32
      %add3A_1099 = arith.addi %add3A_448, %add3A_1098 : i32
      %dma_wait3A_1100 = arith.constant 1 : i32
      %dma_wait3A_1101 = arith.constant 4 : i32
      %dma_wait3A_1102 = arith.constant 1 : i32
      %dma_wait3A_1103 = arith.constant 4 : i32
      %dma_wait3A_1104 = arith.constant 0 : i32
      %dma_wait3A_1105 = arith.constant 0 : i32
      %dma_wait3A_1106 = tpu.memref_slice %arg9[%dma_wait3A_1100, %dma_wait3A_1101, %dma_wait3A_1104, %dma_wait3A_1105] : memref<2x5x80x32xf32, #tpu.memory_space<vmem>> -> memref<1x1x80x32xf32, #tpu.memory_space<vmem>>
      %dma_wait3A_1107 = tpu.memref_squeeze %dma_wait3A_1106 : memref<1x1x80x32xf32, #tpu.memory_space<vmem>> -> memref<80x32xf32, #tpu.memory_space<vmem>>
      %dma_wait3A_1108 = arith.constant 0 : i32
      %dma_wait3A_1109 = tpu.memref_slice %arg8[%add3A_1099, %dma_wait3A_1108] : memref<125x80xi32, #tpu.memory_space<vmem>> -> memref<1x80xi32, #tpu.memory_space<vmem>>
      %dma_wait3A_1110 = tpu.memref_squeeze %dma_wait3A_1109 : memref<1x80xi32, #tpu.memory_space<vmem>> -> memref<80xi32, #tpu.memory_space<vmem>>
      %dma_wait3A_1111 = arith.constant 0 : i32
      %dma_wait3A_1112 = arith.constant 0 : i32
      %dma_wait3A_1113 = tpu.memref_slice %arg11[%dma_wait3A_1111, %dma_wait3A_1112] : memref<10112x32xf32, #tpu.memory_space<vmem_shared>> -> memref<10112x32xf32, #tpu.memory_space<vmem_shared>>
      %dma_wait3A_1114 = tpu.memref_slice %arg13[%dma_wait3A_1102, %dma_wait3A_1103] : memref<2x5x!tpu.dma_semaphore, #tpu.memory_space<semaphore_mem>> -> memref<1x1x!tpu.dma_semaphore, #tpu.memory_space<semaphore_mem>>
      %dma_wait3A_1115 = tpu.memref_squeeze %dma_wait3A_1114 : memref<1x1x!tpu.dma_semaphore, #tpu.memory_space<semaphore_mem>> -> memref<!tpu.dma_semaphore, #tpu.memory_space<semaphore_mem>>
      tpu.wait_indirect_dma semaphore(%dma_wait3A_1115 : memref<!tpu.dma_semaphore, #tpu.memory_space<semaphore_mem>>) src(%dma_wait3A_1107 : memref<80x32xf32, #tpu.memory_space<vmem>>) dst(%dma_wait3A_1113 : memref<10112x32xf32, #tpu.memory_space<vmem_shared>>)
      %add3A_1116 = arith.constant 1 : i32
      %add3A_1117 = arith.addi %scan3A_444, %add3A_1116 : i32
      %lt3A_1118 = arith.constant 12 : i32
      %lt3A_1119 = arith.cmpi slt, %add3A_1117, %lt3A_1118 : i32
      %convert_element_type3A_1120 = arith.extui %lt3A_1119 : i1 to i32
      %cond3A_1121 = arith.constant 0 : i32
      %cond3A_1122 = arith.cmpi ne, %convert_element_type3A_1120, %cond3A_1121 : i32
      scf.if %cond3A_1122 {
        %add3A_1123 = arith.constant 10 : i32
        %add3A_1124 = arith.addi %add3A_448, %add3A_1123 : i32
        %add3A_1125 = arith.constant 4 : i32
        %add3A_1126 = arith.addi %add3A_1124, %add3A_1125 : i32
        %dma_start3A_1127 = arith.constant 1 : i32
        %dma_start3A_1128 = arith.constant 4 : i32
        %dma_start3A_1129 = arith.constant 1 : i32
        %dma_start3A_1130 = arith.constant 4 : i32
        %dma_start3A_1131 = arith.constant 0 : i32
        %dma_start3A_1132 = arith.constant 0 : i32
        %dma_start3A_1133 = tpu.memref_slice %arg9[%dma_start3A_1127, %dma_start3A_1128, %dma_start3A_1131, %dma_start3A_1132] : memref<2x5x80x32xf32, #tpu.memory_space<vmem>> -> memref<1x1x80x32xf32, #tpu.memory_space<vmem>>
        %dma_start3A_1134 = tpu.memref_squeeze %dma_start3A_1133 : memref<1x1x80x32xf32, #tpu.memory_space<vmem>> -> memref<80x32xf32, #tpu.memory_space<vmem>>
        %dma_start3A_1135 = arith.constant 0 : i32
        %dma_start3A_1136 = tpu.memref_slice %arg7[%add3A_1126, %dma_start3A_1135] : memref<125x80xi32, #tpu.memory_space<vmem>> -> memref<1x80xi32, #tpu.memory_space<vmem>>
        %dma_start3A_1137 = tpu.memref_squeeze %dma_start3A_1136 : memref<1x80xi32, #tpu.memory_space<vmem>> -> memref<80xi32, #tpu.memory_space<vmem>>
        %dma_start3A_1138 = arith.constant 0 : i32
        %dma_start3A_1139 = arith.constant 0 : i32
        %dma_start3A_1140 = tpu.memref_slice %arg2[%dma_start3A_1138, %dma_start3A_1139] : memref<10000x32xf32, #tpu.memory_space<hbm>> -> memref<10000x32xf32, #tpu.memory_space<hbm>>
        %dma_start3A_1141 = tpu.memref_slice %arg12[%dma_start3A_1129, %dma_start3A_1130] : memref<2x5x!tpu.dma_semaphore, #tpu.memory_space<semaphore_mem>> -> memref<1x1x!tpu.dma_semaphore, #tpu.memory_space<semaphore_mem>>
        %dma_start3A_1142 = tpu.memref_squeeze %dma_start3A_1141 : memref<1x1x!tpu.dma_semaphore, #tpu.memory_space<semaphore_mem>> -> memref<!tpu.dma_semaphore, #tpu.memory_space<semaphore_mem>>
        tpu.enqueue_indirect_dma source(%dma_start3A_1140 : memref<10000x32xf32, #tpu.memory_space<hbm>>) target(%dma_start3A_1134 : memref<80x32xf32, #tpu.memory_space<vmem>>) offsets(%dma_start3A_1137 : memref<80xi32, #tpu.memory_space<vmem>>) semaphore(%dma_start3A_1142 : memref<!tpu.dma_semaphore, #tpu.memory_space<semaphore_mem>>)
      } else {
      }
    }
    %scan3A_179 = arith.constant 12 : i32
    %dma_wait3A = arith.constant 120 : i32
    %dma_wait3A_180 = arith.constant 0 : i32
    %dma_wait3A_181 = arith.constant 0 : i32
    %dma_wait3A_182 = arith.constant 0 : i32
    %dma_wait3A_183 = arith.constant 0 : i32
    %dma_wait3A_184 = arith.constant 0 : i32
    %dma_wait3A_185 = arith.constant 0 : i32
    %dma_wait3A_186 = tpu.memref_slice %arg9[%dma_wait3A_180, %dma_wait3A_181, %dma_wait3A_184, %dma_wait3A_185] : memref<2x5x80x32xf32, #tpu.memory_space<vmem>> -> memref<1x1x80x32xf32, #tpu.memory_space<vmem>>
    %dma_wait3A_187 = tpu.memref_squeeze %dma_wait3A_186 : memref<1x1x80x32xf32, #tpu.memory_space<vmem>> -> memref<80x32xf32, #tpu.memory_space<vmem>>
    %dma_wait3A_188 = arith.constant 0 : i32
    %dma_wait3A_189 = tpu.memref_slice %arg7[%dma_wait3A, %dma_wait3A_188] : memref<125x80xi32, #tpu.memory_space<vmem>> -> memref<1x80xi32, #tpu.memory_space<vmem>>
    %dma_wait3A_190 = tpu.memref_squeeze %dma_wait3A_189 : memref<1x80xi32, #tpu.memory_space<vmem>> -> memref<80xi32, #tpu.memory_space<vmem>>
    %dma_wait3A_191 = arith.constant 0 : i32
    %dma_wait3A_192 = arith.constant 0 : i32
    %dma_wait3A_193 = tpu.memref_slice %arg2[%dma_wait3A_191, %dma_wait3A_192] : memref<10000x32xf32, #tpu.memory_space<hbm>> -> memref<10000x32xf32, #tpu.memory_space<hbm>>
    %dma_wait3A_194 = tpu.memref_slice %arg12[%dma_wait3A_182, %dma_wait3A_183] : memref<2x5x!tpu.dma_semaphore, #tpu.memory_space<semaphore_mem>> -> memref<1x1x!tpu.dma_semaphore, #tpu.memory_space<semaphore_mem>>
    %dma_wait3A_195 = tpu.memref_squeeze %dma_wait3A_194 : memref<1x1x!tpu.dma_semaphore, #tpu.memory_space<semaphore_mem>> -> memref<!tpu.dma_semaphore, #tpu.memory_space<semaphore_mem>>
    tpu.wait_indirect_dma semaphore(%dma_wait3A_195 : memref<!tpu.dma_semaphore, #tpu.memory_space<semaphore_mem>>) src(%dma_wait3A_193 : memref<10000x32xf32, #tpu.memory_space<hbm>>) dst(%dma_wait3A_187 : memref<80x32xf32, #tpu.memory_space<vmem>>)
    %dma_start3A_196 = arith.constant 0 : i32
    %dma_start3A_197 = arith.constant 0 : i32
    %dma_start3A_198 = arith.constant 120 : i32
    %dma_start3A_199 = arith.constant 0 : i32
    %dma_start3A_200 = arith.constant 0 : i32
    %dma_start3A_201 = arith.constant 0 : i32
    %dma_start3A_202 = arith.constant 0 : i32
    %dma_start3A_203 = tpu.memref_slice %arg9[%dma_start3A_196, %dma_start3A_197, %dma_start3A_201, %dma_start3A_202] : memref<2x5x80x32xf32, #tpu.memory_space<vmem>> -> memref<1x1x80x32xf32, #tpu.memory_space<vmem>>
    %dma_start3A_204 = tpu.memref_squeeze %dma_start3A_203 : memref<1x1x80x32xf32, #tpu.memory_space<vmem>> -> memref<80x32xf32, #tpu.memory_space<vmem>>
    %dma_start3A_205 = arith.constant 0 : i32
    %dma_start3A_206 = tpu.memref_slice %arg8[%dma_start3A_198, %dma_start3A_205] : memref<125x80xi32, #tpu.memory_space<vmem>> -> memref<1x80xi32, #tpu.memory_space<vmem>>
    %dma_start3A_207 = tpu.memref_squeeze %dma_start3A_206 : memref<1x80xi32, #tpu.memory_space<vmem>> -> memref<80xi32, #tpu.memory_space<vmem>>
    %dma_start3A_208 = arith.constant 0 : i32
    %dma_start3A_209 = arith.constant 0 : i32
    %dma_start3A_210 = tpu.memref_slice %arg11[%dma_start3A_208, %dma_start3A_209] : memref<10112x32xf32, #tpu.memory_space<vmem_shared>> -> memref<10112x32xf32, #tpu.memory_space<vmem_shared>>
    %dma_start3A_211 = tpu.memref_slice %arg13[%dma_start3A_199, %dma_start3A_200] : memref<2x5x!tpu.dma_semaphore, #tpu.memory_space<semaphore_mem>> -> memref<1x1x!tpu.dma_semaphore, #tpu.memory_space<semaphore_mem>>
    %dma_start3A_212 = tpu.memref_squeeze %dma_start3A_211 : memref<1x1x!tpu.dma_semaphore, #tpu.memory_space<semaphore_mem>> -> memref<!tpu.dma_semaphore, #tpu.memory_space<semaphore_mem>>
    tpu.enqueue_indirect_dma source(%dma_start3A_204 : memref<80x32xf32, #tpu.memory_space<vmem>>) target(%dma_start3A_210 : memref<10112x32xf32, #tpu.memory_space<vmem_shared>>) offsets(%dma_start3A_207 : memref<80xi32, #tpu.memory_space<vmem>>) semaphore(%dma_start3A_212 : memref<!tpu.dma_semaphore, #tpu.memory_space<semaphore_mem>>) {add = true}
    %dma_wait3A_213 = arith.constant 121 : i32
    %dma_wait3A_214 = arith.constant 0 : i32
    %dma_wait3A_215 = arith.constant 1 : i32
    %dma_wait3A_216 = arith.constant 0 : i32
    %dma_wait3A_217 = arith.constant 1 : i32
    %dma_wait3A_218 = arith.constant 0 : i32
    %dma_wait3A_219 = arith.constant 0 : i32
    %dma_wait3A_220 = tpu.memref_slice %arg9[%dma_wait3A_214, %dma_wait3A_215, %dma_wait3A_218, %dma_wait3A_219] : memref<2x5x80x32xf32, #tpu.memory_space<vmem>> -> memref<1x1x80x32xf32, #tpu.memory_space<vmem>>
    %dma_wait3A_221 = tpu.memref_squeeze %dma_wait3A_220 : memref<1x1x80x32xf32, #tpu.memory_space<vmem>> -> memref<80x32xf32, #tpu.memory_space<vmem>>
    %dma_wait3A_222 = arith.constant 0 : i32
    %dma_wait3A_223 = tpu.memref_slice %arg7[%dma_wait3A_213, %dma_wait3A_222] : memref<125x80xi32, #tpu.memory_space<vmem>> -> memref<1x80xi32, #tpu.memory_space<vmem>>
    %dma_wait3A_224 = tpu.memref_squeeze %dma_wait3A_223 : memref<1x80xi32, #tpu.memory_space<vmem>> -> memref<80xi32, #tpu.memory_space<vmem>>
    %dma_wait3A_225 = arith.constant 0 : i32
    %dma_wait3A_226 = arith.constant 0 : i32
    %dma_wait3A_227 = tpu.memref_slice %arg2[%dma_wait3A_225, %dma_wait3A_226] : memref<10000x32xf32, #tpu.memory_space<hbm>> -> memref<10000x32xf32, #tpu.memory_space<hbm>>
    %dma_wait3A_228 = tpu.memref_slice %arg12[%dma_wait3A_216, %dma_wait3A_217] : memref<2x5x!tpu.dma_semaphore, #tpu.memory_space<semaphore_mem>> -> memref<1x1x!tpu.dma_semaphore, #tpu.memory_space<semaphore_mem>>
    %dma_wait3A_229 = tpu.memref_squeeze %dma_wait3A_228 : memref<1x1x!tpu.dma_semaphore, #tpu.memory_space<semaphore_mem>> -> memref<!tpu.dma_semaphore, #tpu.memory_space<semaphore_mem>>
    tpu.wait_indirect_dma semaphore(%dma_wait3A_229 : memref<!tpu.dma_semaphore, #tpu.memory_space<semaphore_mem>>) src(%dma_wait3A_227 : memref<10000x32xf32, #tpu.memory_space<hbm>>) dst(%dma_wait3A_221 : memref<80x32xf32, #tpu.memory_space<vmem>>)
    %dma_start3A_230 = arith.constant 0 : i32
    %dma_start3A_231 = arith.constant 1 : i32
    %dma_start3A_232 = arith.constant 121 : i32
    %dma_start3A_233 = arith.constant 0 : i32
    %dma_start3A_234 = arith.constant 1 : i32
    %dma_start3A_235 = arith.constant 0 : i32
    %dma_start3A_236 = arith.constant 0 : i32
    %dma_start3A_237 = tpu.memref_slice %arg9[%dma_start3A_230, %dma_start3A_231, %dma_start3A_235, %dma_start3A_236] : memref<2x5x80x32xf32, #tpu.memory_space<vmem>> -> memref<1x1x80x32xf32, #tpu.memory_space<vmem>>
    %dma_start3A_238 = tpu.memref_squeeze %dma_start3A_237 : memref<1x1x80x32xf32, #tpu.memory_space<vmem>> -> memref<80x32xf32, #tpu.memory_space<vmem>>
    %dma_start3A_239 = arith.constant 0 : i32
    %dma_start3A_240 = tpu.memref_slice %arg8[%dma_start3A_232, %dma_start3A_239] : memref<125x80xi32, #tpu.memory_space<vmem>> -> memref<1x80xi32, #tpu.memory_space<vmem>>
    %dma_start3A_241 = tpu.memref_squeeze %dma_start3A_240 : memref<1x80xi32, #tpu.memory_space<vmem>> -> memref<80xi32, #tpu.memory_space<vmem>>
    %dma_start3A_242 = arith.constant 0 : i32
    %dma_start3A_243 = arith.constant 0 : i32
    %dma_start3A_244 = tpu.memref_slice %arg11[%dma_start3A_242, %dma_start3A_243] : memref<10112x32xf32, #tpu.memory_space<vmem_shared>> -> memref<10112x32xf32, #tpu.memory_space<vmem_shared>>
    %dma_start3A_245 = tpu.memref_slice %arg13[%dma_start3A_233, %dma_start3A_234] : memref<2x5x!tpu.dma_semaphore, #tpu.memory_space<semaphore_mem>> -> memref<1x1x!tpu.dma_semaphore, #tpu.memory_space<semaphore_mem>>
    %dma_start3A_246 = tpu.memref_squeeze %dma_start3A_245 : memref<1x1x!tpu.dma_semaphore, #tpu.memory_space<semaphore_mem>> -> memref<!tpu.dma_semaphore, #tpu.memory_space<semaphore_mem>>
    tpu.enqueue_indirect_dma source(%dma_start3A_238 : memref<80x32xf32, #tpu.memory_space<vmem>>) target(%dma_start3A_244 : memref<10112x32xf32, #tpu.memory_space<vmem_shared>>) offsets(%dma_start3A_241 : memref<80xi32, #tpu.memory_space<vmem>>) semaphore(%dma_start3A_246 : memref<!tpu.dma_semaphore, #tpu.memory_space<semaphore_mem>>) {add = true}
    %dma_wait3A_247 = arith.constant 122 : i32
    %dma_wait3A_248 = arith.constant 0 : i32
    %dma_wait3A_249 = arith.constant 2 : i32
    %dma_wait3A_250 = arith.constant 0 : i32
    %dma_wait3A_251 = arith.constant 2 : i32
    %dma_wait3A_252 = arith.constant 0 : i32
    %dma_wait3A_253 = arith.constant 0 : i32
    %dma_wait3A_254 = tpu.memref_slice %arg9[%dma_wait3A_248, %dma_wait3A_249, %dma_wait3A_252, %dma_wait3A_253] : memref<2x5x80x32xf32, #tpu.memory_space<vmem>> -> memref<1x1x80x32xf32, #tpu.memory_space<vmem>>
    %dma_wait3A_255 = tpu.memref_squeeze %dma_wait3A_254 : memref<1x1x80x32xf32, #tpu.memory_space<vmem>> -> memref<80x32xf32, #tpu.memory_space<vmem>>
    %dma_wait3A_256 = arith.constant 0 : i32
    %dma_wait3A_257 = tpu.memref_slice %arg7[%dma_wait3A_247, %dma_wait3A_256] : memref<125x80xi32, #tpu.memory_space<vmem>> -> memref<1x80xi32, #tpu.memory_space<vmem>>
    %dma_wait3A_258 = tpu.memref_squeeze %dma_wait3A_257 : memref<1x80xi32, #tpu.memory_space<vmem>> -> memref<80xi32, #tpu.memory_space<vmem>>
    %dma_wait3A_259 = arith.constant 0 : i32
    %dma_wait3A_260 = arith.constant 0 : i32
    %dma_wait3A_261 = tpu.memref_slice %arg2[%dma_wait3A_259, %dma_wait3A_260] : memref<10000x32xf32, #tpu.memory_space<hbm>> -> memref<10000x32xf32, #tpu.memory_space<hbm>>
    %dma_wait3A_262 = tpu.memref_slice %arg12[%dma_wait3A_250, %dma_wait3A_251] : memref<2x5x!tpu.dma_semaphore, #tpu.memory_space<semaphore_mem>> -> memref<1x1x!tpu.dma_semaphore, #tpu.memory_space<semaphore_mem>>
    %dma_wait3A_263 = tpu.memref_squeeze %dma_wait3A_262 : memref<1x1x!tpu.dma_semaphore, #tpu.memory_space<semaphore_mem>> -> memref<!tpu.dma_semaphore, #tpu.memory_space<semaphore_mem>>
    tpu.wait_indirect_dma semaphore(%dma_wait3A_263 : memref<!tpu.dma_semaphore, #tpu.memory_space<semaphore_mem>>) src(%dma_wait3A_261 : memref<10000x32xf32, #tpu.memory_space<hbm>>) dst(%dma_wait3A_255 : memref<80x32xf32, #tpu.memory_space<vmem>>)
    %dma_start3A_264 = arith.constant 0 : i32
    %dma_start3A_265 = arith.constant 2 : i32
    %dma_start3A_266 = arith.constant 122 : i32
    %dma_start3A_267 = arith.constant 0 : i32
    %dma_start3A_268 = arith.constant 2 : i32
    %dma_start3A_269 = arith.constant 0 : i32
    %dma_start3A_270 = arith.constant 0 : i32
    %dma_start3A_271 = tpu.memref_slice %arg9[%dma_start3A_264, %dma_start3A_265, %dma_start3A_269, %dma_start3A_270] : memref<2x5x80x32xf32, #tpu.memory_space<vmem>> -> memref<1x1x80x32xf32, #tpu.memory_space<vmem>>
    %dma_start3A_272 = tpu.memref_squeeze %dma_start3A_271 : memref<1x1x80x32xf32, #tpu.memory_space<vmem>> -> memref<80x32xf32, #tpu.memory_space<vmem>>
    %dma_start3A_273 = arith.constant 0 : i32
    %dma_start3A_274 = tpu.memref_slice %arg8[%dma_start3A_266, %dma_start3A_273] : memref<125x80xi32, #tpu.memory_space<vmem>> -> memref<1x80xi32, #tpu.memory_space<vmem>>
    %dma_start3A_275 = tpu.memref_squeeze %dma_start3A_274 : memref<1x80xi32, #tpu.memory_space<vmem>> -> memref<80xi32, #tpu.memory_space<vmem>>
    %dma_start3A_276 = arith.constant 0 : i32
    %dma_start3A_277 = arith.constant 0 : i32
    %dma_start3A_278 = tpu.memref_slice %arg11[%dma_start3A_276, %dma_start3A_277] : memref<10112x32xf32, #tpu.memory_space<vmem_shared>> -> memref<10112x32xf32, #tpu.memory_space<vmem_shared>>
    %dma_start3A_279 = tpu.memref_slice %arg13[%dma_start3A_267, %dma_start3A_268] : memref<2x5x!tpu.dma_semaphore, #tpu.memory_space<semaphore_mem>> -> memref<1x1x!tpu.dma_semaphore, #tpu.memory_space<semaphore_mem>>
    %dma_start3A_280 = tpu.memref_squeeze %dma_start3A_279 : memref<1x1x!tpu.dma_semaphore, #tpu.memory_space<semaphore_mem>> -> memref<!tpu.dma_semaphore, #tpu.memory_space<semaphore_mem>>
    tpu.enqueue_indirect_dma source(%dma_start3A_272 : memref<80x32xf32, #tpu.memory_space<vmem>>) target(%dma_start3A_278 : memref<10112x32xf32, #tpu.memory_space<vmem_shared>>) offsets(%dma_start3A_275 : memref<80xi32, #tpu.memory_space<vmem>>) semaphore(%dma_start3A_280 : memref<!tpu.dma_semaphore, #tpu.memory_space<semaphore_mem>>) {add = true}
    %dma_wait3A_281 = arith.constant 123 : i32
    %dma_wait3A_282 = arith.constant 0 : i32
    %dma_wait3A_283 = arith.constant 3 : i32
    %dma_wait3A_284 = arith.constant 0 : i32
    %dma_wait3A_285 = arith.constant 3 : i32
    %dma_wait3A_286 = arith.constant 0 : i32
    %dma_wait3A_287 = arith.constant 0 : i32
    %dma_wait3A_288 = tpu.memref_slice %arg9[%dma_wait3A_282, %dma_wait3A_283, %dma_wait3A_286, %dma_wait3A_287] : memref<2x5x80x32xf32, #tpu.memory_space<vmem>> -> memref<1x1x80x32xf32, #tpu.memory_space<vmem>>
    %dma_wait3A_289 = tpu.memref_squeeze %dma_wait3A_288 : memref<1x1x80x32xf32, #tpu.memory_space<vmem>> -> memref<80x32xf32, #tpu.memory_space<vmem>>
    %dma_wait3A_290 = arith.constant 0 : i32
    %dma_wait3A_291 = tpu.memref_slice %arg7[%dma_wait3A_281, %dma_wait3A_290] : memref<125x80xi32, #tpu.memory_space<vmem>> -> memref<1x80xi32, #tpu.memory_space<vmem>>
    %dma_wait3A_292 = tpu.memref_squeeze %dma_wait3A_291 : memref<1x80xi32, #tpu.memory_space<vmem>> -> memref<80xi32, #tpu.memory_space<vmem>>
    %dma_wait3A_293 = arith.constant 0 : i32
    %dma_wait3A_294 = arith.constant 0 : i32
    %dma_wait3A_295 = tpu.memref_slice %arg2[%dma_wait3A_293, %dma_wait3A_294] : memref<10000x32xf32, #tpu.memory_space<hbm>> -> memref<10000x32xf32, #tpu.memory_space<hbm>>
    %dma_wait3A_296 = tpu.memref_slice %arg12[%dma_wait3A_284, %dma_wait3A_285] : memref<2x5x!tpu.dma_semaphore, #tpu.memory_space<semaphore_mem>> -> memref<1x1x!tpu.dma_semaphore, #tpu.memory_space<semaphore_mem>>
    %dma_wait3A_297 = tpu.memref_squeeze %dma_wait3A_296 : memref<1x1x!tpu.dma_semaphore, #tpu.memory_space<semaphore_mem>> -> memref<!tpu.dma_semaphore, #tpu.memory_space<semaphore_mem>>
    tpu.wait_indirect_dma semaphore(%dma_wait3A_297 : memref<!tpu.dma_semaphore, #tpu.memory_space<semaphore_mem>>) src(%dma_wait3A_295 : memref<10000x32xf32, #tpu.memory_space<hbm>>) dst(%dma_wait3A_289 : memref<80x32xf32, #tpu.memory_space<vmem>>)
    %dma_start3A_298 = arith.constant 0 : i32
    %dma_start3A_299 = arith.constant 3 : i32
    %dma_start3A_300 = arith.constant 123 : i32
    %dma_start3A_301 = arith.constant 0 : i32
    %dma_start3A_302 = arith.constant 3 : i32
    %dma_start3A_303 = arith.constant 0 : i32
    %dma_start3A_304 = arith.constant 0 : i32
    %dma_start3A_305 = tpu.memref_slice %arg9[%dma_start3A_298, %dma_start3A_299, %dma_start3A_303, %dma_start3A_304] : memref<2x5x80x32xf32, #tpu.memory_space<vmem>> -> memref<1x1x80x32xf32, #tpu.memory_space<vmem>>
    %dma_start3A_306 = tpu.memref_squeeze %dma_start3A_305 : memref<1x1x80x32xf32, #tpu.memory_space<vmem>> -> memref<80x32xf32, #tpu.memory_space<vmem>>
    %dma_start3A_307 = arith.constant 0 : i32
    %dma_start3A_308 = tpu.memref_slice %arg8[%dma_start3A_300, %dma_start3A_307] : memref<125x80xi32, #tpu.memory_space<vmem>> -> memref<1x80xi32, #tpu.memory_space<vmem>>
    %dma_start3A_309 = tpu.memref_squeeze %dma_start3A_308 : memref<1x80xi32, #tpu.memory_space<vmem>> -> memref<80xi32, #tpu.memory_space<vmem>>
    %dma_start3A_310 = arith.constant 0 : i32
    %dma_start3A_311 = arith.constant 0 : i32
    %dma_start3A_312 = tpu.memref_slice %arg11[%dma_start3A_310, %dma_start3A_311] : memref<10112x32xf32, #tpu.memory_space<vmem_shared>> -> memref<10112x32xf32, #tpu.memory_space<vmem_shared>>
    %dma_start3A_313 = tpu.memref_slice %arg13[%dma_start3A_301, %dma_start3A_302] : memref<2x5x!tpu.dma_semaphore, #tpu.memory_space<semaphore_mem>> -> memref<1x1x!tpu.dma_semaphore, #tpu.memory_space<semaphore_mem>>
    %dma_start3A_314 = tpu.memref_squeeze %dma_start3A_313 : memref<1x1x!tpu.dma_semaphore, #tpu.memory_space<semaphore_mem>> -> memref<!tpu.dma_semaphore, #tpu.memory_space<semaphore_mem>>
    tpu.enqueue_indirect_dma source(%dma_start3A_306 : memref<80x32xf32, #tpu.memory_space<vmem>>) target(%dma_start3A_312 : memref<10112x32xf32, #tpu.memory_space<vmem_shared>>) offsets(%dma_start3A_309 : memref<80xi32, #tpu.memory_space<vmem>>) semaphore(%dma_start3A_314 : memref<!tpu.dma_semaphore, #tpu.memory_space<semaphore_mem>>) {add = true}
    %dma_wait3A_315 = arith.constant 124 : i32
    %dma_wait3A_316 = arith.constant 0 : i32
    %dma_wait3A_317 = arith.constant 4 : i32
    %dma_wait3A_318 = arith.constant 0 : i32
    %dma_wait3A_319 = arith.constant 4 : i32
    %dma_wait3A_320 = arith.constant 0 : i32
    %dma_wait3A_321 = arith.constant 0 : i32
    %dma_wait3A_322 = tpu.memref_slice %arg9[%dma_wait3A_316, %dma_wait3A_317, %dma_wait3A_320, %dma_wait3A_321] : memref<2x5x80x32xf32, #tpu.memory_space<vmem>> -> memref<1x1x80x32xf32, #tpu.memory_space<vmem>>
    %dma_wait3A_323 = tpu.memref_squeeze %dma_wait3A_322 : memref<1x1x80x32xf32, #tpu.memory_space<vmem>> -> memref<80x32xf32, #tpu.memory_space<vmem>>
    %dma_wait3A_324 = arith.constant 0 : i32
    %dma_wait3A_325 = tpu.memref_slice %arg7[%dma_wait3A_315, %dma_wait3A_324] : memref<125x80xi32, #tpu.memory_space<vmem>> -> memref<1x80xi32, #tpu.memory_space<vmem>>
    %dma_wait3A_326 = tpu.memref_squeeze %dma_wait3A_325 : memref<1x80xi32, #tpu.memory_space<vmem>> -> memref<80xi32, #tpu.memory_space<vmem>>
    %dma_wait3A_327 = arith.constant 0 : i32
    %dma_wait3A_328 = arith.constant 0 : i32
    %dma_wait3A_329 = tpu.memref_slice %arg2[%dma_wait3A_327, %dma_wait3A_328] : memref<10000x32xf32, #tpu.memory_space<hbm>> -> memref<10000x32xf32, #tpu.memory_space<hbm>>
    %dma_wait3A_330 = tpu.memref_slice %arg12[%dma_wait3A_318, %dma_wait3A_319] : memref<2x5x!tpu.dma_semaphore, #tpu.memory_space<semaphore_mem>> -> memref<1x1x!tpu.dma_semaphore, #tpu.memory_space<semaphore_mem>>
    %dma_wait3A_331 = tpu.memref_squeeze %dma_wait3A_330 : memref<1x1x!tpu.dma_semaphore, #tpu.memory_space<semaphore_mem>> -> memref<!tpu.dma_semaphore, #tpu.memory_space<semaphore_mem>>
    tpu.wait_indirect_dma semaphore(%dma_wait3A_331 : memref<!tpu.dma_semaphore, #tpu.memory_space<semaphore_mem>>) src(%dma_wait3A_329 : memref<10000x32xf32, #tpu.memory_space<hbm>>) dst(%dma_wait3A_323 : memref<80x32xf32, #tpu.memory_space<vmem>>)
    %dma_start3A_332 = arith.constant 0 : i32
    %dma_start3A_333 = arith.constant 4 : i32
    %dma_start3A_334 = arith.constant 124 : i32
    %dma_start3A_335 = arith.constant 0 : i32
    %dma_start3A_336 = arith.constant 4 : i32
    %dma_start3A_337 = arith.constant 0 : i32
    %dma_start3A_338 = arith.constant 0 : i32
    %dma_start3A_339 = tpu.memref_slice %arg9[%dma_start3A_332, %dma_start3A_333, %dma_start3A_337, %dma_start3A_338] : memref<2x5x80x32xf32, #tpu.memory_space<vmem>> -> memref<1x1x80x32xf32, #tpu.memory_space<vmem>>
    %dma_start3A_340 = tpu.memref_squeeze %dma_start3A_339 : memref<1x1x80x32xf32, #tpu.memory_space<vmem>> -> memref<80x32xf32, #tpu.memory_space<vmem>>
    %dma_start3A_341 = arith.constant 0 : i32
    %dma_start3A_342 = tpu.memref_slice %arg8[%dma_start3A_334, %dma_start3A_341] : memref<125x80xi32, #tpu.memory_space<vmem>> -> memref<1x80xi32, #tpu.memory_space<vmem>>
    %dma_start3A_343 = tpu.memref_squeeze %dma_start3A_342 : memref<1x80xi32, #tpu.memory_space<vmem>> -> memref<80xi32, #tpu.memory_space<vmem>>
    %dma_start3A_344 = arith.constant 0 : i32
    %dma_start3A_345 = arith.constant 0 : i32
    %dma_start3A_346 = tpu.memref_slice %arg11[%dma_start3A_344, %dma_start3A_345] : memref<10112x32xf32, #tpu.memory_space<vmem_shared>> -> memref<10112x32xf32, #tpu.memory_space<vmem_shared>>
    %dma_start3A_347 = tpu.memref_slice %arg13[%dma_start3A_335, %dma_start3A_336] : memref<2x5x!tpu.dma_semaphore, #tpu.memory_space<semaphore_mem>> -> memref<1x1x!tpu.dma_semaphore, #tpu.memory_space<semaphore_mem>>
    %dma_start3A_348 = tpu.memref_squeeze %dma_start3A_347 : memref<1x1x!tpu.dma_semaphore, #tpu.memory_space<semaphore_mem>> -> memref<!tpu.dma_semaphore, #tpu.memory_space<semaphore_mem>>
    tpu.enqueue_indirect_dma source(%dma_start3A_340 : memref<80x32xf32, #tpu.memory_space<vmem>>) target(%dma_start3A_346 : memref<10112x32xf32, #tpu.memory_space<vmem_shared>>) offsets(%dma_start3A_343 : memref<80xi32, #tpu.memory_space<vmem>>) semaphore(%dma_start3A_348 : memref<!tpu.dma_semaphore, #tpu.memory_space<semaphore_mem>>) {add = true}
    %dma_wait3A_349 = arith.constant 0 : i32
    %dma_wait3A_350 = arith.constant 0 : i32
    %dma_wait3A_351 = arith.constant 120 : i32
    %dma_wait3A_352 = arith.constant 0 : i32
    %dma_wait3A_353 = arith.constant 0 : i32
    %dma_wait3A_354 = arith.constant 0 : i32
    %dma_wait3A_355 = arith.constant 0 : i32
    %dma_wait3A_356 = tpu.memref_slice %arg9[%dma_wait3A_349, %dma_wait3A_350, %dma_wait3A_354, %dma_wait3A_355] : memref<2x5x80x32xf32, #tpu.memory_space<vmem>> -> memref<1x1x80x32xf32, #tpu.memory_space<vmem>>
    %dma_wait3A_357 = tpu.memref_squeeze %dma_wait3A_356 : memref<1x1x80x32xf32, #tpu.memory_space<vmem>> -> memref<80x32xf32, #tpu.memory_space<vmem>>
    %dma_wait3A_358 = arith.constant 0 : i32
    %dma_wait3A_359 = tpu.memref_slice %arg8[%dma_wait3A_351, %dma_wait3A_358] : memref<125x80xi32, #tpu.memory_space<vmem>> -> memref<1x80xi32, #tpu.memory_space<vmem>>
    %dma_wait3A_360 = tpu.memref_squeeze %dma_wait3A_359 : memref<1x80xi32, #tpu.memory_space<vmem>> -> memref<80xi32, #tpu.memory_space<vmem>>
    %dma_wait3A_361 = arith.constant 0 : i32
    %dma_wait3A_362 = arith.constant 0 : i32
    %dma_wait3A_363 = tpu.memref_slice %arg11[%dma_wait3A_361, %dma_wait3A_362] : memref<10112x32xf32, #tpu.memory_space<vmem_shared>> -> memref<10112x32xf32, #tpu.memory_space<vmem_shared>>
    %dma_wait3A_364 = tpu.memref_slice %arg13[%dma_wait3A_352, %dma_wait3A_353] : memref<2x5x!tpu.dma_semaphore, #tpu.memory_space<semaphore_mem>> -> memref<1x1x!tpu.dma_semaphore, #tpu.memory_space<semaphore_mem>>
    %dma_wait3A_365 = tpu.memref_squeeze %dma_wait3A_364 : memref<1x1x!tpu.dma_semaphore, #tpu.memory_space<semaphore_mem>> -> memref<!tpu.dma_semaphore, #tpu.memory_space<semaphore_mem>>
    tpu.wait_indirect_dma semaphore(%dma_wait3A_365 : memref<!tpu.dma_semaphore, #tpu.memory_space<semaphore_mem>>) src(%dma_wait3A_357 : memref<80x32xf32, #tpu.memory_space<vmem>>) dst(%dma_wait3A_363 : memref<10112x32xf32, #tpu.memory_space<vmem_shared>>)
    %dma_wait3A_366 = arith.constant 0 : i32
    %dma_wait3A_367 = arith.constant 1 : i32
    %dma_wait3A_368 = arith.constant 121 : i32
    %dma_wait3A_369 = arith.constant 0 : i32
    %dma_wait3A_370 = arith.constant 1 : i32
    %dma_wait3A_371 = arith.constant 0 : i32
    %dma_wait3A_372 = arith.constant 0 : i32
    %dma_wait3A_373 = tpu.memref_slice %arg9[%dma_wait3A_366, %dma_wait3A_367, %dma_wait3A_371, %dma_wait3A_372] : memref<2x5x80x32xf32, #tpu.memory_space<vmem>> -> memref<1x1x80x32xf32, #tpu.memory_space<vmem>>
    %dma_wait3A_374 = tpu.memref_squeeze %dma_wait3A_373 : memref<1x1x80x32xf32, #tpu.memory_space<vmem>> -> memref<80x32xf32, #tpu.memory_space<vmem>>
    %dma_wait3A_375 = arith.constant 0 : i32
    %dma_wait3A_376 = tpu.memref_slice %arg8[%dma_wait3A_368, %dma_wait3A_375] : memref<125x80xi32, #tpu.memory_space<vmem>> -> memref<1x80xi32, #tpu.memory_space<vmem>>
    %dma_wait3A_377 = tpu.memref_squeeze %dma_wait3A_376 : memref<1x80xi32, #tpu.memory_space<vmem>> -> memref<80xi32, #tpu.memory_space<vmem>>
    %dma_wait3A_378 = arith.constant 0 : i32
    %dma_wait3A_379 = arith.constant 0 : i32
    %dma_wait3A_380 = tpu.memref_slice %arg11[%dma_wait3A_378, %dma_wait3A_379] : memref<10112x32xf32, #tpu.memory_space<vmem_shared>> -> memref<10112x32xf32, #tpu.memory_space<vmem_shared>>
    %dma_wait3A_381 = tpu.memref_slice %arg13[%dma_wait3A_369, %dma_wait3A_370] : memref<2x5x!tpu.dma_semaphore, #tpu.memory_space<semaphore_mem>> -> memref<1x1x!tpu.dma_semaphore, #tpu.memory_space<semaphore_mem>>
    %dma_wait3A_382 = tpu.memref_squeeze %dma_wait3A_381 : memref<1x1x!tpu.dma_semaphore, #tpu.memory_space<semaphore_mem>> -> memref<!tpu.dma_semaphore, #tpu.memory_space<semaphore_mem>>
    tpu.wait_indirect_dma semaphore(%dma_wait3A_382 : memref<!tpu.dma_semaphore, #tpu.memory_space<semaphore_mem>>) src(%dma_wait3A_374 : memref<80x32xf32, #tpu.memory_space<vmem>>) dst(%dma_wait3A_380 : memref<10112x32xf32, #tpu.memory_space<vmem_shared>>)
    %dma_wait3A_383 = arith.constant 0 : i32
    %dma_wait3A_384 = arith.constant 2 : i32
    %dma_wait3A_385 = arith.constant 122 : i32
    %dma_wait3A_386 = arith.constant 0 : i32
    %dma_wait3A_387 = arith.constant 2 : i32
    %dma_wait3A_388 = arith.constant 0 : i32
    %dma_wait3A_389 = arith.constant 0 : i32
    %dma_wait3A_390 = tpu.memref_slice %arg9[%dma_wait3A_383, %dma_wait3A_384, %dma_wait3A_388, %dma_wait3A_389] : memref<2x5x80x32xf32, #tpu.memory_space<vmem>> -> memref<1x1x80x32xf32, #tpu.memory_space<vmem>>
    %dma_wait3A_391 = tpu.memref_squeeze %dma_wait3A_390 : memref<1x1x80x32xf32, #tpu.memory_space<vmem>> -> memref<80x32xf32, #tpu.memory_space<vmem>>
    %dma_wait3A_392 = arith.constant 0 : i32
    %dma_wait3A_393 = tpu.memref_slice %arg8[%dma_wait3A_385, %dma_wait3A_392] : memref<125x80xi32, #tpu.memory_space<vmem>> -> memref<1x80xi32, #tpu.memory_space<vmem>>
    %dma_wait3A_394 = tpu.memref_squeeze %dma_wait3A_393 : memref<1x80xi32, #tpu.memory_space<vmem>> -> memref<80xi32, #tpu.memory_space<vmem>>
    %dma_wait3A_395 = arith.constant 0 : i32
    %dma_wait3A_396 = arith.constant 0 : i32
    %dma_wait3A_397 = tpu.memref_slice %arg11[%dma_wait3A_395, %dma_wait3A_396] : memref<10112x32xf32, #tpu.memory_space<vmem_shared>> -> memref<10112x32xf32, #tpu.memory_space<vmem_shared>>
    %dma_wait3A_398 = tpu.memref_slice %arg13[%dma_wait3A_386, %dma_wait3A_387] : memref<2x5x!tpu.dma_semaphore, #tpu.memory_space<semaphore_mem>> -> memref<1x1x!tpu.dma_semaphore, #tpu.memory_space<semaphore_mem>>
    %dma_wait3A_399 = tpu.memref_squeeze %dma_wait3A_398 : memref<1x1x!tpu.dma_semaphore, #tpu.memory_space<semaphore_mem>> -> memref<!tpu.dma_semaphore, #tpu.memory_space<semaphore_mem>>
    tpu.wait_indirect_dma semaphore(%dma_wait3A_399 : memref<!tpu.dma_semaphore, #tpu.memory_space<semaphore_mem>>) src(%dma_wait3A_391 : memref<80x32xf32, #tpu.memory_space<vmem>>) dst(%dma_wait3A_397 : memref<10112x32xf32, #tpu.memory_space<vmem_shared>>)
    %dma_wait3A_400 = arith.constant 0 : i32
    %dma_wait3A_401 = arith.constant 3 : i32
    %dma_wait3A_402 = arith.constant 123 : i32
    %dma_wait3A_403 = arith.constant 0 : i32
    %dma_wait3A_404 = arith.constant 3 : i32
    %dma_wait3A_405 = arith.constant 0 : i32
    %dma_wait3A_406 = arith.constant 0 : i32
    %dma_wait3A_407 = tpu.memref_slice %arg9[%dma_wait3A_400, %dma_wait3A_401, %dma_wait3A_405, %dma_wait3A_406] : memref<2x5x80x32xf32, #tpu.memory_space<vmem>> -> memref<1x1x80x32xf32, #tpu.memory_space<vmem>>
    %dma_wait3A_408 = tpu.memref_squeeze %dma_wait3A_407 : memref<1x1x80x32xf32, #tpu.memory_space<vmem>> -> memref<80x32xf32, #tpu.memory_space<vmem>>
    %dma_wait3A_409 = arith.constant 0 : i32
    %dma_wait3A_410 = tpu.memref_slice %arg8[%dma_wait3A_402, %dma_wait3A_409] : memref<125x80xi32, #tpu.memory_space<vmem>> -> memref<1x80xi32, #tpu.memory_space<vmem>>
    %dma_wait3A_411 = tpu.memref_squeeze %dma_wait3A_410 : memref<1x80xi32, #tpu.memory_space<vmem>> -> memref<80xi32, #tpu.memory_space<vmem>>
    %dma_wait3A_412 = arith.constant 0 : i32
    %dma_wait3A_413 = arith.constant 0 : i32
    %dma_wait3A_414 = tpu.memref_slice %arg11[%dma_wait3A_412, %dma_wait3A_413] : memref<10112x32xf32, #tpu.memory_space<vmem_shared>> -> memref<10112x32xf32, #tpu.memory_space<vmem_shared>>
    %dma_wait3A_415 = tpu.memref_slice %arg13[%dma_wait3A_403, %dma_wait3A_404] : memref<2x5x!tpu.dma_semaphore, #tpu.memory_space<semaphore_mem>> -> memref<1x1x!tpu.dma_semaphore, #tpu.memory_space<semaphore_mem>>
    %dma_wait3A_416 = tpu.memref_squeeze %dma_wait3A_415 : memref<1x1x!tpu.dma_semaphore, #tpu.memory_space<semaphore_mem>> -> memref<!tpu.dma_semaphore, #tpu.memory_space<semaphore_mem>>
    tpu.wait_indirect_dma semaphore(%dma_wait3A_416 : memref<!tpu.dma_semaphore, #tpu.memory_space<semaphore_mem>>) src(%dma_wait3A_408 : memref<80x32xf32, #tpu.memory_space<vmem>>) dst(%dma_wait3A_414 : memref<10112x32xf32, #tpu.memory_space<vmem_shared>>)
    %dma_wait3A_417 = arith.constant 0 : i32
    %dma_wait3A_418 = arith.constant 4 : i32
    %dma_wait3A_419 = arith.constant 124 : i32
    %dma_wait3A_420 = arith.constant 0 : i32
    %dma_wait3A_421 = arith.constant 4 : i32
    %dma_wait3A_422 = arith.constant 0 : i32
    %dma_wait3A_423 = arith.constant 0 : i32
    %dma_wait3A_424 = tpu.memref_slice %arg9[%dma_wait3A_417, %dma_wait3A_418, %dma_wait3A_422, %dma_wait3A_423] : memref<2x5x80x32xf32, #tpu.memory_space<vmem>> -> memref<1x1x80x32xf32, #tpu.memory_space<vmem>>
    %dma_wait3A_425 = tpu.memref_squeeze %dma_wait3A_424 : memref<1x1x80x32xf32, #tpu.memory_space<vmem>> -> memref<80x32xf32, #tpu.memory_space<vmem>>
    %dma_wait3A_426 = arith.constant 0 : i32
    %dma_wait3A_427 = tpu.memref_slice %arg8[%dma_wait3A_419, %dma_wait3A_426] : memref<125x80xi32, #tpu.memory_space<vmem>> -> memref<1x80xi32, #tpu.memory_space<vmem>>
    %dma_wait3A_428 = tpu.memref_squeeze %dma_wait3A_427 : memref<1x80xi32, #tpu.memory_space<vmem>> -> memref<80xi32, #tpu.memory_space<vmem>>
    %dma_wait3A_429 = arith.constant 0 : i32
    %dma_wait3A_430 = arith.constant 0 : i32
    %dma_wait3A_431 = tpu.memref_slice %arg11[%dma_wait3A_429, %dma_wait3A_430] : memref<10112x32xf32, #tpu.memory_space<vmem_shared>> -> memref<10112x32xf32, #tpu.memory_space<vmem_shared>>
    %dma_wait3A_432 = tpu.memref_slice %arg13[%dma_wait3A_420, %dma_wait3A_421] : memref<2x5x!tpu.dma_semaphore, #tpu.memory_space<semaphore_mem>> -> memref<1x1x!tpu.dma_semaphore, #tpu.memory_space<semaphore_mem>>
    %dma_wait3A_433 = tpu.memref_squeeze %dma_wait3A_432 : memref<1x1x!tpu.dma_semaphore, #tpu.memory_space<semaphore_mem>> -> memref<!tpu.dma_semaphore, #tpu.memory_space<semaphore_mem>>
    tpu.wait_indirect_dma semaphore(%dma_wait3A_433 : memref<!tpu.dma_semaphore, #tpu.memory_space<semaphore_mem>>) src(%dma_wait3A_425 : memref<80x32xf32, #tpu.memory_space<vmem>>) dst(%dma_wait3A_431 : memref<10112x32xf32, #tpu.memory_space<vmem_shared>>)
    %barrier3A_434 = arith.constant 0 : index
    tpu.barrier barrier_id(%barrier3A_434)
    %mul3A_435 = arith.constant 632 : i32
    %mul3A_436 = arith.muli %arg1, %mul3A_435 : i32
    "tpu.region"() ({
      %run_scoped3A_444 = tpu.sem_alloc : memref<!tpu.dma_semaphore, #tpu.memory_space<semaphore_mem>>
      %dma_start3A_445 = arith.constant 0 : i32
      %dma_start3A_446 = tpu.memref_slice %arg11[%mul3A_436, %dma_start3A_445] : memref<10112x32xf32, #tpu.memory_space<vmem_shared>> -> memref<632x32xf32, #tpu.memory_space<vmem_shared>>
      %dma_start3A_447 = arith.constant 0 : i32
      %dma_start3A_448 = tpu.memref_slice %arg11[%mul3A_436, %dma_start3A_447] : memref<10112x32xf32, #tpu.memory_space<vmem_shared>> -> memref<632x32xf32, #tpu.memory_space<vmem_shared>>
      tpu.enqueue_dma source(%dma_start3A_448 : memref<632x32xf32, #tpu.memory_space<vmem_shared>>) target(%arg10 : memref<632x32xf32, #tpu.memory_space<vmem>>) target_semaphore(%run_scoped3A_444 : memref<!tpu.dma_semaphore, #tpu.memory_space<semaphore_mem>>)
      %dma_wait3A_449 = arith.constant 0 : i32
      %dma_wait3A_450 = tpu.memref_slice %arg11[%mul3A_436, %dma_wait3A_449] : memref<10112x32xf32, #tpu.memory_space<vmem_shared>> -> memref<632x32xf32, #tpu.memory_space<vmem_shared>>
      %dma_wait3A_451 = arith.constant 0 : i32
      %dma_wait3A_452 = tpu.memref_slice %arg11[%mul3A_436, %dma_wait3A_451] : memref<10112x32xf32, #tpu.memory_space<vmem_shared>> -> memref<632x32xf32, #tpu.memory_space<vmem_shared>>
      tpu.wait_dma2 semaphore(%run_scoped3A_444 : memref<!tpu.dma_semaphore, #tpu.memory_space<semaphore_mem>>) src(%dma_wait3A_452 : memref<632x32xf32, #tpu.memory_space<vmem_shared>>) dst(%arg10 : memref<632x32xf32, #tpu.memory_space<vmem>>)
      tpu.yield
    }) : () -> ()
    %eq3A = arith.constant 0 : i32
    %eq3A_437 = arith.cmpi eq, %arg0, %eq3A : i32
    %convert_element_type3A = arith.extui %eq3A_437 : i1 to i32
    %cond3A = arith.constant 0 : i32
    %cond3A_438 = arith.cmpi ne, %convert_element_type3A, %cond3A : i32
    scf.if %cond3A_438 {
      %mul3A_444 = arith.constant 632 : i32
      %mul3A_445 = arith.muli %arg1, %mul3A_444 : i32
      "tpu.region"() ({
        %run_scoped3A_446 = tpu.sem_alloc : memref<!tpu.dma_semaphore, #tpu.memory_space<semaphore_mem>>
        %dma_start3A_447 = arith.constant 0 : i32
        %dma_start3A_448 = tpu.memref_slice %arg5[%mul3A_445, %dma_start3A_447] : memref<10112x32xf32, #tpu.memory_space<hbm>> -> memref<632x32xf32, #tpu.memory_space<hbm>>
        %dma_start3A_449 = arith.constant 0 : i32
        %dma_start3A_450 = tpu.memref_slice %arg5[%mul3A_445, %dma_start3A_449] : memref<10112x32xf32, #tpu.memory_space<hbm>> -> memref<632x32xf32, #tpu.memory_space<hbm>>
        tpu.enqueue_dma source(%arg10 : memref<632x32xf32, #tpu.memory_space<vmem>>) target(%dma_start3A_450 : memref<632x32xf32, #tpu.memory_space<hbm>>) target_semaphore(%run_scoped3A_446 : memref<!tpu.dma_semaphore, #tpu.memory_space<semaphore_mem>>)
        %dma_wait3A_451 = arith.constant 0 : i32
        %dma_wait3A_452 = tpu.memref_slice %arg5[%mul3A_445, %dma_wait3A_451] : memref<10112x32xf32, #tpu.memory_space<hbm>> -> memref<632x32xf32, #tpu.memory_space<hbm>>
        %dma_wait3A_453 = arith.constant 0 : i32
        %dma_wait3A_454 = tpu.memref_slice %arg5[%mul3A_445, %dma_wait3A_453] : memref<10112x32xf32, #tpu.memory_space<hbm>> -> memref<632x32xf32, #tpu.memory_space<hbm>>
        tpu.wait_dma2 semaphore(%run_scoped3A_446 : memref<!tpu.dma_semaphore, #tpu.memory_space<semaphore_mem>>) src(%arg10 : memref<632x32xf32, #tpu.memory_space<vmem>>) dst(%dma_wait3A_454 : memref<632x32xf32, #tpu.memory_space<hbm>>)
        tpu.yield
      }) : () -> ()
    } else {
    }
    %eq3A_439 = arith.constant 1 : i32
    %eq3A_440 = arith.cmpi eq, %arg0, %eq3A_439 : i32
    %convert_element_type3A_441 = arith.extui %eq3A_440 : i1 to i32
    %cond3A_442 = arith.constant 0 : i32
    %cond3A_443 = arith.cmpi ne, %convert_element_type3A_441, %cond3A_442 : i32
    scf.if %cond3A_443 {
      %mul3A_444 = arith.constant 632 : i32
      %mul3A_445 = arith.muli %arg1, %mul3A_444 : i32
      "tpu.region"() ({
        %run_scoped3A_446 = tpu.sem_alloc : memref<!tpu.dma_semaphore, #tpu.memory_space<semaphore_mem>>
        %dma_start3A_447 = arith.constant 0 : i32
        %dma_start3A_448 = tpu.memref_slice %arg6[%mul3A_445, %dma_start3A_447] : memref<10112x32xf32, #tpu.memory_space<hbm>> -> memref<632x32xf32, #tpu.memory_space<hbm>>
        %dma_start3A_449 = arith.constant 0 : i32
        %dma_start3A_450 = tpu.memref_slice %arg6[%mul3A_445, %dma_start3A_449] : memref<10112x32xf32, #tpu.memory_space<hbm>> -> memref<632x32xf32, #tpu.memory_space<hbm>>
        tpu.enqueue_dma source(%arg10 : memref<632x32xf32, #tpu.memory_space<vmem>>) target(%dma_start3A_450 : memref<632x32xf32, #tpu.memory_space<hbm>>) target_semaphore(%run_scoped3A_446 : memref<!tpu.dma_semaphore, #tpu.memory_space<semaphore_mem>>)
        %dma_wait3A_451 = arith.constant 0 : i32
        %dma_wait3A_452 = tpu.memref_slice %arg6[%mul3A_445, %dma_wait3A_451] : memref<10112x32xf32, #tpu.memory_space<hbm>> -> memref<632x32xf32, #tpu.memory_space<hbm>>
        %dma_wait3A_453 = arith.constant 0 : i32
        %dma_wait3A_454 = tpu.memref_slice %arg6[%mul3A_445, %dma_wait3A_453] : memref<10112x32xf32, #tpu.memory_space<hbm>> -> memref<632x32xf32, #tpu.memory_space<hbm>>
        tpu.wait_dma2 semaphore(%run_scoped3A_446 : memref<!tpu.dma_semaphore, #tpu.memory_space<semaphore_mem>>) src(%arg10 : memref<632x32xf32, #tpu.memory_space<vmem>>) dst(%dma_wait3A_454 : memref<632x32xf32, #tpu.memory_space<hbm>>)
        tpu.yield
      }) : () -> ()
    } else {
    }
    return
  }
}

module attributes {stable_mosaic.version = 14 : i64} {
  func.func @_mm_body(%arg0: i32, %arg1: memref<512x512xf32, #tpu.memory_space<vmem>>, %arg2: memref<512x128xf32, #tpu.memory_space<vmem>>, %arg3: memref<512x128xf32, #tpu.memory_space<vmem>>) attributes {dimension_semantics = [#tpu.dimension_semantics<arbitrary>], iteration_bounds = array<i64: 5>, scalar_prefetch = 0 : i64, scratch_operands = 0 : i64, tpu.core_type = #tpu.core_type<tc>, window_params = [{transform_indices = @transform_0, window_bounds = array<i64: 512, 512>}, {pipeline_mode = #tpu.pipeline_mode<synchronous>, transform_indices = @transform_1, window_bounds = array<i64: 512, 128>}, {transform_indices = @transform_2, window_bounds = array<i64: 512, 128>}]} {
    %get3A = arith.constant 0 : index
    %get3A_0 = arith.constant 0 : index
    %get3A_1 = vector.load %arg1[%get3A, %get3A_0] : memref<512x512xf32, #tpu.memory_space<vmem>>, vector<512x512xf32>
    %get3A_2 = arith.constant 0 : index
    %get3A_3 = arith.constant 0 : index
    %get3A_4 = vector.load %arg2[%get3A_2, %get3A_3] : memref<512x128xf32, #tpu.memory_space<vmem>>, vector<512x128xf32>
    %dot_general3A = arith.constant dense<0.000000e+00> : vector<512x128xf32>
    %dot_general3A_5 = tpu.matmul %get3A_1, %get3A_4, %dot_general3A {dimension_numbers = #tpu.dot_dimension_numbers<[1], [0], [0], [1], [0, 0, 1, 1], [], []>, precision = #tpu.contract_precision<fp32>, transpose_lhs_hint = false} : vector<512x512xf32>, vector<512x128xf32>, vector<512x128xf32> -> vector<512x128xf32>
    %swap3A = arith.constant 0 : index
    %swap3A_6 = arith.constant 0 : index
    %swap3A_7 = vector.load %arg3[%swap3A, %swap3A_6] : memref<512x128xf32, #tpu.memory_space<vmem>>, vector<512x128xf32>
    tpu.vector_store %arg3[%swap3A, %swap3A_6], %dot_general3A_5 {strides = array<i32>} : memref<512x128xf32, #tpu.memory_space<vmem>>, vector<512x128xf32>,
    return
  }
  func.func @transform_0(%arg0: i32) -> (i32, i32) {
    %c0_i32 = arith.constant 0 : i32
    %c0_i32_0 = arith.constant 0 : i32
    return %arg0, %c0_i32 : i32, i32
  }
  func.func @transform_1(%arg0: i32) -> (i32, i32) {
    %c0_i32 = arith.constant 0 : i32
    %c0_i32_0 = arith.constant 0 : i32
    %c0_i32_1 = arith.constant 0 : i32
    return %c0_i32, %c0_i32_0 : i32, i32
  }
  func.func @transform_2(%arg0: i32) -> (i32, i32) {
    %c0_i32 = arith.constant 0 : i32
    %c0_i32_0 = arith.constant 0 : i32
    return %arg0, %c0_i32 : i32, i32
  }
}

module attributes {stable_mosaic.version = 14 : i64} {
  func.func @_conv_bn_body(%arg0: i32, %arg1: memref<512x128xf32, #tpu.memory_space<vmem>>, %arg2: memref<512x128xf32, #tpu.memory_space<vmem>>, %arg3: memref<512x128xf32, #tpu.memory_space<vmem>>, %arg4: memref<1x128xf32, #tpu.memory_space<vmem>>, %arg5: memref<128x128xf32, #tpu.memory_space<vmem>>, %arg6: memref<1x128xf32, #tpu.memory_space<vmem>>, %arg7: memref<1x32xf32, #tpu.memory_space<vmem>>, %arg8: memref<1x32xf32, #tpu.memory_space<vmem>>, %arg9: memref<128x32xf32, #tpu.memory_space<vmem>>, %arg10: memref<128x128xf32, #tpu.memory_space<vmem>>, %arg11: memref<512x128xf32, #tpu.memory_space<vmem>>, %arg12: memref<2560x128xf32, #tpu.memory_space<vmem>>, %arg13: memref<8x128xf32, #tpu.memory_space<vmem>>, %arg14: memref<8x128xf32, #tpu.memory_space<vmem>>) attributes {dimension_semantics = [#tpu.dimension_semantics<arbitrary>], iteration_bounds = array<i64: 10>, scalar_prefetch = 0 : i64, scratch_operands = 3 : i64, tpu.core_type = #tpu.core_type<tc>, window_params = [{transform_indices = @transform_0, window_bounds = array<i64: 512, 128>}, {transform_indices = @transform_1, window_bounds = array<i64: 512, 128>}, {transform_indices = @transform_2, window_bounds = array<i64: 512, 128>}, {pipeline_mode = #tpu.pipeline_mode<synchronous>, transform_indices = @transform_3, window_bounds = array<i64: 1, 128>}, {pipeline_mode = #tpu.pipeline_mode<synchronous>, transform_indices = @transform_4, window_bounds = array<i64: 128, 128>}, {pipeline_mode = #tpu.pipeline_mode<synchronous>, transform_indices = @transform_5, window_bounds = array<i64: 1, 128>}, {pipeline_mode = #tpu.pipeline_mode<synchronous>, transform_indices = @transform_6, window_bounds = array<i64: 1, 32>}, {pipeline_mode = #tpu.pipeline_mode<synchronous>, transform_indices = @transform_7, window_bounds = array<i64: 1, 32>}, {pipeline_mode = #tpu.pipeline_mode<synchronous>, transform_indices = @transform_8, window_bounds = array<i64: 128, 32>}, {pipeline_mode = #tpu.pipeline_mode<synchronous>, transform_indices = @transform_9, window_bounds = array<i64: 128, 128>}, {transform_indices = @transform_10, window_bounds = array<i64: 512, 128>}]} {
    %lt3A = arith.constant 5 : i32
    %lt3A_0 = arith.cmpi slt, %arg0, %lt3A : i32
    %convert_element_type3A = arith.extui %lt3A_0 : i1 to i32
    %cond3A = arith.constant 0 : i32
    %cond3A_1 = arith.cmpi ne, %convert_element_type3A, %cond3A : i32
    scf.if %cond3A_1 {
      %get3A = arith.constant 0 : index
      %get3A_6 = arith.constant 0 : index
      %get3A_7 = vector.load %arg1[%get3A, %get3A_6] : memref<512x128xf32, #tpu.memory_space<vmem>>, vector<512x128xf32>
      %get3A_8 = arith.constant 0 : index
      %get3A_9 = arith.constant 0 : index
      %get3A_10 = vector.load %arg2[%get3A_8, %get3A_9] : memref<512x128xf32, #tpu.memory_space<vmem>>, vector<512x128xf32>
      %add3A = arith.addf %get3A_7, %get3A_10 : vector<512x128xf32>
      %get3A_11 = arith.constant 0 : index
      %get3A_12 = arith.constant 0 : index
      %get3A_13 = vector.load %arg3[%get3A_11, %get3A_12] : memref<512x128xf32, #tpu.memory_space<vmem>>, vector<512x128xf32>
      %add3A_14 = arith.addf %add3A, %get3A_13 : vector<512x128xf32>
      %get3A_15 = arith.constant 0 : index
      %get3A_16 = arith.constant 0 : index
      %get3A_17 = vector.load %arg4[%get3A_15, %get3A_16] : memref<1x128xf32, #tpu.memory_space<vmem>>, vector<1x128xf32>
      %add3A_18 = vector.broadcast %get3A_17 : vector<1x128xf32> to vector<512x128xf32>
      %add3A_19 = arith.addf %add3A_14, %add3A_18 : vector<512x128xf32>
      %max3A = arith.constant 0.000000e+00 : f32
      %max3A_20 = vector.broadcast %max3A : f32 to vector<512x128xf32>
      %max3A_21 = arith.maximumf %add3A_19, %max3A_20 : vector<512x128xf32>
      %get3A_22 = arith.constant 0 : index
      %get3A_23 = arith.constant 0 : index
      %get3A_24 = vector.load %arg5[%get3A_22, %get3A_23] : memref<128x128xf32, #tpu.memory_space<vmem>>, vector<128x128xf32>
      %dot_general3A = arith.constant dense<0.000000e+00> : vector<512x128xf32>
      %dot_general3A_25 = tpu.matmul %max3A_21, %get3A_24, %dot_general3A {dimension_numbers = #tpu.dot_dimension_numbers<[1], [0], [0], [1], [0, 0, 1, 1], [], []>, precision = #tpu.contract_precision<fp32>, transpose_lhs_hint = false} : vector<512x128xf32>, vector<128x128xf32>, vector<512x128xf32> -> vector<512x128xf32>
      %get3A_26 = arith.constant 0 : index
      %get3A_27 = arith.constant 0 : index
      %get3A_28 = vector.load %arg6[%get3A_26, %get3A_27] : memref<1x128xf32, #tpu.memory_space<vmem>>, vector<1x128xf32>
      %add3A_29 = vector.broadcast %get3A_28 : vector<1x128xf32> to vector<512x128xf32>
      %add3A_30 = arith.addf %dot_general3A_25, %add3A_29 : vector<512x128xf32>
      %mul3A = arith.constant 512 : i32
      %mul3A_31 = arith.muli %arg0, %mul3A : i32
      %swap3A = arith.index_cast %mul3A_31 : i32 to index
      %swap3A_32 = arith.constant 0 : index
      %swap3A_33 = vector.load %arg12[%swap3A, %swap3A_32] : memref<2560x128xf32, #tpu.memory_space<vmem>>, vector<512x128xf32>
      tpu.vector_store %arg12[%swap3A, %swap3A_32], %add3A_30 {strides = array<i32>} : memref<2560x128xf32, #tpu.memory_space<vmem>>, vector<512x128xf32>,
      %eq3A = arith.constant 0 : i32
      %eq3A_34 = arith.cmpi eq, %arg0, %eq3A : i32
      %convert_element_type3A_35 = arith.extui %eq3A_34 : i1 to i32
      %cond3A_36 = arith.constant 0 : i32
      %cond3A_37 = arith.cmpi ne, %convert_element_type3A_35, %cond3A_36 : i32
      scf.if %cond3A_37 {
        %broadcast_in_dim3A_65 = arith.constant 0.000000e+00 : f32
        %broadcast_in_dim3A_66 = vector.broadcast %broadcast_in_dim3A_65 : f32 to vector<8x128xf32>
        %swap3A_67 = arith.constant 0 : index
        %swap3A_68 = arith.constant 0 : index
        %swap3A_69 = vector.load %arg13[%swap3A_67, %swap3A_68] : memref<8x128xf32, #tpu.memory_space<vmem>>, vector<8x128xf32>
        tpu.vector_store %arg13[%swap3A_67, %swap3A_68], %broadcast_in_dim3A_66 {strides = array<i32>} : memref<8x128xf32, #tpu.memory_space<vmem>>, vector<8x128xf32>,
        %broadcast_in_dim3A_70 = arith.constant 0.000000e+00 : f32
        %broadcast_in_dim3A_71 = vector.broadcast %broadcast_in_dim3A_70 : f32 to vector<8x128xf32>
        %swap3A_72 = arith.constant 0 : index
        %swap3A_73 = arith.constant 0 : index
        %swap3A_74 = vector.load %arg14[%swap3A_72, %swap3A_73] : memref<8x128xf32, #tpu.memory_space<vmem>>, vector<8x128xf32>
        tpu.vector_store %arg14[%swap3A_72, %swap3A_73], %broadcast_in_dim3A_71 {strides = array<i32>} : memref<8x128xf32, #tpu.memory_space<vmem>>, vector<8x128xf32>,
      } else {
      }
      %iota3A = tpu.iota {dimensions = array<i32: 0>} : vector<512x1xi32>
      %mul3A_38 = arith.constant 512 : i32
      %mul3A_39 = arith.muli %arg0, %mul3A_38 : i32
      %add3A_40 = vector.broadcast %mul3A_39 : i32 to vector<512x1xi32>
      %add3A_41 = arith.addi %iota3A, %add3A_40 : vector<512x1xi32>
      %lt3A_42 = arith.constant 2500 : i32
      %lt3A_43 = vector.broadcast %lt3A_42 : i32 to vector<512x1xi32>
      %lt3A_44 = arith.cmpi slt, %add3A_41, %lt3A_43 : vector<512x1xi32>
      %jit3A = arith.constant 0.000000e+00 : f32
      %broadcast_in_dim3A = vector.shape_cast %lt3A_44 : vector<512x1xi1> to vector<512x1xi1>
      %broadcast_in_dim3A_45 = vector.broadcast %broadcast_in_dim3A : vector<512x1xi1> to vector<512x128xi1>
      %broadcast_in_dim3A_46 = vector.broadcast %jit3A : f32 to vector<512x128xf32>
      %select_n3A = arith.select %broadcast_in_dim3A_45, %add3A_30, %broadcast_in_dim3A_46 : vector<512x128xi1>, vector<512x128xf32>
      %reshape3A = vector.shape_cast %select_n3A : vector<512x128xf32> to vector<64x8x128xf32>
      %get3A_47 = arith.constant 0 : index
      %get3A_48 = arith.constant 0 : index
      %get3A_49 = vector.load %arg13[%get3A_47, %get3A_48] : memref<8x128xf32, #tpu.memory_space<vmem>>, vector<8x128xf32>
      %reduce_sum3A = arith.constant dense<0.000000e+00> : vector<8x128xf32>
      %reduce_sum3A_50 = vector.multi_reduction <add>, %reshape3A, %reduce_sum3A [0] : vector<64x8x128xf32> to vector<8x128xf32>
      %add3A_51 = arith.addf %get3A_49, %reduce_sum3A_50 : vector<8x128xf32>
      %swap3A_52 = arith.constant 0 : index
      %swap3A_53 = arith.constant 0 : index
      %swap3A_54 = vector.load %arg13[%swap3A_52, %swap3A_53] : memref<8x128xf32, #tpu.memory_space<vmem>>, vector<8x128xf32>
      tpu.vector_store %arg13[%swap3A_52, %swap3A_53], %add3A_51 {strides = array<i32>} : memref<8x128xf32, #tpu.memory_space<vmem>>, vector<8x128xf32>,
      %get3A_55 = arith.constant 0 : index
      %get3A_56 = arith.constant 0 : index
      %get3A_57 = vector.load %arg14[%get3A_55, %get3A_56] : memref<8x128xf32, #tpu.memory_space<vmem>>, vector<8x128xf32>
      %mul3A_58 = arith.mulf %reshape3A, %reshape3A : vector<64x8x128xf32>
      %reduce_sum3A_59 = arith.constant dense<0.000000e+00> : vector<8x128xf32>
      %reduce_sum3A_60 = vector.multi_reduction <add>, %mul3A_58, %reduce_sum3A_59 [0] : vector<64x8x128xf32> to vector<8x128xf32>
      %add3A_61 = arith.addf %get3A_57, %reduce_sum3A_60 : vector<8x128xf32>
      %swap3A_62 = arith.constant 0 : index
      %swap3A_63 = arith.constant 0 : index
      %swap3A_64 = vector.load %arg14[%swap3A_62, %swap3A_63] : memref<8x128xf32, #tpu.memory_space<vmem>>, vector<8x128xf32>
      tpu.vector_store %arg14[%swap3A_62, %swap3A_63], %add3A_61 {strides = array<i32>} : memref<8x128xf32, #tpu.memory_space<vmem>>, vector<8x128xf32>,
    } else {
    }
    %ge3A = arith.constant 5 : i32
    %ge3A_2 = arith.cmpi sge, %arg0, %ge3A : i32
    %convert_element_type3A_3 = arith.extui %ge3A_2 : i1 to i32
    %cond3A_4 = arith.constant 0 : i32
    %cond3A_5 = arith.cmpi ne, %convert_element_type3A_3, %cond3A_4 : i32
    scf.if %cond3A_5 {
      %get3A = arith.constant 0 : index
      %get3A_6 = arith.constant 0 : index
      %get3A_7 = vector.load %arg9[%get3A, %get3A_6] : memref<128x32xf32, #tpu.memory_space<vmem>>, vector<128x32xf32>
      %get3A_8 = arith.constant 0 : index
      %get3A_9 = arith.constant 0 : index
      %get3A_10 = vector.load %arg13[%get3A_8, %get3A_9] : memref<8x128xf32, #tpu.memory_space<vmem>>, vector<8x128xf32>
      %reduce_sum3A = arith.constant dense<0.000000e+00> : vector<128xf32>
      %reduce_sum3A_11 = vector.multi_reduction <add>, %get3A_10, %reduce_sum3A [0] : vector<8x128xf32> to vector<128xf32>
      %broadcast_in_dim3A = vector.shape_cast %reduce_sum3A_11 : vector<128xf32> to vector<1x128xf32>
      %dot_general3A = arith.constant dense<0.000000e+00> : vector<1x32xf32>
      %dot_general3A_12 = tpu.matmul %broadcast_in_dim3A, %get3A_7, %dot_general3A {dimension_numbers = #tpu.dot_dimension_numbers<[1], [0], [0], [1], [0, 0, 1, 1], [], []>, precision = #tpu.contract_precision<fp32>, transpose_lhs_hint = false} : vector<1x128xf32>, vector<128x32xf32>, vector<1x32xf32> -> vector<1x32xf32>
      %get3A_13 = arith.constant 0 : index
      %get3A_14 = arith.constant 0 : index
      %get3A_15 = vector.load %arg14[%get3A_13, %get3A_14] : memref<8x128xf32, #tpu.memory_space<vmem>>, vector<8x128xf32>
      %reduce_sum3A_16 = arith.constant dense<0.000000e+00> : vector<128xf32>
      %reduce_sum3A_17 = vector.multi_reduction <add>, %get3A_15, %reduce_sum3A_16 [0] : vector<8x128xf32> to vector<128xf32>
      %broadcast_in_dim3A_18 = vector.shape_cast %reduce_sum3A_17 : vector<128xf32> to vector<1x128xf32>
      %dot_general3A_19 = arith.constant dense<0.000000e+00> : vector<1x32xf32>
      %dot_general3A_20 = tpu.matmul %broadcast_in_dim3A_18, %get3A_7, %dot_general3A_19 {dimension_numbers = #tpu.dot_dimension_numbers<[1], [0], [0], [1], [0, 0, 1, 1], [], []>, precision = #tpu.contract_precision<fp32>, transpose_lhs_hint = false} : vector<1x128xf32>, vector<128x32xf32>, vector<1x32xf32> -> vector<1x32xf32>
      %div3A = arith.constant 1.000000e+04 : f32
      %div3A_21 = vector.broadcast %div3A : f32 to vector<1x32xf32>
      %div3A_22 = arith.divf %dot_general3A_12, %div3A_21 : vector<1x32xf32>
      %div3A_23 = arith.constant 1.000000e+04 : f32
      %div3A_24 = vector.broadcast %div3A_23 : f32 to vector<1x32xf32>
      %div3A_25 = arith.divf %dot_general3A_20, %div3A_24 : vector<1x32xf32>
      %mul3A = arith.mulf %div3A_22, %div3A_22 : vector<1x32xf32>
      %sub3A = arith.subf %div3A_25, %mul3A : vector<1x32xf32>
      %get3A_26 = arith.constant 0 : index
      %get3A_27 = arith.constant 0 : index
      %get3A_28 = vector.load %arg7[%get3A_26, %get3A_27] : memref<1x32xf32, #tpu.memory_space<vmem>>, vector<1x32xf32>
      %add3A = arith.constant 9.99999974E-6 : f32
      %add3A_29 = vector.broadcast %add3A : f32 to vector<1x32xf32>
      %add3A_30 = arith.addf %sub3A, %add3A_29 : vector<1x32xf32>
      %rsqrt3A = math.rsqrt %add3A_30 : vector<1x32xf32>
      %mul3A_31 = arith.mulf %get3A_28, %rsqrt3A : vector<1x32xf32>
      %get3A_32 = arith.constant 0 : index
      %get3A_33 = arith.constant 0 : index
      %get3A_34 = vector.load %arg8[%get3A_32, %get3A_33] : memref<1x32xf32, #tpu.memory_space<vmem>>, vector<1x32xf32>
      %mul3A_35 = arith.mulf %div3A_22, %mul3A_31 : vector<1x32xf32>
      %sub3A_36 = arith.subf %get3A_34, %mul3A_35 : vector<1x32xf32>
      %transpose3A = tpu.transpose %get3A_7, [1, 0] : vector<128x32xf32> -> vector<32x128xf32>
      %dot_general3A_37 = arith.constant dense<0.000000e+00> : vector<1x128xf32>
      %dot_general3A_38 = tpu.matmul %mul3A_31, %transpose3A, %dot_general3A_37 {dimension_numbers = #tpu.dot_dimension_numbers<[1], [0], [0], [1], [0, 0, 1, 1], [], []>, precision = #tpu.contract_precision<fp32>, transpose_lhs_hint = false} : vector<1x32xf32>, vector<32x128xf32>, vector<1x128xf32> -> vector<1x128xf32>
      %dot_general3A_39 = arith.constant dense<0.000000e+00> : vector<1x128xf32>
      %dot_general3A_40 = tpu.matmul %sub3A_36, %transpose3A, %dot_general3A_39 {dimension_numbers = #tpu.dot_dimension_numbers<[1], [0], [0], [1], [0, 0, 1, 1], [], []>, precision = #tpu.contract_precision<fp32>, transpose_lhs_hint = false} : vector<1x32xf32>, vector<32x128xf32>, vector<1x128xf32> -> vector<1x128xf32>
      %sub3A_41 = arith.constant 5 : i32
      %sub3A_42 = arith.subi %arg0, %sub3A_41 : i32
      %mul3A_43 = arith.constant 512 : i32
      %mul3A_44 = arith.muli %sub3A_42, %mul3A_43 : i32
      %get3A_45 = arith.index_cast %mul3A_44 : i32 to index
      %get3A_46 = arith.constant 0 : index
      %get3A_47 = vector.load %arg12[%get3A_45, %get3A_46] : memref<2560x128xf32, #tpu.memory_space<vmem>>, vector<512x128xf32>
      %mul3A_48 = vector.broadcast %dot_general3A_38 : vector<1x128xf32> to vector<512x128xf32>
      %mul3A_49 = arith.mulf %get3A_47, %mul3A_48 : vector<512x128xf32>
      %add3A_50 = vector.broadcast %dot_general3A_40 : vector<1x128xf32> to vector<512x128xf32>
      %add3A_51 = arith.addf %mul3A_49, %add3A_50 : vector<512x128xf32>
      %get3A_52 = arith.constant 0 : index
      %get3A_53 = arith.constant 0 : index
      %get3A_54 = vector.load %arg10[%get3A_52, %get3A_53] : memref<128x128xf32, #tpu.memory_space<vmem>>, vector<128x128xf32>
      %dot_general3A_55 = arith.constant dense<0.000000e+00> : vector<512x128xf32>
      %dot_general3A_56 = tpu.matmul %add3A_51, %get3A_54, %dot_general3A_55 {dimension_numbers = #tpu.dot_dimension_numbers<[1], [0], [0], [1], [0, 0, 1, 1], [], []>, precision = #tpu.contract_precision<fp32>, transpose_lhs_hint = false} : vector<512x128xf32>, vector<128x128xf32>, vector<512x128xf32> -> vector<512x128xf32>
      %swap3A = arith.constant 0 : index
      %swap3A_57 = arith.constant 0 : index
      %swap3A_58 = vector.load %arg11[%swap3A, %swap3A_57] : memref<512x128xf32, #tpu.memory_space<vmem>>, vector<512x128xf32>
      tpu.vector_store %arg11[%swap3A, %swap3A_57], %dot_general3A_56 {strides = array<i32>} : memref<512x128xf32, #tpu.memory_space<vmem>>, vector<512x128xf32>,
    } else {
    }
    return
  }
  func.func @transform_0(%arg0: i32) -> (i32, i32) {
    %min3A = arith.constant 4 : i32
    %min3A_0 = arith.minsi %arg0, %min3A : i32
    %c0_i32 = arith.constant 0 : i32
    %c0_i32_1 = arith.constant 0 : i32
    return %min3A_0, %c0_i32 : i32, i32
  }
  func.func @transform_1(%arg0: i32) -> (i32, i32) {
    %min3A = arith.constant 4 : i32
    %min3A_0 = arith.minsi %arg0, %min3A : i32
    %c0_i32 = arith.constant 0 : i32
    %c0_i32_1 = arith.constant 0 : i32
    return %min3A_0, %c0_i32 : i32, i32
  }
  func.func @transform_2(%arg0: i32) -> (i32, i32) {
    %min3A = arith.constant 4 : i32
    %min3A_0 = arith.minsi %arg0, %min3A : i32
    %c0_i32 = arith.constant 0 : i32
    %c0_i32_1 = arith.constant 0 : i32
    return %min3A_0, %c0_i32 : i32, i32
  }
  func.func @transform_3(%arg0: i32) -> (i32, i32) {
    %c0_i32 = arith.constant 0 : i32
    %c0_i32_0 = arith.constant 0 : i32
    %c0_i32_1 = arith.constant 0 : i32
    return %c0_i32, %c0_i32_0 : i32, i32
  }
  func.func @transform_4(%arg0: i32) -> (i32, i32) {
    %c0_i32 = arith.constant 0 : i32
    %c0_i32_0 = arith.constant 0 : i32
    %c0_i32_1 = arith.constant 0 : i32
    return %c0_i32, %c0_i32_0 : i32, i32
  }
  func.func @transform_5(%arg0: i32) -> (i32, i32) {
    %c0_i32 = arith.constant 0 : i32
    %c0_i32_0 = arith.constant 0 : i32
    %c0_i32_1 = arith.constant 0 : i32
    return %c0_i32, %c0_i32_0 : i32, i32
  }
  func.func @transform_6(%arg0: i32) -> (i32, i32) {
    %c0_i32 = arith.constant 0 : i32
    %c0_i32_0 = arith.constant 0 : i32
    %c0_i32_1 = arith.constant 0 : i32
    return %c0_i32, %c0_i32_0 : i32, i32
  }
  func.func @transform_7(%arg0: i32) -> (i32, i32) {
    %c0_i32 = arith.constant 0 : i32
    %c0_i32_0 = arith.constant 0 : i32
    %c0_i32_1 = arith.constant 0 : i32
    return %c0_i32, %c0_i32_0 : i32, i32
  }
  func.func @transform_8(%arg0: i32) -> (i32, i32) {
    %c0_i32 = arith.constant 0 : i32
    %c0_i32_0 = arith.constant 0 : i32
    %c0_i32_1 = arith.constant 0 : i32
    return %c0_i32, %c0_i32_0 : i32, i32
  }
  func.func @transform_9(%arg0: i32) -> (i32, i32) {
    %c0_i32 = arith.constant 0 : i32
    %c0_i32_0 = arith.constant 0 : i32
    %c0_i32_1 = arith.constant 0 : i32
    return %c0_i32, %c0_i32_0 : i32, i32
  }
  func.func @transform_10(%arg0: i32) -> (i32, i32) {
    %sub3A = arith.constant 5 : i32
    %sub3A_0 = arith.subi %arg0, %sub3A : i32
    %max3A = arith.constant 0 : i32
    %max3A_1 = arith.maxsi %sub3A_0, %max3A : i32
    %c0_i32 = arith.constant 0 : i32
    %c0_i32_2 = arith.constant 0 : i32
    return %max3A_1, %c0_i32 : i32, i32
  }
}

module attributes {stable_mosaic.version = 14 : i64} {
  func.func @_conv_head_body(%arg0: i32, %arg1: memref<512x128xf32, #tpu.memory_space<vmem>>, %arg2: memref<512x128xf32, #tpu.memory_space<vmem>>, %arg3: memref<512x128xf32, #tpu.memory_space<vmem>>, %arg4: memref<1x128xf32, #tpu.memory_space<vmem>>, %arg5: memref<128x128xf32, #tpu.memory_space<vmem>>, %arg6: memref<1x128xf32, #tpu.memory_space<vmem>>, %arg7: memref<1x32xf32, #tpu.memory_space<vmem>>, %arg8: memref<1x32xf32, #tpu.memory_space<vmem>>, %arg9: memref<128x32xf32, #tpu.memory_space<vmem>>, %arg10: memref<128x128xf32, #tpu.memory_space<vmem>>, %arg11: memref<1x128xf32, #tpu.memory_space<vmem>>, %arg12: memref<128x160xf32, #tpu.memory_space<vmem>>, %arg13: memref<1x160xf32, #tpu.memory_space<vmem>>, %arg14: memref<512x160xf32, #tpu.memory_space<vmem>>, %arg15: memref<2560x128xf32, #tpu.memory_space<vmem>>, %arg16: memref<8x128xf32, #tpu.memory_space<vmem>>, %arg17: memref<8x128xf32, #tpu.memory_space<vmem>>) attributes {dimension_semantics = [#tpu.dimension_semantics<arbitrary>], iteration_bounds = array<i64: 10>, scalar_prefetch = 0 : i64, scratch_operands = 3 : i64, tpu.core_type = #tpu.core_type<tc>, window_params = [{transform_indices = @transform_0, window_bounds = array<i64: 512, 128>}, {transform_indices = @transform_1, window_bounds = array<i64: 512, 128>}, {transform_indices = @transform_2, window_bounds = array<i64: 512, 128>}, {pipeline_mode = #tpu.pipeline_mode<synchronous>, transform_indices = @transform_3, window_bounds = array<i64: 1, 128>}, {pipeline_mode = #tpu.pipeline_mode<synchronous>, transform_indices = @transform_4, window_bounds = array<i64: 128, 128>}, {pipeline_mode = #tpu.pipeline_mode<synchronous>, transform_indices = @transform_5, window_bounds = array<i64: 1, 128>}, {pipeline_mode = #tpu.pipeline_mode<synchronous>, transform_indices = @transform_6, window_bounds = array<i64: 1, 32>}, {pipeline_mode = #tpu.pipeline_mode<synchronous>, transform_indices = @transform_7, window_bounds = array<i64: 1, 32>}, {pipeline_mode = #tpu.pipeline_mode<synchronous>, transform_indices = @transform_8, window_bounds = array<i64: 128, 32>}, {pipeline_mode = #tpu.pipeline_mode<synchronous>, transform_indices = @transform_9, window_bounds = array<i64: 128, 128>}, {pipeline_mode = #tpu.pipeline_mode<synchronous>, transform_indices = @transform_10, window_bounds = array<i64: 1, 128>}, {pipeline_mode = #tpu.pipeline_mode<synchronous>, transform_indices = @transform_11, window_bounds = array<i64: 128, 160>}, {pipeline_mode = #tpu.pipeline_mode<synchronous>, transform_indices = @transform_12, window_bounds = array<i64: 1, 160>}, {transform_indices = @transform_13, window_bounds = array<i64: 512, 160>}]} {
    %lt3A = arith.constant 5 : i32
    %lt3A_0 = arith.cmpi slt, %arg0, %lt3A : i32
    %convert_element_type3A = arith.extui %lt3A_0 : i1 to i32
    %cond3A = arith.constant 0 : i32
    %cond3A_1 = arith.cmpi ne, %convert_element_type3A, %cond3A : i32
    scf.if %cond3A_1 {
      %get3A = arith.constant 0 : index
      %get3A_6 = arith.constant 0 : index
      %get3A_7 = vector.load %arg1[%get3A, %get3A_6] : memref<512x128xf32, #tpu.memory_space<vmem>>, vector<512x128xf32>
      %get3A_8 = arith.constant 0 : index
      %get3A_9 = arith.constant 0 : index
      %get3A_10 = vector.load %arg2[%get3A_8, %get3A_9] : memref<512x128xf32, #tpu.memory_space<vmem>>, vector<512x128xf32>
      %add3A = arith.addf %get3A_7, %get3A_10 : vector<512x128xf32>
      %get3A_11 = arith.constant 0 : index
      %get3A_12 = arith.constant 0 : index
      %get3A_13 = vector.load %arg3[%get3A_11, %get3A_12] : memref<512x128xf32, #tpu.memory_space<vmem>>, vector<512x128xf32>
      %add3A_14 = arith.addf %add3A, %get3A_13 : vector<512x128xf32>
      %get3A_15 = arith.constant 0 : index
      %get3A_16 = arith.constant 0 : index
      %get3A_17 = vector.load %arg4[%get3A_15, %get3A_16] : memref<1x128xf32, #tpu.memory_space<vmem>>, vector<1x128xf32>
      %add3A_18 = vector.broadcast %get3A_17 : vector<1x128xf32> to vector<512x128xf32>
      %add3A_19 = arith.addf %add3A_14, %add3A_18 : vector<512x128xf32>
      %max3A = arith.constant 0.000000e+00 : f32
      %max3A_20 = vector.broadcast %max3A : f32 to vector<512x128xf32>
      %max3A_21 = arith.maximumf %add3A_19, %max3A_20 : vector<512x128xf32>
      %get3A_22 = arith.constant 0 : index
      %get3A_23 = arith.constant 0 : index
      %get3A_24 = vector.load %arg5[%get3A_22, %get3A_23] : memref<128x128xf32, #tpu.memory_space<vmem>>, vector<128x128xf32>
      %dot_general3A = arith.constant dense<0.000000e+00> : vector<512x128xf32>
      %dot_general3A_25 = tpu.matmul %max3A_21, %get3A_24, %dot_general3A {dimension_numbers = #tpu.dot_dimension_numbers<[1], [0], [0], [1], [0, 0, 1, 1], [], []>, precision = #tpu.contract_precision<fp32>, transpose_lhs_hint = false} : vector<512x128xf32>, vector<128x128xf32>, vector<512x128xf32> -> vector<512x128xf32>
      %get3A_26 = arith.constant 0 : index
      %get3A_27 = arith.constant 0 : index
      %get3A_28 = vector.load %arg6[%get3A_26, %get3A_27] : memref<1x128xf32, #tpu.memory_space<vmem>>, vector<1x128xf32>
      %add3A_29 = vector.broadcast %get3A_28 : vector<1x128xf32> to vector<512x128xf32>
      %add3A_30 = arith.addf %dot_general3A_25, %add3A_29 : vector<512x128xf32>
      %mul3A = arith.constant 512 : i32
      %mul3A_31 = arith.muli %arg0, %mul3A : i32
      %swap3A = arith.index_cast %mul3A_31 : i32 to index
      %swap3A_32 = arith.constant 0 : index
      %swap3A_33 = vector.load %arg15[%swap3A, %swap3A_32] : memref<2560x128xf32, #tpu.memory_space<vmem>>, vector<512x128xf32>
      tpu.vector_store %arg15[%swap3A, %swap3A_32], %add3A_30 {strides = array<i32>} : memref<2560x128xf32, #tpu.memory_space<vmem>>, vector<512x128xf32>,
      %eq3A = arith.constant 0 : i32
      %eq3A_34 = arith.cmpi eq, %arg0, %eq3A : i32
      %convert_element_type3A_35 = arith.extui %eq3A_34 : i1 to i32
      %cond3A_36 = arith.constant 0 : i32
      %cond3A_37 = arith.cmpi ne, %convert_element_type3A_35, %cond3A_36 : i32
      scf.if %cond3A_37 {
        %broadcast_in_dim3A_65 = arith.constant 0.000000e+00 : f32
        %broadcast_in_dim3A_66 = vector.broadcast %broadcast_in_dim3A_65 : f32 to vector<8x128xf32>
        %swap3A_67 = arith.constant 0 : index
        %swap3A_68 = arith.constant 0 : index
        %swap3A_69 = vector.load %arg16[%swap3A_67, %swap3A_68] : memref<8x128xf32, #tpu.memory_space<vmem>>, vector<8x128xf32>
        tpu.vector_store %arg16[%swap3A_67, %swap3A_68], %broadcast_in_dim3A_66 {strides = array<i32>} : memref<8x128xf32, #tpu.memory_space<vmem>>, vector<8x128xf32>,
        %broadcast_in_dim3A_70 = arith.constant 0.000000e+00 : f32
        %broadcast_in_dim3A_71 = vector.broadcast %broadcast_in_dim3A_70 : f32 to vector<8x128xf32>
        %swap3A_72 = arith.constant 0 : index
        %swap3A_73 = arith.constant 0 : index
        %swap3A_74 = vector.load %arg17[%swap3A_72, %swap3A_73] : memref<8x128xf32, #tpu.memory_space<vmem>>, vector<8x128xf32>
        tpu.vector_store %arg17[%swap3A_72, %swap3A_73], %broadcast_in_dim3A_71 {strides = array<i32>} : memref<8x128xf32, #tpu.memory_space<vmem>>, vector<8x128xf32>,
      } else {
      }
      %iota3A = tpu.iota {dimensions = array<i32: 0>} : vector<512x1xi32>
      %mul3A_38 = arith.constant 512 : i32
      %mul3A_39 = arith.muli %arg0, %mul3A_38 : i32
      %add3A_40 = vector.broadcast %mul3A_39 : i32 to vector<512x1xi32>
      %add3A_41 = arith.addi %iota3A, %add3A_40 : vector<512x1xi32>
      %lt3A_42 = arith.constant 2500 : i32
      %lt3A_43 = vector.broadcast %lt3A_42 : i32 to vector<512x1xi32>
      %lt3A_44 = arith.cmpi slt, %add3A_41, %lt3A_43 : vector<512x1xi32>
      %jit3A = arith.constant 0.000000e+00 : f32
      %broadcast_in_dim3A = vector.shape_cast %lt3A_44 : vector<512x1xi1> to vector<512x1xi1>
      %broadcast_in_dim3A_45 = vector.broadcast %broadcast_in_dim3A : vector<512x1xi1> to vector<512x128xi1>
      %broadcast_in_dim3A_46 = vector.broadcast %jit3A : f32 to vector<512x128xf32>
      %select_n3A = arith.select %broadcast_in_dim3A_45, %add3A_30, %broadcast_in_dim3A_46 : vector<512x128xi1>, vector<512x128xf32>
      %reshape3A = vector.shape_cast %select_n3A : vector<512x128xf32> to vector<64x8x128xf32>
      %get3A_47 = arith.constant 0 : index
      %get3A_48 = arith.constant 0 : index
      %get3A_49 = vector.load %arg16[%get3A_47, %get3A_48] : memref<8x128xf32, #tpu.memory_space<vmem>>, vector<8x128xf32>
      %reduce_sum3A = arith.constant dense<0.000000e+00> : vector<8x128xf32>
      %reduce_sum3A_50 = vector.multi_reduction <add>, %reshape3A, %reduce_sum3A [0] : vector<64x8x128xf32> to vector<8x128xf32>
      %add3A_51 = arith.addf %get3A_49, %reduce_sum3A_50 : vector<8x128xf32>
      %swap3A_52 = arith.constant 0 : index
      %swap3A_53 = arith.constant 0 : index
      %swap3A_54 = vector.load %arg16[%swap3A_52, %swap3A_53] : memref<8x128xf32, #tpu.memory_space<vmem>>, vector<8x128xf32>
      tpu.vector_store %arg16[%swap3A_52, %swap3A_53], %add3A_51 {strides = array<i32>} : memref<8x128xf32, #tpu.memory_space<vmem>>, vector<8x128xf32>,
      %get3A_55 = arith.constant 0 : index
      %get3A_56 = arith.constant 0 : index
      %get3A_57 = vector.load %arg17[%get3A_55, %get3A_56] : memref<8x128xf32, #tpu.memory_space<vmem>>, vector<8x128xf32>
      %mul3A_58 = arith.mulf %reshape3A, %reshape3A : vector<64x8x128xf32>
      %reduce_sum3A_59 = arith.constant dense<0.000000e+00> : vector<8x128xf32>
      %reduce_sum3A_60 = vector.multi_reduction <add>, %mul3A_58, %reduce_sum3A_59 [0] : vector<64x8x128xf32> to vector<8x128xf32>
      %add3A_61 = arith.addf %get3A_57, %reduce_sum3A_60 : vector<8x128xf32>
      %swap3A_62 = arith.constant 0 : index
      %swap3A_63 = arith.constant 0 : index
      %swap3A_64 = vector.load %arg17[%swap3A_62, %swap3A_63] : memref<8x128xf32, #tpu.memory_space<vmem>>, vector<8x128xf32>
      tpu.vector_store %arg17[%swap3A_62, %swap3A_63], %add3A_61 {strides = array<i32>} : memref<8x128xf32, #tpu.memory_space<vmem>>, vector<8x128xf32>,
    } else {
    }
    %ge3A = arith.constant 5 : i32
    %ge3A_2 = arith.cmpi sge, %arg0, %ge3A : i32
    %convert_element_type3A_3 = arith.extui %ge3A_2 : i1 to i32
    %cond3A_4 = arith.constant 0 : i32
    %cond3A_5 = arith.cmpi ne, %convert_element_type3A_3, %cond3A_4 : i32
    scf.if %cond3A_5 {
      %get3A = arith.constant 0 : index
      %get3A_6 = arith.constant 0 : index
      %get3A_7 = vector.load %arg9[%get3A, %get3A_6] : memref<128x32xf32, #tpu.memory_space<vmem>>, vector<128x32xf32>
      %get3A_8 = arith.constant 0 : index
      %get3A_9 = arith.constant 0 : index
      %get3A_10 = vector.load %arg16[%get3A_8, %get3A_9] : memref<8x128xf32, #tpu.memory_space<vmem>>, vector<8x128xf32>
      %reduce_sum3A = arith.constant dense<0.000000e+00> : vector<128xf32>
      %reduce_sum3A_11 = vector.multi_reduction <add>, %get3A_10, %reduce_sum3A [0] : vector<8x128xf32> to vector<128xf32>
      %broadcast_in_dim3A = vector.shape_cast %reduce_sum3A_11 : vector<128xf32> to vector<1x128xf32>
      %dot_general3A = arith.constant dense<0.000000e+00> : vector<1x32xf32>
      %dot_general3A_12 = tpu.matmul %broadcast_in_dim3A, %get3A_7, %dot_general3A {dimension_numbers = #tpu.dot_dimension_numbers<[1], [0], [0], [1], [0, 0, 1, 1], [], []>, precision = #tpu.contract_precision<fp32>, transpose_lhs_hint = false} : vector<1x128xf32>, vector<128x32xf32>, vector<1x32xf32> -> vector<1x32xf32>
      %get3A_13 = arith.constant 0 : index
      %get3A_14 = arith.constant 0 : index
      %get3A_15 = vector.load %arg17[%get3A_13, %get3A_14] : memref<8x128xf32, #tpu.memory_space<vmem>>, vector<8x128xf32>
      %reduce_sum3A_16 = arith.constant dense<0.000000e+00> : vector<128xf32>
      %reduce_sum3A_17 = vector.multi_reduction <add>, %get3A_15, %reduce_sum3A_16 [0] : vector<8x128xf32> to vector<128xf32>
      %broadcast_in_dim3A_18 = vector.shape_cast %reduce_sum3A_17 : vector<128xf32> to vector<1x128xf32>
      %dot_general3A_19 = arith.constant dense<0.000000e+00> : vector<1x32xf32>
      %dot_general3A_20 = tpu.matmul %broadcast_in_dim3A_18, %get3A_7, %dot_general3A_19 {dimension_numbers = #tpu.dot_dimension_numbers<[1], [0], [0], [1], [0, 0, 1, 1], [], []>, precision = #tpu.contract_precision<fp32>, transpose_lhs_hint = false} : vector<1x128xf32>, vector<128x32xf32>, vector<1x32xf32> -> vector<1x32xf32>
      %div3A = arith.constant 1.000000e+04 : f32
      %div3A_21 = vector.broadcast %div3A : f32 to vector<1x32xf32>
      %div3A_22 = arith.divf %dot_general3A_12, %div3A_21 : vector<1x32xf32>
      %div3A_23 = arith.constant 1.000000e+04 : f32
      %div3A_24 = vector.broadcast %div3A_23 : f32 to vector<1x32xf32>
      %div3A_25 = arith.divf %dot_general3A_20, %div3A_24 : vector<1x32xf32>
      %mul3A = arith.mulf %div3A_22, %div3A_22 : vector<1x32xf32>
      %sub3A = arith.subf %div3A_25, %mul3A : vector<1x32xf32>
      %get3A_26 = arith.constant 0 : index
      %get3A_27 = arith.constant 0 : index
      %get3A_28 = vector.load %arg7[%get3A_26, %get3A_27] : memref<1x32xf32, #tpu.memory_space<vmem>>, vector<1x32xf32>
      %add3A = arith.constant 9.99999974E-6 : f32
      %add3A_29 = vector.broadcast %add3A : f32 to vector<1x32xf32>
      %add3A_30 = arith.addf %sub3A, %add3A_29 : vector<1x32xf32>
      %rsqrt3A = math.rsqrt %add3A_30 : vector<1x32xf32>
      %mul3A_31 = arith.mulf %get3A_28, %rsqrt3A : vector<1x32xf32>
      %get3A_32 = arith.constant 0 : index
      %get3A_33 = arith.constant 0 : index
      %get3A_34 = vector.load %arg8[%get3A_32, %get3A_33] : memref<1x32xf32, #tpu.memory_space<vmem>>, vector<1x32xf32>
      %mul3A_35 = arith.mulf %div3A_22, %mul3A_31 : vector<1x32xf32>
      %sub3A_36 = arith.subf %get3A_34, %mul3A_35 : vector<1x32xf32>
      %transpose3A = tpu.transpose %get3A_7, [1, 0] : vector<128x32xf32> -> vector<32x128xf32>
      %dot_general3A_37 = arith.constant dense<0.000000e+00> : vector<1x128xf32>
      %dot_general3A_38 = tpu.matmul %mul3A_31, %transpose3A, %dot_general3A_37 {dimension_numbers = #tpu.dot_dimension_numbers<[1], [0], [0], [1], [0, 0, 1, 1], [], []>, precision = #tpu.contract_precision<fp32>, transpose_lhs_hint = false} : vector<1x32xf32>, vector<32x128xf32>, vector<1x128xf32> -> vector<1x128xf32>
      %dot_general3A_39 = arith.constant dense<0.000000e+00> : vector<1x128xf32>
      %dot_general3A_40 = tpu.matmul %sub3A_36, %transpose3A, %dot_general3A_39 {dimension_numbers = #tpu.dot_dimension_numbers<[1], [0], [0], [1], [0, 0, 1, 1], [], []>, precision = #tpu.contract_precision<fp32>, transpose_lhs_hint = false} : vector<1x32xf32>, vector<32x128xf32>, vector<1x128xf32> -> vector<1x128xf32>
      %sub3A_41 = arith.constant 5 : i32
      %sub3A_42 = arith.subi %arg0, %sub3A_41 : i32
      %mul3A_43 = arith.constant 512 : i32
      %mul3A_44 = arith.muli %sub3A_42, %mul3A_43 : i32
      %get3A_45 = arith.index_cast %mul3A_44 : i32 to index
      %get3A_46 = arith.constant 0 : index
      %get3A_47 = vector.load %arg15[%get3A_45, %get3A_46] : memref<2560x128xf32, #tpu.memory_space<vmem>>, vector<512x128xf32>
      %mul3A_48 = vector.broadcast %dot_general3A_38 : vector<1x128xf32> to vector<512x128xf32>
      %mul3A_49 = arith.mulf %get3A_47, %mul3A_48 : vector<512x128xf32>
      %add3A_50 = vector.broadcast %dot_general3A_40 : vector<1x128xf32> to vector<512x128xf32>
      %add3A_51 = arith.addf %mul3A_49, %add3A_50 : vector<512x128xf32>
      %get3A_52 = arith.constant 0 : index
      %get3A_53 = arith.constant 0 : index
      %get3A_54 = vector.load %arg10[%get3A_52, %get3A_53] : memref<128x128xf32, #tpu.memory_space<vmem>>, vector<128x128xf32>
      %dot_general3A_55 = arith.constant dense<0.000000e+00> : vector<512x128xf32>
      %dot_general3A_56 = tpu.matmul %add3A_51, %get3A_54, %dot_general3A_55 {dimension_numbers = #tpu.dot_dimension_numbers<[1], [0], [0], [1], [0, 0, 1, 1], [], []>, precision = #tpu.contract_precision<fp32>, transpose_lhs_hint = false} : vector<512x128xf32>, vector<128x128xf32>, vector<512x128xf32> -> vector<512x128xf32>
      %get3A_57 = arith.constant 0 : index
      %get3A_58 = arith.constant 0 : index
      %get3A_59 = vector.load %arg11[%get3A_57, %get3A_58] : memref<1x128xf32, #tpu.memory_space<vmem>>, vector<1x128xf32>
      %add3A_60 = vector.broadcast %get3A_59 : vector<1x128xf32> to vector<512x128xf32>
      %add3A_61 = arith.addf %dot_general3A_56, %add3A_60 : vector<512x128xf32>
      %max3A = arith.constant 0.000000e+00 : f32
      %max3A_62 = vector.broadcast %max3A : f32 to vector<512x128xf32>
      %max3A_63 = arith.maximumf %add3A_61, %max3A_62 : vector<512x128xf32>
      %get3A_64 = arith.constant 0 : index
      %get3A_65 = arith.constant 0 : index
      %get3A_66 = vector.load %arg12[%get3A_64, %get3A_65] : memref<128x160xf32, #tpu.memory_space<vmem>>, vector<128x160xf32>
      %dot_general3A_67 = arith.constant dense<0.000000e+00> : vector<512x160xf32>
      %dot_general3A_68 = tpu.matmul %max3A_63, %get3A_66, %dot_general3A_67 {dimension_numbers = #tpu.dot_dimension_numbers<[1], [0], [0], [1], [0, 0, 1, 1], [], []>, precision = #tpu.contract_precision<fp32>, transpose_lhs_hint = false} : vector<512x128xf32>, vector<128x160xf32>, vector<512x160xf32> -> vector<512x160xf32>
      %get3A_69 = arith.constant 0 : index
      %get3A_70 = arith.constant 0 : index
      %get3A_71 = vector.load %arg13[%get3A_69, %get3A_70] : memref<1x160xf32, #tpu.memory_space<vmem>>, vector<1x160xf32>
      %add3A_72 = vector.broadcast %get3A_71 : vector<1x160xf32> to vector<512x160xf32>
      %add3A_73 = arith.addf %dot_general3A_68, %add3A_72 : vector<512x160xf32>
      %swap3A = arith.constant 0 : index
      %swap3A_74 = arith.constant 0 : index
      %swap3A_75 = vector.load %arg14[%swap3A, %swap3A_74] : memref<512x160xf32, #tpu.memory_space<vmem>>, vector<512x160xf32>
      tpu.vector_store %arg14[%swap3A, %swap3A_74], %add3A_73 {strides = array<i32>} : memref<512x160xf32, #tpu.memory_space<vmem>>, vector<512x160xf32>,
    } else {
    }
    return
  }
  func.func @transform_0(%arg0: i32) -> (i32, i32) {
    %min3A = arith.constant 4 : i32
    %min3A_0 = arith.minsi %arg0, %min3A : i32
    %c0_i32 = arith.constant 0 : i32
    %c0_i32_1 = arith.constant 0 : i32
    return %min3A_0, %c0_i32 : i32, i32
  }
  func.func @transform_1(%arg0: i32) -> (i32, i32) {
    %min3A = arith.constant 4 : i32
    %min3A_0 = arith.minsi %arg0, %min3A : i32
    %c0_i32 = arith.constant 0 : i32
    %c0_i32_1 = arith.constant 0 : i32
    return %min3A_0, %c0_i32 : i32, i32
  }
  func.func @transform_2(%arg0: i32) -> (i32, i32) {
    %min3A = arith.constant 4 : i32
    %min3A_0 = arith.minsi %arg0, %min3A : i32
    %c0_i32 = arith.constant 0 : i32
    %c0_i32_1 = arith.constant 0 : i32
    return %min3A_0, %c0_i32 : i32, i32
  }
  func.func @transform_3(%arg0: i32) -> (i32, i32) {
    %c0_i32 = arith.constant 0 : i32
    %c0_i32_0 = arith.constant 0 : i32
    %c0_i32_1 = arith.constant 0 : i32
    return %c0_i32, %c0_i32_0 : i32, i32
  }
  func.func @transform_4(%arg0: i32) -> (i32, i32) {
    %c0_i32 = arith.constant 0 : i32
    %c0_i32_0 = arith.constant 0 : i32
    %c0_i32_1 = arith.constant 0 : i32
    return %c0_i32, %c0_i32_0 : i32, i32
  }
  func.func @transform_5(%arg0: i32) -> (i32, i32) {
    %c0_i32 = arith.constant 0 : i32
    %c0_i32_0 = arith.constant 0 : i32
    %c0_i32_1 = arith.constant 0 : i32
    return %c0_i32, %c0_i32_0 : i32, i32
  }
  func.func @transform_6(%arg0: i32) -> (i32, i32) {
    %c0_i32 = arith.constant 0 : i32
    %c0_i32_0 = arith.constant 0 : i32
    %c0_i32_1 = arith.constant 0 : i32
    return %c0_i32, %c0_i32_0 : i32, i32
  }
  func.func @transform_7(%arg0: i32) -> (i32, i32) {
    %c0_i32 = arith.constant 0 : i32
    %c0_i32_0 = arith.constant 0 : i32
    %c0_i32_1 = arith.constant 0 : i32
    return %c0_i32, %c0_i32_0 : i32, i32
  }
  func.func @transform_8(%arg0: i32) -> (i32, i32) {
    %c0_i32 = arith.constant 0 : i32
    %c0_i32_0 = arith.constant 0 : i32
    %c0_i32_1 = arith.constant 0 : i32
    return %c0_i32, %c0_i32_0 : i32, i32
  }
  func.func @transform_9(%arg0: i32) -> (i32, i32) {
    %c0_i32 = arith.constant 0 : i32
    %c0_i32_0 = arith.constant 0 : i32
    %c0_i32_1 = arith.constant 0 : i32
    return %c0_i32, %c0_i32_0 : i32, i32
  }
  func.func @transform_10(%arg0: i32) -> (i32, i32) {
    %c0_i32 = arith.constant 0 : i32
    %c0_i32_0 = arith.constant 0 : i32
    %c0_i32_1 = arith.constant 0 : i32
    return %c0_i32, %c0_i32_0 : i32, i32
  }
  func.func @transform_11(%arg0: i32) -> (i32, i32) {
    %c0_i32 = arith.constant 0 : i32
    %c0_i32_0 = arith.constant 0 : i32
    %c0_i32_1 = arith.constant 0 : i32
    return %c0_i32, %c0_i32_0 : i32, i32
  }
  func.func @transform_12(%arg0: i32) -> (i32, i32) {
    %c0_i32 = arith.constant 0 : i32
    %c0_i32_0 = arith.constant 0 : i32
    %c0_i32_1 = arith.constant 0 : i32
    return %c0_i32, %c0_i32_0 : i32, i32
  }
  func.func @transform_13(%arg0: i32) -> (i32, i32) {
    %sub3A = arith.constant 5 : i32
    %sub3A_0 = arith.subi %arg0, %sub3A : i32
    %max3A = arith.constant 0 : i32
    %max3A_1 = arith.maxsi %sub3A_0, %max3A : i32
    %c0_i32 = arith.constant 0 : i32
    %c0_i32_2 = arith.constant 0 : i32
    return %max3A_1, %c0_i32 : i32, i32
  }
}

</mosaic_0001>

<sc_bundles>
// kernel: kernel.10.cloned.1.call-start
scs
__scs_entry_jumppad:
0x0: {  	(pc) =	sbr.rel $0x88, $3  }
0x1: {  	(tag) =	ssettag $0x0;
	lr =	simm.s32 $0x1  }
0x2: {  	[smem:$0x3F8F] =	sst lr;
	_ =	strace $0xD0000000  }
0x3: {  	_ = 	snop  }
0x4: {  	_ = 	snop  }
0x5: {  	_ = 	snop  }
0x6: {  	_ = 	snop  }
0x7: {  	_ = 	snop  }
__scs_overlays_trampoline_lowered:
0x8: {  	[smem:$0x3F9E] =	sst s0  }
0x9: {  	[smem:$0x3F9F] =	sst s1  }
0xa: {  	[smem:$0x3FA0] =	sst s2  }
0xb: {  	[smem:$0x3FA1] =	sst s3  }
0xc: {  	[smem:$0x3FA2] =	sst s4  }
0xd: {  	[smem:$0x3FA3] =	sst s5  }
0xe: {  	[smem:$0x3FA4] =	sst s6  }
0xf: {  	[smem:$0x3FA5] =	sst s7  }
0x10: {  	[smem:$0x3FA6] =	sst s8  }
0x11: {  	[smem:$0x3FA7] =	sst s9;
	s0 =	simm.s32 @!p0 $0x0  }
0x12: {  	s1 =	sld [smem:$0x3F8D];
	s0 =	simm.s32 @p0 $0x1  }
0x13: {  	[smem:$0x3FA8] =	sst s0;
	s0 =	simm.s32 @!p1 $0x0  }
0x14: {  	s2 =	sld [smem:$0x3F8C];
	s0 =	simm.s32 @p1 $0x1  }
0x15: {  	[smem:$0x3FA9] =	sst s0;
	s0 =	simm.s32 @!p2 $0x0  }
0x16: {  	s3 =	sld [smem:$0x3FDB];
	s0 =	simm.s32 @p2 $0x1  }
0x17: {  	s4 =	simm.s32 $0x1BF5;
	[smem:$0x3FAB] =	sst s0  }
0x18: {  	s0 =	sld [smem:$0x3F8E];
	_ =	swait.ge [sflag:s4], $0x0  }
0x19: {  	s7 =	sld [smem:$0x3F8F]  }
0x1a: {  	s8 =	sadd.s32 $0xFFFFE003, lr  }
0x1b: {  	s9 =	sadd.s32 $0xFFFFFEF7, lr;
	s5 =	simm.s32 $0xFFFFFFFF;
	p2 =	slt.u32 s8, $0xFFFFF086  }
0x1c: {  	p1 =	slt.u32 s9, $0xF7A;
	s5 =	simm.s32 @!p2 $0x0  }
0x1d: {  	s5 =	simm.s32 @p1 $0x1;
	p0 =	seq.s32 s7, s2  }
0x1e: {  	s7 =	smul.u32 @!p0 $0xF7A, s2;
	p2 =	seq.s32 @!p0 s5, $0x0  }
0x1f: {  	s9 =	smul.u32 $0xF7A, s1;
	s8 =	simm.s32 @!p0 $0x1BF5;
	p2 =	por !p2, p0  }
0x20: {  	[sflag:s8] =	ssyncset.s32 @!p0 $0xFFFFF086;
	s6 =	sadd.s32 @!p0 s3, s7;
	s7 =	simm.s32 @!p0 $0x108  }
0x21: {  	s3 =	sadd.s32 s3, s9;
	s6 =	sadd.s32 @!p0 $0x88, s6;
	s7 =	simm.s32 @p2 $0x1082  }
0x22: {  	[simem:s7], [sflag:s8] =	dma.local @!p0 [hbm:s6], $0xF7A  }
0x23: {  	s9 =	sor.u32 $0xD0000000, s2;
	s6 =	simm.s32 $0x108;
	_ =	swait.ge @!p0 [sflag:s8], $0x0  }
0x24: {  	s3 =	sadd.s32 $0x88, s3;
	s6 =	simm.s32 @!p1 $0x1082;
	[sflag:s4] =	ssyncset.s32 $0xFFFFF086  }
0x25: {  	[simem:s6], [sflag:s4] =	dma.local [hbm:s3], $0xF7A  }
0x26: {  	[smem:$0x3F8F] =	sst s1;
	(tag) =	ssettag s2;
	_ =	strace s9  }
0x27: {  	s1 =	sld [smem:$0x3F9F]  }
0x28: {  	s2 =	sld [smem:$0x3FA0]  }
0x29: {  	s4 =	sld [smem:$0x3FA2]  }
0x2a: {  	p0 =	seq.s32 s5, $0x0;
	s5 =	sld [smem:$0x3FA3]  }
0x2b: {  	s6 =	sld [smem:$0x3FA4]  }
0x2c: {  	s7 =	sld [smem:$0x3FA5]  }
0x2d: {  	s3 =	simm.s32 $0x108;
	s8 =	sld [smem:$0x3FA6]  }
0x2e: {  	s3 =	simm.s32 @!p0 $0x1082;
	s9 =	sld [smem:$0x3FA7]  }
0x2f: {  	lr =	sadd.s32 s0, s3;
	s0 =	sld [smem:$0x3F9E]  }
0x30: {  	s3 =	sld [smem:$0x3FA1]  }
0x31: {  	[smem:$0x3FAA] =	sst s10  }
0x32: {  	s10 =	sld [smem:$0x3FA8];
	_ =	sdelay $0x3  }
0x33: {  	p0 =	seq.s32 s10, $0x1;
	s10 =	sld [smem:$0x3FAA];
	_ =	sdelay $0x3  }
0x34: {  	[smem:$0x3FAA] =	sst s10  }
0x35: {  	s10 =	sld [smem:$0x3FA9];
	_ =	sdelay $0x3  }
0x36: {  	p1 =	seq.s32 s10, $0x1;
	s10 =	sld [smem:$0x3FAA];
	_ =	sdelay $0x3  }
0x37: {  	[smem:$0x3FAA] =	sst s10  }
0x38: {  	s10 =	sld [smem:$0x3FAB]  }
0x39: {  	_ = 	snop;
	(pc) =	sbr.ind lr, $3  }
0x3a: {  	_ = 	snop  }
0x3b: {  	_ = 	snop  }
0x3c: {  	p2 =	seq.s32 s10, $0x1;
	s10 =	sld [smem:$0x3FAA]  }
0x3d: {  	_ =	shalt  }
0x3e: {  	_ =	shalt  }
0x3f: {  	_ =	shalt  }
0x40: {  	_ =	shalt  }
0x41: {  	_ =	shalt  }
0x42: {  	_ =	shalt  }
0x43: {  	_ =	shalt  }
0x44: {  	_ =	shalt  }
0x45: {  	_ =	shalt  }
0x46: {  	_ =	shalt  }
0x47: {  	_ =	shalt  }
0x48: {  	_ =	shalt  }
0x49: {  	_ =	shalt  }
0x4a: {  	_ =	shalt  }
0x4b: {  	_ =	shalt  }
0x4c: {  	_ =	shalt  }
0x4d: {  	_ =	shalt  }
0x4e: {  	_ =	shalt  }
0x4f: {  	_ =	shalt  }
0x50: {  	_ =	shalt  }
0x51: {  	_ =	shalt  }
0x52: {  	_ =	shalt  }
0x53: {  	_ =	shalt  }
0x54: {  	_ =	shalt  }
0x55: {  	_ =	shalt  }
0x56: {  	_ =	shalt  }
0x57: {  	_ =	shalt  }
0x58: {  	_ =	shalt  }
0x59: {  	_ =	shalt  }
0x5a: {  	_ =	shalt  }
0x5b: {  	_ =	shalt  }
0x5c: {  	_ =	shalt  }
0x5d: {  	_ =	shalt  }
0x5e: {  	_ =	shalt  }
0x5f: {  	_ =	shalt  }
0x60: {  	_ =	shalt  }
0x61: {  	_ =	shalt  }
0x62: {  	_ =	shalt  }
0x63: {  	_ =	shalt  }
0x64: {  	_ =	shalt  }
0x65: {  	_ =	shalt  }
0x66: {  	_ =	shalt  }
0x67: {  	_ =	shalt  }
0x68: {  	_ =	shalt  }
0x69: {  	_ =	shalt  }
0x6a: {  	_ =	shalt  }
0x6b: {  	_ =	shalt  }
0x6c: {  	_ =	shalt  }
0x6d: {  	_ =	shalt  }
0x6e: {  	_ =	shalt  }
0x6f: {  	_ =	shalt  }
0x70: {  	_ =	shalt  }
0x71: {  	_ =	shalt  }
0x72: {  	_ =	shalt  }
0x73: {  	_ =	shalt  }
0x74: {  	_ =	shalt  }
0x75: {  	_ =	shalt  }
0x76: {  	_ =	shalt  }
0x77: {  	_ =	shalt  }
0x78: {  	_ =	shalt  }
0x79: {  	_ =	shalt  }
0x7a: {  	_ =	shalt  }
0x7b: {  	_ =	shalt  }
0x7c: {  	_ =	shalt  }
0x7d: {  	_ =	shalt  }
0x7e: {  	_ =	shalt  }
0x7f: {  	_ =	shalt  }
0x80: {  	_ =	shalt  }
0x81: {  	_ =	shalt  }
0x82: {  	_ =	shalt  }
0x83: {  	_ =	shalt  }
0x84: {  	_ =	shalt  }
0x85: {  	_ =	shalt  }
0x86: {  	_ =	shalt  }
0x87: {  	_ =	shalt  }
.Lfunc_end0:
.L_simem_size_0:
called_computation.1_lowered:
.L_overlay_start_0:
0x88: {  	s2 =	sld [smem:$0x3FD9]  }
0x89: {  	s3 =	sld [smem:$0x3FFE];
	_ =	sdelay $0x1  }
0x8a: {  	s1 =	srdreg.scid  }
0x8b: {  	s0 =	sand.u32 $0x1, s1  }
0x8c: {  	s17 =	sshll.u32 s0, $0xA;
	s2 =	sadd.s32 s3, s2  }
0x8d: {  	s2 =	sadd.s32 s2, s17  }
0x8e: {  	[smem:$0x3FB6] =	sst s2  }
0x8f: {  	_ = 	snop  }
0x90: {  	s2 =	sld [smem:$0x3FD0];
	(tm) =	ssettm $0x1  }
0x91: {  	s18 =	sld [smem:$0x3FFB];
	_ =	sdelay $0x3  }
0x92: {  	_ =	strace s18  }
0x93: {  	s3 =	sld [smem:$0x3FFC];
	_ =	sdelay $0x3  }
0x94: {  	_ =	strace s3  }
0x95: {  	s3 =	sld [smem:$0x3FFD];
	_ =	sdelay $0x3  }
0x96: {  	_ =	strace s3  }
0x97: {  	_ =	strace $0x8FFFFFFF  }
0x98: {  	s19 =	sld [smem:$0x3FDB];
	_ =	sdelay $0x1  }
0x99: {  	s4 =	simm.s32 $_scs_section_size  }
0x9a: {  	s5 =	simm.s32 $_size__tile_overlayer_lowered;
	s6 =	simm.s32 $_tile_overlayer_lowered  }
0x9b: {  	s22 =	simm.s32 $0x1BFF;
	s21 =	sshll.u32 s6, $0x1;
	s3 =	sadd.s32 s4, s19  }
0x9c: {  	s7 =	simm.s32 $0x0;
	s20 =	sshll.u32 s5, $0x1;
	s5 =	sadd.s32 s21, s3  }
0x9d: {  	[timem:s7], [sflag:s22] =	dma.local [hbm:s5], s20  }
0x9e: {  	_ =	swait.ge [sflag:s22], s20  }
0x9f: {  	s4 =	ssub.s32 $0x0, s20;
	[sflag:s22] =	ssyncset.done $0x0  }
0xa0: {  	[sflag:s22] =	ssyncadd.s32 s4;
	_ =	sdelay $0x1  }
0xa1: {  	s23 =	simm.s32 $0x1B8B  }
0xa2: {  	_ =	swait.ge [sflag:s23], $0x1  }
0xa3: {  	[sflag:s23] =	ssyncset.done $0x0  }
0xa4: {  	s25 =	simm.s32 $0x1B8E;
	s24 =	sld [smem:$0x3FFE];
	[sflag:s23] =	ssyncadd.s32 $0xFFFFFFFF  }
0xa5: {  	s26 =	simm.s32 $execute0_lowered;
	[smem:$0x3FD2] =	sst s25  }
0xa6: {  	s5 =	sshll.u32 s26, $0x1;
	_ =	strace $0x80000049;
	[dreg:$0x1] =	wrdreg $0xFFFFFFFF  }
0xa7: {  	s28 =	simm.s32 $_size_execute0_lowered;
	s3 =	sadd.s32 s3, s5;
	[dreg:$0x0] =	wrdreg $0x0  }
0xa8: {  	s5 =	sshll.u32 s28, $0x1;
	[dreg:$0x2] =	wrdreg s3  }
0xa9: {  	[dreg:$0x3] =	wrdreg s5  }
0xaa: {  	[dreg:$0x4] =	wrdreg $0xC0  }
0xab: {  	_ =	task [dreg:s7], $0x5FFFF  }
0xac: {  	[dreg:$0x1] =	wrdreg $0xFFFFFFFF  }
0xad: {  	[dreg:$0x0] =	wrdreg $0x60  }
0xae: {  	[dreg:$0x2] =	wrdreg s24  }
0xaf: {  	[dreg:$0x3] =	wrdreg s2  }
0xb0: {  	[dreg:$0x4] =	wrdreg $0x101200  }
0xb1: {  	[dreg:$0x5] =	wrdreg $0x9  }
0xb2: {  	_ =	task.clear_ibuf [dreg:s7], $0x6FFFF;
	_ =	strace $0x90000049  }
0xb3: {  	s29 =	simm.s32 $0x9;
	_ =	strace $0x8000004B  }
0xb4: {  	_ =	swait.ge [sflag:s29], $0x1  }
0xb5: {  	[sflag:s29] =	ssyncadd.s32 $0xFFFFFFFF  }
0xb6: {  	_ =	strace $0x9000004B  }
0xb7: {  	_ =	sfence  }
0xb8: {  	s30 =	sld [smem:$0x0];
	_ =	sdelay $0x2  }
0xb9: {  	s31 =	sshll.u32 s1, $0xD;
	s1 =	sshrl.u32 s1, $0x2  }
0xba: {  	s3 =	sand.u32 $0x4000, s31;
	s1 =	sadd.s32 s1, s30  }
0xbb: {  	s0 =	sor.u32 s3, s0;
	s1 =	sshll.u32 s1, $0x11  }
0xbc: {  	s0 =	sor.u32 s1, s0  }
0xbd: {  	s0 =	sadd.s32 $0x8F2B, s0  }
0xbe: {  	[sflag:s0] =	ssyncadd.remote.s32 $0x1  }
0xbf: {  	_ =	sfence.sel $0xFFFF  }
0xc0: {  	[dreg:$0x0] =	wrdreg $0xFFFFFFFF;
	(pc) =	sbr.abs _section_cstart, $3  }
0xc1: {  	[dreg:$0x1] =	wrdreg $0xFFFFFFFF  }
0xc2: {  	_ =	task.clear_ibuf [dreg:s7], $0x2FFFF;
	_ =	strace $0x9FFFFFFF  }
0xc3: {  	(tm) =	ssettm $0x7FFFFFFF  }
tec
execute0_lowered:
.L_overlay_start_1:
0x0: {  	(tag) =	ssettag $0x1  }
0x1: {  	s0 =	rddreg [dreg:$0x0]  }
0x2: {  	s1 =	srdreg.scid;
	s3 =	rddreg [dreg:$0x1]  }
0x3: {  	s2 =	rddreg [dreg:$0x2];
	s7 =	stileid.u32  }
0x4: {  	s15 =	simm.s32 $0x0;
	s29 =	simm.s32 $0xB220;
	s14 =	simm.s32 $0x50  }
0x5: {  	s31 =	simm.s32 $0x6220;
	s20 =	simm.s32 $0x6C20;
	s22 =	simm.s32 $0x7620  }
0x6: {  	s13 =	simm.s32 $0x1;
	s17 =	simm.s32 $0x2;
	s19 =	simm.s32 $0x3  }
0x7: {  	s21 =	simm.s32 $0x4;
	s23 =	simm.s32 $0x5;
	s28 =	simm.s32 $0xC  }
0x8: {  	s30 =	simm.s32 $0xD;
	s11 =	simm.s32 $0x10;
	s1 =	sand.u32 $0x1, s1  }
0x9: {  	s12 =	simm.s32 $0x12;
	[smem:$0x7FF] =	sst s15;
	s4 =	sshll.u32 s1, $0x4  }
0xa: {  	_ =	strace $0x8000004A;
	s6 =	ssub.s32 $0x2, s1;
	p0 =	seq.s32 s1, $0x1  }
0xb: {  	s1 =	simm.s32 $0x2BC00;
	s4 =	sor.u32 s7, s4;
	s7 =	smul.u32 $0x4F00, s7  }
0xc: {  	s8 =	sshrl.u32 s6, $0x1;
	s1 =	simm.s32 @!p0 $0x21E00;
	s4 =	smul.u32 $0x2710, s4  }
0xd: {  	s6 =	ssub.s32 s6, s8;
	s8 =	simm.s32 $0x5820;
	s9 =	sshrl.u32 s7, $0x3  }
0xe: {  	s10 =	sadd.s32 s7, s2;
	s26 =	smax.u32 s6, $0x1;
	s7 =	simm.s32 $0x8A20  }
0xf: {  	s6 =	simm.s32 $0xA;
	s5 =	sshrl.u32 s4, $0x3;
	[dreg:$0x8] =	wrdreg s26  }
0x10: {  	s4 =	sadd.s32 $0x18000, s0;
	s3 =	sadd.s32 s3, s9;
	[dreg:$0x5] =	wrdreg s10  }
0x11: {  	s26 =	simm.s32 $0x14;
	s5 =	sadd.s32 s5, s0;
	[dreg:$0x4] =	wrdreg s3  }
.Ltmp0:
0x12: {  	s0 =	sadd.s32 s1, s0;
	s24 =	sadd.s32 $0x4600, s5;
	(pc) =	sbr.rel .LBB2_1-.Ltmp0, $4  }
0x13: {  	s3 =	simm.s32 $0x11;
	s25 =	sadd.s32 $0xE240, s5;
	[dreg:$0x6] =	wrdreg s24  }
0x14: {  	s1 =	simm.s32 $0x0;
	s0 =	sadd.s32 s0, s9;
	[dreg:$0x7] =	wrdreg s25  }
0x15: {  	s9 =	simm.s32 $0x4E20;
	s5 =	simm.s32 $0xF;
	[dreg:$0x9] =	wrdreg s0  }
0x16: {  	s25 =	simm.s32 $0xB;
	s0 =	simm.s32 $0xE;
	s24 =	simm.s32 $0x13  }
.LBB2_3:
0x17: {  	_ =	swait.ge [sflag:s3], $0xA00  }
0x18: {  	[sflag:s3] =	ssyncset.done $0x0  }
0x19: {  	[sflag:s3] =	ssyncadd.s32 $0xFFFFF600  }
0x1a: {  	_ =	swait.ge [sflag:s12], $0xA00  }
0x1b: {  	[sflag:s12] =	ssyncset.done $0x0  }
0x1c: {  	[sflag:s12] =	ssyncadd.s32 $0xFFFFF600  }
0x1d: {  	_ =	swait.ge [sflag:s24], $0xA00  }
0x1e: {  	[sflag:s24] =	ssyncset.done $0x0  }
0x1f: {  	[sflag:s24] =	ssyncadd.s32 $0xFFFFF600  }
0x20: {  	_ =	swait.ge [sflag:s26], $0xA00  }
0x21: {  	[sflag:s26] =	ssyncset.done $0x0  }
0x22: {  	[sflag:s26] =	ssyncadd.s32 $0xFFFFF600  }
.LBB2_5:
0x23: {  	_ =	swait.ge [sflag:s13], $0xA00  }
0x24: {  	[sflag:s13] =	ssyncset.done $0x0  }
0x25: {  	s1 =	simm.s32 $0x4C90;
	[sflag:s13] =	ssyncadd.s32 $0xFFFFF600  }
0x26: {  	[spmem:s2] =	stream.indirect.scatter.add.f32 [tilespmem:s18], [sflag:$0xB], $0x20, s1, s14, $0xb8;
	[tilespmem:$0x15020] =	vst v63  }
0x27: {  	_ =	swait.ge [sflag:s17], $0xA00  }
0x28: {  	[sflag:s17] =	ssyncset.done $0x0  }
0x29: {  	s8 =	simm.s32 $0x5820;
	s22 =	simm.s32 $0x4CE0;
	[sflag:s17] =	ssyncadd.s32 $0xFFFFF600  }
0x2a: {  	[spmem:s2] =	stream.indirect.scatter.add.f32 [tilespmem:s8], [sflag:$0xC], $0x20, s22, s14, $0xb8;
	[tilespmem:$0x15020] =	vst v63  }
0x2b: {  	_ =	swait.ge [sflag:s19], $0xA00  }
0x2c: {  	[sflag:s19] =	ssyncset.done $0x0  }
0x2d: {  	s31 =	simm.s32 $0x6220;
	s9 =	simm.s32 $0x4D30;
	[sflag:s19] =	ssyncadd.s32 $0xFFFFF600  }
0x2e: {  	[spmem:s2] =	stream.indirect.scatter.add.f32 [tilespmem:s31], [sflag:$0xD], $0x20, s9, s14, $0xb8;
	[tilespmem:$0x15020] =	vst v63  }
0x2f: {  	_ =	swait.ge [sflag:s21], $0xA00  }
0x30: {  	[sflag:s21] =	ssyncset.done $0x0  }
0x31: {  	s20 =	simm.s32 $0x6C20;
	s10 =	simm.s32 $0x4D80;
	[sflag:s21] =	ssyncadd.s32 $0xFFFFF600  }
0x32: {  	[spmem:s2] =	stream.indirect.scatter.add.f32 [tilespmem:s20], [sflag:$0xE], $0x20, s10, s14, $0xb8;
	[tilespmem:$0x15020] =	vst v63  }
0x33: {  	_ =	swait.ge [sflag:s23], $0xA00  }
0x34: {  	[sflag:s23] =	ssyncset.done $0x0  }
0x35: {  	s15 =	simm.s32 $0x4DD0;
	s22 =	simm.s32 $0x7620;
	[sflag:s23] =	ssyncadd.s32 $0xFFFFF600  }
0x36: {  	[spmem:s2] =	stream.indirect.scatter.add.f32 [tilespmem:s22], [sflag:$0xF], $0x20, s15, s14, $0xb8;
	[tilespmem:$0x15020] =	vst v63  }
0x37: {  	_ =	swait.ge [sflag:s25], $0xA00  }
0x38: {  	[sflag:s25] =	ssyncset.done $0x0  }
0x39: {  	[sflag:s25] =	ssyncadd.s32 $0xFFFFF600  }
0x3a: {  	_ =	swait.ge [sflag:s28], $0xA00  }
0x3b: {  	[sflag:s28] =	ssyncset.done $0x0  }
0x3c: {  	[sflag:s28] =	ssyncadd.s32 $0xFFFFF600  }
0x3d: {  	_ =	swait.ge [sflag:s30], $0xA00  }
0x3e: {  	[sflag:s30] =	ssyncset.done $0x0  }
0x3f: {  	[sflag:s30] =	ssyncadd.s32 $0xFFFFF600  }
0x40: {  	_ =	swait.ge [sflag:s0], $0xA00  }
0x41: {  	[sflag:s0] =	ssyncset.done $0x0  }
0x42: {  	[sflag:s0] =	ssyncadd.s32 $0xFFFFF600  }
0x43: {  	_ =	swait.ge [sflag:s5], $0xA00  }
0x44: {  	[sflag:s5] =	ssyncset.done $0x0  }
0x45: {  	[sflag:s5] =	ssyncadd.s32 $0xFFFFF600  }
0x46: {  	[bflag:$0x0] =	sbarrier.arrive $0xFFFF  }
0x47: {  	s29 =	simm.s32 $0xB220;
	s18 =	simm.s32 $0x15;
	s10 =	rddreg [dreg:$0x5]  }
0x48: {  	[tilespmem:s29], [sflag:$0x15] =	stream.linear.gather [spmem:s10], $0x4F00, $0x38;
	[tilespmem:$0x15020] =	vst v63  }
0x49: {  	_ =	swait.ge [sflag:s18], $0x4F00  }
0x4a: {  	[sflag:s18] =	ssyncset.done $0x0  }
0x4b: {  	s15 =	simm.s32 $0x0;
	s16 =	rddreg [dreg:$0x9];
	[sflag:s18] =	ssyncadd.s32 $0xFFFFB100  }
0x4c: {  	[hbm4b:s16+s15] =	stream.linear.scatter [tilespmem:s29], [sflag:$0x15], $0x4F00, $0x38;
	[tilespmem:$0x15020] =	vst v63  }
0x4d: {  	_ =	swait.ge [sflag:s18], $0x4F00  }
0x4e: {  	s16 =	rddreg [dreg:$0xa]  }
0x4f: {  	[sflag:s18] =	ssyncset.done $0x0;
	s18 =	rddreg [dreg:$0x8];
	s1 =	sadd.s32 $0x1, s16  }
0x50: {  	p0 =	sne.s32 s1, s18  }
.Ltmp1:
0x51: {  	_ = 	snop;
	(pc) =	sbr.rel @!p0 .LBB2_6-.Ltmp1, $3  }
0x52: {  	_ =	sdelay $0x1  }
0x53: {  	s18 =	simm.s32 $0x15  }
0x54: {  	s9 =	simm.s32 $0x4E20;
	[sflag:s18] =	ssyncadd.s32 $0xFFFFB100  }
.LBB2_1:
0x55: {  	[dreg:$0xa] =	wrdreg s1  }
0x56: {  	s18 =	simm.s32 $0x15;
	s16 =	rddreg [dreg:$0x4]  }
0x57: {  	[tilespmem:s29], [sflag:$0x15] =	stream.linear.gather [hbm4b:s16+s15], $0x4F00, $0x38;
	[tilespmem:$0x15020] =	vst v63  }
0x58: {  	_ =	swait.ge [sflag:s18], $0x4F00  }
0x59: {  	[sflag:s18] =	ssyncset.done $0x0  }
0x5a: {  	[sflag:s18] =	ssyncadd.s32 $0xFFFFB100  }
0x5b: {  	[spmem:s10] =	stream.linear.scatter [tilespmem:s29], [sflag:$0x15], $0x4F00, $0x38;
	[tilespmem:$0x15020] =	vst v63  }
0x5c: {  	_ =	swait.ge [sflag:s18], $0x4F00  }
0x5d: {  	[sflag:s18] =	ssyncset.done $0x0  }
0x5e: {  	s1 =	rddreg [dreg:$0x6];
	[sflag:s18] =	ssyncadd.s32 $0xFFFFB100  }
0x5f: {  	[tilespmem:s15], [sflag:$0x15] =	stream.linear.gather [hbm4b:s1+s15], $0x2710, $0x38;
	[tilespmem:$0x15020] =	vst v63  }
0x60: {  	_ =	swait.ge [sflag:s18], $0x2710  }
0x61: {  	[sflag:s18] =	ssyncset.done $0x0  }
0x62: {  	s1 =	simm.s32 $0x2710;
	s10 =	rddreg [dreg:$0x7];
	[sflag:s18] =	ssyncadd.s32 $0xFFFFD8F0  }
0x63: {  	[tilespmem:s1], [sflag:$0x15] =	stream.linear.gather [hbm4b:s10+s15], $0x2710, $0x38;
	[tilespmem:$0x15020] =	vst v63  }
0x64: {  	_ =	swait.ge [sflag:s18], $0x2710  }
0x65: {  	[sflag:s18] =	ssyncset.done $0x0  }
0x66: {  	[sflag:s18] =	ssyncadd.s32 $0xFFFFD8F0  }
0x67: {  	[bflag:$0x0] =	sbarrier.arrive $0xFFFF  }
0x68: {  	[tilespmem:s9], [sflag:$0x1] =	stream.indirect.gather [hbm4b:s4+s14], $0x20, s15, s14, $0xb8;
	[tilespmem:$0x15020] =	vst v63  }
0x69: {  	_ = 	snop  }
0x6a: {  	[tilespmem:s8], [sflag:$0x2] =	stream.indirect.gather [hbm4b:s4+s14], $0x20, s14, s14, $0xb8;
	[tilespmem:$0x15020] =	vst v63  }
0x6b: {  	s9 =	simm.s32 $0xA0  }
0x6c: {  	[tilespmem:s31], [sflag:$0x3] =	stream.indirect.gather [hbm4b:s4+s14], $0x20, s9, s14, $0xb8;
	[tilespmem:$0x15020] =	vst v63  }
0x6d: {  	s10 =	simm.s32 $0xF0  }
0x6e: {  	[tilespmem:s20], [sflag:$0x4] =	stream.indirect.gather [hbm4b:s4+s14], $0x20, s10, s14, $0xb8;
	[tilespmem:$0x15020] =	vst v63  }
0x6f: {  	s15 =	simm.s32 $0x140  }
0x70: {  	[tilespmem:s22], [sflag:$0x5] =	stream.indirect.gather [hbm4b:s4+s14], $0x20, s15, s14, $0xb8;
	[tilespmem:$0x15020] =	vst v63  }
0x71: {  	s16 =	simm.s32 $0x190;
	s22 =	simm.s32 $0x8020  }
0x72: {  	[tilespmem:s22], [sflag:$0x6] =	stream.indirect.gather [hbm4b:s4+s14], $0x20, s16, s14, $0xb8;
	[tilespmem:$0x15020] =	vst v63  }
0x73: {  	s18 =	simm.s32 $0x1E0  }
0x74: {  	[tilespmem:s7], [sflag:$0x7] =	stream.indirect.gather [hbm4b:s4+s14], $0x20, s18, s14, $0xb8;
	[tilespmem:$0x15020] =	vst v63  }
0x75: {  	s8 =	simm.s32 $0x9420;
	s20 =	simm.s32 $0x230  }
0x76: {  	[tilespmem:s8], [sflag:$0x8] =	stream.indirect.gather [hbm4b:s4+s14], $0x20, s20, s14, $0xb8;
	[tilespmem:$0x15020] =	vst v63  }
0x77: {  	s29 =	simm.s32 $0x280;
	s9 =	simm.s32 $0x9E20;
	s31 =	simm.s32 $0x2D0  }
0x78: {  	[tilespmem:s9], [sflag:$0x9] =	stream.indirect.gather [hbm4b:s4+s14], $0x20, s29, s14, $0xb8;
	[tilespmem:$0x15020] =	vst v63  }
0x79: {  	s10 =	simm.s32 $0xA820;
	s15 =	simm.s32 $0x0;
	s18 =	simm.s32 $0x4E20  }
0x7a: {  	[tilespmem:s10], [sflag:$0xA] =	stream.indirect.gather [hbm4b:s4+s14], $0x20, s31, s14, $0xb8;
	[tilespmem:$0x15020] =	vst v63  }
.LBB2_2:
0x7b: {  	_ =	swait.ge [sflag:s13], $0xA00  }
0x7c: {  	s16 =	sshra.s32 s15, $0x2;
	[sflag:s13] =	ssyncset.done $0x0  }
0x7d: {  	s29 =	sadd.s32 $0x2710, s16;
	[sflag:s13] =	ssyncadd.s32 $0xFFFFF600  }
0x7e: {  	[spmem:s2] =	stream.indirect.scatter.add.f32 [tilespmem:s18], [sflag:$0xB], $0x20, s29, s14, $0xb8;
	[tilespmem:$0x15020] =	vst v63  }
0x7f: {  	_ =	swait.ge [sflag:s17], $0xA00  }
0x80: {  	[sflag:s17] =	ssyncset.done $0x0  }
0x81: {  	s31 =	simm.s32 $0x5820;
	s20 =	sadd.s32 $0x2760, s16;
	[sflag:s17] =	ssyncadd.s32 $0xFFFFF600  }
0x82: {  	[spmem:s2] =	stream.indirect.scatter.add.f32 [tilespmem:s31], [sflag:$0xC], $0x20, s20, s14, $0xb8;
	[tilespmem:$0x15020] =	vst v63  }
0x83: {  	_ =	swait.ge [sflag:s19], $0xA00  }
0x84: {  	[sflag:s19] =	ssyncset.done $0x0  }
0x85: {  	s1 =	sadd.s32 $0x27B0, s16;
	s20 =	simm.s32 $0x6220;
	[sflag:s19] =	ssyncadd.s32 $0xFFFFF600  }
0x86: {  	[spmem:s2] =	stream.indirect.scatter.add.f32 [tilespmem:s20], [sflag:$0xD], $0x20, s1, s14, $0xb8;
	[tilespmem:$0x15020] =	vst v63  }
0x87: {  	_ =	swait.ge [sflag:s21], $0xA00  }
0x88: {  	[sflag:s21] =	ssyncset.done $0x0  }
0x89: {  	s7 =	sadd.s32 $0x2800, s16;
	s1 =	simm.s32 $0x6C20;
	[sflag:s21] =	ssyncadd.s32 $0xFFFFF600  }
0x8a: {  	[spmem:s2] =	stream.indirect.scatter.add.f32 [tilespmem:s1], [sflag:$0xE], $0x20, s7, s14, $0xb8;
	[tilespmem:$0x15020] =	vst v63  }
0x8b: {  	_ =	swait.ge [sflag:s23], $0xA00  }
0x8c: {  	[sflag:s23] =	ssyncset.done $0x0  }
0x8d: {  	s29 =	sadd.s32 $0x2850, s16;
	s7 =	simm.s32 $0x7620;
	[sflag:s23] =	ssyncadd.s32 $0xFFFFF600  }
0x8e: {  	[spmem:s2] =	stream.indirect.scatter.add.f32 [tilespmem:s7], [sflag:$0xF], $0x20, s29, s14, $0xb8;
	[tilespmem:$0x15020] =	vst v63  }
0x8f: {  	_ =	swait.ge [sflag:s25], $0xA00  }
0x90: {  	[sflag:s25] =	ssyncset.done $0x0  }
0x91: {  	s29 =	sadd.s32 $0x320, s16;
	[sflag:s25] =	ssyncadd.s32 $0xFFFFF600  }
0x92: {  	[tilespmem:s18], [sflag:$0x1] =	stream.indirect.gather [hbm4b:s4+s14], $0x20, s29, s14, $0xb8;
	[tilespmem:$0x15020] =	vst v63  }
0x93: {  	_ =	swait.ge [sflag:s28], $0xA00  }
0x94: {  	[sflag:s28] =	ssyncset.done $0x0  }
0x95: {  	s29 =	sadd.s32 $0x370, s16;
	[sflag:s28] =	ssyncadd.s32 $0xFFFFF600  }
0x96: {  	[tilespmem:s31], [sflag:$0x2] =	stream.indirect.gather [hbm4b:s4+s14], $0x20, s29, s14, $0xb8;
	[tilespmem:$0x15020] =	vst v63  }
0x97: {  	_ =	swait.ge [sflag:s30], $0xA00  }
0x98: {  	[sflag:s30] =	ssyncset.done $0x0  }
0x99: {  	s31 =	sadd.s32 $0x3C0, s16;
	[sflag:s30] =	ssyncadd.s32 $0xFFFFF600  }
0x9a: {  	[tilespmem:s20], [sflag:$0x3] =	stream.indirect.gather [hbm4b:s4+s14], $0x20, s31, s14, $0xb8;
	[tilespmem:$0x15020] =	vst v63  }
0x9b: {  	_ =	swait.ge [sflag:s0], $0xA00  }
0x9c: {  	[sflag:s0] =	ssyncset.done $0x0  }
0x9d: {  	s31 =	sadd.s32 $0x410, s16;
	[sflag:s0] =	ssyncadd.s32 $0xFFFFF600  }
0x9e: {  	[tilespmem:s1], [sflag:$0x4] =	stream.indirect.gather [hbm4b:s4+s14], $0x20, s31, s14, $0xb8;
	[tilespmem:$0x15020] =	vst v63  }
0x9f: {  	_ =	swait.ge [sflag:s5], $0xA00  }
0xa0: {  	[sflag:s5] =	ssyncset.done $0x0  }
0xa1: {  	s20 =	sadd.s32 $0x460, s16;
	s31 =	simm.s32 $0x6;
	[sflag:s5] =	ssyncadd.s32 $0xFFFFF600  }
0xa2: {  	[tilespmem:s7], [sflag:$0x5] =	stream.indirect.gather [hbm4b:s4+s14], $0x20, s20, s14, $0xb8;
	[tilespmem:$0x15020] =	vst v63  }
0xa3: {  	_ =	swait.ge [sflag:s31], $0xA00  }
0xa4: {  	[sflag:s31] =	ssyncset.done $0x0  }
0xa5: {  	s1 =	sadd.s32 $0x28A0, s16;
	s20 =	simm.s32 $0x7;
	[sflag:s31] =	ssyncadd.s32 $0xFFFFF600  }
0xa6: {  	[spmem:s2] =	stream.indirect.scatter.add.f32 [tilespmem:s22], [sflag:$0x10], $0x20, s1, s14, $0xb8;
	[tilespmem:$0x15020] =	vst v63  }
0xa7: {  	_ =	swait.ge [sflag:s20], $0xA00  }
0xa8: {  	s7 =	simm.s32 $0x8A20;
	[sflag:s20] =	ssyncset.done $0x0  }
0xa9: {  	s31 =	simm.s32 $0x8;
	s22 =	sadd.s32 $0x28F0, s16;
	[sflag:s20] =	ssyncadd.s32 $0xFFFFF600  }
0xaa: {  	[spmem:s2] =	stream.indirect.scatter.add.f32 [tilespmem:s7], [sflag:$0x11], $0x20, s22, s14, $0xb8;
	[tilespmem:$0x15020] =	vst v63  }
0xab: {  	_ =	swait.ge [sflag:s31], $0xA00  }
0xac: {  	[sflag:s31] =	ssyncset.done $0x0  }
0xad: {  	s1 =	sadd.s32 $0x2940, s16;
	s20 =	simm.s32 $0x9;
	[sflag:s31] =	ssyncadd.s32 $0xFFFFF600  }
0xae: {  	[spmem:s2] =	stream.indirect.scatter.add.f32 [tilespmem:s8], [sflag:$0x12], $0x20, s1, s14, $0xb8;
	[tilespmem:$0x15020] =	vst v63  }
0xaf: {  	_ =	swait.ge [sflag:s20], $0xA00  }
0xb0: {  	[sflag:s20] =	ssyncset.done $0x0  }
0xb1: {  	s22 =	sadd.s32 $0x2990, s16;
	[sflag:s20] =	ssyncadd.s32 $0xFFFFF600  }
0xb2: {  	[spmem:s2] =	stream.indirect.scatter.add.f32 [tilespmem:s9], [sflag:$0x13], $0x20, s22, s14, $0xb8;
	[tilespmem:$0x15020] =	vst v63  }
0xb3: {  	_ =	swait.ge [sflag:s6], $0xA00  }
0xb4: {  	p0 =	sne.s32 s15, $0x8980;
	[sflag:s6] =	ssyncset.done $0x0  }
.Ltmp2:
0xb5: {  	s31 =	sadd.s32 $0x29E0, s16;
	[sflag:s6] =	ssyncadd.s32 $0xFFFFF600;
	(pc) =	sbr.rel @!p0 .LBB2_3-.Ltmp2, $4  }
0xb6: {  	[spmem:s2] =	stream.indirect.scatter.add.f32 [tilespmem:s10], [sflag:$0x14], $0x20, s31, s14, $0xb8;
	[tilespmem:$0x15020] =	vst v63  }
0xb7: {  	_ =	swait.ge [sflag:s11], $0xA00  }
0xb8: {  	s1 =	simm.s32 $0x8020;
	s8 =	simm.s32 $0x9420;
	[sflag:s11] =	ssyncset.done $0x0  }
0xb9: {  	s9 =	simm.s32 $0x9E20;
	s10 =	simm.s32 $0xA820;
	[sflag:s11] =	ssyncadd.s32 $0xFFFFF600  }
0xba: {  	s29 =	sadd.s32 $0x4B0, s16  }
0xbb: {  	[tilespmem:s1], [sflag:$0x6] =	stream.indirect.gather [hbm4b:s4+s14], $0x20, s29, s14, $0xb8;
	[tilespmem:$0x15020] =	vst v63  }
0xbc: {  	_ =	swait.ge [sflag:s3], $0xA00  }
0xbd: {  	[sflag:s3] =	ssyncset.done $0x0  }
0xbe: {  	s1 =	sadd.s32 $0x500, s16;
	[sflag:s3] =	ssyncadd.s32 $0xFFFFF600  }
0xbf: {  	[tilespmem:s7], [sflag:$0x7] =	stream.indirect.gather [hbm4b:s4+s14], $0x20, s1, s14, $0xb8;
	[tilespmem:$0x15020] =	vst v63  }
0xc0: {  	_ =	swait.ge [sflag:s12], $0xA00  }
0xc1: {  	[sflag:s12] =	ssyncset.done $0x0  }
0xc2: {  	s20 =	sadd.s32 $0x550, s16;
	[sflag:s12] =	ssyncadd.s32 $0xFFFFF600  }
0xc3: {  	[tilespmem:s8], [sflag:$0x8] =	stream.indirect.gather [hbm4b:s4+s14], $0x20, s20, s14, $0xb8;
	[tilespmem:$0x15020] =	vst v63  }
0xc4: {  	_ =	swait.ge [sflag:s24], $0xA00  }
0xc5: {  	s15 =	sadd.s32 $0xC80, s15;
	[sflag:s24] =	ssyncset.done $0x0  }
0xc6: {  	s22 =	sadd.s32 $0x5A0, s16;
	p0 =	sne.s32 s15, $0x9600;
	[sflag:s24] =	ssyncadd.s32 $0xFFFFF600  }
0xc7: {  	[tilespmem:s9], [sflag:$0x9] =	stream.indirect.gather [hbm4b:s4+s14], $0x20, s22, s14, $0xb8;
	[tilespmem:$0x15020] =	vst v63  }
.Ltmp3:
0xc8: {  	_ =	swait.ge [sflag:s26], $0xA00;
	(pc) =	sbr.rel @p0 .LBB2_2-.Ltmp3, $4  }
.Ltmp4:
0xc9: {  	[sflag:s26] =	ssyncset.done $0x0;
	(pc) =	sbr.rel @!p0 .LBB2_5-.Ltmp4, $4  }
0xca: {  	s31 =	sadd.s32 $0x5F0, s16;
	s8 =	simm.s32 $0x9420;
	[sflag:s26] =	ssyncadd.s32 $0xFFFFF600  }
0xcb: {  	[tilespmem:s10], [sflag:$0xA] =	stream.indirect.gather [hbm4b:s4+s14], $0x20, s31, s14, $0xb8;
	[tilespmem:$0x15020] =	vst v63  }
0xcc: {  	s22 =	simm.s32 $0x8020;
	s9 =	simm.s32 $0x9E20;
	s10 =	simm.s32 $0xA820  }
0xcd: {  	_ = 	snop  }
.LBB2_6:
0xce: {  	_ =	sfence.sel $0x180000  }
0xcf: {  	[bflag:$0x0] =	sbarrier.arrive $0xFFFF  }
0xd0: {  	_ =	strace $0x9000004A  }
0xd1: {  	s0 =	stileid.u32;
	[bflag:$0x2] =	sbarrier.arrive $0xFFFF  }
0xd2: {  	p0 =	sne.s32 s0, $0x0;
	s0 =	rddreg [dreg:$0x3]  }
0xd3: {  	s0 =	sadd.s32 @!p0 $0x100000, s0  }
0xd4: {  	[sflag:s0] =	ssyncadd.tile.s32 @!p0 $0x1;
	_ =	shalt  }
.Lfunc_end2:
_tile_overlayer_lowered:
.L_overlay_start_2:
0xd5: {  	(tag) =	ssettag $0x2  }
0xd6: {  	s0 =	rddreg [dreg:$0x0];
	s2 =	stileid.u32  }
0xd7: {  	s1 =	rddreg [dreg:$0x1];
	p0 =	sne.s32 s2, $0x0  }
0xd8: {  	s3 =	rddreg [dreg:$0x2];
	[bflag:$0x3] =	sbarrier.arrive $0xFFFF;
	s2 =	simm.s32 @!p0 $0x1C15  }
0xd9: {  	[timem:s3], [sflag:s2] =	dma.local @!p0 [hbm:s0], s1  }
0xda: {  	s0 =	simm.s32 @!p0 $0x15  }
0xdb: {  	_ =	swait.ge @!p0 [sflag:s0], s1  }
0xdc: {  	s1 =	ssub.s32 @!p0 $0x0, s1;
	[sflag:s0] =	ssyncset.done @!p0 $0x0  }
0xdd: {  	[sflag:s0] =	ssyncadd.s32 @!p0 s1  }
0xde: {  	[bflag:$0x3] =	sbarrier.arrive $0xFFFF  }
0xdf: {  	_ =	shalt  }

// kernel: kernel.7.cloned.1.call-start
scs
__scs_entry_jumppad:
0x0: {  	(pc) =	sbr.rel $0x88, $3  }
0x1: {  	(tag) =	ssettag $0x0;
	lr =	simm.s32 $0x1  }
0x2: {  	[smem:$0x3F8F] =	sst lr;
	_ =	strace $0xD0000000  }
0x3: {  	_ = 	snop  }
0x4: {  	_ = 	snop  }
0x5: {  	_ = 	snop  }
0x6: {  	_ = 	snop  }
0x7: {  	_ = 	snop  }
__scs_overlays_trampoline_lowered:
0x8: {  	[smem:$0x3F9E] =	sst s0  }
0x9: {  	[smem:$0x3F9F] =	sst s1  }
0xa: {  	[smem:$0x3FA0] =	sst s2  }
0xb: {  	[smem:$0x3FA1] =	sst s3  }
0xc: {  	[smem:$0x3FA2] =	sst s4  }
0xd: {  	[smem:$0x3FA3] =	sst s5  }
0xe: {  	[smem:$0x3FA4] =	sst s6  }
0xf: {  	[smem:$0x3FA5] =	sst s7  }
0x10: {  	[smem:$0x3FA6] =	sst s8  }
0x11: {  	[smem:$0x3FA7] =	sst s9;
	s0 =	simm.s32 @!p0 $0x0  }
0x12: {  	s1 =	sld [smem:$0x3F8D];
	s0 =	simm.s32 @p0 $0x1  }
0x13: {  	[smem:$0x3FA8] =	sst s0;
	s0 =	simm.s32 @!p1 $0x0  }
0x14: {  	s2 =	sld [smem:$0x3F8C];
	s0 =	simm.s32 @p1 $0x1  }
0x15: {  	[smem:$0x3FA9] =	sst s0;
	s0 =	simm.s32 @!p2 $0x0  }
0x16: {  	s3 =	sld [smem:$0x3FDB];
	s0 =	simm.s32 @p2 $0x1  }
0x17: {  	s4 =	simm.s32 $0x1BF5;
	[smem:$0x3FAB] =	sst s0  }
0x18: {  	s0 =	sld [smem:$0x3F8E];
	_ =	swait.ge [sflag:s4], $0x0  }
0x19: {  	s7 =	sld [smem:$0x3F8F]  }
0x1a: {  	s8 =	sadd.s32 $0xFFFFE003, lr  }
0x1b: {  	s9 =	sadd.s32 $0xFFFFFEF7, lr;
	s5 =	simm.s32 $0xFFFFFFFF;
	p2 =	slt.u32 s8, $0xFFFFF086  }
0x1c: {  	p1 =	slt.u32 s9, $0xF7A;
	s5 =	simm.s32 @!p2 $0x0  }
0x1d: {  	s5 =	simm.s32 @p1 $0x1;
	p0 =	seq.s32 s7, s2  }
0x1e: {  	s7 =	smul.u32 @!p0 $0xF7A, s2;
	p2 =	seq.s32 @!p0 s5, $0x0  }
0x1f: {  	s9 =	smul.u32 $0xF7A, s1;
	s8 =	simm.s32 @!p0 $0x1BF5;
	p2 =	por !p2, p0  }
0x20: {  	[sflag:s8] =	ssyncset.s32 @!p0 $0xFFFFF086;
	s6 =	sadd.s32 @!p0 s3, s7;
	s7 =	simm.s32 @!p0 $0x108  }
0x21: {  	s3 =	sadd.s32 s3, s9;
	s6 =	sadd.s32 @!p0 $0x88, s6;
	s7 =	simm.s32 @p2 $0x1082  }
0x22: {  	[simem:s7], [sflag:s8] =	dma.local @!p0 [hbm:s6], $0xF7A  }
0x23: {  	s9 =	sor.u32 $0xD0000000, s2;
	s6 =	simm.s32 $0x108;
	_ =	swait.ge @!p0 [sflag:s8], $0x0  }
0x24: {  	s3 =	sadd.s32 $0x88, s3;
	s6 =	simm.s32 @!p1 $0x1082;
	[sflag:s4] =	ssyncset.s32 $0xFFFFF086  }
0x25: {  	[simem:s6], [sflag:s4] =	dma.local [hbm:s3], $0xF7A  }
0x26: {  	[smem:$0x3F8F] =	sst s1;
	(tag) =	ssettag s2;
	_ =	strace s9  }
0x27: {  	s1 =	sld [smem:$0x3F9F]  }
0x28: {  	s2 =	sld [smem:$0x3FA0]  }
0x29: {  	s4 =	sld [smem:$0x3FA2]  }
0x2a: {  	p0 =	seq.s32 s5, $0x0;
	s5 =	sld [smem:$0x3FA3]  }
0x2b: {  	s6 =	sld [smem:$0x3FA4]  }
0x2c: {  	s7 =	sld [smem:$0x3FA5]  }
0x2d: {  	s3 =	simm.s32 $0x108;
	s8 =	sld [smem:$0x3FA6]  }
0x2e: {  	s3 =	simm.s32 @!p0 $0x1082;
	s9 =	sld [smem:$0x3FA7]  }
0x2f: {  	lr =	sadd.s32 s0, s3;
	s0 =	sld [smem:$0x3F9E]  }
0x30: {  	s3 =	sld [smem:$0x3FA1]  }
0x31: {  	[smem:$0x3FAA] =	sst s10  }
0x32: {  	s10 =	sld [smem:$0x3FA8];
	_ =	sdelay $0x3  }
0x33: {  	p0 =	seq.s32 s10, $0x1;
	s10 =	sld [smem:$0x3FAA];
	_ =	sdelay $0x3  }
0x34: {  	[smem:$0x3FAA] =	sst s10  }
0x35: {  	s10 =	sld [smem:$0x3FA9];
	_ =	sdelay $0x3  }
0x36: {  	p1 =	seq.s32 s10, $0x1;
	s10 =	sld [smem:$0x3FAA];
	_ =	sdelay $0x3  }
0x37: {  	[smem:$0x3FAA] =	sst s10  }
0x38: {  	s10 =	sld [smem:$0x3FAB]  }
0x39: {  	_ = 	snop;
	(pc) =	sbr.ind lr, $3  }
0x3a: {  	_ = 	snop  }
0x3b: {  	_ = 	snop  }
0x3c: {  	p2 =	seq.s32 s10, $0x1;
	s10 =	sld [smem:$0x3FAA]  }
0x3d: {  	_ =	shalt  }
0x3e: {  	_ =	shalt  }
0x3f: {  	_ =	shalt  }
0x40: {  	_ =	shalt  }
0x41: {  	_ =	shalt  }
0x42: {  	_ =	shalt  }
0x43: {  	_ =	shalt  }
0x44: {  	_ =	shalt  }
0x45: {  	_ =	shalt  }
0x46: {  	_ =	shalt  }
0x47: {  	_ =	shalt  }
0x48: {  	_ =	shalt  }
0x49: {  	_ =	shalt  }
0x4a: {  	_ =	shalt  }
0x4b: {  	_ =	shalt  }
0x4c: {  	_ =	shalt  }
0x4d: {  	_ =	shalt  }
0x4e: {  	_ =	shalt  }
0x4f: {  	_ =	shalt  }
0x50: {  	_ =	shalt  }
0x51: {  	_ =	shalt  }
0x52: {  	_ =	shalt  }
0x53: {  	_ =	shalt  }
0x54: {  	_ =	shalt  }
0x55: {  	_ =	shalt  }
0x56: {  	_ =	shalt  }
0x57: {  	_ =	shalt  }
0x58: {  	_ =	shalt  }
0x59: {  	_ =	shalt  }
0x5a: {  	_ =	shalt  }
0x5b: {  	_ =	shalt  }
0x5c: {  	_ =	shalt  }
0x5d: {  	_ =	shalt  }
0x5e: {  	_ =	shalt  }
0x5f: {  	_ =	shalt  }
0x60: {  	_ =	shalt  }
0x61: {  	_ =	shalt  }
0x62: {  	_ =	shalt  }
0x63: {  	_ =	shalt  }
0x64: {  	_ =	shalt  }
0x65: {  	_ =	shalt  }
0x66: {  	_ =	shalt  }
0x67: {  	_ =	shalt  }
0x68: {  	_ =	shalt  }
0x69: {  	_ =	shalt  }
0x6a: {  	_ =	shalt  }
0x6b: {  	_ =	shalt  }
0x6c: {  	_ =	shalt  }
0x6d: {  	_ =	shalt  }
0x6e: {  	_ =	shalt  }
0x6f: {  	_ =	shalt  }
0x70: {  	_ =	shalt  }
0x71: {  	_ =	shalt  }
0x72: {  	_ =	shalt  }
0x73: {  	_ =	shalt  }
0x74: {  	_ =	shalt  }
0x75: {  	_ =	shalt  }
0x76: {  	_ =	shalt  }
0x77: {  	_ =	shalt  }
0x78: {  	_ =	shalt  }
0x79: {  	_ =	shalt  }
0x7a: {  	_ =	shalt  }
0x7b: {  	_ =	shalt  }
0x7c: {  	_ =	shalt  }
0x7d: {  	_ =	shalt  }
0x7e: {  	_ =	shalt  }
0x7f: {  	_ =	shalt  }
0x80: {  	_ =	shalt  }
0x81: {  	_ =	shalt  }
0x82: {  	_ =	shalt  }
0x83: {  	_ =	shalt  }
0x84: {  	_ =	shalt  }
0x85: {  	_ =	shalt  }
0x86: {  	_ =	shalt  }
0x87: {  	_ =	shalt  }
.Lfunc_end0:
.L_simem_size_0:
called_computation_lowered:
.L_overlay_start_0:
0x88: {  	s2 =	sld [smem:$0x3FD9]  }
0x89: {  	s3 =	sld [smem:$0x3FFE];
	_ =	sdelay $0x1  }
0x8a: {  	s1 =	srdreg.scid  }
0x8b: {  	s0 =	sand.u32 $0x1, s1  }
0x8c: {  	s17 =	sshll.u32 s0, $0xA;
	s2 =	sadd.s32 s3, s2  }
0x8d: {  	s2 =	sadd.s32 s2, s17  }
0x8e: {  	[smem:$0x3FB6] =	sst s2  }
0x8f: {  	_ = 	snop  }
0x90: {  	s2 =	sld [smem:$0x3FD0];
	(tm) =	ssettm $0x1  }
0x91: {  	s18 =	sld [smem:$0x3FFB];
	_ =	sdelay $0x3  }
0x92: {  	_ =	strace s18  }
0x93: {  	s3 =	sld [smem:$0x3FFC];
	_ =	sdelay $0x3  }
0x94: {  	_ =	strace s3  }
0x95: {  	s3 =	sld [smem:$0x3FFD];
	_ =	sdelay $0x3  }
0x96: {  	_ =	strace s3  }
0x97: {  	_ =	strace $0x8FFFFFFF  }
0x98: {  	s19 =	sld [smem:$0x3FDB];
	_ =	sdelay $0x1  }
0x99: {  	s4 =	simm.s32 $_scs_section_size  }
0x9a: {  	s5 =	simm.s32 $_size__tile_overlayer_lowered;
	s6 =	simm.s32 $_tile_overlayer_lowered  }
0x9b: {  	s22 =	simm.s32 $0x1BFF;
	s21 =	sshll.u32 s6, $0x1;
	s3 =	sadd.s32 s4, s19  }
0x9c: {  	s7 =	simm.s32 $0x0;
	s20 =	sshll.u32 s5, $0x1;
	s5 =	sadd.s32 s21, s3  }
0x9d: {  	[timem:s7], [sflag:s22] =	dma.local [hbm:s5], s20  }
0x9e: {  	_ =	swait.ge [sflag:s22], s20  }
0x9f: {  	s4 =	ssub.s32 $0x0, s20;
	[sflag:s22] =	ssyncset.done $0x0  }
0xa0: {  	[sflag:s22] =	ssyncadd.s32 s4;
	_ =	sdelay $0x1  }
0xa1: {  	s23 =	simm.s32 $0x1B8B  }
0xa2: {  	_ =	swait.ge [sflag:s23], $0x1  }
0xa3: {  	[sflag:s23] =	ssyncset.done $0x0  }
0xa4: {  	s25 =	simm.s32 $0x1B8E;
	s24 =	sld [smem:$0x3FFE];
	[sflag:s23] =	ssyncadd.s32 $0xFFFFFFFF  }
0xa5: {  	s26 =	simm.s32 $execute0_lowered;
	[smem:$0x3FD2] =	sst s25  }
0xa6: {  	s5 =	sshll.u32 s26, $0x1;
	_ =	strace $0x80000046;
	[dreg:$0x1] =	wrdreg $0xFFFFFFFF  }
0xa7: {  	s28 =	simm.s32 $_size_execute0_lowered;
	s3 =	sadd.s32 s3, s5;
	[dreg:$0x0] =	wrdreg $0x0  }
0xa8: {  	s5 =	sshll.u32 s28, $0x1;
	[dreg:$0x2] =	wrdreg s3  }
0xa9: {  	[dreg:$0x3] =	wrdreg s5  }
0xaa: {  	[dreg:$0x4] =	wrdreg $0xC0  }
0xab: {  	_ =	task [dreg:s7], $0x5FFFF  }
0xac: {  	[dreg:$0x1] =	wrdreg $0xFFFFFFFF  }
0xad: {  	[dreg:$0x0] =	wrdreg $0x60  }
0xae: {  	[dreg:$0x2] =	wrdreg s24  }
0xaf: {  	[dreg:$0x3] =	wrdreg s2  }
0xb0: {  	[dreg:$0x4] =	wrdreg $0x101200  }
0xb1: {  	[dreg:$0x5] =	wrdreg $0x9  }
0xb2: {  	_ =	task.clear_ibuf [dreg:s7], $0x6FFFF;
	_ =	strace $0x90000046  }
0xb3: {  	s29 =	simm.s32 $0x9;
	_ =	strace $0x80000048  }
0xb4: {  	_ =	swait.ge [sflag:s29], $0x1  }
0xb5: {  	[sflag:s29] =	ssyncadd.s32 $0xFFFFFFFF  }
0xb6: {  	_ =	strace $0x90000048  }
0xb7: {  	_ =	sfence  }
0xb8: {  	s30 =	sld [smem:$0x0];
	_ =	sdelay $0x2  }
0xb9: {  	s31 =	sshll.u32 s1, $0xD;
	s1 =	sshrl.u32 s1, $0x2  }
0xba: {  	s3 =	sand.u32 $0x4000, s31;
	s1 =	sadd.s32 s1, s30  }
0xbb: {  	s0 =	sor.u32 s3, s0;
	s1 =	sshll.u32 s1, $0x11  }
0xbc: {  	s0 =	sor.u32 s1, s0  }
0xbd: {  	s0 =	sadd.s32 $0x8F2B, s0  }
0xbe: {  	[sflag:s0] =	ssyncadd.remote.s32 $0x1  }
0xbf: {  	_ =	sfence.sel $0xFFFF  }
0xc0: {  	[dreg:$0x0] =	wrdreg $0xFFFFFFFF;
	(pc) =	sbr.abs _section_cstart, $3  }
0xc1: {  	[dreg:$0x1] =	wrdreg $0xFFFFFFFF  }
0xc2: {  	_ =	task.clear_ibuf [dreg:s7], $0x2FFFF;
	_ =	strace $0x9FFFFFFF  }
0xc3: {  	(tm) =	ssettm $0x7FFFFFFF  }
tec
execute0_lowered:
.L_overlay_start_1:
0x0: {  	(tag) =	ssettag $0x1  }
0x1: {  	s0 =	rddreg [dreg:$0x0]  }
0x2: {  	s1 =	srdreg.scid;
	s3 =	rddreg [dreg:$0x1]  }
0x3: {  	s2 =	rddreg [dreg:$0x2];
	s7 =	stileid.u32  }
0x4: {  	s15 =	simm.s32 $0x0;
	s29 =	simm.s32 $0xB220;
	s14 =	simm.s32 $0x50  }
0x5: {  	s31 =	simm.s32 $0x6220;
	s20 =	simm.s32 $0x6C20;
	s22 =	simm.s32 $0x7620  }
0x6: {  	s13 =	simm.s32 $0x1;
	s17 =	simm.s32 $0x2;
	s19 =	simm.s32 $0x3  }
0x7: {  	s21 =	simm.s32 $0x4;
	s23 =	simm.s32 $0x5;
	s28 =	simm.s32 $0xC  }
0x8: {  	s30 =	simm.s32 $0xD;
	s11 =	simm.s32 $0x10;
	s1 =	sand.u32 $0x1, s1  }
0x9: {  	s12 =	simm.s32 $0x12;
	[smem:$0x7FF] =	sst s15;
	s4 =	sshll.u32 s1, $0x4  }
0xa: {  	_ =	strace $0x80000047;
	s6 =	ssub.s32 $0x2, s1;
	p0 =	seq.s32 s1, $0x1  }
0xb: {  	s1 =	simm.s32 $0x2BC00;
	s4 =	sor.u32 s7, s4;
	s7 =	smul.u32 $0x4F00, s7  }
0xc: {  	s8 =	sshrl.u32 s6, $0x1;
	s1 =	simm.s32 @!p0 $0x21E00;
	s4 =	smul.u32 $0x2710, s4  }
0xd: {  	s6 =	ssub.s32 s6, s8;
	s8 =	simm.s32 $0x5820;
	s9 =	sshrl.u32 s7, $0x3  }
0xe: {  	s10 =	sadd.s32 s7, s2;
	s26 =	smax.u32 s6, $0x1;
	s7 =	simm.s32 $0x8A20  }
0xf: {  	s6 =	simm.s32 $0xA;
	s5 =	sshrl.u32 s4, $0x3;
	[dreg:$0x8] =	wrdreg s26  }
0x10: {  	s4 =	sadd.s32 $0x18000, s0;
	s3 =	sadd.s32 s3, s9;
	[dreg:$0x5] =	wrdreg s10  }
0x11: {  	s26 =	simm.s32 $0x14;
	s5 =	sadd.s32 s5, s0;
	[dreg:$0x4] =	wrdreg s3  }
.Ltmp0:
0x12: {  	s0 =	sadd.s32 s1, s0;
	s24 =	sadd.s32 $0x4600, s5;
	(pc) =	sbr.rel .LBB2_1-.Ltmp0, $4  }
0x13: {  	s3 =	simm.s32 $0x11;
	s25 =	sadd.s32 $0xE240, s5;
	[dreg:$0x6] =	wrdreg s24  }
0x14: {  	s1 =	simm.s32 $0x0;
	s0 =	sadd.s32 s0, s9;
	[dreg:$0x7] =	wrdreg s25  }
0x15: {  	s9 =	simm.s32 $0x4E20;
	s5 =	simm.s32 $0xF;
	[dreg:$0x9] =	wrdreg s0  }
0x16: {  	s25 =	simm.s32 $0xB;
	s0 =	simm.s32 $0xE;
	s24 =	simm.s32 $0x13  }
.LBB2_3:
0x17: {  	_ =	swait.ge [sflag:s3], $0xA00  }
0x18: {  	[sflag:s3] =	ssyncset.done $0x0  }
0x19: {  	[sflag:s3] =	ssyncadd.s32 $0xFFFFF600  }
0x1a: {  	_ =	swait.ge [sflag:s12], $0xA00  }
0x1b: {  	[sflag:s12] =	ssyncset.done $0x0  }
0x1c: {  	[sflag:s12] =	ssyncadd.s32 $0xFFFFF600  }
0x1d: {  	_ =	swait.ge [sflag:s24], $0xA00  }
0x1e: {  	[sflag:s24] =	ssyncset.done $0x0  }
0x1f: {  	[sflag:s24] =	ssyncadd.s32 $0xFFFFF600  }
0x20: {  	_ =	swait.ge [sflag:s26], $0xA00  }
0x21: {  	[sflag:s26] =	ssyncset.done $0x0  }
0x22: {  	[sflag:s26] =	ssyncadd.s32 $0xFFFFF600  }
.LBB2_5:
0x23: {  	_ =	swait.ge [sflag:s13], $0xA00  }
0x24: {  	[sflag:s13] =	ssyncset.done $0x0  }
0x25: {  	s1 =	simm.s32 $0x4C90;
	[sflag:s13] =	ssyncadd.s32 $0xFFFFF600  }
0x26: {  	[spmem:s2] =	stream.indirect.scatter.add.f32 [tilespmem:s18], [sflag:$0xB], $0x20, s1, s14, $0xb8;
	[tilespmem:$0x15020] =	vst v63  }
0x27: {  	_ =	swait.ge [sflag:s17], $0xA00  }
0x28: {  	[sflag:s17] =	ssyncset.done $0x0  }
0x29: {  	s8 =	simm.s32 $0x5820;
	s22 =	simm.s32 $0x4CE0;
	[sflag:s17] =	ssyncadd.s32 $0xFFFFF600  }
0x2a: {  	[spmem:s2] =	stream.indirect.scatter.add.f32 [tilespmem:s8], [sflag:$0xC], $0x20, s22, s14, $0xb8;
	[tilespmem:$0x15020] =	vst v63  }
0x2b: {  	_ =	swait.ge [sflag:s19], $0xA00  }
0x2c: {  	[sflag:s19] =	ssyncset.done $0x0  }
0x2d: {  	s31 =	simm.s32 $0x6220;
	s9 =	simm.s32 $0x4D30;
	[sflag:s19] =	ssyncadd.s32 $0xFFFFF600  }
0x2e: {  	[spmem:s2] =	stream.indirect.scatter.add.f32 [tilespmem:s31], [sflag:$0xD], $0x20, s9, s14, $0xb8;
	[tilespmem:$0x15020] =	vst v63  }
0x2f: {  	_ =	swait.ge [sflag:s21], $0xA00  }
0x30: {  	[sflag:s21] =	ssyncset.done $0x0  }
0x31: {  	s20 =	simm.s32 $0x6C20;
	s10 =	simm.s32 $0x4D80;
	[sflag:s21] =	ssyncadd.s32 $0xFFFFF600  }
0x32: {  	[spmem:s2] =	stream.indirect.scatter.add.f32 [tilespmem:s20], [sflag:$0xE], $0x20, s10, s14, $0xb8;
	[tilespmem:$0x15020] =	vst v63  }
0x33: {  	_ =	swait.ge [sflag:s23], $0xA00  }
0x34: {  	[sflag:s23] =	ssyncset.done $0x0  }
0x35: {  	s15 =	simm.s32 $0x4DD0;
	s22 =	simm.s32 $0x7620;
	[sflag:s23] =	ssyncadd.s32 $0xFFFFF600  }
0x36: {  	[spmem:s2] =	stream.indirect.scatter.add.f32 [tilespmem:s22], [sflag:$0xF], $0x20, s15, s14, $0xb8;
	[tilespmem:$0x15020] =	vst v63  }
0x37: {  	_ =	swait.ge [sflag:s25], $0xA00  }
0x38: {  	[sflag:s25] =	ssyncset.done $0x0  }
0x39: {  	[sflag:s25] =	ssyncadd.s32 $0xFFFFF600  }
0x3a: {  	_ =	swait.ge [sflag:s28], $0xA00  }
0x3b: {  	[sflag:s28] =	ssyncset.done $0x0  }
0x3c: {  	[sflag:s28] =	ssyncadd.s32 $0xFFFFF600  }
0x3d: {  	_ =	swait.ge [sflag:s30], $0xA00  }
0x3e: {  	[sflag:s30] =	ssyncset.done $0x0  }
0x3f: {  	[sflag:s30] =	ssyncadd.s32 $0xFFFFF600  }
0x40: {  	_ =	swait.ge [sflag:s0], $0xA00  }
0x41: {  	[sflag:s0] =	ssyncset.done $0x0  }
0x42: {  	[sflag:s0] =	ssyncadd.s32 $0xFFFFF600  }
0x43: {  	_ =	swait.ge [sflag:s5], $0xA00  }
0x44: {  	[sflag:s5] =	ssyncset.done $0x0  }
0x45: {  	[sflag:s5] =	ssyncadd.s32 $0xFFFFF600  }
0x46: {  	[bflag:$0x0] =	sbarrier.arrive $0xFFFF  }
0x47: {  	s29 =	simm.s32 $0xB220;
	s18 =	simm.s32 $0x15;
	s10 =	rddreg [dreg:$0x5]  }
0x48: {  	[tilespmem:s29], [sflag:$0x15] =	stream.linear.gather [spmem:s10], $0x4F00, $0x38;
	[tilespmem:$0x15020] =	vst v63  }
0x49: {  	_ =	swait.ge [sflag:s18], $0x4F00  }
0x4a: {  	[sflag:s18] =	ssyncset.done $0x0  }
0x4b: {  	s15 =	simm.s32 $0x0;
	s16 =	rddreg [dreg:$0x9];
	[sflag:s18] =	ssyncadd.s32 $0xFFFFB100  }
0x4c: {  	[hbm4b:s16+s15] =	stream.linear.scatter [tilespmem:s29], [sflag:$0x15], $0x4F00, $0x38;
	[tilespmem:$0x15020] =	vst v63  }
0x4d: {  	_ =	swait.ge [sflag:s18], $0x4F00  }
0x4e: {  	s16 =	rddreg [dreg:$0xa]  }
0x4f: {  	[sflag:s18] =	ssyncset.done $0x0;
	s18 =	rddreg [dreg:$0x8];
	s1 =	sadd.s32 $0x1, s16  }
0x50: {  	p0 =	sne.s32 s1, s18  }
.Ltmp1:
0x51: {  	_ = 	snop;
	(pc) =	sbr.rel @!p0 .LBB2_6-.Ltmp1, $3  }
0x52: {  	_ =	sdelay $0x1  }
0x53: {  	s18 =	simm.s32 $0x15  }
0x54: {  	s9 =	simm.s32 $0x4E20;
	[sflag:s18] =	ssyncadd.s32 $0xFFFFB100  }
.LBB2_1:
0x55: {  	[dreg:$0xa] =	wrdreg s1  }
0x56: {  	s18 =	simm.s32 $0x15;
	s16 =	rddreg [dreg:$0x4]  }
0x57: {  	[tilespmem:s29], [sflag:$0x15] =	stream.linear.gather [hbm4b:s16+s15], $0x4F00, $0x38;
	[tilespmem:$0x15020] =	vst v63  }
0x58: {  	_ =	swait.ge [sflag:s18], $0x4F00  }
0x59: {  	[sflag:s18] =	ssyncset.done $0x0  }
0x5a: {  	[sflag:s18] =	ssyncadd.s32 $0xFFFFB100  }
0x5b: {  	[spmem:s10] =	stream.linear.scatter [tilespmem:s29], [sflag:$0x15], $0x4F00, $0x38;
	[tilespmem:$0x15020] =	vst v63  }
0x5c: {  	_ =	swait.ge [sflag:s18], $0x4F00  }
0x5d: {  	[sflag:s18] =	ssyncset.done $0x0  }
0x5e: {  	s1 =	rddreg [dreg:$0x6];
	[sflag:s18] =	ssyncadd.s32 $0xFFFFB100  }
0x5f: {  	[tilespmem:s15], [sflag:$0x15] =	stream.linear.gather [hbm4b:s1+s15], $0x2710, $0x38;
	[tilespmem:$0x15020] =	vst v63  }
0x60: {  	_ =	swait.ge [sflag:s18], $0x2710  }
0x61: {  	[sflag:s18] =	ssyncset.done $0x0  }
0x62: {  	s1 =	simm.s32 $0x2710;
	s10 =	rddreg [dreg:$0x7];
	[sflag:s18] =	ssyncadd.s32 $0xFFFFD8F0  }
0x63: {  	[tilespmem:s1], [sflag:$0x15] =	stream.linear.gather [hbm4b:s10+s15], $0x2710, $0x38;
	[tilespmem:$0x15020] =	vst v63  }
0x64: {  	_ =	swait.ge [sflag:s18], $0x2710  }
0x65: {  	[sflag:s18] =	ssyncset.done $0x0  }
0x66: {  	[sflag:s18] =	ssyncadd.s32 $0xFFFFD8F0  }
0x67: {  	[bflag:$0x0] =	sbarrier.arrive $0xFFFF  }
0x68: {  	[tilespmem:s9], [sflag:$0x1] =	stream.indirect.gather [hbm4b:s4+s14], $0x20, s15, s14, $0xb8;
	[tilespmem:$0x15020] =	vst v63  }
0x69: {  	_ = 	snop  }
0x6a: {  	[tilespmem:s8], [sflag:$0x2] =	stream.indirect.gather [hbm4b:s4+s14], $0x20, s14, s14, $0xb8;
	[tilespmem:$0x15020] =	vst v63  }
0x6b: {  	s9 =	simm.s32 $0xA0  }
0x6c: {  	[tilespmem:s31], [sflag:$0x3] =	stream.indirect.gather [hbm4b:s4+s14], $0x20, s9, s14, $0xb8;
	[tilespmem:$0x15020] =	vst v63  }
0x6d: {  	s10 =	simm.s32 $0xF0  }
0x6e: {  	[tilespmem:s20], [sflag:$0x4] =	stream.indirect.gather [hbm4b:s4+s14], $0x20, s10, s14, $0xb8;
	[tilespmem:$0x15020] =	vst v63  }
0x6f: {  	s15 =	simm.s32 $0x140  }
0x70: {  	[tilespmem:s22], [sflag:$0x5] =	stream.indirect.gather [hbm4b:s4+s14], $0x20, s15, s14, $0xb8;
	[tilespmem:$0x15020] =	vst v63  }
0x71: {  	s16 =	simm.s32 $0x190;
	s22 =	simm.s32 $0x8020  }
0x72: {  	[tilespmem:s22], [sflag:$0x6] =	stream.indirect.gather [hbm4b:s4+s14], $0x20, s16, s14, $0xb8;
	[tilespmem:$0x15020] =	vst v63  }
0x73: {  	s18 =	simm.s32 $0x1E0  }
0x74: {  	[tilespmem:s7], [sflag:$0x7] =	stream.indirect.gather [hbm4b:s4+s14], $0x20, s18, s14, $0xb8;
	[tilespmem:$0x15020] =	vst v63  }
0x75: {  	s8 =	simm.s32 $0x9420;
	s20 =	simm.s32 $0x230  }
0x76: {  	[tilespmem:s8], [sflag:$0x8] =	stream.indirect.gather [hbm4b:s4+s14], $0x20, s20, s14, $0xb8;
	[tilespmem:$0x15020] =	vst v63  }
0x77: {  	s29 =	simm.s32 $0x280;
	s9 =	simm.s32 $0x9E20;
	s31 =	simm.s32 $0x2D0  }
0x78: {  	[tilespmem:s9], [sflag:$0x9] =	stream.indirect.gather [hbm4b:s4+s14], $0x20, s29, s14, $0xb8;
	[tilespmem:$0x15020] =	vst v63  }
0x79: {  	s10 =	simm.s32 $0xA820;
	s15 =	simm.s32 $0x0;
	s18 =	simm.s32 $0x4E20  }
0x7a: {  	[tilespmem:s10], [sflag:$0xA] =	stream.indirect.gather [hbm4b:s4+s14], $0x20, s31, s14, $0xb8;
	[tilespmem:$0x15020] =	vst v63  }
.LBB2_2:
0x7b: {  	_ =	swait.ge [sflag:s13], $0xA00  }
0x7c: {  	s16 =	sshra.s32 s15, $0x2;
	[sflag:s13] =	ssyncset.done $0x0  }
0x7d: {  	s29 =	sadd.s32 $0x2710, s16;
	[sflag:s13] =	ssyncadd.s32 $0xFFFFF600  }
0x7e: {  	[spmem:s2] =	stream.indirect.scatter.add.f32 [tilespmem:s18], [sflag:$0xB], $0x20, s29, s14, $0xb8;
	[tilespmem:$0x15020] =	vst v63  }
0x7f: {  	_ =	swait.ge [sflag:s17], $0xA00  }
0x80: {  	[sflag:s17] =	ssyncset.done $0x0  }
0x81: {  	s31 =	simm.s32 $0x5820;
	s20 =	sadd.s32 $0x2760, s16;
	[sflag:s17] =	ssyncadd.s32 $0xFFFFF600  }
0x82: {  	[spmem:s2] =	stream.indirect.scatter.add.f32 [tilespmem:s31], [sflag:$0xC], $0x20, s20, s14, $0xb8;
	[tilespmem:$0x15020] =	vst v63  }
0x83: {  	_ =	swait.ge [sflag:s19], $0xA00  }
0x84: {  	[sflag:s19] =	ssyncset.done $0x0  }
0x85: {  	s1 =	sadd.s32 $0x27B0, s16;
	s20 =	simm.s32 $0x6220;
	[sflag:s19] =	ssyncadd.s32 $0xFFFFF600  }
0x86: {  	[spmem:s2] =	stream.indirect.scatter.add.f32 [tilespmem:s20], [sflag:$0xD], $0x20, s1, s14, $0xb8;
	[tilespmem:$0x15020] =	vst v63  }
0x87: {  	_ =	swait.ge [sflag:s21], $0xA00  }
0x88: {  	[sflag:s21] =	ssyncset.done $0x0  }
0x89: {  	s7 =	sadd.s32 $0x2800, s16;
	s1 =	simm.s32 $0x6C20;
	[sflag:s21] =	ssyncadd.s32 $0xFFFFF600  }
0x8a: {  	[spmem:s2] =	stream.indirect.scatter.add.f32 [tilespmem:s1], [sflag:$0xE], $0x20, s7, s14, $0xb8;
	[tilespmem:$0x15020] =	vst v63  }
0x8b: {  	_ =	swait.ge [sflag:s23], $0xA00  }
0x8c: {  	[sflag:s23] =	ssyncset.done $0x0  }
0x8d: {  	s29 =	sadd.s32 $0x2850, s16;
	s7 =	simm.s32 $0x7620;
	[sflag:s23] =	ssyncadd.s32 $0xFFFFF600  }
0x8e: {  	[spmem:s2] =	stream.indirect.scatter.add.f32 [tilespmem:s7], [sflag:$0xF], $0x20, s29, s14, $0xb8;
	[tilespmem:$0x15020] =	vst v63  }
0x8f: {  	_ =	swait.ge [sflag:s25], $0xA00  }
0x90: {  	[sflag:s25] =	ssyncset.done $0x0  }
0x91: {  	s29 =	sadd.s32 $0x320, s16;
	[sflag:s25] =	ssyncadd.s32 $0xFFFFF600  }
0x92: {  	[tilespmem:s18], [sflag:$0x1] =	stream.indirect.gather [hbm4b:s4+s14], $0x20, s29, s14, $0xb8;
	[tilespmem:$0x15020] =	vst v63  }
0x93: {  	_ =	swait.ge [sflag:s28], $0xA00  }
0x94: {  	[sflag:s28] =	ssyncset.done $0x0  }
0x95: {  	s29 =	sadd.s32 $0x370, s16;
	[sflag:s28] =	ssyncadd.s32 $0xFFFFF600  }
0x96: {  	[tilespmem:s31], [sflag:$0x2] =	stream.indirect.gather [hbm4b:s4+s14], $0x20, s29, s14, $0xb8;
	[tilespmem:$0x15020] =	vst v63  }
0x97: {  	_ =	swait.ge [sflag:s30], $0xA00  }
0x98: {  	[sflag:s30] =	ssyncset.done $0x0  }
0x99: {  	s31 =	sadd.s32 $0x3C0, s16;
	[sflag:s30] =	ssyncadd.s32 $0xFFFFF600  }
0x9a: {  	[tilespmem:s20], [sflag:$0x3] =	stream.indirect.gather [hbm4b:s4+s14], $0x20, s31, s14, $0xb8;
	[tilespmem:$0x15020] =	vst v63  }
0x9b: {  	_ =	swait.ge [sflag:s0], $0xA00  }
0x9c: {  	[sflag:s0] =	ssyncset.done $0x0  }
0x9d: {  	s31 =	sadd.s32 $0x410, s16;
	[sflag:s0] =	ssyncadd.s32 $0xFFFFF600  }
0x9e: {  	[tilespmem:s1], [sflag:$0x4] =	stream.indirect.gather [hbm4b:s4+s14], $0x20, s31, s14, $0xb8;
	[tilespmem:$0x15020] =	vst v63  }
0x9f: {  	_ =	swait.ge [sflag:s5], $0xA00  }
0xa0: {  	[sflag:s5] =	ssyncset.done $0x0  }
0xa1: {  	s20 =	sadd.s32 $0x460, s16;
	s31 =	simm.s32 $0x6;
	[sflag:s5] =	ssyncadd.s32 $0xFFFFF600  }
0xa2: {  	[tilespmem:s7], [sflag:$0x5] =	stream.indirect.gather [hbm4b:s4+s14], $0x20, s20, s14, $0xb8;
	[tilespmem:$0x15020] =	vst v63  }
0xa3: {  	_ =	swait.ge [sflag:s31], $0xA00  }
0xa4: {  	[sflag:s31] =	ssyncset.done $0x0  }
0xa5: {  	s1 =	sadd.s32 $0x28A0, s16;
	s20 =	simm.s32 $0x7;
	[sflag:s31] =	ssyncadd.s32 $0xFFFFF600  }
0xa6: {  	[spmem:s2] =	stream.indirect.scatter.add.f32 [tilespmem:s22], [sflag:$0x10], $0x20, s1, s14, $0xb8;
	[tilespmem:$0x15020] =	vst v63  }
0xa7: {  	_ =	swait.ge [sflag:s20], $0xA00  }
0xa8: {  	s7 =	simm.s32 $0x8A20;
	[sflag:s20] =	ssyncset.done $0x0  }
0xa9: {  	s31 =	simm.s32 $0x8;
	s22 =	sadd.s32 $0x28F0, s16;
	[sflag:s20] =	ssyncadd.s32 $0xFFFFF600  }
0xaa: {  	[spmem:s2] =	stream.indirect.scatter.add.f32 [tilespmem:s7], [sflag:$0x11], $0x20, s22, s14, $0xb8;
	[tilespmem:$0x15020] =	vst v63  }
0xab: {  	_ =	swait.ge [sflag:s31], $0xA00  }
0xac: {  	[sflag:s31] =	ssyncset.done $0x0  }
0xad: {  	s1 =	sadd.s32 $0x2940, s16;
	s20 =	simm.s32 $0x9;
	[sflag:s31] =	ssyncadd.s32 $0xFFFFF600  }
0xae: {  	[spmem:s2] =	stream.indirect.scatter.add.f32 [tilespmem:s8], [sflag:$0x12], $0x20, s1, s14, $0xb8;
	[tilespmem:$0x15020] =	vst v63  }
0xaf: {  	_ =	swait.ge [sflag:s20], $0xA00  }
0xb0: {  	[sflag:s20] =	ssyncset.done $0x0  }
0xb1: {  	s22 =	sadd.s32 $0x2990, s16;
	[sflag:s20] =	ssyncadd.s32 $0xFFFFF600  }
0xb2: {  	[spmem:s2] =	stream.indirect.scatter.add.f32 [tilespmem:s9], [sflag:$0x13], $0x20, s22, s14, $0xb8;
	[tilespmem:$0x15020] =	vst v63  }
0xb3: {  	_ =	swait.ge [sflag:s6], $0xA00  }
0xb4: {  	p0 =	sne.s32 s15, $0x8980;
	[sflag:s6] =	ssyncset.done $0x0  }
.Ltmp2:
0xb5: {  	s31 =	sadd.s32 $0x29E0, s16;
	[sflag:s6] =	ssyncadd.s32 $0xFFFFF600;
	(pc) =	sbr.rel @!p0 .LBB2_3-.Ltmp2, $4  }
0xb6: {  	[spmem:s2] =	stream.indirect.scatter.add.f32 [tilespmem:s10], [sflag:$0x14], $0x20, s31, s14, $0xb8;
	[tilespmem:$0x15020] =	vst v63  }
0xb7: {  	_ =	swait.ge [sflag:s11], $0xA00  }
0xb8: {  	s1 =	simm.s32 $0x8020;
	s8 =	simm.s32 $0x9420;
	[sflag:s11] =	ssyncset.done $0x0  }
0xb9: {  	s9 =	simm.s32 $0x9E20;
	s10 =	simm.s32 $0xA820;
	[sflag:s11] =	ssyncadd.s32 $0xFFFFF600  }
0xba: {  	s29 =	sadd.s32 $0x4B0, s16  }
0xbb: {  	[tilespmem:s1], [sflag:$0x6] =	stream.indirect.gather [hbm4b:s4+s14], $0x20, s29, s14, $0xb8;
	[tilespmem:$0x15020] =	vst v63  }
0xbc: {  	_ =	swait.ge [sflag:s3], $0xA00  }
0xbd: {  	[sflag:s3] =	ssyncset.done $0x0  }
0xbe: {  	s1 =	sadd.s32 $0x500, s16;
	[sflag:s3] =	ssyncadd.s32 $0xFFFFF600  }
0xbf: {  	[tilespmem:s7], [sflag:$0x7] =	stream.indirect.gather [hbm4b:s4+s14], $0x20, s1, s14, $0xb8;
	[tilespmem:$0x15020] =	vst v63  }
0xc0: {  	_ =	swait.ge [sflag:s12], $0xA00  }
0xc1: {  	[sflag:s12] =	ssyncset.done $0x0  }
0xc2: {  	s20 =	sadd.s32 $0x550, s16;
	[sflag:s12] =	ssyncadd.s32 $0xFFFFF600  }
0xc3: {  	[tilespmem:s8], [sflag:$0x8] =	stream.indirect.gather [hbm4b:s4+s14], $0x20, s20, s14, $0xb8;
	[tilespmem:$0x15020] =	vst v63  }
0xc4: {  	_ =	swait.ge [sflag:s24], $0xA00  }
0xc5: {  	s15 =	sadd.s32 $0xC80, s15;
	[sflag:s24] =	ssyncset.done $0x0  }
0xc6: {  	s22 =	sadd.s32 $0x5A0, s16;
	p0 =	sne.s32 s15, $0x9600;
	[sflag:s24] =	ssyncadd.s32 $0xFFFFF600  }
0xc7: {  	[tilespmem:s9], [sflag:$0x9] =	stream.indirect.gather [hbm4b:s4+s14], $0x20, s22, s14, $0xb8;
	[tilespmem:$0x15020] =	vst v63  }
.Ltmp3:
0xc8: {  	_ =	swait.ge [sflag:s26], $0xA00;
	(pc) =	sbr.rel @p0 .LBB2_2-.Ltmp3, $4  }
.Ltmp4:
0xc9: {  	[sflag:s26] =	ssyncset.done $0x0;
	(pc) =	sbr.rel @!p0 .LBB2_5-.Ltmp4, $4  }
0xca: {  	s31 =	sadd.s32 $0x5F0, s16;
	s8 =	simm.s32 $0x9420;
	[sflag:s26] =	ssyncadd.s32 $0xFFFFF600  }
0xcb: {  	[tilespmem:s10], [sflag:$0xA] =	stream.indirect.gather [hbm4b:s4+s14], $0x20, s31, s14, $0xb8;
	[tilespmem:$0x15020] =	vst v63  }
0xcc: {  	s22 =	simm.s32 $0x8020;
	s9 =	simm.s32 $0x9E20;
	s10 =	simm.s32 $0xA820  }
0xcd: {  	_ = 	snop  }
.LBB2_6:
0xce: {  	_ =	sfence.sel $0x180000  }
0xcf: {  	[bflag:$0x0] =	sbarrier.arrive $0xFFFF  }
0xd0: {  	_ =	strace $0x90000047  }
0xd1: {  	s0 =	stileid.u32;
	[bflag:$0x2] =	sbarrier.arrive $0xFFFF  }
0xd2: {  	p0 =	sne.s32 s0, $0x0;
	s0 =	rddreg [dreg:$0x3]  }
0xd3: {  	s0 =	sadd.s32 @!p0 $0x100000, s0  }
0xd4: {  	[sflag:s0] =	ssyncadd.tile.s32 @!p0 $0x1;
	_ =	shalt  }
.Lfunc_end2:
_tile_overlayer_lowered:
.L_overlay_start_2:
0xd5: {  	(tag) =	ssettag $0x2  }
0xd6: {  	s0 =	rddreg [dreg:$0x0];
	s2 =	stileid.u32  }
0xd7: {  	s1 =	rddreg [dreg:$0x1];
	p0 =	sne.s32 s2, $0x0  }
0xd8: {  	s3 =	rddreg [dreg:$0x2];
	[bflag:$0x3] =	sbarrier.arrive $0xFFFF;
	s2 =	simm.s32 @!p0 $0x1C15  }
0xd9: {  	[timem:s3], [sflag:s2] =	dma.local @!p0 [hbm:s0], s1  }
0xda: {  	s0 =	simm.s32 @!p0 $0x15  }
0xdb: {  	_ =	swait.ge @!p0 [sflag:s0], s1  }
0xdc: {  	s1 =	ssub.s32 @!p0 $0x0, s1;
	[sflag:s0] =	ssyncset.done @!p0 $0x0  }
0xdd: {  	[sflag:s0] =	ssyncadd.s32 @!p0 s1  }
0xde: {  	[bflag:$0x3] =	sbarrier.arrive $0xFFFF  }
0xdf: {  	_ =	shalt  }

</sc_bundles>
